<compile_context>
chip_gen: v7x
topology: tpu7x:2x2x1
jax: 0.10.2.dev20260603
libtpu: 0.0.44.dev20260713+nightly
codegen_flags: <defaults>
</compile_context>

<pallas_src>
import functools

import jax
import jax.numpy as jnp
from jax import lax
from jax.experimental import pallas as pl
from jax.experimental.pallas import tpu as pltpu
from jax.experimental.pallas import tpu_sc as plsc

N = 10000
E = 320000
F = 128
PN = 10240
NC = 2
NS = 16
CH = 80
NCHUNK = 125
G = 5
NGROUP = NCHUNK // G
G5 = 25
NCH3 = 132
PT = NCH3 * CH
E3 = NC * NS * PT

_MESH = plsc.VectorSubcoreMesh(
    core_axis_name="c", subcore_axis_name="s", num_cores=NC, num_subcores=NS
)


def _fill(ref, n, value):
    vec = jnp.full((16,), value, jnp.float32)

    def body(i, _):
        ref[pl.ds(i * 16, 16)] = vec
        return 0

    lax.fori_loop(0, n // 16, body, 0)


@functools.partial(
    pl.kernel,
    out_type=jax.ShapeDtypeStruct((PN,), jnp.float32),
    mesh=_MESH,
    scratch_types=[
        pltpu.VMEM((2 * NCHUNK, CH), jnp.int32),
        pltpu.VMEM((CH,), jnp.float32),
        pltpu.VMEM((640,), jnp.float32),
        pltpu.SemaphoreType.DMA,
        pltpu.VMEM_SHARED((PN,), jnp.float32),
    ],
)
def _k1(dst3_hbm, hist_hbm, idx_v, ones_v, zbuf, sem, acc):
    cid = lax.axis_index("c")
    sid = lax.axis_index("s")
    _fill(ones_v, CH, 1.0)
    _fill(zbuf, 640, 0.0)
    pltpu.sync_copy(zbuf, acc.at[pl.ds(sid * 640, 640)])
    pltpu.sync_copy(dst3_hbm.at[2 * sid], idx_v.at[pl.ds(0, NCHUNK)])
    pltpu.sync_copy(dst3_hbm.at[2 * sid + 1], idx_v.at[pl.ds(NCHUNK, NCHUNK)])
    plsc.subcore_barrier()

    def body(c, _):
        pltpu.async_copy(ones_v, acc.at[idx_v.at[c]], sem, add=True)
        return 0

    lax.fori_loop(0, 2 * NCHUNK, body, 0)

    def drain(c, _):
        pltpu.make_async_copy(ones_v, acc.at[idx_v.at[c]], sem).wait()
        return 0

    lax.fori_loop(0, 2 * NCHUNK, drain, 0)
    plsc.subcore_barrier()

    @pl.when(cid == 0)
    def _():
        pltpu.sync_copy(acc.at[pl.ds(sid * 640, 640)],
                        hist_hbm.at[pl.ds(sid * 640, 640)])


def _k2_body(hist_ref, x_ref, w1_ref, y_ref, dinv_ref):
    dinv = lax.rsqrt(hist_ref[...] + 1.0)
    xw = jnp.dot(x_ref[...], w1_ref[...], preferred_element_type=jnp.float32)
    y_ref[pl.ds(0, N), :] = xw * dinv[:N, None]
    y_ref[pl.ds(N, PN - N), :] = jnp.zeros((PN - N, F), jnp.float32)
    dinv_ref[...] = dinv


def _k2(hist, x, W1):
    return pl.pallas_call(
        _k2_body,
        out_shape=(
            jax.ShapeDtypeStruct((PN, F), jnp.float32),
            jax.ShapeDtypeStruct((PN,), jnp.float32),
        ),
    )(hist, x, W1)


@functools.partial(
    pl.kernel,
    out_type=jax.ShapeDtypeStruct((NC, PN, F), jnp.float32),
    mesh=_MESH,
    scratch_types=[
        pltpu.VMEM((PT,), jnp.int32),
        pltpu.VMEM((6, CH), jnp.int32),
        pltpu.VMEM((CH, F), jnp.float32),
        pltpu.VMEM((CH, F), jnp.float32),
        pltpu.VMEM((CH, F), jnp.float32),
        pltpu.SemaphoreType.DMA,
        pltpu.SemaphoreType.DMA,
        pltpu.SemaphoreType.DMA,
        pltpu.SemaphoreType.DMA,
        pltpu.SemaphoreType.DMA,
        pltpu.SemaphoreType.DMA,
        pltpu.SemaphoreType.DMA,
        pltpu.SemaphoreType.DMA,
        pltpu.SemaphoreType.DMA,
        pltpu.VMEM_SHARED((PN, F), jnp.float32),
    ],
)
def _k3(src1_hbm, dst3_hbm, y_hbm, out_hbm, idxs, idxd, bufa, bufb, bufc,
        gsa, gsb, gsc, is0, is1, is2, is3, is4, is5, acc):
    cid = lax.axis_index("c")
    sid = lax.axis_index("s")
    w = cid * NS + sid
    bufs = (bufa, bufb, bufc)
    gsems = (gsa, gsb, gsc)
    isems = (is0, is1, is2, is3, is4, is5)

    def zrow(i, _):
        for k in range(F // 16):
            bufa[i, pl.ds(16 * k, 16)] = jnp.zeros((16,), jnp.float32)
        return 0

    lax.fori_loop(0, CH, zrow, 0)
    for q in range(8):
        pltpu.sync_copy(bufa, acc.at[pl.ds(sid * 640 + q * CH, CH)])
    pltpu.sync_copy(src1_hbm.at[pl.ds(w * PT, PT)], idxs)
    pltpu.sync_copy(dst3_hbm.at[w].at[pl.ds(0, 6)], idxd)
    plsc.subcore_barrier()

    def gidx(c):
        return idxs.at[pl.ds(c * CH, CH)]

    def fire_gather(c, k):
        pltpu.async_copy(y_hbm.at[gidx(c)], bufs[k], gsems[k])

    def wait_gather(c, k):
        pltpu.make_async_copy(y_hbm.at[gidx(c)], bufs[k], gsems[k]).wait()

    def fire_refill(c, s):
        pltpu.async_copy(dst3_hbm.at[w].at[c], idxd.at[lax.rem(c, 6)],
                         isems[s])

    def wait_refill(s):
        pltpu.make_async_copy(dst3_hbm.at[w].at[0], idxd.at[0], isems[s]).wait()

    def scatter(c, k):
        pltpu.sync_copy(bufs[k], acc.at[idxd.at[lax.rem(c, 6)]], add=True)

    for c in range(3):
        fire_gather(c, c)
    for c in range(6):
        k = c % 3
        wait_gather(c, k)
        scatter(c, k)
        fire_refill(c + 6, c % 6)
        fire_gather(c + 3, k)

    def body(g, _):
        for j in range(6):
            c = 6 + 6 * g + j
            k = j % 3
            wait_gather(c, k)
            wait_refill(j)
            scatter(c, k)
            fire_refill(c + 6, j)
            fire_gather(c + 3, k)
        return 0

    lax.fori_loop(0, (NCH3 - 12) // 6, body, 0)
    for c in range(NCH3 - 6, NCH3):
        k = c % 3
        wait_gather(c, k)
        wait_refill(c % 6)
        scatter(c, k)
        if c + 3 < NCH3:
            fire_gather(c + 3, k)
    plsc.subcore_barrier()
    pltpu.sync_copy(acc.at[pl.ds(sid * 640, 640)],
                    out_hbm.at[cid, pl.ds(sid * 640, 640)])


def _k4_body(p_ref, y_ref, dinv_ref, b1_ref, w2_ref, b2_ref, zs_ref, u_ref):
    dinv = dinv_ref[...]
    agg = p_ref[0] + p_ref[1] + y_ref[...]
    h = jax.nn.relu(agg * dinv[:, None] + b1_ref[...][None, :])
    z = jnp.dot(h, w2_ref[...], preferred_element_type=jnp.float32)[:, 0]
    zs = z * dinv
    zs_ref[...] = zs
    u_ref[...] = dinv * zs + b2_ref[0]


def _k4(partials, y, dinv, b1, W2, b2):
    return pl.pallas_call(
        _k4_body,
        out_shape=(
            jax.ShapeDtypeStruct((PN,), jnp.float32),
            jax.ShapeDtypeStruct((PN,), jnp.float32),
        ),
    )(partials, y, dinv, b1, W2, b2)


@functools.partial(
    pl.kernel,
    out_type=jax.ShapeDtypeStruct((NC, PN), jnp.float32),
    mesh=_MESH,
    scratch_types=[
        pltpu.VMEM((NCHUNK, CH), jnp.int32),
        pltpu.VMEM((NCHUNK, CH), jnp.int32),
        pltpu.VMEM((G5 * CH,), jnp.float32),
        pltpu.SemaphoreType.DMA,
        pltpu.SemaphoreType.DMA,
        pltpu.VMEM((640,), jnp.float32),
        pltpu.VMEM_SHARED((PN,), jnp.float32),
        pltpu.VMEM_SHARED((PN,), jnp.float32),
    ],
)
def _k5(src3_hbm, dst3_hbm, zs_hbm, out_hbm,
        idxs, idxd, vals, gsem, ssem, zbuf, acc, ztab):
    cid = lax.axis_index("c")
    sid = lax.axis_index("s")
    w = cid * NS + sid
    _fill(zbuf, 640, 0.0)
    pltpu.sync_copy(zbuf, acc.at[pl.ds(sid * 640, 640)])
    pltpu.sync_copy(zs_hbm.at[pl.ds(sid * 640, 640)],
                    ztab.at[pl.ds(sid * 640, 640)])
    pltpu.sync_copy(src3_hbm.at[w], idxs)
    pltpu.sync_copy(dst3_hbm.at[w], idxd)
    plsc.subcore_barrier()

    def group(g, _):
        gds = []
        for j in range(G5):
            gds.append(pltpu.async_copy(
                ztab.at[idxs.at[g * G5 + j]],
                vals.at[pl.ds(j * CH, CH)], gsem))
        for d in gds:
            d.wait()
        sds = []
        for j in range(G5):
            sds.append(pltpu.async_copy(
                vals.at[pl.ds(j * CH, CH)],
                acc.at[idxd.at[g * G5 + j]], ssem, add=True))
        for d in sds:
            d.wait()
        return 0

    lax.fori_loop(0, NCHUNK // G5, group, 0)
    plsc.subcore_barrier()
    pltpu.sync_copy(acc.at[pl.ds(sid * 640, 640)],
                    out_hbm.at[cid, pl.ds(sid * 640, 640)])


def _k6_body(p_ref, dinv_ref, u_ref, o_ref):
    o_ref[...] = dinv_ref[...] * (p_ref[0] + p_ref[1]) + u_ref[...]


def _k6(partials2, dinv, u):
    return pl.pallas_call(
        _k6_body,
        out_shape=jax.ShapeDtypeStruct((PN,), jnp.float32),
    )(partials2, dinv, u)


def kernel(x, edge_index, W1, b1, W2, b2):
    src3 = edge_index[0].reshape(NC * NS, NCHUNK, CH)
    dst3 = edge_index[1].reshape(NC * NS, NCHUNK, CH)
    npad = E3 - E
    srcp = jnp.concatenate(
        [edge_index[0], jnp.arange(npad, dtype=jnp.int32) % N])
    dstp = jnp.concatenate(
        [edge_index[1],
         N + (jnp.arange(npad, dtype=jnp.int32) % (PN - N))])
    dst3p = dstp.reshape(NC * NS, NCH3, CH)
    hist = _k1(dst3)
    y, dinv = _k2(hist, x, W1)
    partials = _k3(srcp, dst3p, y)
    zs, u = _k4(partials, y, dinv, b1, W2, b2)
    partials2 = _k5(src3, dst3, zs)
    out = _k6(partials2, dinv, u)
    return out[:N]

# --- scband reference (transcript-rebuilt; emitter-appended) ---
"""Pipeline reference for scband-gcn-14516989460622 (READ-ONLY COPY).

The authoritative reference and input builder live on the scoring server;
editing this copy changes nothing except your own understanding.
"""

import jax, jax.numpy as jnp
import numpy as np

N_NODES = 10000
N_EDGES = 320000
IN_FEATS = 128
H_FEATS = 128


def gcn_conv(x, edge_index, W, b, num_nodes):
    # PyG GCNConv: linear transform, add self-loops, symmetric normalization, scatter-add aggregate, add bias
    xw = x @ W
    loop = jnp.arange(num_nodes, dtype=edge_index.dtype)
    src = jnp.concatenate([edge_index[0], loop])
    dst = jnp.concatenate([edge_index[1], loop])
    ew = jnp.ones(src.shape[0], dtype=x.dtype)
    deg = jnp.zeros((num_nodes,), dtype=x.dtype).at[dst].add(ew)
    dinv = jnp.where(deg > 0, jax.lax.rsqrt(jnp.maximum(deg, 1e-12)), 0.0)
    norm = dinv[src] * ew * dinv[dst]
    msg = xw[src] * norm[:, None]
    out = jnp.zeros((num_nodes, W.shape[1]), dtype=x.dtype).at[dst].add(msg)
    return out + b


def setup_inputs(seed: int = 0) -> dict:
    key = jax.random.key(seed)
    k1, k2, k3, k4 = jax.random.split(key, 4)
    x = jax.random.normal(k1, (N_NODES, IN_FEATS), dtype=jnp.float32)
    edge_index = jax.random.randint(k2, (2, N_EDGES), 0, N_NODES, dtype=jnp.int32)
    W1 = jax.random.normal(k3, (IN_FEATS, H_FEATS), dtype=jnp.float32) * (1.0 / np.sqrt(IN_FEATS))
    b1 = jnp.zeros((H_FEATS,), dtype=jnp.float32)
    W2 = jax.random.normal(k4, (H_FEATS, 1), dtype=jnp.float32) * (1.0 / np.sqrt(H_FEATS))
    b2 = jnp.zeros((1,), dtype=jnp.float32)
    return {"x": x, "edge_index": edge_index, "W1": W1, "b1": b1, "W2": W2, "b2": b2}


def reference(x, edge_index, W1, b1, W2, b2):
    # eval mode: dropout is identity
    h = jax.nn.relu(gcn_conv(x, edge_index, W1, b1, N_NODES))
    out = gcn_conv(h, edge_index, W2, b2, N_NODES).reshape(-1)
    return out

if __name__ == "__main__":
    import jax
    _d = setup_inputs()
    print(jax.jit(kernel)(*tuple(_d.values())))

</pallas_src>

<mosaic_0001>
#map = affine_map<(d0, d1) -> (0, 0, 0)>
#map1 = affine_map<(d0, d1) -> (0)>
module attributes {stable_mosaic.version = 14 : i64} {
  func.func @_k1(%arg0: i32, %arg1: i32, %arg2: memref<32x125x80xi32, #tpu.memory_space<hbm>>, %arg3: memref<10240xf32, #tpu.memory_space<hbm>>, %arg4: memref<250x80xi32, #tpu.memory_space<vmem>>, %arg5: memref<80xf32, #tpu.memory_space<vmem>>, %arg6: memref<640xf32, #tpu.memory_space<vmem>>, %arg7: memref<!tpu.dma_semaphore, #tpu.memory_space<semaphore_mem>>, %arg8: memref<10240xf32, #tpu.memory_space<vmem_shared>>) attributes {dimension_semantics = [#tpu.dimension_semantics<core_parallel>, #tpu.dimension_semantics<subcore_parallel>], iteration_bounds = array<i64: 2, 16>, scalar_prefetch = 0 : i64, scratch_operands = 5 : i64, tpu.core_type = #tpu.core_type<sc_vector_subcore>, window_params = [{transform_indices = #map}, {transform_indices = #map1}]} {
    %broadcast_in_dim3A = arith.constant 1.000000e+00 : f32
    %broadcast_in_dim3A_0 = vector.broadcast %broadcast_in_dim3A : f32 to vector<16xf32>
    %scan3A = arith.constant 0 : i32
    %scan3A_1 = arith.constant 0 : i32
    %scan3A_2 = arith.constant 5 : i32
    %scan3A_3 = arith.addi %scan3A_1, %scan3A_2 : i32
    %scan3A_4 = arith.constant 1 : i32
    %scan3A_5 = scf.for %scan3A_39 = %scan3A_1 to %scan3A_3 step %scan3A_4 iter_args(%scan3A_40 = %scan3A) -> (i32)  : i32 {
      %mul3A_41 = arith.constant 16 : i32
      %mul3A_42 = arith.muli %scan3A_39, %mul3A_41 : i32
      %swap3A = arith.index_cast %mul3A_42 : i32 to index
      %swap3A_43 = tpu.vector_load %arg5[%swap3A] {strides = array<i32>} : memref<80xf32, #tpu.memory_space<vmem>>, vector<16xf32>,
      %swap3A_44 = vector.shape_cast %swap3A_43 : vector<16xf32> to vector<16xf32>
      %swap3A_45 = vector.shape_cast %broadcast_in_dim3A_0 : vector<16xf32> to vector<16xf32>
      tpu.vector_store %arg5[%swap3A], %swap3A_45 {strides = array<i32>} : memref<80xf32, #tpu.memory_space<vmem>>, vector<16xf32>,
      %scan3A_46 = arith.constant 0 : i32
      scf.yield %scan3A_46 : i32
    }
    %scan3A_6 = arith.constant 5 : i32
    %broadcast_in_dim3A_7 = arith.constant 0.000000e+00 : f32
    %broadcast_in_dim3A_8 = vector.broadcast %broadcast_in_dim3A_7 : f32 to vector<16xf32>
    %scan3A_9 = arith.constant 0 : i32
    %scan3A_10 = arith.constant 0 : i32
    %scan3A_11 = arith.constant 40 : i32
    %scan3A_12 = arith.addi %scan3A_10, %scan3A_11 : i32
    %scan3A_13 = arith.constant 1 : i32
    %scan3A_14 = scf.for %scan3A_39 = %scan3A_10 to %scan3A_12 step %scan3A_13 iter_args(%scan3A_40 = %scan3A_9) -> (i32)  : i32 {
      %mul3A_41 = arith.constant 16 : i32
      %mul3A_42 = arith.muli %scan3A_39, %mul3A_41 : i32
      %swap3A = arith.index_cast %mul3A_42 : i32 to index
      %swap3A_43 = tpu.vector_load %arg6[%swap3A] {strides = array<i32>} : memref<640xf32, #tpu.memory_space<vmem>>, vector<16xf32>,
      %swap3A_44 = vector.shape_cast %swap3A_43 : vector<16xf32> to vector<16xf32>
      %swap3A_45 = vector.shape_cast %broadcast_in_dim3A_8 : vector<16xf32> to vector<16xf32>
      tpu.vector_store %arg6[%swap3A], %swap3A_45 {strides = array<i32>} : memref<640xf32, #tpu.memory_space<vmem>>, vector<16xf32>,
      %scan3A_46 = arith.constant 0 : i32
      scf.yield %scan3A_46 : i32
    }
    %scan3A_15 = arith.constant 40 : i32
    %mul3A = arith.constant 640 : i32
    %mul3A_16 = arith.muli %arg1, %mul3A : i32
    "tpu.region"() ({
      %run_scoped3A = tpu.sem_alloc : memref<!tpu.dma_semaphore, #tpu.memory_space<semaphore_mem>>
      %dma_start3A = tpu.memref_slice %arg8[%mul3A_16] : memref<10240xf32, #tpu.memory_space<vmem_shared>> -> memref<640xf32, #tpu.memory_space<vmem_shared>>
      %dma_start3A_39 = tpu.memref_slice %arg8[%mul3A_16] : memref<10240xf32, #tpu.memory_space<vmem_shared>> -> memref<640xf32, #tpu.memory_space<vmem_shared>>
      tpu.enqueue_dma source(%arg6 : memref<640xf32, #tpu.memory_space<vmem>>) target(%dma_start3A_39 : memref<640xf32, #tpu.memory_space<vmem_shared>>) target_semaphore(%run_scoped3A : memref<!tpu.dma_semaphore, #tpu.memory_space<semaphore_mem>>)
      %dma_wait3A = tpu.memref_slice %arg8[%mul3A_16] : memref<10240xf32, #tpu.memory_space<vmem_shared>> -> memref<640xf32, #tpu.memory_space<vmem_shared>>
      %dma_wait3A_40 = tpu.memref_slice %arg8[%mul3A_16] : memref<10240xf32, #tpu.memory_space<vmem_shared>> -> memref<640xf32, #tpu.memory_space<vmem_shared>>
      tpu.wait_dma2 semaphore(%run_scoped3A : memref<!tpu.dma_semaphore, #tpu.memory_space<semaphore_mem>>) src(%arg6 : memref<640xf32, #tpu.memory_space<vmem>>) dst(%dma_wait3A_40 : memref<640xf32, #tpu.memory_space<vmem_shared>>)
      tpu.yield
    }) : () -> ()
    %mul3A_17 = arith.constant 2 : i32
    %mul3A_18 = arith.muli %mul3A_17, %arg1 : i32
    "tpu.region"() ({
      %run_scoped3A = tpu.sem_alloc : memref<!tpu.dma_semaphore, #tpu.memory_space<semaphore_mem>>
      %dma_start3A = arith.constant 0 : i32
      %dma_start3A_39 = arith.constant 0 : i32
      %dma_start3A_40 = tpu.memref_slice %arg4[%dma_start3A, %dma_start3A_39] : memref<250x80xi32, #tpu.memory_space<vmem>> -> memref<125x80xi32, #tpu.memory_space<vmem>>
      %dma_start3A_41 = arith.constant 0 : i32
      %dma_start3A_42 = arith.constant 0 : i32
      %dma_start3A_43 = tpu.memref_slice %arg2[%mul3A_18, %dma_start3A_41, %dma_start3A_42] : memref<32x125x80xi32, #tpu.memory_space<hbm>> -> memref<1x125x80xi32, #tpu.memory_space<hbm>>
      %dma_start3A_44 = tpu.memref_squeeze %dma_start3A_43 : memref<1x125x80xi32, #tpu.memory_space<hbm>> -> memref<125x80xi32, #tpu.memory_space<hbm>>
      %dma_start3A_45 = arith.constant 0 : i32
      %dma_start3A_46 = arith.constant 0 : i32
      %dma_start3A_47 = tpu.memref_slice %arg4[%dma_start3A_45, %dma_start3A_46] : memref<250x80xi32, #tpu.memory_space<vmem>> -> memref<125x80xi32, #tpu.memory_space<vmem>>
      %dma_start3A_48 = arith.constant 0 : i32
      %dma_start3A_49 = arith.constant 0 : i32
      %dma_start3A_50 = tpu.memref_slice %arg2[%mul3A_18, %dma_start3A_48, %dma_start3A_49] : memref<32x125x80xi32, #tpu.memory_space<hbm>> -> memref<1x125x80xi32, #tpu.memory_space<hbm>>
      %dma_start3A_51 = tpu.memref_squeeze %dma_start3A_50 : memref<1x125x80xi32, #tpu.memory_space<hbm>> -> memref<125x80xi32, #tpu.memory_space<hbm>>
      tpu.enqueue_dma source(%dma_start3A_51 : memref<125x80xi32, #tpu.memory_space<hbm>>) target(%dma_start3A_47 : memref<125x80xi32, #tpu.memory_space<vmem>>) target_semaphore(%run_scoped3A : memref<!tpu.dma_semaphore, #tpu.memory_space<semaphore_mem>>)
      %dma_wait3A = arith.constant 0 : i32
      %dma_wait3A_52 = arith.constant 0 : i32
      %dma_wait3A_53 = tpu.memref_slice %arg4[%dma_wait3A, %dma_wait3A_52] : memref<250x80xi32, #tpu.memory_space<vmem>> -> memref<125x80xi32, #tpu.memory_space<vmem>>
      %dma_wait3A_54 = arith.constant 0 : i32
      %dma_wait3A_55 = arith.constant 0 : i32
      %dma_wait3A_56 = tpu.memref_slice %arg2[%mul3A_18, %dma_wait3A_54, %dma_wait3A_55] : memref<32x125x80xi32, #tpu.memory_space<hbm>> -> memref<1x125x80xi32, #tpu.memory_space<hbm>>
      %dma_wait3A_57 = tpu.memref_squeeze %dma_wait3A_56 : memref<1x125x80xi32, #tpu.memory_space<hbm>> -> memref<125x80xi32, #tpu.memory_space<hbm>>
      %dma_wait3A_58 = arith.constant 0 : i32
      %dma_wait3A_59 = arith.constant 0 : i32
      %dma_wait3A_60 = tpu.memref_slice %arg4[%dma_wait3A_58, %dma_wait3A_59] : memref<250x80xi32, #tpu.memory_space<vmem>> -> memref<125x80xi32, #tpu.memory_space<vmem>>
      %dma_wait3A_61 = arith.constant 0 : i32
      %dma_wait3A_62 = arith.constant 0 : i32
      %dma_wait3A_63 = tpu.memref_slice %arg2[%mul3A_18, %dma_wait3A_61, %dma_wait3A_62] : memref<32x125x80xi32, #tpu.memory_space<hbm>> -> memref<1x125x80xi32, #tpu.memory_space<hbm>>
      %dma_wait3A_64 = tpu.memref_squeeze %dma_wait3A_63 : memref<1x125x80xi32, #tpu.memory_space<hbm>> -> memref<125x80xi32, #tpu.memory_space<hbm>>
      tpu.wait_dma2 semaphore(%run_scoped3A : memref<!tpu.dma_semaphore, #tpu.memory_space<semaphore_mem>>) src(%dma_wait3A_64 : memref<125x80xi32, #tpu.memory_space<hbm>>) dst(%dma_wait3A_60 : memref<125x80xi32, #tpu.memory_space<vmem>>)
      tpu.yield
    }) : () -> ()
    %mul3A_19 = arith.constant 2 : i32
    %mul3A_20 = arith.muli %mul3A_19, %arg1 : i32
    %add3A = arith.constant 1 : i32
    %add3A_21 = arith.addi %mul3A_20, %add3A : i32
    "tpu.region"() ({
      %run_scoped3A = tpu.sem_alloc : memref<!tpu.dma_semaphore, #tpu.memory_space<semaphore_mem>>
      %dma_start3A = arith.constant 125 : i32
      %dma_start3A_39 = arith.constant 0 : i32
      %dma_start3A_40 = tpu.memref_slice %arg4[%dma_start3A, %dma_start3A_39] : memref<250x80xi32, #tpu.memory_space<vmem>> -> memref<125x80xi32, #tpu.memory_space<vmem>>
      %dma_start3A_41 = arith.constant 0 : i32
      %dma_start3A_42 = arith.constant 0 : i32
      %dma_start3A_43 = tpu.memref_slice %arg2[%add3A_21, %dma_start3A_41, %dma_start3A_42] : memref<32x125x80xi32, #tpu.memory_space<hbm>> -> memref<1x125x80xi32, #tpu.memory_space<hbm>>
      %dma_start3A_44 = tpu.memref_squeeze %dma_start3A_43 : memref<1x125x80xi32, #tpu.memory_space<hbm>> -> memref<125x80xi32, #tpu.memory_space<hbm>>
      %dma_start3A_45 = arith.constant 125 : i32
      %dma_start3A_46 = arith.constant 0 : i32
      %dma_start3A_47 = tpu.memref_slice %arg4[%dma_start3A_45, %dma_start3A_46] : memref<250x80xi32, #tpu.memory_space<vmem>> -> memref<125x80xi32, #tpu.memory_space<vmem>>
      %dma_start3A_48 = arith.constant 0 : i32
      %dma_start3A_49 = arith.constant 0 : i32
      %dma_start3A_50 = tpu.memref_slice %arg2[%add3A_21, %dma_start3A_48, %dma_start3A_49] : memref<32x125x80xi32, #tpu.memory_space<hbm>> -> memref<1x125x80xi32, #tpu.memory_space<hbm>>
      %dma_start3A_51 = tpu.memref_squeeze %dma_start3A_50 : memref<1x125x80xi32, #tpu.memory_space<hbm>> -> memref<125x80xi32, #tpu.memory_space<hbm>>
      tpu.enqueue_dma source(%dma_start3A_51 : memref<125x80xi32, #tpu.memory_space<hbm>>) target(%dma_start3A_47 : memref<125x80xi32, #tpu.memory_space<vmem>>) target_semaphore(%run_scoped3A : memref<!tpu.dma_semaphore, #tpu.memory_space<semaphore_mem>>)
      %dma_wait3A = arith.constant 125 : i32
      %dma_wait3A_52 = arith.constant 0 : i32
      %dma_wait3A_53 = tpu.memref_slice %arg4[%dma_wait3A, %dma_wait3A_52] : memref<250x80xi32, #tpu.memory_space<vmem>> -> memref<125x80xi32, #tpu.memory_space<vmem>>
      %dma_wait3A_54 = arith.constant 0 : i32
      %dma_wait3A_55 = arith.constant 0 : i32
      %dma_wait3A_56 = tpu.memref_slice %arg2[%add3A_21, %dma_wait3A_54, %dma_wait3A_55] : memref<32x125x80xi32, #tpu.memory_space<hbm>> -> memref<1x125x80xi32, #tpu.memory_space<hbm>>
      %dma_wait3A_57 = tpu.memref_squeeze %dma_wait3A_56 : memref<1x125x80xi32, #tpu.memory_space<hbm>> -> memref<125x80xi32, #tpu.memory_space<hbm>>
      %dma_wait3A_58 = arith.constant 125 : i32
      %dma_wait3A_59 = arith.constant 0 : i32
      %dma_wait3A_60 = tpu.memref_slice %arg4[%dma_wait3A_58, %dma_wait3A_59] : memref<250x80xi32, #tpu.memory_space<vmem>> -> memref<125x80xi32, #tpu.memory_space<vmem>>
      %dma_wait3A_61 = arith.constant 0 : i32
      %dma_wait3A_62 = arith.constant 0 : i32
      %dma_wait3A_63 = tpu.memref_slice %arg2[%add3A_21, %dma_wait3A_61, %dma_wait3A_62] : memref<32x125x80xi32, #tpu.memory_space<hbm>> -> memref<1x125x80xi32, #tpu.memory_space<hbm>>
      %dma_wait3A_64 = tpu.memref_squeeze %dma_wait3A_63 : memref<1x125x80xi32, #tpu.memory_space<hbm>> -> memref<125x80xi32, #tpu.memory_space<hbm>>
      tpu.wait_dma2 semaphore(%run_scoped3A : memref<!tpu.dma_semaphore, #tpu.memory_space<semaphore_mem>>) src(%dma_wait3A_64 : memref<125x80xi32, #tpu.memory_space<hbm>>) dst(%dma_wait3A_60 : memref<125x80xi32, #tpu.memory_space<vmem>>)
      tpu.yield
    }) : () -> ()
    %barrier3A = arith.constant 0 : index
    tpu.barrier barrier_id(%barrier3A)
    %scan3A_22 = arith.constant 0 : i32
    %scan3A_23 = arith.constant 0 : i32
    %scan3A_24 = arith.constant 250 : i32
    %scan3A_25 = arith.addi %scan3A_23, %scan3A_24 : i32
    %scan3A_26 = arith.constant 1 : i32
    %scan3A_27 = scf.for %scan3A_39 = %scan3A_23 to %scan3A_25 step %scan3A_26 iter_args(%scan3A_40 = %scan3A_22) -> (i32)  : i32 {
      %dma_start3A = arith.constant 0 : i32
      %dma_start3A_41 = tpu.memref_slice %arg4[%scan3A_39, %dma_start3A] : memref<250x80xi32, #tpu.memory_space<vmem>> -> memref<1x80xi32, #tpu.memory_space<vmem>>
      %dma_start3A_42 = tpu.memref_squeeze %dma_start3A_41 : memref<1x80xi32, #tpu.memory_space<vmem>> -> memref<80xi32, #tpu.memory_space<vmem>>
      %dma_start3A_43 = arith.constant 0 : i32
      %dma_start3A_44 = tpu.memref_slice %arg8[%dma_start3A_43] : memref<10240xf32, #tpu.memory_space<vmem_shared>> -> memref<10240xf32, #tpu.memory_space<vmem_shared>>
      tpu.enqueue_indirect_dma source(%arg5 : memref<80xf32, #tpu.memory_space<vmem>>) target(%dma_start3A_44 : memref<10240xf32, #tpu.memory_space<vmem_shared>>) offsets(%dma_start3A_42 : memref<80xi32, #tpu.memory_space<vmem>>) semaphore(%arg7 : memref<!tpu.dma_semaphore, #tpu.memory_space<semaphore_mem>>) {add = true}
      %scan3A_45 = arith.constant 0 : i32
      scf.yield %scan3A_45 : i32
    }
    %scan3A_28 = arith.constant 250 : i32
    %scan3A_29 = arith.constant 0 : i32
    %scan3A_30 = arith.constant 0 : i32
    %scan3A_31 = arith.constant 250 : i32
    %scan3A_32 = arith.addi %scan3A_30, %scan3A_31 : i32
    %scan3A_33 = arith.constant 1 : i32
    %scan3A_34 = scf.for %scan3A_39 = %scan3A_30 to %scan3A_32 step %scan3A_33 iter_args(%scan3A_40 = %scan3A_29) -> (i32)  : i32 {
      %dma_wait3A = arith.constant 0 : i32
      %dma_wait3A_41 = tpu.memref_slice %arg4[%scan3A_39, %dma_wait3A] : memref<250x80xi32, #tpu.memory_space<vmem>> -> memref<1x80xi32, #tpu.memory_space<vmem>>
      %dma_wait3A_42 = tpu.memref_squeeze %dma_wait3A_41 : memref<1x80xi32, #tpu.memory_space<vmem>> -> memref<80xi32, #tpu.memory_space<vmem>>
      %dma_wait3A_43 = arith.constant 0 : i32
      %dma_wait3A_44 = tpu.memref_slice %arg8[%dma_wait3A_43] : memref<10240xf32, #tpu.memory_space<vmem_shared>> -> memref<10240xf32, #tpu.memory_space<vmem_shared>>
      tpu.wait_indirect_dma semaphore(%arg7 : memref<!tpu.dma_semaphore, #tpu.memory_space<semaphore_mem>>) src(%arg5 : memref<80xf32, #tpu.memory_space<vmem>>) dst(%dma_wait3A_44 : memref<10240xf32, #tpu.memory_space<vmem_shared>>)
      %scan3A_45 = arith.constant 0 : i32
      scf.yield %scan3A_45 : i32
    }
    %scan3A_35 = arith.constant 250 : i32
    %barrier3A_36 = arith.constant 0 : index
    tpu.barrier barrier_id(%barrier3A_36)
    %eq3A = arith.constant 0 : i32
    %eq3A_37 = arith.cmpi eq, %arg0, %eq3A : i32
    %convert_element_type3A = arith.extui %eq3A_37 : i1 to i32
    %cond3A = arith.constant 0 : i32
    %cond3A_38 = arith.cmpi ne, %convert_element_type3A, %cond3A : i32
    scf.if %cond3A_38 {
      %mul3A_39 = arith.constant 640 : i32
      %mul3A_40 = arith.muli %arg1, %mul3A_39 : i32
      %mul3A_41 = arith.constant 640 : i32
      %mul3A_42 = arith.muli %arg1, %mul3A_41 : i32
      "tpu.region"() ({
        %run_scoped3A = tpu.sem_alloc : memref<!tpu.dma_semaphore, #tpu.memory_space<semaphore_mem>>
        %dma_start3A = tpu.memref_slice %arg3[%mul3A_42] : memref<10240xf32, #tpu.memory_space<hbm>> -> memref<640xf32, #tpu.memory_space<hbm>>
        %dma_start3A_43 = tpu.memref_slice %arg8[%mul3A_40] : memref<10240xf32, #tpu.memory_space<vmem_shared>> -> memref<640xf32, #tpu.memory_space<vmem_shared>>
        tpu.enqueue_dma source(%dma_start3A_43 : memref<640xf32, #tpu.memory_space<vmem_shared>>) target(%dma_start3A : memref<640xf32, #tpu.memory_space<hbm>>) target_semaphore(%run_scoped3A : memref<!tpu.dma_semaphore, #tpu.memory_space<semaphore_mem>>)
        %dma_wait3A = tpu.memref_slice %arg3[%mul3A_42] : memref<10240xf32, #tpu.memory_space<hbm>> -> memref<640xf32, #tpu.memory_space<hbm>>
        %dma_wait3A_44 = tpu.memref_slice %arg8[%mul3A_40] : memref<10240xf32, #tpu.memory_space<vmem_shared>> -> memref<640xf32, #tpu.memory_space<vmem_shared>>
        tpu.wait_dma2 semaphore(%run_scoped3A : memref<!tpu.dma_semaphore, #tpu.memory_space<semaphore_mem>>) src(%dma_wait3A_44 : memref<640xf32, #tpu.memory_space<vmem_shared>>) dst(%dma_wait3A : memref<640xf32, #tpu.memory_space<hbm>>)
        tpu.yield
      }) : () -> ()
    } else {
    }
    return
  }
}

#map = affine_map<(d0, d1) -> (0, 0, 0)>
#map1 = affine_map<(d0, d1) -> (0)>
#map2 = affine_map<(d0, d1) -> (0, 0)>
module attributes {stable_mosaic.version = 14 : i64} {
  func.func @_k5(%arg0: i32, %arg1: i32, %arg2: memref<32x125x80xi32, #tpu.memory_space<hbm>>, %arg3: memref<32x125x80xi32, #tpu.memory_space<hbm>>, %arg4: memref<10240xf32, #tpu.memory_space<hbm>>, %arg5: memref<2x10240xf32, #tpu.memory_space<hbm>>, %arg6: memref<125x80xi32, #tpu.memory_space<vmem>>, %arg7: memref<125x80xi32, #tpu.memory_space<vmem>>, %arg8: memref<2000xf32, #tpu.memory_space<vmem>>, %arg9: memref<!tpu.dma_semaphore, #tpu.memory_space<semaphore_mem>>, %arg10: memref<!tpu.dma_semaphore, #tpu.memory_space<semaphore_mem>>, %arg11: memref<640xf32, #tpu.memory_space<vmem>>, %arg12: memref<10240xf32, #tpu.memory_space<vmem_shared>>, %arg13: memref<10240xf32, #tpu.memory_space<vmem_shared>>) attributes {dimension_semantics = [#tpu.dimension_semantics<core_parallel>, #tpu.dimension_semantics<subcore_parallel>], iteration_bounds = array<i64: 2, 16>, scalar_prefetch = 0 : i64, scratch_operands = 8 : i64, tpu.core_type = #tpu.core_type<sc_vector_subcore>, window_params = [{transform_indices = #map}, {transform_indices = #map}, {transform_indices = #map1}, {transform_indices = #map2}]} {
    %mul3A = arith.constant 16 : i32
    %mul3A_0 = arith.muli %arg0, %mul3A : i32
    %add3A = arith.addi %mul3A_0, %arg1 : i32
    %broadcast_in_dim3A = arith.constant 0.000000e+00 : f32
    %broadcast_in_dim3A_1 = vector.broadcast %broadcast_in_dim3A : f32 to vector<16xf32>
    %scan3A = arith.constant 0 : i32
    %scan3A_2 = arith.constant 0 : i32
    %scan3A_3 = arith.constant 40 : i32
    %scan3A_4 = arith.addi %scan3A_2, %scan3A_3 : i32
    %scan3A_5 = arith.constant 1 : i32
    %scan3A_6 = scf.for %scan3A_26 = %scan3A_2 to %scan3A_4 step %scan3A_5 iter_args(%scan3A_27 = %scan3A) -> (i32)  : i32 {
      %mul3A_28 = arith.constant 16 : i32
      %mul3A_29 = arith.muli %scan3A_26, %mul3A_28 : i32
      %swap3A = arith.index_cast %mul3A_29 : i32 to index
      %swap3A_30 = tpu.vector_load %arg11[%swap3A] {strides = array<i32>} : memref<640xf32, #tpu.memory_space<vmem>>, vector<16xf32>,
      %swap3A_31 = vector.shape_cast %swap3A_30 : vector<16xf32> to vector<16xf32>
      %swap3A_32 = vector.shape_cast %broadcast_in_dim3A_1 : vector<16xf32> to vector<16xf32>
      tpu.vector_store %arg11[%swap3A], %swap3A_32 {strides = array<i32>} : memref<640xf32, #tpu.memory_space<vmem>>, vector<16xf32>,
      %scan3A_33 = arith.constant 0 : i32
      scf.yield %scan3A_33 : i32
    }
    %scan3A_7 = arith.constant 40 : i32
    %mul3A_8 = arith.constant 640 : i32
    %mul3A_9 = arith.muli %arg1, %mul3A_8 : i32
    "tpu.region"() ({
      %run_scoped3A = tpu.sem_alloc : memref<!tpu.dma_semaphore, #tpu.memory_space<semaphore_mem>>
      %dma_start3A = tpu.memref_slice %arg12[%mul3A_9] : memref<10240xf32, #tpu.memory_space<vmem_shared>> -> memref<640xf32, #tpu.memory_space<vmem_shared>>
      %dma_start3A_26 = tpu.memref_slice %arg12[%mul3A_9] : memref<10240xf32, #tpu.memory_space<vmem_shared>> -> memref<640xf32, #tpu.memory_space<vmem_shared>>
      tpu.enqueue_dma source(%arg11 : memref<640xf32, #tpu.memory_space<vmem>>) target(%dma_start3A_26 : memref<640xf32, #tpu.memory_space<vmem_shared>>) target_semaphore(%run_scoped3A : memref<!tpu.dma_semaphore, #tpu.memory_space<semaphore_mem>>)
      %dma_wait3A = tpu.memref_slice %arg12[%mul3A_9] : memref<10240xf32, #tpu.memory_space<vmem_shared>> -> memref<640xf32, #tpu.memory_space<vmem_shared>>
      %dma_wait3A_27 = tpu.memref_slice %arg12[%mul3A_9] : memref<10240xf32, #tpu.memory_space<vmem_shared>> -> memref<640xf32, #tpu.memory_space<vmem_shared>>
      tpu.wait_dma2 semaphore(%run_scoped3A : memref<!tpu.dma_semaphore, #tpu.memory_space<semaphore_mem>>) src(%arg11 : memref<640xf32, #tpu.memory_space<vmem>>) dst(%dma_wait3A_27 : memref<640xf32, #tpu.memory_space<vmem_shared>>)
      tpu.yield
    }) : () -> ()
    %mul3A_10 = arith.constant 640 : i32
    %mul3A_11 = arith.muli %arg1, %mul3A_10 : i32
    %mul3A_12 = arith.constant 640 : i32
    %mul3A_13 = arith.muli %arg1, %mul3A_12 : i32
    "tpu.region"() ({
      %run_scoped3A = tpu.sem_alloc : memref<!tpu.dma_semaphore, #tpu.memory_space<semaphore_mem>>
      %dma_start3A = tpu.memref_slice %arg13[%mul3A_13] : memref<10240xf32, #tpu.memory_space<vmem_shared>> -> memref<640xf32, #tpu.memory_space<vmem_shared>>
      %dma_start3A_26 = tpu.memref_slice %arg4[%mul3A_11] : memref<10240xf32, #tpu.memory_space<hbm>> -> memref<640xf32, #tpu.memory_space<hbm>>
      tpu.enqueue_dma source(%dma_start3A_26 : memref<640xf32, #tpu.memory_space<hbm>>) target(%dma_start3A : memref<640xf32, #tpu.memory_space<vmem_shared>>) target_semaphore(%run_scoped3A : memref<!tpu.dma_semaphore, #tpu.memory_space<semaphore_mem>>)
      %dma_wait3A = tpu.memref_slice %arg13[%mul3A_13] : memref<10240xf32, #tpu.memory_space<vmem_shared>> -> memref<640xf32, #tpu.memory_space<vmem_shared>>
      %dma_wait3A_27 = tpu.memref_slice %arg4[%mul3A_11] : memref<10240xf32, #tpu.memory_space<hbm>> -> memref<640xf32, #tpu.memory_space<hbm>>
      tpu.wait_dma2 semaphore(%run_scoped3A : memref<!tpu.dma_semaphore, #tpu.memory_space<semaphore_mem>>) src(%dma_wait3A_27 : memref<640xf32, #tpu.memory_space<hbm>>) dst(%dma_wait3A : memref<640xf32, #tpu.memory_space<vmem_shared>>)
      tpu.yield
    }) : () -> ()
    "tpu.region"() ({
      %run_scoped3A = tpu.sem_alloc : memref<!tpu.dma_semaphore, #tpu.memory_space<semaphore_mem>>
      %dma_start3A = arith.constant 0 : i32
      %dma_start3A_26 = arith.constant 0 : i32
      %dma_start3A_27 = tpu.memref_slice %arg2[%add3A, %dma_start3A, %dma_start3A_26] : memref<32x125x80xi32, #tpu.memory_space<hbm>> -> memref<1x125x80xi32, #tpu.memory_space<hbm>>
      %dma_start3A_28 = tpu.memref_squeeze %dma_start3A_27 : memref<1x125x80xi32, #tpu.memory_space<hbm>> -> memref<125x80xi32, #tpu.memory_space<hbm>>
      %dma_start3A_29 = arith.constant 0 : i32
      %dma_start3A_30 = arith.constant 0 : i32
      %dma_start3A_31 = tpu.memref_slice %arg2[%add3A, %dma_start3A_29, %dma_start3A_30] : memref<32x125x80xi32, #tpu.memory_space<hbm>> -> memref<1x125x80xi32, #tpu.memory_space<hbm>>
      %dma_start3A_32 = tpu.memref_squeeze %dma_start3A_31 : memref<1x125x80xi32, #tpu.memory_space<hbm>> -> memref<125x80xi32, #tpu.memory_space<hbm>>
      tpu.enqueue_dma source(%dma_start3A_32 : memref<125x80xi32, #tpu.memory_space<hbm>>) target(%arg6 : memref<125x80xi32, #tpu.memory_space<vmem>>) target_semaphore(%run_scoped3A : memref<!tpu.dma_semaphore, #tpu.memory_space<semaphore_mem>>)
      %dma_wait3A = arith.constant 0 : i32
      %dma_wait3A_33 = arith.constant 0 : i32
      %dma_wait3A_34 = tpu.memref_slice %arg2[%add3A, %dma_wait3A, %dma_wait3A_33] : memref<32x125x80xi32, #tpu.memory_space<hbm>> -> memref<1x125x80xi32, #tpu.memory_space<hbm>>
      %dma_wait3A_35 = tpu.memref_squeeze %dma_wait3A_34 : memref<1x125x80xi32, #tpu.memory_space<hbm>> -> memref<125x80xi32, #tpu.memory_space<hbm>>
      %dma_wait3A_36 = arith.constant 0 : i32
      %dma_wait3A_37 = arith.constant 0 : i32
      %dma_wait3A_38 = tpu.memref_slice %arg2[%add3A, %dma_wait3A_36, %dma_wait3A_37] : memref<32x125x80xi32, #tpu.memory_space<hbm>> -> memref<1x125x80xi32, #tpu.memory_space<hbm>>
      %dma_wait3A_39 = tpu.memref_squeeze %dma_wait3A_38 : memref<1x125x80xi32, #tpu.memory_space<hbm>> -> memref<125x80xi32, #tpu.memory_space<hbm>>
      tpu.wait_dma2 semaphore(%run_scoped3A : memref<!tpu.dma_semaphore, #tpu.memory_space<semaphore_mem>>) src(%dma_wait3A_39 : memref<125x80xi32, #tpu.memory_space<hbm>>) dst(%arg6 : memref<125x80xi32, #tpu.memory_space<vmem>>)
      tpu.yield
    }) : () -> ()
    "tpu.region"() ({
      %run_scoped3A = tpu.sem_alloc : memref<!tpu.dma_semaphore, #tpu.memory_space<semaphore_mem>>
      %dma_start3A = arith.constant 0 : i32
      %dma_start3A_26 = arith.constant 0 : i32
      %dma_start3A_27 = tpu.memref_slice %arg3[%add3A, %dma_start3A, %dma_start3A_26] : memref<32x125x80xi32, #tpu.memory_space<hbm>> -> memref<1x125x80xi32, #tpu.memory_space<hbm>>
      %dma_start3A_28 = tpu.memref_squeeze %dma_start3A_27 : memref<1x125x80xi32, #tpu.memory_space<hbm>> -> memref<125x80xi32, #tpu.memory_space<hbm>>
      %dma_start3A_29 = arith.constant 0 : i32
      %dma_start3A_30 = arith.constant 0 : i32
      %dma_start3A_31 = tpu.memref_slice %arg3[%add3A, %dma_start3A_29, %dma_start3A_30] : memref<32x125x80xi32, #tpu.memory_space<hbm>> -> memref<1x125x80xi32, #tpu.memory_space<hbm>>
      %dma_start3A_32 = tpu.memref_squeeze %dma_start3A_31 : memref<1x125x80xi32, #tpu.memory_space<hbm>> -> memref<125x80xi32, #tpu.memory_space<hbm>>
      tpu.enqueue_dma source(%dma_start3A_32 : memref<125x80xi32, #tpu.memory_space<hbm>>) target(%arg7 : memref<125x80xi32, #tpu.memory_space<vmem>>) target_semaphore(%run_scoped3A : memref<!tpu.dma_semaphore, #tpu.memory_space<semaphore_mem>>)
      %dma_wait3A = arith.constant 0 : i32
      %dma_wait3A_33 = arith.constant 0 : i32
      %dma_wait3A_34 = tpu.memref_slice %arg3[%add3A, %dma_wait3A, %dma_wait3A_33] : memref<32x125x80xi32, #tpu.memory_space<hbm>> -> memref<1x125x80xi32, #tpu.memory_space<hbm>>
      %dma_wait3A_35 = tpu.memref_squeeze %dma_wait3A_34 : memref<1x125x80xi32, #tpu.memory_space<hbm>> -> memref<125x80xi32, #tpu.memory_space<hbm>>
      %dma_wait3A_36 = arith.constant 0 : i32
      %dma_wait3A_37 = arith.constant 0 : i32
      %dma_wait3A_38 = tpu.memref_slice %arg3[%add3A, %dma_wait3A_36, %dma_wait3A_37] : memref<32x125x80xi32, #tpu.memory_space<hbm>> -> memref<1x125x80xi32, #tpu.memory_space<hbm>>
      %dma_wait3A_39 = tpu.memref_squeeze %dma_wait3A_38 : memref<1x125x80xi32, #tpu.memory_space<hbm>> -> memref<125x80xi32, #tpu.memory_space<hbm>>
      tpu.wait_dma2 semaphore(%run_scoped3A : memref<!tpu.dma_semaphore, #tpu.memory_space<semaphore_mem>>) src(%dma_wait3A_39 : memref<125x80xi32, #tpu.memory_space<hbm>>) dst(%arg7 : memref<125x80xi32, #tpu.memory_space<vmem>>)
      tpu.yield
    }) : () -> ()
    %barrier3A = arith.constant 0 : index
    tpu.barrier barrier_id(%barrier3A)
    %scan3A_14 = arith.constant 0 : i32
    %scan3A_15 = arith.constant 0 : i32
    %scan3A_16 = arith.constant 5 : i32
    %scan3A_17 = arith.addi %scan3A_15, %scan3A_16 : i32
    %scan3A_18 = arith.constant 1 : i32
    %scan3A_19 = scf.for %scan3A_26 = %scan3A_15 to %scan3A_17 step %scan3A_18 iter_args(%scan3A_27 = %scan3A_14) -> (i32)  : i32 {
      %mul3A_28 = arith.constant 25 : i32
      %mul3A_29 = arith.muli %scan3A_26, %mul3A_28 : i32
      %add3A_30 = arith.constant 0 : i32
      %add3A_31 = arith.addi %mul3A_29, %add3A_30 : i32
      %dma_start3A = arith.constant 0 : i32
      %dma_start3A_32 = tpu.memref_slice %arg8[%dma_start3A] : memref<2000xf32, #tpu.memory_space<vmem>> -> memref<80xf32, #tpu.memory_space<vmem>>
      %dma_start3A_33 = arith.constant 0 : i32
      %dma_start3A_34 = tpu.memref_slice %arg6[%add3A_31, %dma_start3A_33] : memref<125x80xi32, #tpu.memory_space<vmem>> -> memref<1x80xi32, #tpu.memory_space<vmem>>
      %dma_start3A_35 = tpu.memref_squeeze %dma_start3A_34 : memref<1x80xi32, #tpu.memory_space<vmem>> -> memref<80xi32, #tpu.memory_space<vmem>>
      %dma_start3A_36 = arith.constant 0 : i32
      %dma_start3A_37 = tpu.memref_slice %arg13[%dma_start3A_36] : memref<10240xf32, #tpu.memory_space<vmem_shared>> -> memref<10240xf32, #tpu.memory_space<vmem_shared>>
      tpu.enqueue_indirect_dma source(%dma_start3A_37 : memref<10240xf32, #tpu.memory_space<vmem_shared>>) target(%dma_start3A_32 : memref<80xf32, #tpu.memory_space<vmem>>) offsets(%dma_start3A_35 : memref<80xi32, #tpu.memory_space<vmem>>) semaphore(%arg9 : memref<!tpu.dma_semaphore, #tpu.memory_space<semaphore_mem>>)
      %mul3A_38 = arith.constant 25 : i32
      %mul3A_39 = arith.muli %scan3A_26, %mul3A_38 : i32
      %add3A_40 = arith.constant 1 : i32
      %add3A_41 = arith.addi %mul3A_39, %add3A_40 : i32
      %dma_start3A_42 = arith.constant 80 : i32
      %dma_start3A_43 = tpu.memref_slice %arg8[%dma_start3A_42] : memref<2000xf32, #tpu.memory_space<vmem>> -> memref<80xf32, #tpu.memory_space<vmem>>
      %dma_start3A_44 = arith.constant 0 : i32
      %dma_start3A_45 = tpu.memref_slice %arg6[%add3A_41, %dma_start3A_44] : memref<125x80xi32, #tpu.memory_space<vmem>> -> memref<1x80xi32, #tpu.memory_space<vmem>>
      %dma_start3A_46 = tpu.memref_squeeze %dma_start3A_45 : memref<1x80xi32, #tpu.memory_space<vmem>> -> memref<80xi32, #tpu.memory_space<vmem>>
      %dma_start3A_47 = arith.constant 0 : i32
      %dma_start3A_48 = tpu.memref_slice %arg13[%dma_start3A_47] : memref<10240xf32, #tpu.memory_space<vmem_shared>> -> memref<10240xf32, #tpu.memory_space<vmem_shared>>
      tpu.enqueue_indirect_dma source(%dma_start3A_48 : memref<10240xf32, #tpu.memory_space<vmem_shared>>) target(%dma_start3A_43 : memref<80xf32, #tpu.memory_space<vmem>>) offsets(%dma_start3A_46 : memref<80xi32, #tpu.memory_space<vmem>>) semaphore(%arg9 : memref<!tpu.dma_semaphore, #tpu.memory_space<semaphore_mem>>)
      %mul3A_49 = arith.constant 25 : i32
      %mul3A_50 = arith.muli %scan3A_26, %mul3A_49 : i32
      %add3A_51 = arith.constant 2 : i32
      %add3A_52 = arith.addi %mul3A_50, %add3A_51 : i32
      %dma_start3A_53 = arith.constant 160 : i32
      %dma_start3A_54 = tpu.memref_slice %arg8[%dma_start3A_53] : memref<2000xf32, #tpu.memory_space<vmem>> -> memref<80xf32, #tpu.memory_space<vmem>>
      %dma_start3A_55 = arith.constant 0 : i32
      %dma_start3A_56 = tpu.memref_slice %arg6[%add3A_52, %dma_start3A_55] : memref<125x80xi32, #tpu.memory_space<vmem>> -> memref<1x80xi32, #tpu.memory_space<vmem>>
      %dma_start3A_57 = tpu.memref_squeeze %dma_start3A_56 : memref<1x80xi32, #tpu.memory_space<vmem>> -> memref<80xi32, #tpu.memory_space<vmem>>
      %dma_start3A_58 = arith.constant 0 : i32
      %dma_start3A_59 = tpu.memref_slice %arg13[%dma_start3A_58] : memref<10240xf32, #tpu.memory_space<vmem_shared>> -> memref<10240xf32, #tpu.memory_space<vmem_shared>>
      tpu.enqueue_indirect_dma source(%dma_start3A_59 : memref<10240xf32, #tpu.memory_space<vmem_shared>>) target(%dma_start3A_54 : memref<80xf32, #tpu.memory_space<vmem>>) offsets(%dma_start3A_57 : memref<80xi32, #tpu.memory_space<vmem>>) semaphore(%arg9 : memref<!tpu.dma_semaphore, #tpu.memory_space<semaphore_mem>>)
      %mul3A_60 = arith.constant 25 : i32
      %mul3A_61 = arith.muli %scan3A_26, %mul3A_60 : i32
      %add3A_62 = arith.constant 3 : i32
      %add3A_63 = arith.addi %mul3A_61, %add3A_62 : i32
      %dma_start3A_64 = arith.constant 240 : i32
      %dma_start3A_65 = tpu.memref_slice %arg8[%dma_start3A_64] : memref<2000xf32, #tpu.memory_space<vmem>> -> memref<80xf32, #tpu.memory_space<vmem>>
      %dma_start3A_66 = arith.constant 0 : i32
      %dma_start3A_67 = tpu.memref_slice %arg6[%add3A_63, %dma_start3A_66] : memref<125x80xi32, #tpu.memory_space<vmem>> -> memref<1x80xi32, #tpu.memory_space<vmem>>
      %dma_start3A_68 = tpu.memref_squeeze %dma_start3A_67 : memref<1x80xi32, #tpu.memory_space<vmem>> -> memref<80xi32, #tpu.memory_space<vmem>>
      %dma_start3A_69 = arith.constant 0 : i32
      %dma_start3A_70 = tpu.memref_slice %arg13[%dma_start3A_69] : memref<10240xf32, #tpu.memory_space<vmem_shared>> -> memref<10240xf32, #tpu.memory_space<vmem_shared>>
      tpu.enqueue_indirect_dma source(%dma_start3A_70 : memref<10240xf32, #tpu.memory_space<vmem_shared>>) target(%dma_start3A_65 : memref<80xf32, #tpu.memory_space<vmem>>) offsets(%dma_start3A_68 : memref<80xi32, #tpu.memory_space<vmem>>) semaphore(%arg9 : memref<!tpu.dma_semaphore, #tpu.memory_space<semaphore_mem>>)
      %mul3A_71 = arith.constant 25 : i32
      %mul3A_72 = arith.muli %scan3A_26, %mul3A_71 : i32
      %add3A_73 = arith.constant 4 : i32
      %add3A_74 = arith.addi %mul3A_72, %add3A_73 : i32
      %dma_start3A_75 = arith.constant 320 : i32
      %dma_start3A_76 = tpu.memref_slice %arg8[%dma_start3A_75] : memref<2000xf32, #tpu.memory_space<vmem>> -> memref<80xf32, #tpu.memory_space<vmem>>
      %dma_start3A_77 = arith.constant 0 : i32
      %dma_start3A_78 = tpu.memref_slice %arg6[%add3A_74, %dma_start3A_77] : memref<125x80xi32, #tpu.memory_space<vmem>> -> memref<1x80xi32, #tpu.memory_space<vmem>>
      %dma_start3A_79 = tpu.memref_squeeze %dma_start3A_78 : memref<1x80xi32, #tpu.memory_space<vmem>> -> memref<80xi32, #tpu.memory_space<vmem>>
      %dma_start3A_80 = arith.constant 0 : i32
      %dma_start3A_81 = tpu.memref_slice %arg13[%dma_start3A_80] : memref<10240xf32, #tpu.memory_space<vmem_shared>> -> memref<10240xf32, #tpu.memory_space<vmem_shared>>
      tpu.enqueue_indirect_dma source(%dma_start3A_81 : memref<10240xf32, #tpu.memory_space<vmem_shared>>) target(%dma_start3A_76 : memref<80xf32, #tpu.memory_space<vmem>>) offsets(%dma_start3A_79 : memref<80xi32, #tpu.memory_space<vmem>>) semaphore(%arg9 : memref<!tpu.dma_semaphore, #tpu.memory_space<semaphore_mem>>)
      %mul3A_82 = arith.constant 25 : i32
      %mul3A_83 = arith.muli %scan3A_26, %mul3A_82 : i32
      %add3A_84 = arith.constant 5 : i32
      %add3A_85 = arith.addi %mul3A_83, %add3A_84 : i32
      %dma_start3A_86 = arith.constant 400 : i32
      %dma_start3A_87 = tpu.memref_slice %arg8[%dma_start3A_86] : memref<2000xf32, #tpu.memory_space<vmem>> -> memref<80xf32, #tpu.memory_space<vmem>>
      %dma_start3A_88 = arith.constant 0 : i32
      %dma_start3A_89 = tpu.memref_slice %arg6[%add3A_85, %dma_start3A_88] : memref<125x80xi32, #tpu.memory_space<vmem>> -> memref<1x80xi32, #tpu.memory_space<vmem>>
      %dma_start3A_90 = tpu.memref_squeeze %dma_start3A_89 : memref<1x80xi32, #tpu.memory_space<vmem>> -> memref<80xi32, #tpu.memory_space<vmem>>
      %dma_start3A_91 = arith.constant 0 : i32
      %dma_start3A_92 = tpu.memref_slice %arg13[%dma_start3A_91] : memref<10240xf32, #tpu.memory_space<vmem_shared>> -> memref<10240xf32, #tpu.memory_space<vmem_shared>>
      tpu.enqueue_indirect_dma source(%dma_start3A_92 : memref<10240xf32, #tpu.memory_space<vmem_shared>>) target(%dma_start3A_87 : memref<80xf32, #tpu.memory_space<vmem>>) offsets(%dma_start3A_90 : memref<80xi32, #tpu.memory_space<vmem>>) semaphore(%arg9 : memref<!tpu.dma_semaphore, #tpu.memory_space<semaphore_mem>>)
      %mul3A_93 = arith.constant 25 : i32
      %mul3A_94 = arith.muli %scan3A_26, %mul3A_93 : i32
      %add3A_95 = arith.constant 6 : i32
      %add3A_96 = arith.addi %mul3A_94, %add3A_95 : i32
      %dma_start3A_97 = arith.constant 480 : i32
      %dma_start3A_98 = tpu.memref_slice %arg8[%dma_start3A_97] : memref<2000xf32, #tpu.memory_space<vmem>> -> memref<80xf32, #tpu.memory_space<vmem>>
      %dma_start3A_99 = arith.constant 0 : i32
      %dma_start3A_100 = tpu.memref_slice %arg6[%add3A_96, %dma_start3A_99] : memref<125x80xi32, #tpu.memory_space<vmem>> -> memref<1x80xi32, #tpu.memory_space<vmem>>
      %dma_start3A_101 = tpu.memref_squeeze %dma_start3A_100 : memref<1x80xi32, #tpu.memory_space<vmem>> -> memref<80xi32, #tpu.memory_space<vmem>>
      %dma_start3A_102 = arith.constant 0 : i32
      %dma_start3A_103 = tpu.memref_slice %arg13[%dma_start3A_102] : memref<10240xf32, #tpu.memory_space<vmem_shared>> -> memref<10240xf32, #tpu.memory_space<vmem_shared>>
      tpu.enqueue_indirect_dma source(%dma_start3A_103 : memref<10240xf32, #tpu.memory_space<vmem_shared>>) target(%dma_start3A_98 : memref<80xf32, #tpu.memory_space<vmem>>) offsets(%dma_start3A_101 : memref<80xi32, #tpu.memory_space<vmem>>) semaphore(%arg9 : memref<!tpu.dma_semaphore, #tpu.memory_space<semaphore_mem>>)
      %mul3A_104 = arith.constant 25 : i32
      %mul3A_105 = arith.muli %scan3A_26, %mul3A_104 : i32
      %add3A_106 = arith.constant 7 : i32
      %add3A_107 = arith.addi %mul3A_105, %add3A_106 : i32
      %dma_start3A_108 = arith.constant 560 : i32
      %dma_start3A_109 = tpu.memref_slice %arg8[%dma_start3A_108] : memref<2000xf32, #tpu.memory_space<vmem>> -> memref<80xf32, #tpu.memory_space<vmem>>
      %dma_start3A_110 = arith.constant 0 : i32
      %dma_start3A_111 = tpu.memref_slice %arg6[%add3A_107, %dma_start3A_110] : memref<125x80xi32, #tpu.memory_space<vmem>> -> memref<1x80xi32, #tpu.memory_space<vmem>>
      %dma_start3A_112 = tpu.memref_squeeze %dma_start3A_111 : memref<1x80xi32, #tpu.memory_space<vmem>> -> memref<80xi32, #tpu.memory_space<vmem>>
      %dma_start3A_113 = arith.constant 0 : i32
      %dma_start3A_114 = tpu.memref_slice %arg13[%dma_start3A_113] : memref<10240xf32, #tpu.memory_space<vmem_shared>> -> memref<10240xf32, #tpu.memory_space<vmem_shared>>
      tpu.enqueue_indirect_dma source(%dma_start3A_114 : memref<10240xf32, #tpu.memory_space<vmem_shared>>) target(%dma_start3A_109 : memref<80xf32, #tpu.memory_space<vmem>>) offsets(%dma_start3A_112 : memref<80xi32, #tpu.memory_space<vmem>>) semaphore(%arg9 : memref<!tpu.dma_semaphore, #tpu.memory_space<semaphore_mem>>)
      %mul3A_115 = arith.constant 25 : i32
      %mul3A_116 = arith.muli %scan3A_26, %mul3A_115 : i32
      %add3A_117 = arith.constant 8 : i32
      %add3A_118 = arith.addi %mul3A_116, %add3A_117 : i32
      %dma_start3A_119 = arith.constant 640 : i32
      %dma_start3A_120 = tpu.memref_slice %arg8[%dma_start3A_119] : memref<2000xf32, #tpu.memory_space<vmem>> -> memref<80xf32, #tpu.memory_space<vmem>>
      %dma_start3A_121 = arith.constant 0 : i32
      %dma_start3A_122 = tpu.memref_slice %arg6[%add3A_118, %dma_start3A_121] : memref<125x80xi32, #tpu.memory_space<vmem>> -> memref<1x80xi32, #tpu.memory_space<vmem>>
      %dma_start3A_123 = tpu.memref_squeeze %dma_start3A_122 : memref<1x80xi32, #tpu.memory_space<vmem>> -> memref<80xi32, #tpu.memory_space<vmem>>
      %dma_start3A_124 = arith.constant 0 : i32
      %dma_start3A_125 = tpu.memref_slice %arg13[%dma_start3A_124] : memref<10240xf32, #tpu.memory_space<vmem_shared>> -> memref<10240xf32, #tpu.memory_space<vmem_shared>>
      tpu.enqueue_indirect_dma source(%dma_start3A_125 : memref<10240xf32, #tpu.memory_space<vmem_shared>>) target(%dma_start3A_120 : memref<80xf32, #tpu.memory_space<vmem>>) offsets(%dma_start3A_123 : memref<80xi32, #tpu.memory_space<vmem>>) semaphore(%arg9 : memref<!tpu.dma_semaphore, #tpu.memory_space<semaphore_mem>>)
      %mul3A_126 = arith.constant 25 : i32
      %mul3A_127 = arith.muli %scan3A_26, %mul3A_126 : i32
      %add3A_128 = arith.constant 9 : i32
      %add3A_129 = arith.addi %mul3A_127, %add3A_128 : i32
      %dma_start3A_130 = arith.constant 720 : i32
      %dma_start3A_131 = tpu.memref_slice %arg8[%dma_start3A_130] : memref<2000xf32, #tpu.memory_space<vmem>> -> memref<80xf32, #tpu.memory_space<vmem>>
      %dma_start3A_132 = arith.constant 0 : i32
      %dma_start3A_133 = tpu.memref_slice %arg6[%add3A_129, %dma_start3A_132] : memref<125x80xi32, #tpu.memory_space<vmem>> -> memref<1x80xi32, #tpu.memory_space<vmem>>
      %dma_start3A_134 = tpu.memref_squeeze %dma_start3A_133 : memref<1x80xi32, #tpu.memory_space<vmem>> -> memref<80xi32, #tpu.memory_space<vmem>>
      %dma_start3A_135 = arith.constant 0 : i32
      %dma_start3A_136 = tpu.memref_slice %arg13[%dma_start3A_135] : memref<10240xf32, #tpu.memory_space<vmem_shared>> -> memref<10240xf32, #tpu.memory_space<vmem_shared>>
      tpu.enqueue_indirect_dma source(%dma_start3A_136 : memref<10240xf32, #tpu.memory_space<vmem_shared>>) target(%dma_start3A_131 : memref<80xf32, #tpu.memory_space<vmem>>) offsets(%dma_start3A_134 : memref<80xi32, #tpu.memory_space<vmem>>) semaphore(%arg9 : memref<!tpu.dma_semaphore, #tpu.memory_space<semaphore_mem>>)
      %mul3A_137 = arith.constant 25 : i32
      %mul3A_138 = arith.muli %scan3A_26, %mul3A_137 : i32
      %add3A_139 = arith.constant 10 : i32
      %add3A_140 = arith.addi %mul3A_138, %add3A_139 : i32
      %dma_start3A_141 = arith.constant 800 : i32
      %dma_start3A_142 = tpu.memref_slice %arg8[%dma_start3A_141] : memref<2000xf32, #tpu.memory_space<vmem>> -> memref<80xf32, #tpu.memory_space<vmem>>
      %dma_start3A_143 = arith.constant 0 : i32
      %dma_start3A_144 = tpu.memref_slice %arg6[%add3A_140, %dma_start3A_143] : memref<125x80xi32, #tpu.memory_space<vmem>> -> memref<1x80xi32, #tpu.memory_space<vmem>>
      %dma_start3A_145 = tpu.memref_squeeze %dma_start3A_144 : memref<1x80xi32, #tpu.memory_space<vmem>> -> memref<80xi32, #tpu.memory_space<vmem>>
      %dma_start3A_146 = arith.constant 0 : i32
      %dma_start3A_147 = tpu.memref_slice %arg13[%dma_start3A_146] : memref<10240xf32, #tpu.memory_space<vmem_shared>> -> memref<10240xf32, #tpu.memory_space<vmem_shared>>
      tpu.enqueue_indirect_dma source(%dma_start3A_147 : memref<10240xf32, #tpu.memory_space<vmem_shared>>) target(%dma_start3A_142 : memref<80xf32, #tpu.memory_space<vmem>>) offsets(%dma_start3A_145 : memref<80xi32, #tpu.memory_space<vmem>>) semaphore(%arg9 : memref<!tpu.dma_semaphore, #tpu.memory_space<semaphore_mem>>)
      %mul3A_148 = arith.constant 25 : i32
      %mul3A_149 = arith.muli %scan3A_26, %mul3A_148 : i32
      %add3A_150 = arith.constant 11 : i32
      %add3A_151 = arith.addi %mul3A_149, %add3A_150 : i32
      %dma_start3A_152 = arith.constant 880 : i32
      %dma_start3A_153 = tpu.memref_slice %arg8[%dma_start3A_152] : memref<2000xf32, #tpu.memory_space<vmem>> -> memref<80xf32, #tpu.memory_space<vmem>>
      %dma_start3A_154 = arith.constant 0 : i32
      %dma_start3A_155 = tpu.memref_slice %arg6[%add3A_151, %dma_start3A_154] : memref<125x80xi32, #tpu.memory_space<vmem>> -> memref<1x80xi32, #tpu.memory_space<vmem>>
      %dma_start3A_156 = tpu.memref_squeeze %dma_start3A_155 : memref<1x80xi32, #tpu.memory_space<vmem>> -> memref<80xi32, #tpu.memory_space<vmem>>
      %dma_start3A_157 = arith.constant 0 : i32
      %dma_start3A_158 = tpu.memref_slice %arg13[%dma_start3A_157] : memref<10240xf32, #tpu.memory_space<vmem_shared>> -> memref<10240xf32, #tpu.memory_space<vmem_shared>>
      tpu.enqueue_indirect_dma source(%dma_start3A_158 : memref<10240xf32, #tpu.memory_space<vmem_shared>>) target(%dma_start3A_153 : memref<80xf32, #tpu.memory_space<vmem>>) offsets(%dma_start3A_156 : memref<80xi32, #tpu.memory_space<vmem>>) semaphore(%arg9 : memref<!tpu.dma_semaphore, #tpu.memory_space<semaphore_mem>>)
      %mul3A_159 = arith.constant 25 : i32
      %mul3A_160 = arith.muli %scan3A_26, %mul3A_159 : i32
      %add3A_161 = arith.constant 12 : i32
      %add3A_162 = arith.addi %mul3A_160, %add3A_161 : i32
      %dma_start3A_163 = arith.constant 960 : i32
      %dma_start3A_164 = tpu.memref_slice %arg8[%dma_start3A_163] : memref<2000xf32, #tpu.memory_space<vmem>> -> memref<80xf32, #tpu.memory_space<vmem>>
      %dma_start3A_165 = arith.constant 0 : i32
      %dma_start3A_166 = tpu.memref_slice %arg6[%add3A_162, %dma_start3A_165] : memref<125x80xi32, #tpu.memory_space<vmem>> -> memref<1x80xi32, #tpu.memory_space<vmem>>
      %dma_start3A_167 = tpu.memref_squeeze %dma_start3A_166 : memref<1x80xi32, #tpu.memory_space<vmem>> -> memref<80xi32, #tpu.memory_space<vmem>>
      %dma_start3A_168 = arith.constant 0 : i32
      %dma_start3A_169 = tpu.memref_slice %arg13[%dma_start3A_168] : memref<10240xf32, #tpu.memory_space<vmem_shared>> -> memref<10240xf32, #tpu.memory_space<vmem_shared>>
      tpu.enqueue_indirect_dma source(%dma_start3A_169 : memref<10240xf32, #tpu.memory_space<vmem_shared>>) target(%dma_start3A_164 : memref<80xf32, #tpu.memory_space<vmem>>) offsets(%dma_start3A_167 : memref<80xi32, #tpu.memory_space<vmem>>) semaphore(%arg9 : memref<!tpu.dma_semaphore, #tpu.memory_space<semaphore_mem>>)
      %mul3A_170 = arith.constant 25 : i32
      %mul3A_171 = arith.muli %scan3A_26, %mul3A_170 : i32
      %add3A_172 = arith.constant 13 : i32
      %add3A_173 = arith.addi %mul3A_171, %add3A_172 : i32
      %dma_start3A_174 = arith.constant 1040 : i32
      %dma_start3A_175 = tpu.memref_slice %arg8[%dma_start3A_174] : memref<2000xf32, #tpu.memory_space<vmem>> -> memref<80xf32, #tpu.memory_space<vmem>>
      %dma_start3A_176 = arith.constant 0 : i32
      %dma_start3A_177 = tpu.memref_slice %arg6[%add3A_173, %dma_start3A_176] : memref<125x80xi32, #tpu.memory_space<vmem>> -> memref<1x80xi32, #tpu.memory_space<vmem>>
      %dma_start3A_178 = tpu.memref_squeeze %dma_start3A_177 : memref<1x80xi32, #tpu.memory_space<vmem>> -> memref<80xi32, #tpu.memory_space<vmem>>
      %dma_start3A_179 = arith.constant 0 : i32
      %dma_start3A_180 = tpu.memref_slice %arg13[%dma_start3A_179] : memref<10240xf32, #tpu.memory_space<vmem_shared>> -> memref<10240xf32, #tpu.memory_space<vmem_shared>>
      tpu.enqueue_indirect_dma source(%dma_start3A_180 : memref<10240xf32, #tpu.memory_space<vmem_shared>>) target(%dma_start3A_175 : memref<80xf32, #tpu.memory_space<vmem>>) offsets(%dma_start3A_178 : memref<80xi32, #tpu.memory_space<vmem>>) semaphore(%arg9 : memref<!tpu.dma_semaphore, #tpu.memory_space<semaphore_mem>>)
      %mul3A_181 = arith.constant 25 : i32
      %mul3A_182 = arith.muli %scan3A_26, %mul3A_181 : i32
      %add3A_183 = arith.constant 14 : i32
      %add3A_184 = arith.addi %mul3A_182, %add3A_183 : i32
      %dma_start3A_185 = arith.constant 1120 : i32
      %dma_start3A_186 = tpu.memref_slice %arg8[%dma_start3A_185] : memref<2000xf32, #tpu.memory_space<vmem>> -> memref<80xf32, #tpu.memory_space<vmem>>
      %dma_start3A_187 = arith.constant 0 : i32
      %dma_start3A_188 = tpu.memref_slice %arg6[%add3A_184, %dma_start3A_187] : memref<125x80xi32, #tpu.memory_space<vmem>> -> memref<1x80xi32, #tpu.memory_space<vmem>>
      %dma_start3A_189 = tpu.memref_squeeze %dma_start3A_188 : memref<1x80xi32, #tpu.memory_space<vmem>> -> memref<80xi32, #tpu.memory_space<vmem>>
      %dma_start3A_190 = arith.constant 0 : i32
      %dma_start3A_191 = tpu.memref_slice %arg13[%dma_start3A_190] : memref<10240xf32, #tpu.memory_space<vmem_shared>> -> memref<10240xf32, #tpu.memory_space<vmem_shared>>
      tpu.enqueue_indirect_dma source(%dma_start3A_191 : memref<10240xf32, #tpu.memory_space<vmem_shared>>) target(%dma_start3A_186 : memref<80xf32, #tpu.memory_space<vmem>>) offsets(%dma_start3A_189 : memref<80xi32, #tpu.memory_space<vmem>>) semaphore(%arg9 : memref<!tpu.dma_semaphore, #tpu.memory_space<semaphore_mem>>)
      %mul3A_192 = arith.constant 25 : i32
      %mul3A_193 = arith.muli %scan3A_26, %mul3A_192 : i32
      %add3A_194 = arith.constant 15 : i32
      %add3A_195 = arith.addi %mul3A_193, %add3A_194 : i32
      %dma_start3A_196 = arith.constant 1200 : i32
      %dma_start3A_197 = tpu.memref_slice %arg8[%dma_start3A_196] : memref<2000xf32, #tpu.memory_space<vmem>> -> memref<80xf32, #tpu.memory_space<vmem>>
      %dma_start3A_198 = arith.constant 0 : i32
      %dma_start3A_199 = tpu.memref_slice %arg6[%add3A_195, %dma_start3A_198] : memref<125x80xi32, #tpu.memory_space<vmem>> -> memref<1x80xi32, #tpu.memory_space<vmem>>
      %dma_start3A_200 = tpu.memref_squeeze %dma_start3A_199 : memref<1x80xi32, #tpu.memory_space<vmem>> -> memref<80xi32, #tpu.memory_space<vmem>>
      %dma_start3A_201 = arith.constant 0 : i32
      %dma_start3A_202 = tpu.memref_slice %arg13[%dma_start3A_201] : memref<10240xf32, #tpu.memory_space<vmem_shared>> -> memref<10240xf32, #tpu.memory_space<vmem_shared>>
      tpu.enqueue_indirect_dma source(%dma_start3A_202 : memref<10240xf32, #tpu.memory_space<vmem_shared>>) target(%dma_start3A_197 : memref<80xf32, #tpu.memory_space<vmem>>) offsets(%dma_start3A_200 : memref<80xi32, #tpu.memory_space<vmem>>) semaphore(%arg9 : memref<!tpu.dma_semaphore, #tpu.memory_space<semaphore_mem>>)
      %mul3A_203 = arith.constant 25 : i32
      %mul3A_204 = arith.muli %scan3A_26, %mul3A_203 : i32
      %add3A_205 = arith.constant 16 : i32
      %add3A_206 = arith.addi %mul3A_204, %add3A_205 : i32
      %dma_start3A_207 = arith.constant 1280 : i32
      %dma_start3A_208 = tpu.memref_slice %arg8[%dma_start3A_207] : memref<2000xf32, #tpu.memory_space<vmem>> -> memref<80xf32, #tpu.memory_space<vmem>>
      %dma_start3A_209 = arith.constant 0 : i32
      %dma_start3A_210 = tpu.memref_slice %arg6[%add3A_206, %dma_start3A_209] : memref<125x80xi32, #tpu.memory_space<vmem>> -> memref<1x80xi32, #tpu.memory_space<vmem>>
      %dma_start3A_211 = tpu.memref_squeeze %dma_start3A_210 : memref<1x80xi32, #tpu.memory_space<vmem>> -> memref<80xi32, #tpu.memory_space<vmem>>
      %dma_start3A_212 = arith.constant 0 : i32
      %dma_start3A_213 = tpu.memref_slice %arg13[%dma_start3A_212] : memref<10240xf32, #tpu.memory_space<vmem_shared>> -> memref<10240xf32, #tpu.memory_space<vmem_shared>>
      tpu.enqueue_indirect_dma source(%dma_start3A_213 : memref<10240xf32, #tpu.memory_space<vmem_shared>>) target(%dma_start3A_208 : memref<80xf32, #tpu.memory_space<vmem>>) offsets(%dma_start3A_211 : memref<80xi32, #tpu.memory_space<vmem>>) semaphore(%arg9 : memref<!tpu.dma_semaphore, #tpu.memory_space<semaphore_mem>>)
      %mul3A_214 = arith.constant 25 : i32
      %mul3A_215 = arith.muli %scan3A_26, %mul3A_214 : i32
      %add3A_216 = arith.constant 17 : i32
      %add3A_217 = arith.addi %mul3A_215, %add3A_216 : i32
      %dma_start3A_218 = arith.constant 1360 : i32
      %dma_start3A_219 = tpu.memref_slice %arg8[%dma_start3A_218] : memref<2000xf32, #tpu.memory_space<vmem>> -> memref<80xf32, #tpu.memory_space<vmem>>
      %dma_start3A_220 = arith.constant 0 : i32
      %dma_start3A_221 = tpu.memref_slice %arg6[%add3A_217, %dma_start3A_220] : memref<125x80xi32, #tpu.memory_space<vmem>> -> memref<1x80xi32, #tpu.memory_space<vmem>>
      %dma_start3A_222 = tpu.memref_squeeze %dma_start3A_221 : memref<1x80xi32, #tpu.memory_space<vmem>> -> memref<80xi32, #tpu.memory_space<vmem>>
      %dma_start3A_223 = arith.constant 0 : i32
      %dma_start3A_224 = tpu.memref_slice %arg13[%dma_start3A_223] : memref<10240xf32, #tpu.memory_space<vmem_shared>> -> memref<10240xf32, #tpu.memory_space<vmem_shared>>
      tpu.enqueue_indirect_dma source(%dma_start3A_224 : memref<10240xf32, #tpu.memory_space<vmem_shared>>) target(%dma_start3A_219 : memref<80xf32, #tpu.memory_space<vmem>>) offsets(%dma_start3A_222 : memref<80xi32, #tpu.memory_space<vmem>>) semaphore(%arg9 : memref<!tpu.dma_semaphore, #tpu.memory_space<semaphore_mem>>)
      %mul3A_225 = arith.constant 25 : i32
      %mul3A_226 = arith.muli %scan3A_26, %mul3A_225 : i32
      %add3A_227 = arith.constant 18 : i32
      %add3A_228 = arith.addi %mul3A_226, %add3A_227 : i32
      %dma_start3A_229 = arith.constant 1440 : i32
      %dma_start3A_230 = tpu.memref_slice %arg8[%dma_start3A_229] : memref<2000xf32, #tpu.memory_space<vmem>> -> memref<80xf32, #tpu.memory_space<vmem>>
      %dma_start3A_231 = arith.constant 0 : i32
      %dma_start3A_232 = tpu.memref_slice %arg6[%add3A_228, %dma_start3A_231] : memref<125x80xi32, #tpu.memory_space<vmem>> -> memref<1x80xi32, #tpu.memory_space<vmem>>
      %dma_start3A_233 = tpu.memref_squeeze %dma_start3A_232 : memref<1x80xi32, #tpu.memory_space<vmem>> -> memref<80xi32, #tpu.memory_space<vmem>>
      %dma_start3A_234 = arith.constant 0 : i32
      %dma_start3A_235 = tpu.memref_slice %arg13[%dma_start3A_234] : memref<10240xf32, #tpu.memory_space<vmem_shared>> -> memref<10240xf32, #tpu.memory_space<vmem_shared>>
      tpu.enqueue_indirect_dma source(%dma_start3A_235 : memref<10240xf32, #tpu.memory_space<vmem_shared>>) target(%dma_start3A_230 : memref<80xf32, #tpu.memory_space<vmem>>) offsets(%dma_start3A_233 : memref<80xi32, #tpu.memory_space<vmem>>) semaphore(%arg9 : memref<!tpu.dma_semaphore, #tpu.memory_space<semaphore_mem>>)
      %mul3A_236 = arith.constant 25 : i32
      %mul3A_237 = arith.muli %scan3A_26, %mul3A_236 : i32
      %add3A_238 = arith.constant 19 : i32
      %add3A_239 = arith.addi %mul3A_237, %add3A_238 : i32
      %dma_start3A_240 = arith.constant 1520 : i32
      %dma_start3A_241 = tpu.memref_slice %arg8[%dma_start3A_240] : memref<2000xf32, #tpu.memory_space<vmem>> -> memref<80xf32, #tpu.memory_space<vmem>>
      %dma_start3A_242 = arith.constant 0 : i32
      %dma_start3A_243 = tpu.memref_slice %arg6[%add3A_239, %dma_start3A_242] : memref<125x80xi32, #tpu.memory_space<vmem>> -> memref<1x80xi32, #tpu.memory_space<vmem>>
      %dma_start3A_244 = tpu.memref_squeeze %dma_start3A_243 : memref<1x80xi32, #tpu.memory_space<vmem>> -> memref<80xi32, #tpu.memory_space<vmem>>
      %dma_start3A_245 = arith.constant 0 : i32
      %dma_start3A_246 = tpu.memref_slice %arg13[%dma_start3A_245] : memref<10240xf32, #tpu.memory_space<vmem_shared>> -> memref<10240xf32, #tpu.memory_space<vmem_shared>>
      tpu.enqueue_indirect_dma source(%dma_start3A_246 : memref<10240xf32, #tpu.memory_space<vmem_shared>>) target(%dma_start3A_241 : memref<80xf32, #tpu.memory_space<vmem>>) offsets(%dma_start3A_244 : memref<80xi32, #tpu.memory_space<vmem>>) semaphore(%arg9 : memref<!tpu.dma_semaphore, #tpu.memory_space<semaphore_mem>>)
      %mul3A_247 = arith.constant 25 : i32
      %mul3A_248 = arith.muli %scan3A_26, %mul3A_247 : i32
      %add3A_249 = arith.constant 20 : i32
      %add3A_250 = arith.addi %mul3A_248, %add3A_249 : i32
      %dma_start3A_251 = arith.constant 1600 : i32
      %dma_start3A_252 = tpu.memref_slice %arg8[%dma_start3A_251] : memref<2000xf32, #tpu.memory_space<vmem>> -> memref<80xf32, #tpu.memory_space<vmem>>
      %dma_start3A_253 = arith.constant 0 : i32
      %dma_start3A_254 = tpu.memref_slice %arg6[%add3A_250, %dma_start3A_253] : memref<125x80xi32, #tpu.memory_space<vmem>> -> memref<1x80xi32, #tpu.memory_space<vmem>>
      %dma_start3A_255 = tpu.memref_squeeze %dma_start3A_254 : memref<1x80xi32, #tpu.memory_space<vmem>> -> memref<80xi32, #tpu.memory_space<vmem>>
      %dma_start3A_256 = arith.constant 0 : i32
      %dma_start3A_257 = tpu.memref_slice %arg13[%dma_start3A_256] : memref<10240xf32, #tpu.memory_space<vmem_shared>> -> memref<10240xf32, #tpu.memory_space<vmem_shared>>
      tpu.enqueue_indirect_dma source(%dma_start3A_257 : memref<10240xf32, #tpu.memory_space<vmem_shared>>) target(%dma_start3A_252 : memref<80xf32, #tpu.memory_space<vmem>>) offsets(%dma_start3A_255 : memref<80xi32, #tpu.memory_space<vmem>>) semaphore(%arg9 : memref<!tpu.dma_semaphore, #tpu.memory_space<semaphore_mem>>)
      %mul3A_258 = arith.constant 25 : i32
      %mul3A_259 = arith.muli %scan3A_26, %mul3A_258 : i32
      %add3A_260 = arith.constant 21 : i32
      %add3A_261 = arith.addi %mul3A_259, %add3A_260 : i32
      %dma_start3A_262 = arith.constant 1680 : i32
      %dma_start3A_263 = tpu.memref_slice %arg8[%dma_start3A_262] : memref<2000xf32, #tpu.memory_space<vmem>> -> memref<80xf32, #tpu.memory_space<vmem>>
      %dma_start3A_264 = arith.constant 0 : i32
      %dma_start3A_265 = tpu.memref_slice %arg6[%add3A_261, %dma_start3A_264] : memref<125x80xi32, #tpu.memory_space<vmem>> -> memref<1x80xi32, #tpu.memory_space<vmem>>
      %dma_start3A_266 = tpu.memref_squeeze %dma_start3A_265 : memref<1x80xi32, #tpu.memory_space<vmem>> -> memref<80xi32, #tpu.memory_space<vmem>>
      %dma_start3A_267 = arith.constant 0 : i32
      %dma_start3A_268 = tpu.memref_slice %arg13[%dma_start3A_267] : memref<10240xf32, #tpu.memory_space<vmem_shared>> -> memref<10240xf32, #tpu.memory_space<vmem_shared>>
      tpu.enqueue_indirect_dma source(%dma_start3A_268 : memref<10240xf32, #tpu.memory_space<vmem_shared>>) target(%dma_start3A_263 : memref<80xf32, #tpu.memory_space<vmem>>) offsets(%dma_start3A_266 : memref<80xi32, #tpu.memory_space<vmem>>) semaphore(%arg9 : memref<!tpu.dma_semaphore, #tpu.memory_space<semaphore_mem>>)
      %mul3A_269 = arith.constant 25 : i32
      %mul3A_270 = arith.muli %scan3A_26, %mul3A_269 : i32
      %add3A_271 = arith.constant 22 : i32
      %add3A_272 = arith.addi %mul3A_270, %add3A_271 : i32
      %dma_start3A_273 = arith.constant 1760 : i32
      %dma_start3A_274 = tpu.memref_slice %arg8[%dma_start3A_273] : memref<2000xf32, #tpu.memory_space<vmem>> -> memref<80xf32, #tpu.memory_space<vmem>>
      %dma_start3A_275 = arith.constant 0 : i32
      %dma_start3A_276 = tpu.memref_slice %arg6[%add3A_272, %dma_start3A_275] : memref<125x80xi32, #tpu.memory_space<vmem>> -> memref<1x80xi32, #tpu.memory_space<vmem>>
      %dma_start3A_277 = tpu.memref_squeeze %dma_start3A_276 : memref<1x80xi32, #tpu.memory_space<vmem>> -> memref<80xi32, #tpu.memory_space<vmem>>
      %dma_start3A_278 = arith.constant 0 : i32
      %dma_start3A_279 = tpu.memref_slice %arg13[%dma_start3A_278] : memref<10240xf32, #tpu.memory_space<vmem_shared>> -> memref<10240xf32, #tpu.memory_space<vmem_shared>>
      tpu.enqueue_indirect_dma source(%dma_start3A_279 : memref<10240xf32, #tpu.memory_space<vmem_shared>>) target(%dma_start3A_274 : memref<80xf32, #tpu.memory_space<vmem>>) offsets(%dma_start3A_277 : memref<80xi32, #tpu.memory_space<vmem>>) semaphore(%arg9 : memref<!tpu.dma_semaphore, #tpu.memory_space<semaphore_mem>>)
      %mul3A_280 = arith.constant 25 : i32
      %mul3A_281 = arith.muli %scan3A_26, %mul3A_280 : i32
      %add3A_282 = arith.constant 23 : i32
      %add3A_283 = arith.addi %mul3A_281, %add3A_282 : i32
      %dma_start3A_284 = arith.constant 1840 : i32
      %dma_start3A_285 = tpu.memref_slice %arg8[%dma_start3A_284] : memref<2000xf32, #tpu.memory_space<vmem>> -> memref<80xf32, #tpu.memory_space<vmem>>
      %dma_start3A_286 = arith.constant 0 : i32
      %dma_start3A_287 = tpu.memref_slice %arg6[%add3A_283, %dma_start3A_286] : memref<125x80xi32, #tpu.memory_space<vmem>> -> memref<1x80xi32, #tpu.memory_space<vmem>>
      %dma_start3A_288 = tpu.memref_squeeze %dma_start3A_287 : memref<1x80xi32, #tpu.memory_space<vmem>> -> memref<80xi32, #tpu.memory_space<vmem>>
      %dma_start3A_289 = arith.constant 0 : i32
      %dma_start3A_290 = tpu.memref_slice %arg13[%dma_start3A_289] : memref<10240xf32, #tpu.memory_space<vmem_shared>> -> memref<10240xf32, #tpu.memory_space<vmem_shared>>
      tpu.enqueue_indirect_dma source(%dma_start3A_290 : memref<10240xf32, #tpu.memory_space<vmem_shared>>) target(%dma_start3A_285 : memref<80xf32, #tpu.memory_space<vmem>>) offsets(%dma_start3A_288 : memref<80xi32, #tpu.memory_space<vmem>>) semaphore(%arg9 : memref<!tpu.dma_semaphore, #tpu.memory_space<semaphore_mem>>)
      %mul3A_291 = arith.constant 25 : i32
      %mul3A_292 = arith.muli %scan3A_26, %mul3A_291 : i32
      %add3A_293 = arith.constant 24 : i32
      %add3A_294 = arith.addi %mul3A_292, %add3A_293 : i32
      %dma_start3A_295 = arith.constant 1920 : i32
      %dma_start3A_296 = tpu.memref_slice %arg8[%dma_start3A_295] : memref<2000xf32, #tpu.memory_space<vmem>> -> memref<80xf32, #tpu.memory_space<vmem>>
      %dma_start3A_297 = arith.constant 0 : i32
      %dma_start3A_298 = tpu.memref_slice %arg6[%add3A_294, %dma_start3A_297] : memref<125x80xi32, #tpu.memory_space<vmem>> -> memref<1x80xi32, #tpu.memory_space<vmem>>
      %dma_start3A_299 = tpu.memref_squeeze %dma_start3A_298 : memref<1x80xi32, #tpu.memory_space<vmem>> -> memref<80xi32, #tpu.memory_space<vmem>>
      %dma_start3A_300 = arith.constant 0 : i32
      %dma_start3A_301 = tpu.memref_slice %arg13[%dma_start3A_300] : memref<10240xf32, #tpu.memory_space<vmem_shared>> -> memref<10240xf32, #tpu.memory_space<vmem_shared>>
      tpu.enqueue_indirect_dma source(%dma_start3A_301 : memref<10240xf32, #tpu.memory_space<vmem_shared>>) target(%dma_start3A_296 : memref<80xf32, #tpu.memory_space<vmem>>) offsets(%dma_start3A_299 : memref<80xi32, #tpu.memory_space<vmem>>) semaphore(%arg9 : memref<!tpu.dma_semaphore, #tpu.memory_space<semaphore_mem>>)
      %dma_wait3A = arith.constant 0 : i32
      %dma_wait3A_302 = tpu.memref_slice %arg8[%dma_wait3A] : memref<2000xf32, #tpu.memory_space<vmem>> -> memref<80xf32, #tpu.memory_space<vmem>>
      %dma_wait3A_303 = arith.constant 0 : i32
      %dma_wait3A_304 = tpu.memref_slice %arg6[%add3A_31, %dma_wait3A_303] : memref<125x80xi32, #tpu.memory_space<vmem>> -> memref<1x80xi32, #tpu.memory_space<vmem>>
      %dma_wait3A_305 = tpu.memref_squeeze %dma_wait3A_304 : memref<1x80xi32, #tpu.memory_space<vmem>> -> memref<80xi32, #tpu.memory_space<vmem>>
      %dma_wait3A_306 = arith.constant 0 : i32
      %dma_wait3A_307 = tpu.memref_slice %arg13[%dma_wait3A_306] : memref<10240xf32, #tpu.memory_space<vmem_shared>> -> memref<10240xf32, #tpu.memory_space<vmem_shared>>
      tpu.wait_indirect_dma semaphore(%arg9 : memref<!tpu.dma_semaphore, #tpu.memory_space<semaphore_mem>>) src(%dma_wait3A_307 : memref<10240xf32, #tpu.memory_space<vmem_shared>>) dst(%dma_wait3A_302 : memref<80xf32, #tpu.memory_space<vmem>>)
      %dma_wait3A_308 = arith.constant 80 : i32
      %dma_wait3A_309 = tpu.memref_slice %arg8[%dma_wait3A_308] : memref<2000xf32, #tpu.memory_space<vmem>> -> memref<80xf32, #tpu.memory_space<vmem>>
      %dma_wait3A_310 = arith.constant 0 : i32
      %dma_wait3A_311 = tpu.memref_slice %arg6[%add3A_41, %dma_wait3A_310] : memref<125x80xi32, #tpu.memory_space<vmem>> -> memref<1x80xi32, #tpu.memory_space<vmem>>
      %dma_wait3A_312 = tpu.memref_squeeze %dma_wait3A_311 : memref<1x80xi32, #tpu.memory_space<vmem>> -> memref<80xi32, #tpu.memory_space<vmem>>
      %dma_wait3A_313 = arith.constant 0 : i32
      %dma_wait3A_314 = tpu.memref_slice %arg13[%dma_wait3A_313] : memref<10240xf32, #tpu.memory_space<vmem_shared>> -> memref<10240xf32, #tpu.memory_space<vmem_shared>>
      tpu.wait_indirect_dma semaphore(%arg9 : memref<!tpu.dma_semaphore, #tpu.memory_space<semaphore_mem>>) src(%dma_wait3A_314 : memref<10240xf32, #tpu.memory_space<vmem_shared>>) dst(%dma_wait3A_309 : memref<80xf32, #tpu.memory_space<vmem>>)
      %dma_wait3A_315 = arith.constant 160 : i32
      %dma_wait3A_316 = tpu.memref_slice %arg8[%dma_wait3A_315] : memref<2000xf32, #tpu.memory_space<vmem>> -> memref<80xf32, #tpu.memory_space<vmem>>
      %dma_wait3A_317 = arith.constant 0 : i32
      %dma_wait3A_318 = tpu.memref_slice %arg6[%add3A_52, %dma_wait3A_317] : memref<125x80xi32, #tpu.memory_space<vmem>> -> memref<1x80xi32, #tpu.memory_space<vmem>>
      %dma_wait3A_319 = tpu.memref_squeeze %dma_wait3A_318 : memref<1x80xi32, #tpu.memory_space<vmem>> -> memref<80xi32, #tpu.memory_space<vmem>>
      %dma_wait3A_320 = arith.constant 0 : i32
      %dma_wait3A_321 = tpu.memref_slice %arg13[%dma_wait3A_320] : memref<10240xf32, #tpu.memory_space<vmem_shared>> -> memref<10240xf32, #tpu.memory_space<vmem_shared>>
      tpu.wait_indirect_dma semaphore(%arg9 : memref<!tpu.dma_semaphore, #tpu.memory_space<semaphore_mem>>) src(%dma_wait3A_321 : memref<10240xf32, #tpu.memory_space<vmem_shared>>) dst(%dma_wait3A_316 : memref<80xf32, #tpu.memory_space<vmem>>)
      %dma_wait3A_322 = arith.constant 240 : i32
      %dma_wait3A_323 = tpu.memref_slice %arg8[%dma_wait3A_322] : memref<2000xf32, #tpu.memory_space<vmem>> -> memref<80xf32, #tpu.memory_space<vmem>>
      %dma_wait3A_324 = arith.constant 0 : i32
      %dma_wait3A_325 = tpu.memref_slice %arg6[%add3A_63, %dma_wait3A_324] : memref<125x80xi32, #tpu.memory_space<vmem>> -> memref<1x80xi32, #tpu.memory_space<vmem>>
      %dma_wait3A_326 = tpu.memref_squeeze %dma_wait3A_325 : memref<1x80xi32, #tpu.memory_space<vmem>> -> memref<80xi32, #tpu.memory_space<vmem>>
      %dma_wait3A_327 = arith.constant 0 : i32
      %dma_wait3A_328 = tpu.memref_slice %arg13[%dma_wait3A_327] : memref<10240xf32, #tpu.memory_space<vmem_shared>> -> memref<10240xf32, #tpu.memory_space<vmem_shared>>
      tpu.wait_indirect_dma semaphore(%arg9 : memref<!tpu.dma_semaphore, #tpu.memory_space<semaphore_mem>>) src(%dma_wait3A_328 : memref<10240xf32, #tpu.memory_space<vmem_shared>>) dst(%dma_wait3A_323 : memref<80xf32, #tpu.memory_space<vmem>>)
      %dma_wait3A_329 = arith.constant 320 : i32
      %dma_wait3A_330 = tpu.memref_slice %arg8[%dma_wait3A_329] : memref<2000xf32, #tpu.memory_space<vmem>> -> memref<80xf32, #tpu.memory_space<vmem>>
      %dma_wait3A_331 = arith.constant 0 : i32
      %dma_wait3A_332 = tpu.memref_slice %arg6[%add3A_74, %dma_wait3A_331] : memref<125x80xi32, #tpu.memory_space<vmem>> -> memref<1x80xi32, #tpu.memory_space<vmem>>
      %dma_wait3A_333 = tpu.memref_squeeze %dma_wait3A_332 : memref<1x80xi32, #tpu.memory_space<vmem>> -> memref<80xi32, #tpu.memory_space<vmem>>
      %dma_wait3A_334 = arith.constant 0 : i32
      %dma_wait3A_335 = tpu.memref_slice %arg13[%dma_wait3A_334] : memref<10240xf32, #tpu.memory_space<vmem_shared>> -> memref<10240xf32, #tpu.memory_space<vmem_shared>>
      tpu.wait_indirect_dma semaphore(%arg9 : memref<!tpu.dma_semaphore, #tpu.memory_space<semaphore_mem>>) src(%dma_wait3A_335 : memref<10240xf32, #tpu.memory_space<vmem_shared>>) dst(%dma_wait3A_330 : memref<80xf32, #tpu.memory_space<vmem>>)
      %dma_wait3A_336 = arith.constant 400 : i32
      %dma_wait3A_337 = tpu.memref_slice %arg8[%dma_wait3A_336] : memref<2000xf32, #tpu.memory_space<vmem>> -> memref<80xf32, #tpu.memory_space<vmem>>
      %dma_wait3A_338 = arith.constant 0 : i32
      %dma_wait3A_339 = tpu.memref_slice %arg6[%add3A_85, %dma_wait3A_338] : memref<125x80xi32, #tpu.memory_space<vmem>> -> memref<1x80xi32, #tpu.memory_space<vmem>>
      %dma_wait3A_340 = tpu.memref_squeeze %dma_wait3A_339 : memref<1x80xi32, #tpu.memory_space<vmem>> -> memref<80xi32, #tpu.memory_space<vmem>>
      %dma_wait3A_341 = arith.constant 0 : i32
      %dma_wait3A_342 = tpu.memref_slice %arg13[%dma_wait3A_341] : memref<10240xf32, #tpu.memory_space<vmem_shared>> -> memref<10240xf32, #tpu.memory_space<vmem_shared>>
      tpu.wait_indirect_dma semaphore(%arg9 : memref<!tpu.dma_semaphore, #tpu.memory_space<semaphore_mem>>) src(%dma_wait3A_342 : memref<10240xf32, #tpu.memory_space<vmem_shared>>) dst(%dma_wait3A_337 : memref<80xf32, #tpu.memory_space<vmem>>)
      %dma_wait3A_343 = arith.constant 480 : i32
      %dma_wait3A_344 = tpu.memref_slice %arg8[%dma_wait3A_343] : memref<2000xf32, #tpu.memory_space<vmem>> -> memref<80xf32, #tpu.memory_space<vmem>>
      %dma_wait3A_345 = arith.constant 0 : i32
      %dma_wait3A_346 = tpu.memref_slice %arg6[%add3A_96, %dma_wait3A_345] : memref<125x80xi32, #tpu.memory_space<vmem>> -> memref<1x80xi32, #tpu.memory_space<vmem>>
      %dma_wait3A_347 = tpu.memref_squeeze %dma_wait3A_346 : memref<1x80xi32, #tpu.memory_space<vmem>> -> memref<80xi32, #tpu.memory_space<vmem>>
      %dma_wait3A_348 = arith.constant 0 : i32
      %dma_wait3A_349 = tpu.memref_slice %arg13[%dma_wait3A_348] : memref<10240xf32, #tpu.memory_space<vmem_shared>> -> memref<10240xf32, #tpu.memory_space<vmem_shared>>
      tpu.wait_indirect_dma semaphore(%arg9 : memref<!tpu.dma_semaphore, #tpu.memory_space<semaphore_mem>>) src(%dma_wait3A_349 : memref<10240xf32, #tpu.memory_space<vmem_shared>>) dst(%dma_wait3A_344 : memref<80xf32, #tpu.memory_space<vmem>>)
      %dma_wait3A_350 = arith.constant 560 : i32
      %dma_wait3A_351 = tpu.memref_slice %arg8[%dma_wait3A_350] : memref<2000xf32, #tpu.memory_space<vmem>> -> memref<80xf32, #tpu.memory_space<vmem>>
      %dma_wait3A_352 = arith.constant 0 : i32
      %dma_wait3A_353 = tpu.memref_slice %arg6[%add3A_107, %dma_wait3A_352] : memref<125x80xi32, #tpu.memory_space<vmem>> -> memref<1x80xi32, #tpu.memory_space<vmem>>
      %dma_wait3A_354 = tpu.memref_squeeze %dma_wait3A_353 : memref<1x80xi32, #tpu.memory_space<vmem>> -> memref<80xi32, #tpu.memory_space<vmem>>
      %dma_wait3A_355 = arith.constant 0 : i32
      %dma_wait3A_356 = tpu.memref_slice %arg13[%dma_wait3A_355] : memref<10240xf32, #tpu.memory_space<vmem_shared>> -> memref<10240xf32, #tpu.memory_space<vmem_shared>>
      tpu.wait_indirect_dma semaphore(%arg9 : memref<!tpu.dma_semaphore, #tpu.memory_space<semaphore_mem>>) src(%dma_wait3A_356 : memref<10240xf32, #tpu.memory_space<vmem_shared>>) dst(%dma_wait3A_351 : memref<80xf32, #tpu.memory_space<vmem>>)
      %dma_wait3A_357 = arith.constant 640 : i32
      %dma_wait3A_358 = tpu.memref_slice %arg8[%dma_wait3A_357] : memref<2000xf32, #tpu.memory_space<vmem>> -> memref<80xf32, #tpu.memory_space<vmem>>
      %dma_wait3A_359 = arith.constant 0 : i32
      %dma_wait3A_360 = tpu.memref_slice %arg6[%add3A_118, %dma_wait3A_359] : memref<125x80xi32, #tpu.memory_space<vmem>> -> memref<1x80xi32, #tpu.memory_space<vmem>>
      %dma_wait3A_361 = tpu.memref_squeeze %dma_wait3A_360 : memref<1x80xi32, #tpu.memory_space<vmem>> -> memref<80xi32, #tpu.memory_space<vmem>>
      %dma_wait3A_362 = arith.constant 0 : i32
      %dma_wait3A_363 = tpu.memref_slice %arg13[%dma_wait3A_362] : memref<10240xf32, #tpu.memory_space<vmem_shared>> -> memref<10240xf32, #tpu.memory_space<vmem_shared>>
      tpu.wait_indirect_dma semaphore(%arg9 : memref<!tpu.dma_semaphore, #tpu.memory_space<semaphore_mem>>) src(%dma_wait3A_363 : memref<10240xf32, #tpu.memory_space<vmem_shared>>) dst(%dma_wait3A_358 : memref<80xf32, #tpu.memory_space<vmem>>)
      %dma_wait3A_364 = arith.constant 720 : i32
      %dma_wait3A_365 = tpu.memref_slice %arg8[%dma_wait3A_364] : memref<2000xf32, #tpu.memory_space<vmem>> -> memref<80xf32, #tpu.memory_space<vmem>>
      %dma_wait3A_366 = arith.constant 0 : i32
      %dma_wait3A_367 = tpu.memref_slice %arg6[%add3A_129, %dma_wait3A_366] : memref<125x80xi32, #tpu.memory_space<vmem>> -> memref<1x80xi32, #tpu.memory_space<vmem>>
      %dma_wait3A_368 = tpu.memref_squeeze %dma_wait3A_367 : memref<1x80xi32, #tpu.memory_space<vmem>> -> memref<80xi32, #tpu.memory_space<vmem>>
      %dma_wait3A_369 = arith.constant 0 : i32
      %dma_wait3A_370 = tpu.memref_slice %arg13[%dma_wait3A_369] : memref<10240xf32, #tpu.memory_space<vmem_shared>> -> memref<10240xf32, #tpu.memory_space<vmem_shared>>
      tpu.wait_indirect_dma semaphore(%arg9 : memref<!tpu.dma_semaphore, #tpu.memory_space<semaphore_mem>>) src(%dma_wait3A_370 : memref<10240xf32, #tpu.memory_space<vmem_shared>>) dst(%dma_wait3A_365 : memref<80xf32, #tpu.memory_space<vmem>>)
      %dma_wait3A_371 = arith.constant 800 : i32
      %dma_wait3A_372 = tpu.memref_slice %arg8[%dma_wait3A_371] : memref<2000xf32, #tpu.memory_space<vmem>> -> memref<80xf32, #tpu.memory_space<vmem>>
      %dma_wait3A_373 = arith.constant 0 : i32
      %dma_wait3A_374 = tpu.memref_slice %arg6[%add3A_140, %dma_wait3A_373] : memref<125x80xi32, #tpu.memory_space<vmem>> -> memref<1x80xi32, #tpu.memory_space<vmem>>
      %dma_wait3A_375 = tpu.memref_squeeze %dma_wait3A_374 : memref<1x80xi32, #tpu.memory_space<vmem>> -> memref<80xi32, #tpu.memory_space<vmem>>
      %dma_wait3A_376 = arith.constant 0 : i32
      %dma_wait3A_377 = tpu.memref_slice %arg13[%dma_wait3A_376] : memref<10240xf32, #tpu.memory_space<vmem_shared>> -> memref<10240xf32, #tpu.memory_space<vmem_shared>>
      tpu.wait_indirect_dma semaphore(%arg9 : memref<!tpu.dma_semaphore, #tpu.memory_space<semaphore_mem>>) src(%dma_wait3A_377 : memref<10240xf32, #tpu.memory_space<vmem_shared>>) dst(%dma_wait3A_372 : memref<80xf32, #tpu.memory_space<vmem>>)
      %dma_wait3A_378 = arith.constant 880 : i32
      %dma_wait3A_379 = tpu.memref_slice %arg8[%dma_wait3A_378] : memref<2000xf32, #tpu.memory_space<vmem>> -> memref<80xf32, #tpu.memory_space<vmem>>
      %dma_wait3A_380 = arith.constant 0 : i32
      %dma_wait3A_381 = tpu.memref_slice %arg6[%add3A_151, %dma_wait3A_380] : memref<125x80xi32, #tpu.memory_space<vmem>> -> memref<1x80xi32, #tpu.memory_space<vmem>>
      %dma_wait3A_382 = tpu.memref_squeeze %dma_wait3A_381 : memref<1x80xi32, #tpu.memory_space<vmem>> -> memref<80xi32, #tpu.memory_space<vmem>>
      %dma_wait3A_383 = arith.constant 0 : i32
      %dma_wait3A_384 = tpu.memref_slice %arg13[%dma_wait3A_383] : memref<10240xf32, #tpu.memory_space<vmem_shared>> -> memref<10240xf32, #tpu.memory_space<vmem_shared>>
      tpu.wait_indirect_dma semaphore(%arg9 : memref<!tpu.dma_semaphore, #tpu.memory_space<semaphore_mem>>) src(%dma_wait3A_384 : memref<10240xf32, #tpu.memory_space<vmem_shared>>) dst(%dma_wait3A_379 : memref<80xf32, #tpu.memory_space<vmem>>)
      %dma_wait3A_385 = arith.constant 960 : i32
      %dma_wait3A_386 = tpu.memref_slice %arg8[%dma_wait3A_385] : memref<2000xf32, #tpu.memory_space<vmem>> -> memref<80xf32, #tpu.memory_space<vmem>>
      %dma_wait3A_387 = arith.constant 0 : i32
      %dma_wait3A_388 = tpu.memref_slice %arg6[%add3A_162, %dma_wait3A_387] : memref<125x80xi32, #tpu.memory_space<vmem>> -> memref<1x80xi32, #tpu.memory_space<vmem>>
      %dma_wait3A_389 = tpu.memref_squeeze %dma_wait3A_388 : memref<1x80xi32, #tpu.memory_space<vmem>> -> memref<80xi32, #tpu.memory_space<vmem>>
      %dma_wait3A_390 = arith.constant 0 : i32
      %dma_wait3A_391 = tpu.memref_slice %arg13[%dma_wait3A_390] : memref<10240xf32, #tpu.memory_space<vmem_shared>> -> memref<10240xf32, #tpu.memory_space<vmem_shared>>
      tpu.wait_indirect_dma semaphore(%arg9 : memref<!tpu.dma_semaphore, #tpu.memory_space<semaphore_mem>>) src(%dma_wait3A_391 : memref<10240xf32, #tpu.memory_space<vmem_shared>>) dst(%dma_wait3A_386 : memref<80xf32, #tpu.memory_space<vmem>>)
      %dma_wait3A_392 = arith.constant 1040 : i32
      %dma_wait3A_393 = tpu.memref_slice %arg8[%dma_wait3A_392] : memref<2000xf32, #tpu.memory_space<vmem>> -> memref<80xf32, #tpu.memory_space<vmem>>
      %dma_wait3A_394 = arith.constant 0 : i32
      %dma_wait3A_395 = tpu.memref_slice %arg6[%add3A_173, %dma_wait3A_394] : memref<125x80xi32, #tpu.memory_space<vmem>> -> memref<1x80xi32, #tpu.memory_space<vmem>>
      %dma_wait3A_396 = tpu.memref_squeeze %dma_wait3A_395 : memref<1x80xi32, #tpu.memory_space<vmem>> -> memref<80xi32, #tpu.memory_space<vmem>>
      %dma_wait3A_397 = arith.constant 0 : i32
      %dma_wait3A_398 = tpu.memref_slice %arg13[%dma_wait3A_397] : memref<10240xf32, #tpu.memory_space<vmem_shared>> -> memref<10240xf32, #tpu.memory_space<vmem_shared>>
      tpu.wait_indirect_dma semaphore(%arg9 : memref<!tpu.dma_semaphore, #tpu.memory_space<semaphore_mem>>) src(%dma_wait3A_398 : memref<10240xf32, #tpu.memory_space<vmem_shared>>) dst(%dma_wait3A_393 : memref<80xf32, #tpu.memory_space<vmem>>)
      %dma_wait3A_399 = arith.constant 1120 : i32
      %dma_wait3A_400 = tpu.memref_slice %arg8[%dma_wait3A_399] : memref<2000xf32, #tpu.memory_space<vmem>> -> memref<80xf32, #tpu.memory_space<vmem>>
      %dma_wait3A_401 = arith.constant 0 : i32
      %dma_wait3A_402 = tpu.memref_slice %arg6[%add3A_184, %dma_wait3A_401] : memref<125x80xi32, #tpu.memory_space<vmem>> -> memref<1x80xi32, #tpu.memory_space<vmem>>
      %dma_wait3A_403 = tpu.memref_squeeze %dma_wait3A_402 : memref<1x80xi32, #tpu.memory_space<vmem>> -> memref<80xi32, #tpu.memory_space<vmem>>
      %dma_wait3A_404 = arith.constant 0 : i32
      %dma_wait3A_405 = tpu.memref_slice %arg13[%dma_wait3A_404] : memref<10240xf32, #tpu.memory_space<vmem_shared>> -> memref<10240xf32, #tpu.memory_space<vmem_shared>>
      tpu.wait_indirect_dma semaphore(%arg9 : memref<!tpu.dma_semaphore, #tpu.memory_space<semaphore_mem>>) src(%dma_wait3A_405 : memref<10240xf32, #tpu.memory_space<vmem_shared>>) dst(%dma_wait3A_400 : memref<80xf32, #tpu.memory_space<vmem>>)
      %dma_wait3A_406 = arith.constant 1200 : i32
      %dma_wait3A_407 = tpu.memref_slice %arg8[%dma_wait3A_406] : memref<2000xf32, #tpu.memory_space<vmem>> -> memref<80xf32, #tpu.memory_space<vmem>>
      %dma_wait3A_408 = arith.constant 0 : i32
      %dma_wait3A_409 = tpu.memref_slice %arg6[%add3A_195, %dma_wait3A_408] : memref<125x80xi32, #tpu.memory_space<vmem>> -> memref<1x80xi32, #tpu.memory_space<vmem>>
      %dma_wait3A_410 = tpu.memref_squeeze %dma_wait3A_409 : memref<1x80xi32, #tpu.memory_space<vmem>> -> memref<80xi32, #tpu.memory_space<vmem>>
      %dma_wait3A_411 = arith.constant 0 : i32
      %dma_wait3A_412 = tpu.memref_slice %arg13[%dma_wait3A_411] : memref<10240xf32, #tpu.memory_space<vmem_shared>> -> memref<10240xf32, #tpu.memory_space<vmem_shared>>
      tpu.wait_indirect_dma semaphore(%arg9 : memref<!tpu.dma_semaphore, #tpu.memory_space<semaphore_mem>>) src(%dma_wait3A_412 : memref<10240xf32, #tpu.memory_space<vmem_shared>>) dst(%dma_wait3A_407 : memref<80xf32, #tpu.memory_space<vmem>>)
      %dma_wait3A_413 = arith.constant 1280 : i32
      %dma_wait3A_414 = tpu.memref_slice %arg8[%dma_wait3A_413] : memref<2000xf32, #tpu.memory_space<vmem>> -> memref<80xf32, #tpu.memory_space<vmem>>
      %dma_wait3A_415 = arith.constant 0 : i32
      %dma_wait3A_416 = tpu.memref_slice %arg6[%add3A_206, %dma_wait3A_415] : memref<125x80xi32, #tpu.memory_space<vmem>> -> memref<1x80xi32, #tpu.memory_space<vmem>>
      %dma_wait3A_417 = tpu.memref_squeeze %dma_wait3A_416 : memref<1x80xi32, #tpu.memory_space<vmem>> -> memref<80xi32, #tpu.memory_space<vmem>>
      %dma_wait3A_418 = arith.constant 0 : i32
      %dma_wait3A_419 = tpu.memref_slice %arg13[%dma_wait3A_418] : memref<10240xf32, #tpu.memory_space<vmem_shared>> -> memref<10240xf32, #tpu.memory_space<vmem_shared>>
      tpu.wait_indirect_dma semaphore(%arg9 : memref<!tpu.dma_semaphore, #tpu.memory_space<semaphore_mem>>) src(%dma_wait3A_419 : memref<10240xf32, #tpu.memory_space<vmem_shared>>) dst(%dma_wait3A_414 : memref<80xf32, #tpu.memory_space<vmem>>)
      %dma_wait3A_420 = arith.constant 1360 : i32
      %dma_wait3A_421 = tpu.memref_slice %arg8[%dma_wait3A_420] : memref<2000xf32, #tpu.memory_space<vmem>> -> memref<80xf32, #tpu.memory_space<vmem>>
      %dma_wait3A_422 = arith.constant 0 : i32
      %dma_wait3A_423 = tpu.memref_slice %arg6[%add3A_217, %dma_wait3A_422] : memref<125x80xi32, #tpu.memory_space<vmem>> -> memref<1x80xi32, #tpu.memory_space<vmem>>
      %dma_wait3A_424 = tpu.memref_squeeze %dma_wait3A_423 : memref<1x80xi32, #tpu.memory_space<vmem>> -> memref<80xi32, #tpu.memory_space<vmem>>
      %dma_wait3A_425 = arith.constant 0 : i32
      %dma_wait3A_426 = tpu.memref_slice %arg13[%dma_wait3A_425] : memref<10240xf32, #tpu.memory_space<vmem_shared>> -> memref<10240xf32, #tpu.memory_space<vmem_shared>>
      tpu.wait_indirect_dma semaphore(%arg9 : memref<!tpu.dma_semaphore, #tpu.memory_space<semaphore_mem>>) src(%dma_wait3A_426 : memref<10240xf32, #tpu.memory_space<vmem_shared>>) dst(%dma_wait3A_421 : memref<80xf32, #tpu.memory_space<vmem>>)
      %dma_wait3A_427 = arith.constant 1440 : i32
      %dma_wait3A_428 = tpu.memref_slice %arg8[%dma_wait3A_427] : memref<2000xf32, #tpu.memory_space<vmem>> -> memref<80xf32, #tpu.memory_space<vmem>>
      %dma_wait3A_429 = arith.constant 0 : i32
      %dma_wait3A_430 = tpu.memref_slice %arg6[%add3A_228, %dma_wait3A_429] : memref<125x80xi32, #tpu.memory_space<vmem>> -> memref<1x80xi32, #tpu.memory_space<vmem>>
      %dma_wait3A_431 = tpu.memref_squeeze %dma_wait3A_430 : memref<1x80xi32, #tpu.memory_space<vmem>> -> memref<80xi32, #tpu.memory_space<vmem>>
      %dma_wait3A_432 = arith.constant 0 : i32
      %dma_wait3A_433 = tpu.memref_slice %arg13[%dma_wait3A_432] : memref<10240xf32, #tpu.memory_space<vmem_shared>> -> memref<10240xf32, #tpu.memory_space<vmem_shared>>
      tpu.wait_indirect_dma semaphore(%arg9 : memref<!tpu.dma_semaphore, #tpu.memory_space<semaphore_mem>>) src(%dma_wait3A_433 : memref<10240xf32, #tpu.memory_space<vmem_shared>>) dst(%dma_wait3A_428 : memref<80xf32, #tpu.memory_space<vmem>>)
      %dma_wait3A_434 = arith.constant 1520 : i32
      %dma_wait3A_435 = tpu.memref_slice %arg8[%dma_wait3A_434] : memref<2000xf32, #tpu.memory_space<vmem>> -> memref<80xf32, #tpu.memory_space<vmem>>
      %dma_wait3A_436 = arith.constant 0 : i32
      %dma_wait3A_437 = tpu.memref_slice %arg6[%add3A_239, %dma_wait3A_436] : memref<125x80xi32, #tpu.memory_space<vmem>> -> memref<1x80xi32, #tpu.memory_space<vmem>>
      %dma_wait3A_438 = tpu.memref_squeeze %dma_wait3A_437 : memref<1x80xi32, #tpu.memory_space<vmem>> -> memref<80xi32, #tpu.memory_space<vmem>>
      %dma_wait3A_439 = arith.constant 0 : i32
      %dma_wait3A_440 = tpu.memref_slice %arg13[%dma_wait3A_439] : memref<10240xf32, #tpu.memory_space<vmem_shared>> -> memref<10240xf32, #tpu.memory_space<vmem_shared>>
      tpu.wait_indirect_dma semaphore(%arg9 : memref<!tpu.dma_semaphore, #tpu.memory_space<semaphore_mem>>) src(%dma_wait3A_440 : memref<10240xf32, #tpu.memory_space<vmem_shared>>) dst(%dma_wait3A_435 : memref<80xf32, #tpu.memory_space<vmem>>)
      %dma_wait3A_441 = arith.constant 1600 : i32
      %dma_wait3A_442 = tpu.memref_slice %arg8[%dma_wait3A_441] : memref<2000xf32, #tpu.memory_space<vmem>> -> memref<80xf32, #tpu.memory_space<vmem>>
      %dma_wait3A_443 = arith.constant 0 : i32
      %dma_wait3A_444 = tpu.memref_slice %arg6[%add3A_250, %dma_wait3A_443] : memref<125x80xi32, #tpu.memory_space<vmem>> -> memref<1x80xi32, #tpu.memory_space<vmem>>
      %dma_wait3A_445 = tpu.memref_squeeze %dma_wait3A_444 : memref<1x80xi32, #tpu.memory_space<vmem>> -> memref<80xi32, #tpu.memory_space<vmem>>
      %dma_wait3A_446 = arith.constant 0 : i32
      %dma_wait3A_447 = tpu.memref_slice %arg13[%dma_wait3A_446] : memref<10240xf32, #tpu.memory_space<vmem_shared>> -> memref<10240xf32, #tpu.memory_space<vmem_shared>>
      tpu.wait_indirect_dma semaphore(%arg9 : memref<!tpu.dma_semaphore, #tpu.memory_space<semaphore_mem>>) src(%dma_wait3A_447 : memref<10240xf32, #tpu.memory_space<vmem_shared>>) dst(%dma_wait3A_442 : memref<80xf32, #tpu.memory_space<vmem>>)
      %dma_wait3A_448 = arith.constant 1680 : i32
      %dma_wait3A_449 = tpu.memref_slice %arg8[%dma_wait3A_448] : memref<2000xf32, #tpu.memory_space<vmem>> -> memref<80xf32, #tpu.memory_space<vmem>>
      %dma_wait3A_450 = arith.constant 0 : i32
      %dma_wait3A_451 = tpu.memref_slice %arg6[%add3A_261, %dma_wait3A_450] : memref<125x80xi32, #tpu.memory_space<vmem>> -> memref<1x80xi32, #tpu.memory_space<vmem>>
      %dma_wait3A_452 = tpu.memref_squeeze %dma_wait3A_451 : memref<1x80xi32, #tpu.memory_space<vmem>> -> memref<80xi32, #tpu.memory_space<vmem>>
      %dma_wait3A_453 = arith.constant 0 : i32
      %dma_wait3A_454 = tpu.memref_slice %arg13[%dma_wait3A_453] : memref<10240xf32, #tpu.memory_space<vmem_shared>> -> memref<10240xf32, #tpu.memory_space<vmem_shared>>
      tpu.wait_indirect_dma semaphore(%arg9 : memref<!tpu.dma_semaphore, #tpu.memory_space<semaphore_mem>>) src(%dma_wait3A_454 : memref<10240xf32, #tpu.memory_space<vmem_shared>>) dst(%dma_wait3A_449 : memref<80xf32, #tpu.memory_space<vmem>>)
      %dma_wait3A_455 = arith.constant 1760 : i32
      %dma_wait3A_456 = tpu.memref_slice %arg8[%dma_wait3A_455] : memref<2000xf32, #tpu.memory_space<vmem>> -> memref<80xf32, #tpu.memory_space<vmem>>
      %dma_wait3A_457 = arith.constant 0 : i32
      %dma_wait3A_458 = tpu.memref_slice %arg6[%add3A_272, %dma_wait3A_457] : memref<125x80xi32, #tpu.memory_space<vmem>> -> memref<1x80xi32, #tpu.memory_space<vmem>>
      %dma_wait3A_459 = tpu.memref_squeeze %dma_wait3A_458 : memref<1x80xi32, #tpu.memory_space<vmem>> -> memref<80xi32, #tpu.memory_space<vmem>>
      %dma_wait3A_460 = arith.constant 0 : i32
      %dma_wait3A_461 = tpu.memref_slice %arg13[%dma_wait3A_460] : memref<10240xf32, #tpu.memory_space<vmem_shared>> -> memref<10240xf32, #tpu.memory_space<vmem_shared>>
      tpu.wait_indirect_dma semaphore(%arg9 : memref<!tpu.dma_semaphore, #tpu.memory_space<semaphore_mem>>) src(%dma_wait3A_461 : memref<10240xf32, #tpu.memory_space<vmem_shared>>) dst(%dma_wait3A_456 : memref<80xf32, #tpu.memory_space<vmem>>)
      %dma_wait3A_462 = arith.constant 1840 : i32
      %dma_wait3A_463 = tpu.memref_slice %arg8[%dma_wait3A_462] : memref<2000xf32, #tpu.memory_space<vmem>> -> memref<80xf32, #tpu.memory_space<vmem>>
      %dma_wait3A_464 = arith.constant 0 : i32
      %dma_wait3A_465 = tpu.memref_slice %arg6[%add3A_283, %dma_wait3A_464] : memref<125x80xi32, #tpu.memory_space<vmem>> -> memref<1x80xi32, #tpu.memory_space<vmem>>
      %dma_wait3A_466 = tpu.memref_squeeze %dma_wait3A_465 : memref<1x80xi32, #tpu.memory_space<vmem>> -> memref<80xi32, #tpu.memory_space<vmem>>
      %dma_wait3A_467 = arith.constant 0 : i32
      %dma_wait3A_468 = tpu.memref_slice %arg13[%dma_wait3A_467] : memref<10240xf32, #tpu.memory_space<vmem_shared>> -> memref<10240xf32, #tpu.memory_space<vmem_shared>>
      tpu.wait_indirect_dma semaphore(%arg9 : memref<!tpu.dma_semaphore, #tpu.memory_space<semaphore_mem>>) src(%dma_wait3A_468 : memref<10240xf32, #tpu.memory_space<vmem_shared>>) dst(%dma_wait3A_463 : memref<80xf32, #tpu.memory_space<vmem>>)
      %dma_wait3A_469 = arith.constant 1920 : i32
      %dma_wait3A_470 = tpu.memref_slice %arg8[%dma_wait3A_469] : memref<2000xf32, #tpu.memory_space<vmem>> -> memref<80xf32, #tpu.memory_space<vmem>>
      %dma_wait3A_471 = arith.constant 0 : i32
      %dma_wait3A_472 = tpu.memref_slice %arg6[%add3A_294, %dma_wait3A_471] : memref<125x80xi32, #tpu.memory_space<vmem>> -> memref<1x80xi32, #tpu.memory_space<vmem>>
      %dma_wait3A_473 = tpu.memref_squeeze %dma_wait3A_472 : memref<1x80xi32, #tpu.memory_space<vmem>> -> memref<80xi32, #tpu.memory_space<vmem>>
      %dma_wait3A_474 = arith.constant 0 : i32
      %dma_wait3A_475 = tpu.memref_slice %arg13[%dma_wait3A_474] : memref<10240xf32, #tpu.memory_space<vmem_shared>> -> memref<10240xf32, #tpu.memory_space<vmem_shared>>
      tpu.wait_indirect_dma semaphore(%arg9 : memref<!tpu.dma_semaphore, #tpu.memory_space<semaphore_mem>>) src(%dma_wait3A_475 : memref<10240xf32, #tpu.memory_space<vmem_shared>>) dst(%dma_wait3A_470 : memref<80xf32, #tpu.memory_space<vmem>>)
      %mul3A_476 = arith.constant 25 : i32
      %mul3A_477 = arith.muli %scan3A_26, %mul3A_476 : i32
      %add3A_478 = arith.constant 0 : i32
      %add3A_479 = arith.addi %mul3A_477, %add3A_478 : i32
      %dma_start3A_480 = arith.constant 0 : i32
      %dma_start3A_481 = tpu.memref_slice %arg8[%dma_start3A_480] : memref<2000xf32, #tpu.memory_space<vmem>> -> memref<80xf32, #tpu.memory_space<vmem>>
      %dma_start3A_482 = arith.constant 0 : i32
      %dma_start3A_483 = tpu.memref_slice %arg7[%add3A_479, %dma_start3A_482] : memref<125x80xi32, #tpu.memory_space<vmem>> -> memref<1x80xi32, #tpu.memory_space<vmem>>
      %dma_start3A_484 = tpu.memref_squeeze %dma_start3A_483 : memref<1x80xi32, #tpu.memory_space<vmem>> -> memref<80xi32, #tpu.memory_space<vmem>>
      %dma_start3A_485 = arith.constant 0 : i32
      %dma_start3A_486 = tpu.memref_slice %arg12[%dma_start3A_485] : memref<10240xf32, #tpu.memory_space<vmem_shared>> -> memref<10240xf32, #tpu.memory_space<vmem_shared>>
      tpu.enqueue_indirect_dma source(%dma_start3A_481 : memref<80xf32, #tpu.memory_space<vmem>>) target(%dma_start3A_486 : memref<10240xf32, #tpu.memory_space<vmem_shared>>) offsets(%dma_start3A_484 : memref<80xi32, #tpu.memory_space<vmem>>) semaphore(%arg10 : memref<!tpu.dma_semaphore, #tpu.memory_space<semaphore_mem>>) {add = true}
      %mul3A_487 = arith.constant 25 : i32
      %mul3A_488 = arith.muli %scan3A_26, %mul3A_487 : i32
      %add3A_489 = arith.constant 1 : i32
      %add3A_490 = arith.addi %mul3A_488, %add3A_489 : i32
      %dma_start3A_491 = arith.constant 80 : i32
      %dma_start3A_492 = tpu.memref_slice %arg8[%dma_start3A_491] : memref<2000xf32, #tpu.memory_space<vmem>> -> memref<80xf32, #tpu.memory_space<vmem>>
      %dma_start3A_493 = arith.constant 0 : i32
      %dma_start3A_494 = tpu.memref_slice %arg7[%add3A_490, %dma_start3A_493] : memref<125x80xi32, #tpu.memory_space<vmem>> -> memref<1x80xi32, #tpu.memory_space<vmem>>
      %dma_start3A_495 = tpu.memref_squeeze %dma_start3A_494 : memref<1x80xi32, #tpu.memory_space<vmem>> -> memref<80xi32, #tpu.memory_space<vmem>>
      %dma_start3A_496 = arith.constant 0 : i32
      %dma_start3A_497 = tpu.memref_slice %arg12[%dma_start3A_496] : memref<10240xf32, #tpu.memory_space<vmem_shared>> -> memref<10240xf32, #tpu.memory_space<vmem_shared>>
      tpu.enqueue_indirect_dma source(%dma_start3A_492 : memref<80xf32, #tpu.memory_space<vmem>>) target(%dma_start3A_497 : memref<10240xf32, #tpu.memory_space<vmem_shared>>) offsets(%dma_start3A_495 : memref<80xi32, #tpu.memory_space<vmem>>) semaphore(%arg10 : memref<!tpu.dma_semaphore, #tpu.memory_space<semaphore_mem>>) {add = true}
      %mul3A_498 = arith.constant 25 : i32
      %mul3A_499 = arith.muli %scan3A_26, %mul3A_498 : i32
      %add3A_500 = arith.constant 2 : i32
      %add3A_501 = arith.addi %mul3A_499, %add3A_500 : i32
      %dma_start3A_502 = arith.constant 160 : i32
      %dma_start3A_503 = tpu.memref_slice %arg8[%dma_start3A_502] : memref<2000xf32, #tpu.memory_space<vmem>> -> memref<80xf32, #tpu.memory_space<vmem>>
      %dma_start3A_504 = arith.constant 0 : i32
      %dma_start3A_505 = tpu.memref_slice %arg7[%add3A_501, %dma_start3A_504] : memref<125x80xi32, #tpu.memory_space<vmem>> -> memref<1x80xi32, #tpu.memory_space<vmem>>
      %dma_start3A_506 = tpu.memref_squeeze %dma_start3A_505 : memref<1x80xi32, #tpu.memory_space<vmem>> -> memref<80xi32, #tpu.memory_space<vmem>>
      %dma_start3A_507 = arith.constant 0 : i32
      %dma_start3A_508 = tpu.memref_slice %arg12[%dma_start3A_507] : memref<10240xf32, #tpu.memory_space<vmem_shared>> -> memref<10240xf32, #tpu.memory_space<vmem_shared>>
      tpu.enqueue_indirect_dma source(%dma_start3A_503 : memref<80xf32, #tpu.memory_space<vmem>>) target(%dma_start3A_508 : memref<10240xf32, #tpu.memory_space<vmem_shared>>) offsets(%dma_start3A_506 : memref<80xi32, #tpu.memory_space<vmem>>) semaphore(%arg10 : memref<!tpu.dma_semaphore, #tpu.memory_space<semaphore_mem>>) {add = true}
      %mul3A_509 = arith.constant 25 : i32
      %mul3A_510 = arith.muli %scan3A_26, %mul3A_509 : i32
      %add3A_511 = arith.constant 3 : i32
      %add3A_512 = arith.addi %mul3A_510, %add3A_511 : i32
      %dma_start3A_513 = arith.constant 240 : i32
      %dma_start3A_514 = tpu.memref_slice %arg8[%dma_start3A_513] : memref<2000xf32, #tpu.memory_space<vmem>> -> memref<80xf32, #tpu.memory_space<vmem>>
      %dma_start3A_515 = arith.constant 0 : i32
      %dma_start3A_516 = tpu.memref_slice %arg7[%add3A_512, %dma_start3A_515] : memref<125x80xi32, #tpu.memory_space<vmem>> -> memref<1x80xi32, #tpu.memory_space<vmem>>
      %dma_start3A_517 = tpu.memref_squeeze %dma_start3A_516 : memref<1x80xi32, #tpu.memory_space<vmem>> -> memref<80xi32, #tpu.memory_space<vmem>>
      %dma_start3A_518 = arith.constant 0 : i32
      %dma_start3A_519 = tpu.memref_slice %arg12[%dma_start3A_518] : memref<10240xf32, #tpu.memory_space<vmem_shared>> -> memref<10240xf32, #tpu.memory_space<vmem_shared>>
      tpu.enqueue_indirect_dma source(%dma_start3A_514 : memref<80xf32, #tpu.memory_space<vmem>>) target(%dma_start3A_519 : memref<10240xf32, #tpu.memory_space<vmem_shared>>) offsets(%dma_start3A_517 : memref<80xi32, #tpu.memory_space<vmem>>) semaphore(%arg10 : memref<!tpu.dma_semaphore, #tpu.memory_space<semaphore_mem>>) {add = true}
      %mul3A_520 = arith.constant 25 : i32
      %mul3A_521 = arith.muli %scan3A_26, %mul3A_520 : i32
      %add3A_522 = arith.constant 4 : i32
      %add3A_523 = arith.addi %mul3A_521, %add3A_522 : i32
      %dma_start3A_524 = arith.constant 320 : i32
      %dma_start3A_525 = tpu.memref_slice %arg8[%dma_start3A_524] : memref<2000xf32, #tpu.memory_space<vmem>> -> memref<80xf32, #tpu.memory_space<vmem>>
      %dma_start3A_526 = arith.constant 0 : i32
      %dma_start3A_527 = tpu.memref_slice %arg7[%add3A_523, %dma_start3A_526] : memref<125x80xi32, #tpu.memory_space<vmem>> -> memref<1x80xi32, #tpu.memory_space<vmem>>
      %dma_start3A_528 = tpu.memref_squeeze %dma_start3A_527 : memref<1x80xi32, #tpu.memory_space<vmem>> -> memref<80xi32, #tpu.memory_space<vmem>>
      %dma_start3A_529 = arith.constant 0 : i32
      %dma_start3A_530 = tpu.memref_slice %arg12[%dma_start3A_529] : memref<10240xf32, #tpu.memory_space<vmem_shared>> -> memref<10240xf32, #tpu.memory_space<vmem_shared>>
      tpu.enqueue_indirect_dma source(%dma_start3A_525 : memref<80xf32, #tpu.memory_space<vmem>>) target(%dma_start3A_530 : memref<10240xf32, #tpu.memory_space<vmem_shared>>) offsets(%dma_start3A_528 : memref<80xi32, #tpu.memory_space<vmem>>) semaphore(%arg10 : memref<!tpu.dma_semaphore, #tpu.memory_space<semaphore_mem>>) {add = true}
      %mul3A_531 = arith.constant 25 : i32
      %mul3A_532 = arith.muli %scan3A_26, %mul3A_531 : i32
      %add3A_533 = arith.constant 5 : i32
      %add3A_534 = arith.addi %mul3A_532, %add3A_533 : i32
      %dma_start3A_535 = arith.constant 400 : i32
      %dma_start3A_536 = tpu.memref_slice %arg8[%dma_start3A_535] : memref<2000xf32, #tpu.memory_space<vmem>> -> memref<80xf32, #tpu.memory_space<vmem>>
      %dma_start3A_537 = arith.constant 0 : i32
      %dma_start3A_538 = tpu.memref_slice %arg7[%add3A_534, %dma_start3A_537] : memref<125x80xi32, #tpu.memory_space<vmem>> -> memref<1x80xi32, #tpu.memory_space<vmem>>
      %dma_start3A_539 = tpu.memref_squeeze %dma_start3A_538 : memref<1x80xi32, #tpu.memory_space<vmem>> -> memref<80xi32, #tpu.memory_space<vmem>>
      %dma_start3A_540 = arith.constant 0 : i32
      %dma_start3A_541 = tpu.memref_slice %arg12[%dma_start3A_540] : memref<10240xf32, #tpu.memory_space<vmem_shared>> -> memref<10240xf32, #tpu.memory_space<vmem_shared>>
      tpu.enqueue_indirect_dma source(%dma_start3A_536 : memref<80xf32, #tpu.memory_space<vmem>>) target(%dma_start3A_541 : memref<10240xf32, #tpu.memory_space<vmem_shared>>) offsets(%dma_start3A_539 : memref<80xi32, #tpu.memory_space<vmem>>) semaphore(%arg10 : memref<!tpu.dma_semaphore, #tpu.memory_space<semaphore_mem>>) {add = true}
      %mul3A_542 = arith.constant 25 : i32
      %mul3A_543 = arith.muli %scan3A_26, %mul3A_542 : i32
      %add3A_544 = arith.constant 6 : i32
      %add3A_545 = arith.addi %mul3A_543, %add3A_544 : i32
      %dma_start3A_546 = arith.constant 480 : i32
      %dma_start3A_547 = tpu.memref_slice %arg8[%dma_start3A_546] : memref<2000xf32, #tpu.memory_space<vmem>> -> memref<80xf32, #tpu.memory_space<vmem>>
      %dma_start3A_548 = arith.constant 0 : i32
      %dma_start3A_549 = tpu.memref_slice %arg7[%add3A_545, %dma_start3A_548] : memref<125x80xi32, #tpu.memory_space<vmem>> -> memref<1x80xi32, #tpu.memory_space<vmem>>
      %dma_start3A_550 = tpu.memref_squeeze %dma_start3A_549 : memref<1x80xi32, #tpu.memory_space<vmem>> -> memref<80xi32, #tpu.memory_space<vmem>>
      %dma_start3A_551 = arith.constant 0 : i32
      %dma_start3A_552 = tpu.memref_slice %arg12[%dma_start3A_551] : memref<10240xf32, #tpu.memory_space<vmem_shared>> -> memref<10240xf32, #tpu.memory_space<vmem_shared>>
      tpu.enqueue_indirect_dma source(%dma_start3A_547 : memref<80xf32, #tpu.memory_space<vmem>>) target(%dma_start3A_552 : memref<10240xf32, #tpu.memory_space<vmem_shared>>) offsets(%dma_start3A_550 : memref<80xi32, #tpu.memory_space<vmem>>) semaphore(%arg10 : memref<!tpu.dma_semaphore, #tpu.memory_space<semaphore_mem>>) {add = true}
      %mul3A_553 = arith.constant 25 : i32
      %mul3A_554 = arith.muli %scan3A_26, %mul3A_553 : i32
      %add3A_555 = arith.constant 7 : i32
      %add3A_556 = arith.addi %mul3A_554, %add3A_555 : i32
      %dma_start3A_557 = arith.constant 560 : i32
      %dma_start3A_558 = tpu.memref_slice %arg8[%dma_start3A_557] : memref<2000xf32, #tpu.memory_space<vmem>> -> memref<80xf32, #tpu.memory_space<vmem>>
      %dma_start3A_559 = arith.constant 0 : i32
      %dma_start3A_560 = tpu.memref_slice %arg7[%add3A_556, %dma_start3A_559] : memref<125x80xi32, #tpu.memory_space<vmem>> -> memref<1x80xi32, #tpu.memory_space<vmem>>
      %dma_start3A_561 = tpu.memref_squeeze %dma_start3A_560 : memref<1x80xi32, #tpu.memory_space<vmem>> -> memref<80xi32, #tpu.memory_space<vmem>>
      %dma_start3A_562 = arith.constant 0 : i32
      %dma_start3A_563 = tpu.memref_slice %arg12[%dma_start3A_562] : memref<10240xf32, #tpu.memory_space<vmem_shared>> -> memref<10240xf32, #tpu.memory_space<vmem_shared>>
      tpu.enqueue_indirect_dma source(%dma_start3A_558 : memref<80xf32, #tpu.memory_space<vmem>>) target(%dma_start3A_563 : memref<10240xf32, #tpu.memory_space<vmem_shared>>) offsets(%dma_start3A_561 : memref<80xi32, #tpu.memory_space<vmem>>) semaphore(%arg10 : memref<!tpu.dma_semaphore, #tpu.memory_space<semaphore_mem>>) {add = true}
      %mul3A_564 = arith.constant 25 : i32
      %mul3A_565 = arith.muli %scan3A_26, %mul3A_564 : i32
      %add3A_566 = arith.constant 8 : i32
      %add3A_567 = arith.addi %mul3A_565, %add3A_566 : i32
      %dma_start3A_568 = arith.constant 640 : i32
      %dma_start3A_569 = tpu.memref_slice %arg8[%dma_start3A_568] : memref<2000xf32, #tpu.memory_space<vmem>> -> memref<80xf32, #tpu.memory_space<vmem>>
      %dma_start3A_570 = arith.constant 0 : i32
      %dma_start3A_571 = tpu.memref_slice %arg7[%add3A_567, %dma_start3A_570] : memref<125x80xi32, #tpu.memory_space<vmem>> -> memref<1x80xi32, #tpu.memory_space<vmem>>
      %dma_start3A_572 = tpu.memref_squeeze %dma_start3A_571 : memref<1x80xi32, #tpu.memory_space<vmem>> -> memref<80xi32, #tpu.memory_space<vmem>>
      %dma_start3A_573 = arith.constant 0 : i32
      %dma_start3A_574 = tpu.memref_slice %arg12[%dma_start3A_573] : memref<10240xf32, #tpu.memory_space<vmem_shared>> -> memref<10240xf32, #tpu.memory_space<vmem_shared>>
      tpu.enqueue_indirect_dma source(%dma_start3A_569 : memref<80xf32, #tpu.memory_space<vmem>>) target(%dma_start3A_574 : memref<10240xf32, #tpu.memory_space<vmem_shared>>) offsets(%dma_start3A_572 : memref<80xi32, #tpu.memory_space<vmem>>) semaphore(%arg10 : memref<!tpu.dma_semaphore, #tpu.memory_space<semaphore_mem>>) {add = true}
      %mul3A_575 = arith.constant 25 : i32
      %mul3A_576 = arith.muli %scan3A_26, %mul3A_575 : i32
      %add3A_577 = arith.constant 9 : i32
      %add3A_578 = arith.addi %mul3A_576, %add3A_577 : i32
      %dma_start3A_579 = arith.constant 720 : i32
      %dma_start3A_580 = tpu.memref_slice %arg8[%dma_start3A_579] : memref<2000xf32, #tpu.memory_space<vmem>> -> memref<80xf32, #tpu.memory_space<vmem>>
      %dma_start3A_581 = arith.constant 0 : i32
      %dma_start3A_582 = tpu.memref_slice %arg7[%add3A_578, %dma_start3A_581] : memref<125x80xi32, #tpu.memory_space<vmem>> -> memref<1x80xi32, #tpu.memory_space<vmem>>
      %dma_start3A_583 = tpu.memref_squeeze %dma_start3A_582 : memref<1x80xi32, #tpu.memory_space<vmem>> -> memref<80xi32, #tpu.memory_space<vmem>>
      %dma_start3A_584 = arith.constant 0 : i32
      %dma_start3A_585 = tpu.memref_slice %arg12[%dma_start3A_584] : memref<10240xf32, #tpu.memory_space<vmem_shared>> -> memref<10240xf32, #tpu.memory_space<vmem_shared>>
      tpu.enqueue_indirect_dma source(%dma_start3A_580 : memref<80xf32, #tpu.memory_space<vmem>>) target(%dma_start3A_585 : memref<10240xf32, #tpu.memory_space<vmem_shared>>) offsets(%dma_start3A_583 : memref<80xi32, #tpu.memory_space<vmem>>) semaphore(%arg10 : memref<!tpu.dma_semaphore, #tpu.memory_space<semaphore_mem>>) {add = true}
      %mul3A_586 = arith.constant 25 : i32
      %mul3A_587 = arith.muli %scan3A_26, %mul3A_586 : i32
      %add3A_588 = arith.constant 10 : i32
      %add3A_589 = arith.addi %mul3A_587, %add3A_588 : i32
      %dma_start3A_590 = arith.constant 800 : i32
      %dma_start3A_591 = tpu.memref_slice %arg8[%dma_start3A_590] : memref<2000xf32, #tpu.memory_space<vmem>> -> memref<80xf32, #tpu.memory_space<vmem>>
      %dma_start3A_592 = arith.constant 0 : i32
      %dma_start3A_593 = tpu.memref_slice %arg7[%add3A_589, %dma_start3A_592] : memref<125x80xi32, #tpu.memory_space<vmem>> -> memref<1x80xi32, #tpu.memory_space<vmem>>
      %dma_start3A_594 = tpu.memref_squeeze %dma_start3A_593 : memref<1x80xi32, #tpu.memory_space<vmem>> -> memref<80xi32, #tpu.memory_space<vmem>>
      %dma_start3A_595 = arith.constant 0 : i32
      %dma_start3A_596 = tpu.memref_slice %arg12[%dma_start3A_595] : memref<10240xf32, #tpu.memory_space<vmem_shared>> -> memref<10240xf32, #tpu.memory_space<vmem_shared>>
      tpu.enqueue_indirect_dma source(%dma_start3A_591 : memref<80xf32, #tpu.memory_space<vmem>>) target(%dma_start3A_596 : memref<10240xf32, #tpu.memory_space<vmem_shared>>) offsets(%dma_start3A_594 : memref<80xi32, #tpu.memory_space<vmem>>) semaphore(%arg10 : memref<!tpu.dma_semaphore, #tpu.memory_space<semaphore_mem>>) {add = true}
      %mul3A_597 = arith.constant 25 : i32
      %mul3A_598 = arith.muli %scan3A_26, %mul3A_597 : i32
      %add3A_599 = arith.constant 11 : i32
      %add3A_600 = arith.addi %mul3A_598, %add3A_599 : i32
      %dma_start3A_601 = arith.constant 880 : i32
      %dma_start3A_602 = tpu.memref_slice %arg8[%dma_start3A_601] : memref<2000xf32, #tpu.memory_space<vmem>> -> memref<80xf32, #tpu.memory_space<vmem>>
      %dma_start3A_603 = arith.constant 0 : i32
      %dma_start3A_604 = tpu.memref_slice %arg7[%add3A_600, %dma_start3A_603] : memref<125x80xi32, #tpu.memory_space<vmem>> -> memref<1x80xi32, #tpu.memory_space<vmem>>
      %dma_start3A_605 = tpu.memref_squeeze %dma_start3A_604 : memref<1x80xi32, #tpu.memory_space<vmem>> -> memref<80xi32, #tpu.memory_space<vmem>>
      %dma_start3A_606 = arith.constant 0 : i32
      %dma_start3A_607 = tpu.memref_slice %arg12[%dma_start3A_606] : memref<10240xf32, #tpu.memory_space<vmem_shared>> -> memref<10240xf32, #tpu.memory_space<vmem_shared>>
      tpu.enqueue_indirect_dma source(%dma_start3A_602 : memref<80xf32, #tpu.memory_space<vmem>>) target(%dma_start3A_607 : memref<10240xf32, #tpu.memory_space<vmem_shared>>) offsets(%dma_start3A_605 : memref<80xi32, #tpu.memory_space<vmem>>) semaphore(%arg10 : memref<!tpu.dma_semaphore, #tpu.memory_space<semaphore_mem>>) {add = true}
      %mul3A_608 = arith.constant 25 : i32
      %mul3A_609 = arith.muli %scan3A_26, %mul3A_608 : i32
      %add3A_610 = arith.constant 12 : i32
      %add3A_611 = arith.addi %mul3A_609, %add3A_610 : i32
      %dma_start3A_612 = arith.constant 960 : i32
      %dma_start3A_613 = tpu.memref_slice %arg8[%dma_start3A_612] : memref<2000xf32, #tpu.memory_space<vmem>> -> memref<80xf32, #tpu.memory_space<vmem>>
      %dma_start3A_614 = arith.constant 0 : i32
      %dma_start3A_615 = tpu.memref_slice %arg7[%add3A_611, %dma_start3A_614] : memref<125x80xi32, #tpu.memory_space<vmem>> -> memref<1x80xi32, #tpu.memory_space<vmem>>
      %dma_start3A_616 = tpu.memref_squeeze %dma_start3A_615 : memref<1x80xi32, #tpu.memory_space<vmem>> -> memref<80xi32, #tpu.memory_space<vmem>>
      %dma_start3A_617 = arith.constant 0 : i32
      %dma_start3A_618 = tpu.memref_slice %arg12[%dma_start3A_617] : memref<10240xf32, #tpu.memory_space<vmem_shared>> -> memref<10240xf32, #tpu.memory_space<vmem_shared>>
      tpu.enqueue_indirect_dma source(%dma_start3A_613 : memref<80xf32, #tpu.memory_space<vmem>>) target(%dma_start3A_618 : memref<10240xf32, #tpu.memory_space<vmem_shared>>) offsets(%dma_start3A_616 : memref<80xi32, #tpu.memory_space<vmem>>) semaphore(%arg10 : memref<!tpu.dma_semaphore, #tpu.memory_space<semaphore_mem>>) {add = true}
      %mul3A_619 = arith.constant 25 : i32
      %mul3A_620 = arith.muli %scan3A_26, %mul3A_619 : i32
      %add3A_621 = arith.constant 13 : i32
      %add3A_622 = arith.addi %mul3A_620, %add3A_621 : i32
      %dma_start3A_623 = arith.constant 1040 : i32
      %dma_start3A_624 = tpu.memref_slice %arg8[%dma_start3A_623] : memref<2000xf32, #tpu.memory_space<vmem>> -> memref<80xf32, #tpu.memory_space<vmem>>
      %dma_start3A_625 = arith.constant 0 : i32
      %dma_start3A_626 = tpu.memref_slice %arg7[%add3A_622, %dma_start3A_625] : memref<125x80xi32, #tpu.memory_space<vmem>> -> memref<1x80xi32, #tpu.memory_space<vmem>>
      %dma_start3A_627 = tpu.memref_squeeze %dma_start3A_626 : memref<1x80xi32, #tpu.memory_space<vmem>> -> memref<80xi32, #tpu.memory_space<vmem>>
      %dma_start3A_628 = arith.constant 0 : i32
      %dma_start3A_629 = tpu.memref_slice %arg12[%dma_start3A_628] : memref<10240xf32, #tpu.memory_space<vmem_shared>> -> memref<10240xf32, #tpu.memory_space<vmem_shared>>
      tpu.enqueue_indirect_dma source(%dma_start3A_624 : memref<80xf32, #tpu.memory_space<vmem>>) target(%dma_start3A_629 : memref<10240xf32, #tpu.memory_space<vmem_shared>>) offsets(%dma_start3A_627 : memref<80xi32, #tpu.memory_space<vmem>>) semaphore(%arg10 : memref<!tpu.dma_semaphore, #tpu.memory_space<semaphore_mem>>) {add = true}
      %mul3A_630 = arith.constant 25 : i32
      %mul3A_631 = arith.muli %scan3A_26, %mul3A_630 : i32
      %add3A_632 = arith.constant 14 : i32
      %add3A_633 = arith.addi %mul3A_631, %add3A_632 : i32
      %dma_start3A_634 = arith.constant 1120 : i32
      %dma_start3A_635 = tpu.memref_slice %arg8[%dma_start3A_634] : memref<2000xf32, #tpu.memory_space<vmem>> -> memref<80xf32, #tpu.memory_space<vmem>>
      %dma_start3A_636 = arith.constant 0 : i32
      %dma_start3A_637 = tpu.memref_slice %arg7[%add3A_633, %dma_start3A_636] : memref<125x80xi32, #tpu.memory_space<vmem>> -> memref<1x80xi32, #tpu.memory_space<vmem>>
      %dma_start3A_638 = tpu.memref_squeeze %dma_start3A_637 : memref<1x80xi32, #tpu.memory_space<vmem>> -> memref<80xi32, #tpu.memory_space<vmem>>
      %dma_start3A_639 = arith.constant 0 : i32
      %dma_start3A_640 = tpu.memref_slice %arg12[%dma_start3A_639] : memref<10240xf32, #tpu.memory_space<vmem_shared>> -> memref<10240xf32, #tpu.memory_space<vmem_shared>>
      tpu.enqueue_indirect_dma source(%dma_start3A_635 : memref<80xf32, #tpu.memory_space<vmem>>) target(%dma_start3A_640 : memref<10240xf32, #tpu.memory_space<vmem_shared>>) offsets(%dma_start3A_638 : memref<80xi32, #tpu.memory_space<vmem>>) semaphore(%arg10 : memref<!tpu.dma_semaphore, #tpu.memory_space<semaphore_mem>>) {add = true}
      %mul3A_641 = arith.constant 25 : i32
      %mul3A_642 = arith.muli %scan3A_26, %mul3A_641 : i32
      %add3A_643 = arith.constant 15 : i32
      %add3A_644 = arith.addi %mul3A_642, %add3A_643 : i32
      %dma_start3A_645 = arith.constant 1200 : i32
      %dma_start3A_646 = tpu.memref_slice %arg8[%dma_start3A_645] : memref<2000xf32, #tpu.memory_space<vmem>> -> memref<80xf32, #tpu.memory_space<vmem>>
      %dma_start3A_647 = arith.constant 0 : i32
      %dma_start3A_648 = tpu.memref_slice %arg7[%add3A_644, %dma_start3A_647] : memref<125x80xi32, #tpu.memory_space<vmem>> -> memref<1x80xi32, #tpu.memory_space<vmem>>
      %dma_start3A_649 = tpu.memref_squeeze %dma_start3A_648 : memref<1x80xi32, #tpu.memory_space<vmem>> -> memref<80xi32, #tpu.memory_space<vmem>>
      %dma_start3A_650 = arith.constant 0 : i32
      %dma_start3A_651 = tpu.memref_slice %arg12[%dma_start3A_650] : memref<10240xf32, #tpu.memory_space<vmem_shared>> -> memref<10240xf32, #tpu.memory_space<vmem_shared>>
      tpu.enqueue_indirect_dma source(%dma_start3A_646 : memref<80xf32, #tpu.memory_space<vmem>>) target(%dma_start3A_651 : memref<10240xf32, #tpu.memory_space<vmem_shared>>) offsets(%dma_start3A_649 : memref<80xi32, #tpu.memory_space<vmem>>) semaphore(%arg10 : memref<!tpu.dma_semaphore, #tpu.memory_space<semaphore_mem>>) {add = true}
      %mul3A_652 = arith.constant 25 : i32
      %mul3A_653 = arith.muli %scan3A_26, %mul3A_652 : i32
      %add3A_654 = arith.constant 16 : i32
      %add3A_655 = arith.addi %mul3A_653, %add3A_654 : i32
      %dma_start3A_656 = arith.constant 1280 : i32
      %dma_start3A_657 = tpu.memref_slice %arg8[%dma_start3A_656] : memref<2000xf32, #tpu.memory_space<vmem>> -> memref<80xf32, #tpu.memory_space<vmem>>
      %dma_start3A_658 = arith.constant 0 : i32
      %dma_start3A_659 = tpu.memref_slice %arg7[%add3A_655, %dma_start3A_658] : memref<125x80xi32, #tpu.memory_space<vmem>> -> memref<1x80xi32, #tpu.memory_space<vmem>>
      %dma_start3A_660 = tpu.memref_squeeze %dma_start3A_659 : memref<1x80xi32, #tpu.memory_space<vmem>> -> memref<80xi32, #tpu.memory_space<vmem>>
      %dma_start3A_661 = arith.constant 0 : i32
      %dma_start3A_662 = tpu.memref_slice %arg12[%dma_start3A_661] : memref<10240xf32, #tpu.memory_space<vmem_shared>> -> memref<10240xf32, #tpu.memory_space<vmem_shared>>
      tpu.enqueue_indirect_dma source(%dma_start3A_657 : memref<80xf32, #tpu.memory_space<vmem>>) target(%dma_start3A_662 : memref<10240xf32, #tpu.memory_space<vmem_shared>>) offsets(%dma_start3A_660 : memref<80xi32, #tpu.memory_space<vmem>>) semaphore(%arg10 : memref<!tpu.dma_semaphore, #tpu.memory_space<semaphore_mem>>) {add = true}
      %mul3A_663 = arith.constant 25 : i32
      %mul3A_664 = arith.muli %scan3A_26, %mul3A_663 : i32
      %add3A_665 = arith.constant 17 : i32
      %add3A_666 = arith.addi %mul3A_664, %add3A_665 : i32
      %dma_start3A_667 = arith.constant 1360 : i32
      %dma_start3A_668 = tpu.memref_slice %arg8[%dma_start3A_667] : memref<2000xf32, #tpu.memory_space<vmem>> -> memref<80xf32, #tpu.memory_space<vmem>>
      %dma_start3A_669 = arith.constant 0 : i32
      %dma_start3A_670 = tpu.memref_slice %arg7[%add3A_666, %dma_start3A_669] : memref<125x80xi32, #tpu.memory_space<vmem>> -> memref<1x80xi32, #tpu.memory_space<vmem>>
      %dma_start3A_671 = tpu.memref_squeeze %dma_start3A_670 : memref<1x80xi32, #tpu.memory_space<vmem>> -> memref<80xi32, #tpu.memory_space<vmem>>
      %dma_start3A_672 = arith.constant 0 : i32
      %dma_start3A_673 = tpu.memref_slice %arg12[%dma_start3A_672] : memref<10240xf32, #tpu.memory_space<vmem_shared>> -> memref<10240xf32, #tpu.memory_space<vmem_shared>>
      tpu.enqueue_indirect_dma source(%dma_start3A_668 : memref<80xf32, #tpu.memory_space<vmem>>) target(%dma_start3A_673 : memref<10240xf32, #tpu.memory_space<vmem_shared>>) offsets(%dma_start3A_671 : memref<80xi32, #tpu.memory_space<vmem>>) semaphore(%arg10 : memref<!tpu.dma_semaphore, #tpu.memory_space<semaphore_mem>>) {add = true}
      %mul3A_674 = arith.constant 25 : i32
      %mul3A_675 = arith.muli %scan3A_26, %mul3A_674 : i32
      %add3A_676 = arith.constant 18 : i32
      %add3A_677 = arith.addi %mul3A_675, %add3A_676 : i32
      %dma_start3A_678 = arith.constant 1440 : i32
      %dma_start3A_679 = tpu.memref_slice %arg8[%dma_start3A_678] : memref<2000xf32, #tpu.memory_space<vmem>> -> memref<80xf32, #tpu.memory_space<vmem>>
      %dma_start3A_680 = arith.constant 0 : i32
      %dma_start3A_681 = tpu.memref_slice %arg7[%add3A_677, %dma_start3A_680] : memref<125x80xi32, #tpu.memory_space<vmem>> -> memref<1x80xi32, #tpu.memory_space<vmem>>
      %dma_start3A_682 = tpu.memref_squeeze %dma_start3A_681 : memref<1x80xi32, #tpu.memory_space<vmem>> -> memref<80xi32, #tpu.memory_space<vmem>>
      %dma_start3A_683 = arith.constant 0 : i32
      %dma_start3A_684 = tpu.memref_slice %arg12[%dma_start3A_683] : memref<10240xf32, #tpu.memory_space<vmem_shared>> -> memref<10240xf32, #tpu.memory_space<vmem_shared>>
      tpu.enqueue_indirect_dma source(%dma_start3A_679 : memref<80xf32, #tpu.memory_space<vmem>>) target(%dma_start3A_684 : memref<10240xf32, #tpu.memory_space<vmem_shared>>) offsets(%dma_start3A_682 : memref<80xi32, #tpu.memory_space<vmem>>) semaphore(%arg10 : memref<!tpu.dma_semaphore, #tpu.memory_space<semaphore_mem>>) {add = true}
      %mul3A_685 = arith.constant 25 : i32
      %mul3A_686 = arith.muli %scan3A_26, %mul3A_685 : i32
      %add3A_687 = arith.constant 19 : i32
      %add3A_688 = arith.addi %mul3A_686, %add3A_687 : i32
      %dma_start3A_689 = arith.constant 1520 : i32
      %dma_start3A_690 = tpu.memref_slice %arg8[%dma_start3A_689] : memref<2000xf32, #tpu.memory_space<vmem>> -> memref<80xf32, #tpu.memory_space<vmem>>
      %dma_start3A_691 = arith.constant 0 : i32
      %dma_start3A_692 = tpu.memref_slice %arg7[%add3A_688, %dma_start3A_691] : memref<125x80xi32, #tpu.memory_space<vmem>> -> memref<1x80xi32, #tpu.memory_space<vmem>>
      %dma_start3A_693 = tpu.memref_squeeze %dma_start3A_692 : memref<1x80xi32, #tpu.memory_space<vmem>> -> memref<80xi32, #tpu.memory_space<vmem>>
      %dma_start3A_694 = arith.constant 0 : i32
      %dma_start3A_695 = tpu.memref_slice %arg12[%dma_start3A_694] : memref<10240xf32, #tpu.memory_space<vmem_shared>> -> memref<10240xf32, #tpu.memory_space<vmem_shared>>
      tpu.enqueue_indirect_dma source(%dma_start3A_690 : memref<80xf32, #tpu.memory_space<vmem>>) target(%dma_start3A_695 : memref<10240xf32, #tpu.memory_space<vmem_shared>>) offsets(%dma_start3A_693 : memref<80xi32, #tpu.memory_space<vmem>>) semaphore(%arg10 : memref<!tpu.dma_semaphore, #tpu.memory_space<semaphore_mem>>) {add = true}
      %mul3A_696 = arith.constant 25 : i32
      %mul3A_697 = arith.muli %scan3A_26, %mul3A_696 : i32
      %add3A_698 = arith.constant 20 : i32
      %add3A_699 = arith.addi %mul3A_697, %add3A_698 : i32
      %dma_start3A_700 = arith.constant 1600 : i32
      %dma_start3A_701 = tpu.memref_slice %arg8[%dma_start3A_700] : memref<2000xf32, #tpu.memory_space<vmem>> -> memref<80xf32, #tpu.memory_space<vmem>>
      %dma_start3A_702 = arith.constant 0 : i32
      %dma_start3A_703 = tpu.memref_slice %arg7[%add3A_699, %dma_start3A_702] : memref<125x80xi32, #tpu.memory_space<vmem>> -> memref<1x80xi32, #tpu.memory_space<vmem>>
      %dma_start3A_704 = tpu.memref_squeeze %dma_start3A_703 : memref<1x80xi32, #tpu.memory_space<vmem>> -> memref<80xi32, #tpu.memory_space<vmem>>
      %dma_start3A_705 = arith.constant 0 : i32
      %dma_start3A_706 = tpu.memref_slice %arg12[%dma_start3A_705] : memref<10240xf32, #tpu.memory_space<vmem_shared>> -> memref<10240xf32, #tpu.memory_space<vmem_shared>>
      tpu.enqueue_indirect_dma source(%dma_start3A_701 : memref<80xf32, #tpu.memory_space<vmem>>) target(%dma_start3A_706 : memref<10240xf32, #tpu.memory_space<vmem_shared>>) offsets(%dma_start3A_704 : memref<80xi32, #tpu.memory_space<vmem>>) semaphore(%arg10 : memref<!tpu.dma_semaphore, #tpu.memory_space<semaphore_mem>>) {add = true}
      %mul3A_707 = arith.constant 25 : i32
      %mul3A_708 = arith.muli %scan3A_26, %mul3A_707 : i32
      %add3A_709 = arith.constant 21 : i32
      %add3A_710 = arith.addi %mul3A_708, %add3A_709 : i32
      %dma_start3A_711 = arith.constant 1680 : i32
      %dma_start3A_712 = tpu.memref_slice %arg8[%dma_start3A_711] : memref<2000xf32, #tpu.memory_space<vmem>> -> memref<80xf32, #tpu.memory_space<vmem>>
      %dma_start3A_713 = arith.constant 0 : i32
      %dma_start3A_714 = tpu.memref_slice %arg7[%add3A_710, %dma_start3A_713] : memref<125x80xi32, #tpu.memory_space<vmem>> -> memref<1x80xi32, #tpu.memory_space<vmem>>
      %dma_start3A_715 = tpu.memref_squeeze %dma_start3A_714 : memref<1x80xi32, #tpu.memory_space<vmem>> -> memref<80xi32, #tpu.memory_space<vmem>>
      %dma_start3A_716 = arith.constant 0 : i32
      %dma_start3A_717 = tpu.memref_slice %arg12[%dma_start3A_716] : memref<10240xf32, #tpu.memory_space<vmem_shared>> -> memref<10240xf32, #tpu.memory_space<vmem_shared>>
      tpu.enqueue_indirect_dma source(%dma_start3A_712 : memref<80xf32, #tpu.memory_space<vmem>>) target(%dma_start3A_717 : memref<10240xf32, #tpu.memory_space<vmem_shared>>) offsets(%dma_start3A_715 : memref<80xi32, #tpu.memory_space<vmem>>) semaphore(%arg10 : memref<!tpu.dma_semaphore, #tpu.memory_space<semaphore_mem>>) {add = true}
      %mul3A_718 = arith.constant 25 : i32
      %mul3A_719 = arith.muli %scan3A_26, %mul3A_718 : i32
      %add3A_720 = arith.constant 22 : i32
      %add3A_721 = arith.addi %mul3A_719, %add3A_720 : i32
      %dma_start3A_722 = arith.constant 1760 : i32
      %dma_start3A_723 = tpu.memref_slice %arg8[%dma_start3A_722] : memref<2000xf32, #tpu.memory_space<vmem>> -> memref<80xf32, #tpu.memory_space<vmem>>
      %dma_start3A_724 = arith.constant 0 : i32
      %dma_start3A_725 = tpu.memref_slice %arg7[%add3A_721, %dma_start3A_724] : memref<125x80xi32, #tpu.memory_space<vmem>> -> memref<1x80xi32, #tpu.memory_space<vmem>>
      %dma_start3A_726 = tpu.memref_squeeze %dma_start3A_725 : memref<1x80xi32, #tpu.memory_space<vmem>> -> memref<80xi32, #tpu.memory_space<vmem>>
      %dma_start3A_727 = arith.constant 0 : i32
      %dma_start3A_728 = tpu.memref_slice %arg12[%dma_start3A_727] : memref<10240xf32, #tpu.memory_space<vmem_shared>> -> memref<10240xf32, #tpu.memory_space<vmem_shared>>
      tpu.enqueue_indirect_dma source(%dma_start3A_723 : memref<80xf32, #tpu.memory_space<vmem>>) target(%dma_start3A_728 : memref<10240xf32, #tpu.memory_space<vmem_shared>>) offsets(%dma_start3A_726 : memref<80xi32, #tpu.memory_space<vmem>>) semaphore(%arg10 : memref<!tpu.dma_semaphore, #tpu.memory_space<semaphore_mem>>) {add = true}
      %mul3A_729 = arith.constant 25 : i32
      %mul3A_730 = arith.muli %scan3A_26, %mul3A_729 : i32
      %add3A_731 = arith.constant 23 : i32
      %add3A_732 = arith.addi %mul3A_730, %add3A_731 : i32
      %dma_start3A_733 = arith.constant 1840 : i32
      %dma_start3A_734 = tpu.memref_slice %arg8[%dma_start3A_733] : memref<2000xf32, #tpu.memory_space<vmem>> -> memref<80xf32, #tpu.memory_space<vmem>>
      %dma_start3A_735 = arith.constant 0 : i32
      %dma_start3A_736 = tpu.memref_slice %arg7[%add3A_732, %dma_start3A_735] : memref<125x80xi32, #tpu.memory_space<vmem>> -> memref<1x80xi32, #tpu.memory_space<vmem>>
      %dma_start3A_737 = tpu.memref_squeeze %dma_start3A_736 : memref<1x80xi32, #tpu.memory_space<vmem>> -> memref<80xi32, #tpu.memory_space<vmem>>
      %dma_start3A_738 = arith.constant 0 : i32
      %dma_start3A_739 = tpu.memref_slice %arg12[%dma_start3A_738] : memref<10240xf32, #tpu.memory_space<vmem_shared>> -> memref<10240xf32, #tpu.memory_space<vmem_shared>>
      tpu.enqueue_indirect_dma source(%dma_start3A_734 : memref<80xf32, #tpu.memory_space<vmem>>) target(%dma_start3A_739 : memref<10240xf32, #tpu.memory_space<vmem_shared>>) offsets(%dma_start3A_737 : memref<80xi32, #tpu.memory_space<vmem>>) semaphore(%arg10 : memref<!tpu.dma_semaphore, #tpu.memory_space<semaphore_mem>>) {add = true}
      %mul3A_740 = arith.constant 25 : i32
      %mul3A_741 = arith.muli %scan3A_26, %mul3A_740 : i32
      %add3A_742 = arith.constant 24 : i32
      %add3A_743 = arith.addi %mul3A_741, %add3A_742 : i32
      %dma_start3A_744 = arith.constant 1920 : i32
      %dma_start3A_745 = tpu.memref_slice %arg8[%dma_start3A_744] : memref<2000xf32, #tpu.memory_space<vmem>> -> memref<80xf32, #tpu.memory_space<vmem>>
      %dma_start3A_746 = arith.constant 0 : i32
      %dma_start3A_747 = tpu.memref_slice %arg7[%add3A_743, %dma_start3A_746] : memref<125x80xi32, #tpu.memory_space<vmem>> -> memref<1x80xi32, #tpu.memory_space<vmem>>
      %dma_start3A_748 = tpu.memref_squeeze %dma_start3A_747 : memref<1x80xi32, #tpu.memory_space<vmem>> -> memref<80xi32, #tpu.memory_space<vmem>>
      %dma_start3A_749 = arith.constant 0 : i32
      %dma_start3A_750 = tpu.memref_slice %arg12[%dma_start3A_749] : memref<10240xf32, #tpu.memory_space<vmem_shared>> -> memref<10240xf32, #tpu.memory_space<vmem_shared>>
      tpu.enqueue_indirect_dma source(%dma_start3A_745 : memref<80xf32, #tpu.memory_space<vmem>>) target(%dma_start3A_750 : memref<10240xf32, #tpu.memory_space<vmem_shared>>) offsets(%dma_start3A_748 : memref<80xi32, #tpu.memory_space<vmem>>) semaphore(%arg10 : memref<!tpu.dma_semaphore, #tpu.memory_space<semaphore_mem>>) {add = true}
      %dma_wait3A_751 = arith.constant 0 : i32
      %dma_wait3A_752 = tpu.memref_slice %arg8[%dma_wait3A_751] : memref<2000xf32, #tpu.memory_space<vmem>> -> memref<80xf32, #tpu.memory_space<vmem>>
      %dma_wait3A_753 = arith.constant 0 : i32
      %dma_wait3A_754 = tpu.memref_slice %arg7[%add3A_479, %dma_wait3A_753] : memref<125x80xi32, #tpu.memory_space<vmem>> -> memref<1x80xi32, #tpu.memory_space<vmem>>
      %dma_wait3A_755 = tpu.memref_squeeze %dma_wait3A_754 : memref<1x80xi32, #tpu.memory_space<vmem>> -> memref<80xi32, #tpu.memory_space<vmem>>
      %dma_wait3A_756 = arith.constant 0 : i32
      %dma_wait3A_757 = tpu.memref_slice %arg12[%dma_wait3A_756] : memref<10240xf32, #tpu.memory_space<vmem_shared>> -> memref<10240xf32, #tpu.memory_space<vmem_shared>>
      tpu.wait_indirect_dma semaphore(%arg10 : memref<!tpu.dma_semaphore, #tpu.memory_space<semaphore_mem>>) src(%dma_wait3A_752 : memref<80xf32, #tpu.memory_space<vmem>>) dst(%dma_wait3A_757 : memref<10240xf32, #tpu.memory_space<vmem_shared>>)
      %dma_wait3A_758 = arith.constant 80 : i32
      %dma_wait3A_759 = tpu.memref_slice %arg8[%dma_wait3A_758] : memref<2000xf32, #tpu.memory_space<vmem>> -> memref<80xf32, #tpu.memory_space<vmem>>
      %dma_wait3A_760 = arith.constant 0 : i32
      %dma_wait3A_761 = tpu.memref_slice %arg7[%add3A_490, %dma_wait3A_760] : memref<125x80xi32, #tpu.memory_space<vmem>> -> memref<1x80xi32, #tpu.memory_space<vmem>>
      %dma_wait3A_762 = tpu.memref_squeeze %dma_wait3A_761 : memref<1x80xi32, #tpu.memory_space<vmem>> -> memref<80xi32, #tpu.memory_space<vmem>>
      %dma_wait3A_763 = arith.constant 0 : i32
      %dma_wait3A_764 = tpu.memref_slice %arg12[%dma_wait3A_763] : memref<10240xf32, #tpu.memory_space<vmem_shared>> -> memref<10240xf32, #tpu.memory_space<vmem_shared>>
      tpu.wait_indirect_dma semaphore(%arg10 : memref<!tpu.dma_semaphore, #tpu.memory_space<semaphore_mem>>) src(%dma_wait3A_759 : memref<80xf32, #tpu.memory_space<vmem>>) dst(%dma_wait3A_764 : memref<10240xf32, #tpu.memory_space<vmem_shared>>)
      %dma_wait3A_765 = arith.constant 160 : i32
      %dma_wait3A_766 = tpu.memref_slice %arg8[%dma_wait3A_765] : memref<2000xf32, #tpu.memory_space<vmem>> -> memref<80xf32, #tpu.memory_space<vmem>>
      %dma_wait3A_767 = arith.constant 0 : i32
      %dma_wait3A_768 = tpu.memref_slice %arg7[%add3A_501, %dma_wait3A_767] : memref<125x80xi32, #tpu.memory_space<vmem>> -> memref<1x80xi32, #tpu.memory_space<vmem>>
      %dma_wait3A_769 = tpu.memref_squeeze %dma_wait3A_768 : memref<1x80xi32, #tpu.memory_space<vmem>> -> memref<80xi32, #tpu.memory_space<vmem>>
      %dma_wait3A_770 = arith.constant 0 : i32
      %dma_wait3A_771 = tpu.memref_slice %arg12[%dma_wait3A_770] : memref<10240xf32, #tpu.memory_space<vmem_shared>> -> memref<10240xf32, #tpu.memory_space<vmem_shared>>
      tpu.wait_indirect_dma semaphore(%arg10 : memref<!tpu.dma_semaphore, #tpu.memory_space<semaphore_mem>>) src(%dma_wait3A_766 : memref<80xf32, #tpu.memory_space<vmem>>) dst(%dma_wait3A_771 : memref<10240xf32, #tpu.memory_space<vmem_shared>>)
      %dma_wait3A_772 = arith.constant 240 : i32
      %dma_wait3A_773 = tpu.memref_slice %arg8[%dma_wait3A_772] : memref<2000xf32, #tpu.memory_space<vmem>> -> memref<80xf32, #tpu.memory_space<vmem>>
      %dma_wait3A_774 = arith.constant 0 : i32
      %dma_wait3A_775 = tpu.memref_slice %arg7[%add3A_512, %dma_wait3A_774] : memref<125x80xi32, #tpu.memory_space<vmem>> -> memref<1x80xi32, #tpu.memory_space<vmem>>
      %dma_wait3A_776 = tpu.memref_squeeze %dma_wait3A_775 : memref<1x80xi32, #tpu.memory_space<vmem>> -> memref<80xi32, #tpu.memory_space<vmem>>
      %dma_wait3A_777 = arith.constant 0 : i32
      %dma_wait3A_778 = tpu.memref_slice %arg12[%dma_wait3A_777] : memref<10240xf32, #tpu.memory_space<vmem_shared>> -> memref<10240xf32, #tpu.memory_space<vmem_shared>>
      tpu.wait_indirect_dma semaphore(%arg10 : memref<!tpu.dma_semaphore, #tpu.memory_space<semaphore_mem>>) src(%dma_wait3A_773 : memref<80xf32, #tpu.memory_space<vmem>>) dst(%dma_wait3A_778 : memref<10240xf32, #tpu.memory_space<vmem_shared>>)
      %dma_wait3A_779 = arith.constant 320 : i32
      %dma_wait3A_780 = tpu.memref_slice %arg8[%dma_wait3A_779] : memref<2000xf32, #tpu.memory_space<vmem>> -> memref<80xf32, #tpu.memory_space<vmem>>
      %dma_wait3A_781 = arith.constant 0 : i32
      %dma_wait3A_782 = tpu.memref_slice %arg7[%add3A_523, %dma_wait3A_781] : memref<125x80xi32, #tpu.memory_space<vmem>> -> memref<1x80xi32, #tpu.memory_space<vmem>>
      %dma_wait3A_783 = tpu.memref_squeeze %dma_wait3A_782 : memref<1x80xi32, #tpu.memory_space<vmem>> -> memref<80xi32, #tpu.memory_space<vmem>>
      %dma_wait3A_784 = arith.constant 0 : i32
      %dma_wait3A_785 = tpu.memref_slice %arg12[%dma_wait3A_784] : memref<10240xf32, #tpu.memory_space<vmem_shared>> -> memref<10240xf32, #tpu.memory_space<vmem_shared>>
      tpu.wait_indirect_dma semaphore(%arg10 : memref<!tpu.dma_semaphore, #tpu.memory_space<semaphore_mem>>) src(%dma_wait3A_780 : memref<80xf32, #tpu.memory_space<vmem>>) dst(%dma_wait3A_785 : memref<10240xf32, #tpu.memory_space<vmem_shared>>)
      %dma_wait3A_786 = arith.constant 400 : i32
      %dma_wait3A_787 = tpu.memref_slice %arg8[%dma_wait3A_786] : memref<2000xf32, #tpu.memory_space<vmem>> -> memref<80xf32, #tpu.memory_space<vmem>>
      %dma_wait3A_788 = arith.constant 0 : i32
      %dma_wait3A_789 = tpu.memref_slice %arg7[%add3A_534, %dma_wait3A_788] : memref<125x80xi32, #tpu.memory_space<vmem>> -> memref<1x80xi32, #tpu.memory_space<vmem>>
      %dma_wait3A_790 = tpu.memref_squeeze %dma_wait3A_789 : memref<1x80xi32, #tpu.memory_space<vmem>> -> memref<80xi32, #tpu.memory_space<vmem>>
      %dma_wait3A_791 = arith.constant 0 : i32
      %dma_wait3A_792 = tpu.memref_slice %arg12[%dma_wait3A_791] : memref<10240xf32, #tpu.memory_space<vmem_shared>> -> memref<10240xf32, #tpu.memory_space<vmem_shared>>
      tpu.wait_indirect_dma semaphore(%arg10 : memref<!tpu.dma_semaphore, #tpu.memory_space<semaphore_mem>>) src(%dma_wait3A_787 : memref<80xf32, #tpu.memory_space<vmem>>) dst(%dma_wait3A_792 : memref<10240xf32, #tpu.memory_space<vmem_shared>>)
      %dma_wait3A_793 = arith.constant 480 : i32
      %dma_wait3A_794 = tpu.memref_slice %arg8[%dma_wait3A_793] : memref<2000xf32, #tpu.memory_space<vmem>> -> memref<80xf32, #tpu.memory_space<vmem>>
      %dma_wait3A_795 = arith.constant 0 : i32
      %dma_wait3A_796 = tpu.memref_slice %arg7[%add3A_545, %dma_wait3A_795] : memref<125x80xi32, #tpu.memory_space<vmem>> -> memref<1x80xi32, #tpu.memory_space<vmem>>
      %dma_wait3A_797 = tpu.memref_squeeze %dma_wait3A_796 : memref<1x80xi32, #tpu.memory_space<vmem>> -> memref<80xi32, #tpu.memory_space<vmem>>
      %dma_wait3A_798 = arith.constant 0 : i32
      %dma_wait3A_799 = tpu.memref_slice %arg12[%dma_wait3A_798] : memref<10240xf32, #tpu.memory_space<vmem_shared>> -> memref<10240xf32, #tpu.memory_space<vmem_shared>>
      tpu.wait_indirect_dma semaphore(%arg10 : memref<!tpu.dma_semaphore, #tpu.memory_space<semaphore_mem>>) src(%dma_wait3A_794 : memref<80xf32, #tpu.memory_space<vmem>>) dst(%dma_wait3A_799 : memref<10240xf32, #tpu.memory_space<vmem_shared>>)
      %dma_wait3A_800 = arith.constant 560 : i32
      %dma_wait3A_801 = tpu.memref_slice %arg8[%dma_wait3A_800] : memref<2000xf32, #tpu.memory_space<vmem>> -> memref<80xf32, #tpu.memory_space<vmem>>
      %dma_wait3A_802 = arith.constant 0 : i32
      %dma_wait3A_803 = tpu.memref_slice %arg7[%add3A_556, %dma_wait3A_802] : memref<125x80xi32, #tpu.memory_space<vmem>> -> memref<1x80xi32, #tpu.memory_space<vmem>>
      %dma_wait3A_804 = tpu.memref_squeeze %dma_wait3A_803 : memref<1x80xi32, #tpu.memory_space<vmem>> -> memref<80xi32, #tpu.memory_space<vmem>>
      %dma_wait3A_805 = arith.constant 0 : i32
      %dma_wait3A_806 = tpu.memref_slice %arg12[%dma_wait3A_805] : memref<10240xf32, #tpu.memory_space<vmem_shared>> -> memref<10240xf32, #tpu.memory_space<vmem_shared>>
      tpu.wait_indirect_dma semaphore(%arg10 : memref<!tpu.dma_semaphore, #tpu.memory_space<semaphore_mem>>) src(%dma_wait3A_801 : memref<80xf32, #tpu.memory_space<vmem>>) dst(%dma_wait3A_806 : memref<10240xf32, #tpu.memory_space<vmem_shared>>)
      %dma_wait3A_807 = arith.constant 640 : i32
      %dma_wait3A_808 = tpu.memref_slice %arg8[%dma_wait3A_807] : memref<2000xf32, #tpu.memory_space<vmem>> -> memref<80xf32, #tpu.memory_space<vmem>>
      %dma_wait3A_809 = arith.constant 0 : i32
      %dma_wait3A_810 = tpu.memref_slice %arg7[%add3A_567, %dma_wait3A_809] : memref<125x80xi32, #tpu.memory_space<vmem>> -> memref<1x80xi32, #tpu.memory_space<vmem>>
      %dma_wait3A_811 = tpu.memref_squeeze %dma_wait3A_810 : memref<1x80xi32, #tpu.memory_space<vmem>> -> memref<80xi32, #tpu.memory_space<vmem>>
      %dma_wait3A_812 = arith.constant 0 : i32
      %dma_wait3A_813 = tpu.memref_slice %arg12[%dma_wait3A_812] : memref<10240xf32, #tpu.memory_space<vmem_shared>> -> memref<10240xf32, #tpu.memory_space<vmem_shared>>
      tpu.wait_indirect_dma semaphore(%arg10 : memref<!tpu.dma_semaphore, #tpu.memory_space<semaphore_mem>>) src(%dma_wait3A_808 : memref<80xf32, #tpu.memory_space<vmem>>) dst(%dma_wait3A_813 : memref<10240xf32, #tpu.memory_space<vmem_shared>>)
      %dma_wait3A_814 = arith.constant 720 : i32
      %dma_wait3A_815 = tpu.memref_slice %arg8[%dma_wait3A_814] : memref<2000xf32, #tpu.memory_space<vmem>> -> memref<80xf32, #tpu.memory_space<vmem>>
      %dma_wait3A_816 = arith.constant 0 : i32
      %dma_wait3A_817 = tpu.memref_slice %arg7[%add3A_578, %dma_wait3A_816] : memref<125x80xi32, #tpu.memory_space<vmem>> -> memref<1x80xi32, #tpu.memory_space<vmem>>
      %dma_wait3A_818 = tpu.memref_squeeze %dma_wait3A_817 : memref<1x80xi32, #tpu.memory_space<vmem>> -> memref<80xi32, #tpu.memory_space<vmem>>
      %dma_wait3A_819 = arith.constant 0 : i32
      %dma_wait3A_820 = tpu.memref_slice %arg12[%dma_wait3A_819] : memref<10240xf32, #tpu.memory_space<vmem_shared>> -> memref<10240xf32, #tpu.memory_space<vmem_shared>>
      tpu.wait_indirect_dma semaphore(%arg10 : memref<!tpu.dma_semaphore, #tpu.memory_space<semaphore_mem>>) src(%dma_wait3A_815 : memref<80xf32, #tpu.memory_space<vmem>>) dst(%dma_wait3A_820 : memref<10240xf32, #tpu.memory_space<vmem_shared>>)
      %dma_wait3A_821 = arith.constant 800 : i32
      %dma_wait3A_822 = tpu.memref_slice %arg8[%dma_wait3A_821] : memref<2000xf32, #tpu.memory_space<vmem>> -> memref<80xf32, #tpu.memory_space<vmem>>
      %dma_wait3A_823 = arith.constant 0 : i32
      %dma_wait3A_824 = tpu.memref_slice %arg7[%add3A_589, %dma_wait3A_823] : memref<125x80xi32, #tpu.memory_space<vmem>> -> memref<1x80xi32, #tpu.memory_space<vmem>>
      %dma_wait3A_825 = tpu.memref_squeeze %dma_wait3A_824 : memref<1x80xi32, #tpu.memory_space<vmem>> -> memref<80xi32, #tpu.memory_space<vmem>>
      %dma_wait3A_826 = arith.constant 0 : i32
      %dma_wait3A_827 = tpu.memref_slice %arg12[%dma_wait3A_826] : memref<10240xf32, #tpu.memory_space<vmem_shared>> -> memref<10240xf32, #tpu.memory_space<vmem_shared>>
      tpu.wait_indirect_dma semaphore(%arg10 : memref<!tpu.dma_semaphore, #tpu.memory_space<semaphore_mem>>) src(%dma_wait3A_822 : memref<80xf32, #tpu.memory_space<vmem>>) dst(%dma_wait3A_827 : memref<10240xf32, #tpu.memory_space<vmem_shared>>)
      %dma_wait3A_828 = arith.constant 880 : i32
      %dma_wait3A_829 = tpu.memref_slice %arg8[%dma_wait3A_828] : memref<2000xf32, #tpu.memory_space<vmem>> -> memref<80xf32, #tpu.memory_space<vmem>>
      %dma_wait3A_830 = arith.constant 0 : i32
      %dma_wait3A_831 = tpu.memref_slice %arg7[%add3A_600, %dma_wait3A_830] : memref<125x80xi32, #tpu.memory_space<vmem>> -> memref<1x80xi32, #tpu.memory_space<vmem>>
      %dma_wait3A_832 = tpu.memref_squeeze %dma_wait3A_831 : memref<1x80xi32, #tpu.memory_space<vmem>> -> memref<80xi32, #tpu.memory_space<vmem>>
      %dma_wait3A_833 = arith.constant 0 : i32
      %dma_wait3A_834 = tpu.memref_slice %arg12[%dma_wait3A_833] : memref<10240xf32, #tpu.memory_space<vmem_shared>> -> memref<10240xf32, #tpu.memory_space<vmem_shared>>
      tpu.wait_indirect_dma semaphore(%arg10 : memref<!tpu.dma_semaphore, #tpu.memory_space<semaphore_mem>>) src(%dma_wait3A_829 : memref<80xf32, #tpu.memory_space<vmem>>) dst(%dma_wait3A_834 : memref<10240xf32, #tpu.memory_space<vmem_shared>>)
      %dma_wait3A_835 = arith.constant 960 : i32
      %dma_wait3A_836 = tpu.memref_slice %arg8[%dma_wait3A_835] : memref<2000xf32, #tpu.memory_space<vmem>> -> memref<80xf32, #tpu.memory_space<vmem>>
      %dma_wait3A_837 = arith.constant 0 : i32
      %dma_wait3A_838 = tpu.memref_slice %arg7[%add3A_611, %dma_wait3A_837] : memref<125x80xi32, #tpu.memory_space<vmem>> -> memref<1x80xi32, #tpu.memory_space<vmem>>
      %dma_wait3A_839 = tpu.memref_squeeze %dma_wait3A_838 : memref<1x80xi32, #tpu.memory_space<vmem>> -> memref<80xi32, #tpu.memory_space<vmem>>
      %dma_wait3A_840 = arith.constant 0 : i32
      %dma_wait3A_841 = tpu.memref_slice %arg12[%dma_wait3A_840] : memref<10240xf32, #tpu.memory_space<vmem_shared>> -> memref<10240xf32, #tpu.memory_space<vmem_shared>>
      tpu.wait_indirect_dma semaphore(%arg10 : memref<!tpu.dma_semaphore, #tpu.memory_space<semaphore_mem>>) src(%dma_wait3A_836 : memref<80xf32, #tpu.memory_space<vmem>>) dst(%dma_wait3A_841 : memref<10240xf32, #tpu.memory_space<vmem_shared>>)
      %dma_wait3A_842 = arith.constant 1040 : i32
      %dma_wait3A_843 = tpu.memref_slice %arg8[%dma_wait3A_842] : memref<2000xf32, #tpu.memory_space<vmem>> -> memref<80xf32, #tpu.memory_space<vmem>>
      %dma_wait3A_844 = arith.constant 0 : i32
      %dma_wait3A_845 = tpu.memref_slice %arg7[%add3A_622, %dma_wait3A_844] : memref<125x80xi32, #tpu.memory_space<vmem>> -> memref<1x80xi32, #tpu.memory_space<vmem>>
      %dma_wait3A_846 = tpu.memref_squeeze %dma_wait3A_845 : memref<1x80xi32, #tpu.memory_space<vmem>> -> memref<80xi32, #tpu.memory_space<vmem>>
      %dma_wait3A_847 = arith.constant 0 : i32
      %dma_wait3A_848 = tpu.memref_slice %arg12[%dma_wait3A_847] : memref<10240xf32, #tpu.memory_space<vmem_shared>> -> memref<10240xf32, #tpu.memory_space<vmem_shared>>
      tpu.wait_indirect_dma semaphore(%arg10 : memref<!tpu.dma_semaphore, #tpu.memory_space<semaphore_mem>>) src(%dma_wait3A_843 : memref<80xf32, #tpu.memory_space<vmem>>) dst(%dma_wait3A_848 : memref<10240xf32, #tpu.memory_space<vmem_shared>>)
      %dma_wait3A_849 = arith.constant 1120 : i32
      %dma_wait3A_850 = tpu.memref_slice %arg8[%dma_wait3A_849] : memref<2000xf32, #tpu.memory_space<vmem>> -> memref<80xf32, #tpu.memory_space<vmem>>
      %dma_wait3A_851 = arith.constant 0 : i32
      %dma_wait3A_852 = tpu.memref_slice %arg7[%add3A_633, %dma_wait3A_851] : memref<125x80xi32, #tpu.memory_space<vmem>> -> memref<1x80xi32, #tpu.memory_space<vmem>>
      %dma_wait3A_853 = tpu.memref_squeeze %dma_wait3A_852 : memref<1x80xi32, #tpu.memory_space<vmem>> -> memref<80xi32, #tpu.memory_space<vmem>>
      %dma_wait3A_854 = arith.constant 0 : i32
      %dma_wait3A_855 = tpu.memref_slice %arg12[%dma_wait3A_854] : memref<10240xf32, #tpu.memory_space<vmem_shared>> -> memref<10240xf32, #tpu.memory_space<vmem_shared>>
      tpu.wait_indirect_dma semaphore(%arg10 : memref<!tpu.dma_semaphore, #tpu.memory_space<semaphore_mem>>) src(%dma_wait3A_850 : memref<80xf32, #tpu.memory_space<vmem>>) dst(%dma_wait3A_855 : memref<10240xf32, #tpu.memory_space<vmem_shared>>)
      %dma_wait3A_856 = arith.constant 1200 : i32
      %dma_wait3A_857 = tpu.memref_slice %arg8[%dma_wait3A_856] : memref<2000xf32, #tpu.memory_space<vmem>> -> memref<80xf32, #tpu.memory_space<vmem>>
      %dma_wait3A_858 = arith.constant 0 : i32
      %dma_wait3A_859 = tpu.memref_slice %arg7[%add3A_644, %dma_wait3A_858] : memref<125x80xi32, #tpu.memory_space<vmem>> -> memref<1x80xi32, #tpu.memory_space<vmem>>
      %dma_wait3A_860 = tpu.memref_squeeze %dma_wait3A_859 : memref<1x80xi32, #tpu.memory_space<vmem>> -> memref<80xi32, #tpu.memory_space<vmem>>
      %dma_wait3A_861 = arith.constant 0 : i32
      %dma_wait3A_862 = tpu.memref_slice %arg12[%dma_wait3A_861] : memref<10240xf32, #tpu.memory_space<vmem_shared>> -> memref<10240xf32, #tpu.memory_space<vmem_shared>>
      tpu.wait_indirect_dma semaphore(%arg10 : memref<!tpu.dma_semaphore, #tpu.memory_space<semaphore_mem>>) src(%dma_wait3A_857 : memref<80xf32, #tpu.memory_space<vmem>>) dst(%dma_wait3A_862 : memref<10240xf32, #tpu.memory_space<vmem_shared>>)
      %dma_wait3A_863 = arith.constant 1280 : i32
      %dma_wait3A_864 = tpu.memref_slice %arg8[%dma_wait3A_863] : memref<2000xf32, #tpu.memory_space<vmem>> -> memref<80xf32, #tpu.memory_space<vmem>>
      %dma_wait3A_865 = arith.constant 0 : i32
      %dma_wait3A_866 = tpu.memref_slice %arg7[%add3A_655, %dma_wait3A_865] : memref<125x80xi32, #tpu.memory_space<vmem>> -> memref<1x80xi32, #tpu.memory_space<vmem>>
      %dma_wait3A_867 = tpu.memref_squeeze %dma_wait3A_866 : memref<1x80xi32, #tpu.memory_space<vmem>> -> memref<80xi32, #tpu.memory_space<vmem>>
      %dma_wait3A_868 = arith.constant 0 : i32
      %dma_wait3A_869 = tpu.memref_slice %arg12[%dma_wait3A_868] : memref<10240xf32, #tpu.memory_space<vmem_shared>> -> memref<10240xf32, #tpu.memory_space<vmem_shared>>
      tpu.wait_indirect_dma semaphore(%arg10 : memref<!tpu.dma_semaphore, #tpu.memory_space<semaphore_mem>>) src(%dma_wait3A_864 : memref<80xf32, #tpu.memory_space<vmem>>) dst(%dma_wait3A_869 : memref<10240xf32, #tpu.memory_space<vmem_shared>>)
      %dma_wait3A_870 = arith.constant 1360 : i32
      %dma_wait3A_871 = tpu.memref_slice %arg8[%dma_wait3A_870] : memref<2000xf32, #tpu.memory_space<vmem>> -> memref<80xf32, #tpu.memory_space<vmem>>
      %dma_wait3A_872 = arith.constant 0 : i32
      %dma_wait3A_873 = tpu.memref_slice %arg7[%add3A_666, %dma_wait3A_872] : memref<125x80xi32, #tpu.memory_space<vmem>> -> memref<1x80xi32, #tpu.memory_space<vmem>>
      %dma_wait3A_874 = tpu.memref_squeeze %dma_wait3A_873 : memref<1x80xi32, #tpu.memory_space<vmem>> -> memref<80xi32, #tpu.memory_space<vmem>>
      %dma_wait3A_875 = arith.constant 0 : i32
      %dma_wait3A_876 = tpu.memref_slice %arg12[%dma_wait3A_875] : memref<10240xf32, #tpu.memory_space<vmem_shared>> -> memref<10240xf32, #tpu.memory_space<vmem_shared>>
      tpu.wait_indirect_dma semaphore(%arg10 : memref<!tpu.dma_semaphore, #tpu.memory_space<semaphore_mem>>) src(%dma_wait3A_871 : memref<80xf32, #tpu.memory_space<vmem>>) dst(%dma_wait3A_876 : memref<10240xf32, #tpu.memory_space<vmem_shared>>)
      %dma_wait3A_877 = arith.constant 1440 : i32
      %dma_wait3A_878 = tpu.memref_slice %arg8[%dma_wait3A_877] : memref<2000xf32, #tpu.memory_space<vmem>> -> memref<80xf32, #tpu.memory_space<vmem>>
      %dma_wait3A_879 = arith.constant 0 : i32
      %dma_wait3A_880 = tpu.memref_slice %arg7[%add3A_677, %dma_wait3A_879] : memref<125x80xi32, #tpu.memory_space<vmem>> -> memref<1x80xi32, #tpu.memory_space<vmem>>
      %dma_wait3A_881 = tpu.memref_squeeze %dma_wait3A_880 : memref<1x80xi32, #tpu.memory_space<vmem>> -> memref<80xi32, #tpu.memory_space<vmem>>
      %dma_wait3A_882 = arith.constant 0 : i32
      %dma_wait3A_883 = tpu.memref_slice %arg12[%dma_wait3A_882] : memref<10240xf32, #tpu.memory_space<vmem_shared>> -> memref<10240xf32, #tpu.memory_space<vmem_shared>>
      tpu.wait_indirect_dma semaphore(%arg10 : memref<!tpu.dma_semaphore, #tpu.memory_space<semaphore_mem>>) src(%dma_wait3A_878 : memref<80xf32, #tpu.memory_space<vmem>>) dst(%dma_wait3A_883 : memref<10240xf32, #tpu.memory_space<vmem_shared>>)
      %dma_wait3A_884 = arith.constant 1520 : i32
      %dma_wait3A_885 = tpu.memref_slice %arg8[%dma_wait3A_884] : memref<2000xf32, #tpu.memory_space<vmem>> -> memref<80xf32, #tpu.memory_space<vmem>>
      %dma_wait3A_886 = arith.constant 0 : i32
      %dma_wait3A_887 = tpu.memref_slice %arg7[%add3A_688, %dma_wait3A_886] : memref<125x80xi32, #tpu.memory_space<vmem>> -> memref<1x80xi32, #tpu.memory_space<vmem>>
      %dma_wait3A_888 = tpu.memref_squeeze %dma_wait3A_887 : memref<1x80xi32, #tpu.memory_space<vmem>> -> memref<80xi32, #tpu.memory_space<vmem>>
      %dma_wait3A_889 = arith.constant 0 : i32
      %dma_wait3A_890 = tpu.memref_slice %arg12[%dma_wait3A_889] : memref<10240xf32, #tpu.memory_space<vmem_shared>> -> memref<10240xf32, #tpu.memory_space<vmem_shared>>
      tpu.wait_indirect_dma semaphore(%arg10 : memref<!tpu.dma_semaphore, #tpu.memory_space<semaphore_mem>>) src(%dma_wait3A_885 : memref<80xf32, #tpu.memory_space<vmem>>) dst(%dma_wait3A_890 : memref<10240xf32, #tpu.memory_space<vmem_shared>>)
      %dma_wait3A_891 = arith.constant 1600 : i32
      %dma_wait3A_892 = tpu.memref_slice %arg8[%dma_wait3A_891] : memref<2000xf32, #tpu.memory_space<vmem>> -> memref<80xf32, #tpu.memory_space<vmem>>
      %dma_wait3A_893 = arith.constant 0 : i32
      %dma_wait3A_894 = tpu.memref_slice %arg7[%add3A_699, %dma_wait3A_893] : memref<125x80xi32, #tpu.memory_space<vmem>> -> memref<1x80xi32, #tpu.memory_space<vmem>>
      %dma_wait3A_895 = tpu.memref_squeeze %dma_wait3A_894 : memref<1x80xi32, #tpu.memory_space<vmem>> -> memref<80xi32, #tpu.memory_space<vmem>>
      %dma_wait3A_896 = arith.constant 0 : i32
      %dma_wait3A_897 = tpu.memref_slice %arg12[%dma_wait3A_896] : memref<10240xf32, #tpu.memory_space<vmem_shared>> -> memref<10240xf32, #tpu.memory_space<vmem_shared>>
      tpu.wait_indirect_dma semaphore(%arg10 : memref<!tpu.dma_semaphore, #tpu.memory_space<semaphore_mem>>) src(%dma_wait3A_892 : memref<80xf32, #tpu.memory_space<vmem>>) dst(%dma_wait3A_897 : memref<10240xf32, #tpu.memory_space<vmem_shared>>)
      %dma_wait3A_898 = arith.constant 1680 : i32
      %dma_wait3A_899 = tpu.memref_slice %arg8[%dma_wait3A_898] : memref<2000xf32, #tpu.memory_space<vmem>> -> memref<80xf32, #tpu.memory_space<vmem>>
      %dma_wait3A_900 = arith.constant 0 : i32
      %dma_wait3A_901 = tpu.memref_slice %arg7[%add3A_710, %dma_wait3A_900] : memref<125x80xi32, #tpu.memory_space<vmem>> -> memref<1x80xi32, #tpu.memory_space<vmem>>
      %dma_wait3A_902 = tpu.memref_squeeze %dma_wait3A_901 : memref<1x80xi32, #tpu.memory_space<vmem>> -> memref<80xi32, #tpu.memory_space<vmem>>
      %dma_wait3A_903 = arith.constant 0 : i32
      %dma_wait3A_904 = tpu.memref_slice %arg12[%dma_wait3A_903] : memref<10240xf32, #tpu.memory_space<vmem_shared>> -> memref<10240xf32, #tpu.memory_space<vmem_shared>>
      tpu.wait_indirect_dma semaphore(%arg10 : memref<!tpu.dma_semaphore, #tpu.memory_space<semaphore_mem>>) src(%dma_wait3A_899 : memref<80xf32, #tpu.memory_space<vmem>>) dst(%dma_wait3A_904 : memref<10240xf32, #tpu.memory_space<vmem_shared>>)
      %dma_wait3A_905 = arith.constant 1760 : i32
      %dma_wait3A_906 = tpu.memref_slice %arg8[%dma_wait3A_905] : memref<2000xf32, #tpu.memory_space<vmem>> -> memref<80xf32, #tpu.memory_space<vmem>>
      %dma_wait3A_907 = arith.constant 0 : i32
      %dma_wait3A_908 = tpu.memref_slice %arg7[%add3A_721, %dma_wait3A_907] : memref<125x80xi32, #tpu.memory_space<vmem>> -> memref<1x80xi32, #tpu.memory_space<vmem>>
      %dma_wait3A_909 = tpu.memref_squeeze %dma_wait3A_908 : memref<1x80xi32, #tpu.memory_space<vmem>> -> memref<80xi32, #tpu.memory_space<vmem>>
      %dma_wait3A_910 = arith.constant 0 : i32
      %dma_wait3A_911 = tpu.memref_slice %arg12[%dma_wait3A_910] : memref<10240xf32, #tpu.memory_space<vmem_shared>> -> memref<10240xf32, #tpu.memory_space<vmem_shared>>
      tpu.wait_indirect_dma semaphore(%arg10 : memref<!tpu.dma_semaphore, #tpu.memory_space<semaphore_mem>>) src(%dma_wait3A_906 : memref<80xf32, #tpu.memory_space<vmem>>) dst(%dma_wait3A_911 : memref<10240xf32, #tpu.memory_space<vmem_shared>>)
      %dma_wait3A_912 = arith.constant 1840 : i32
      %dma_wait3A_913 = tpu.memref_slice %arg8[%dma_wait3A_912] : memref<2000xf32, #tpu.memory_space<vmem>> -> memref<80xf32, #tpu.memory_space<vmem>>
      %dma_wait3A_914 = arith.constant 0 : i32
      %dma_wait3A_915 = tpu.memref_slice %arg7[%add3A_732, %dma_wait3A_914] : memref<125x80xi32, #tpu.memory_space<vmem>> -> memref<1x80xi32, #tpu.memory_space<vmem>>
      %dma_wait3A_916 = tpu.memref_squeeze %dma_wait3A_915 : memref<1x80xi32, #tpu.memory_space<vmem>> -> memref<80xi32, #tpu.memory_space<vmem>>
      %dma_wait3A_917 = arith.constant 0 : i32
      %dma_wait3A_918 = tpu.memref_slice %arg12[%dma_wait3A_917] : memref<10240xf32, #tpu.memory_space<vmem_shared>> -> memref<10240xf32, #tpu.memory_space<vmem_shared>>
      tpu.wait_indirect_dma semaphore(%arg10 : memref<!tpu.dma_semaphore, #tpu.memory_space<semaphore_mem>>) src(%dma_wait3A_913 : memref<80xf32, #tpu.memory_space<vmem>>) dst(%dma_wait3A_918 : memref<10240xf32, #tpu.memory_space<vmem_shared>>)
      %dma_wait3A_919 = arith.constant 1920 : i32
      %dma_wait3A_920 = tpu.memref_slice %arg8[%dma_wait3A_919] : memref<2000xf32, #tpu.memory_space<vmem>> -> memref<80xf32, #tpu.memory_space<vmem>>
      %dma_wait3A_921 = arith.constant 0 : i32
      %dma_wait3A_922 = tpu.memref_slice %arg7[%add3A_743, %dma_wait3A_921] : memref<125x80xi32, #tpu.memory_space<vmem>> -> memref<1x80xi32, #tpu.memory_space<vmem>>
      %dma_wait3A_923 = tpu.memref_squeeze %dma_wait3A_922 : memref<1x80xi32, #tpu.memory_space<vmem>> -> memref<80xi32, #tpu.memory_space<vmem>>
      %dma_wait3A_924 = arith.constant 0 : i32
      %dma_wait3A_925 = tpu.memref_slice %arg12[%dma_wait3A_924] : memref<10240xf32, #tpu.memory_space<vmem_shared>> -> memref<10240xf32, #tpu.memory_space<vmem_shared>>
      tpu.wait_indirect_dma semaphore(%arg10 : memref<!tpu.dma_semaphore, #tpu.memory_space<semaphore_mem>>) src(%dma_wait3A_920 : memref<80xf32, #tpu.memory_space<vmem>>) dst(%dma_wait3A_925 : memref<10240xf32, #tpu.memory_space<vmem_shared>>)
      %scan3A_926 = arith.constant 0 : i32
      scf.yield %scan3A_926 : i32
    }
    %scan3A_20 = arith.constant 5 : i32
    %barrier3A_21 = arith.constant 0 : index
    tpu.barrier barrier_id(%barrier3A_21)
    %mul3A_22 = arith.constant 640 : i32
    %mul3A_23 = arith.muli %arg1, %mul3A_22 : i32
    %mul3A_24 = arith.constant 640 : i32
    %mul3A_25 = arith.muli %arg1, %mul3A_24 : i32
    "tpu.region"() ({
      %run_scoped3A = tpu.sem_alloc : memref<!tpu.dma_semaphore, #tpu.memory_space<semaphore_mem>>
      %dma_start3A = tpu.memref_slice %arg5[%arg0, %mul3A_25] : memref<2x10240xf32, #tpu.memory_space<hbm>> -> memref<1x640xf32, #tpu.memory_space<hbm>>
      %dma_start3A_26 = tpu.memref_squeeze %dma_start3A : memref<1x640xf32, #tpu.memory_space<hbm>> -> memref<640xf32, #tpu.memory_space<hbm>>
      %dma_start3A_27 = tpu.memref_slice %arg12[%mul3A_23] : memref<10240xf32, #tpu.memory_space<vmem_shared>> -> memref<640xf32, #tpu.memory_space<vmem_shared>>
      tpu.enqueue_dma source(%dma_start3A_27 : memref<640xf32, #tpu.memory_space<vmem_shared>>) target(%dma_start3A_26 : memref<640xf32, #tpu.memory_space<hbm>>) target_semaphore(%run_scoped3A : memref<!tpu.dma_semaphore, #tpu.memory_space<semaphore_mem>>)
      %dma_wait3A = tpu.memref_slice %arg5[%arg0, %mul3A_25] : memref<2x10240xf32, #tpu.memory_space<hbm>> -> memref<1x640xf32, #tpu.memory_space<hbm>>
      %dma_wait3A_28 = tpu.memref_squeeze %dma_wait3A : memref<1x640xf32, #tpu.memory_space<hbm>> -> memref<640xf32, #tpu.memory_space<hbm>>
      %dma_wait3A_29 = tpu.memref_slice %arg12[%mul3A_23] : memref<10240xf32, #tpu.memory_space<vmem_shared>> -> memref<640xf32, #tpu.memory_space<vmem_shared>>
      tpu.wait_dma2 semaphore(%run_scoped3A : memref<!tpu.dma_semaphore, #tpu.memory_space<semaphore_mem>>) src(%dma_wait3A_29 : memref<640xf32, #tpu.memory_space<vmem_shared>>) dst(%dma_wait3A_28 : memref<640xf32, #tpu.memory_space<hbm>>)
      tpu.yield
    }) : () -> ()
    return
  }
}

#map = affine_map<(d0, d1) -> (0)>
#map1 = affine_map<(d0, d1) -> (0, 0, 0)>
#map2 = affine_map<(d0, d1) -> (0, 0)>
module attributes {stable_mosaic.version = 14 : i64} {
  func.func @_k3(%arg0: i32, %arg1: i32, %arg2: memref<337920xi32, #tpu.memory_space<hbm>>, %arg3: memref<32x132x80xi32, #tpu.memory_space<hbm>>, %arg4: memref<10240x128xf32, #tpu.memory_space<hbm>>, %arg5: memref<2x10240x128xf32, #tpu.memory_space<hbm>>, %arg6: memref<10560xi32, #tpu.memory_space<vmem>>, %arg7: memref<6x80xi32, #tpu.memory_space<vmem>>, %arg8: memref<80x128xf32, #tpu.memory_space<vmem>>, %arg9: memref<80x128xf32, #tpu.memory_space<vmem>>, %arg10: memref<80x128xf32, #tpu.memory_space<vmem>>, %arg11: memref<!tpu.dma_semaphore, #tpu.memory_space<semaphore_mem>>, %arg12: memref<!tpu.dma_semaphore, #tpu.memory_space<semaphore_mem>>, %arg13: memref<!tpu.dma_semaphore, #tpu.memory_space<semaphore_mem>>, %arg14: memref<!tpu.dma_semaphore, #tpu.memory_space<semaphore_mem>>, %arg15: memref<!tpu.dma_semaphore, #tpu.memory_space<semaphore_mem>>, %arg16: memref<!tpu.dma_semaphore, #tpu.memory_space<semaphore_mem>>, %arg17: memref<!tpu.dma_semaphore, #tpu.memory_space<semaphore_mem>>, %arg18: memref<!tpu.dma_semaphore, #tpu.memory_space<semaphore_mem>>, %arg19: memref<!tpu.dma_semaphore, #tpu.memory_space<semaphore_mem>>, %arg20: memref<10240x128xf32, #tpu.memory_space<vmem_shared>>) attributes {dimension_semantics = [#tpu.dimension_semantics<core_parallel>, #tpu.dimension_semantics<subcore_parallel>], iteration_bounds = array<i64: 2, 16>, scalar_prefetch = 0 : i64, scratch_operands = 15 : i64, tpu.core_type = #tpu.core_type<sc_vector_subcore>, window_params = [{transform_indices = #map}, {transform_indices = #map1}, {transform_indices = #map2}, {transform_indices = #map1}]} {
    %mul3A = arith.constant 16 : i32
    %mul3A_0 = arith.muli %arg0, %mul3A : i32
    %add3A = arith.addi %mul3A_0, %arg1 : i32
    %scan3A = arith.constant 0 : i32
    %scan3A_1 = arith.constant 0 : i32
    %scan3A_2 = arith.constant 80 : i32
    %scan3A_3 = arith.addi %scan3A_1, %scan3A_2 : i32
    %scan3A_4 = arith.constant 1 : i32
    %scan3A_5 = scf.for %scan3A_482 = %scan3A_1 to %scan3A_3 step %scan3A_4 iter_args(%scan3A_483 = %scan3A) -> (i32)  : i32 {
      %broadcast_in_dim3A = arith.constant 0.000000e+00 : f32
      %broadcast_in_dim3A_484 = vector.broadcast %broadcast_in_dim3A : f32 to vector<16xf32>
      %swap3A = arith.index_cast %scan3A_482 : i32 to index
      %swap3A_485 = arith.constant 0 : index
      %swap3A_486 = tpu.vector_load %arg8[%swap3A, %swap3A_485] {strides = array<i32>} : memref<80x128xf32, #tpu.memory_space<vmem>>, vector<1x16xf32>,
      %swap3A_487 = vector.shape_cast %swap3A_486 : vector<1x16xf32> to vector<16xf32>
      %swap3A_488 = vector.shape_cast %broadcast_in_dim3A_484 : vector<16xf32> to vector<1x16xf32>
      tpu.vector_store %arg8[%swap3A, %swap3A_485], %swap3A_488 {strides = array<i32>} : memref<80x128xf32, #tpu.memory_space<vmem>>, vector<1x16xf32>,
      %broadcast_in_dim3A_489 = arith.constant 0.000000e+00 : f32
      %broadcast_in_dim3A_490 = vector.broadcast %broadcast_in_dim3A_489 : f32 to vector<16xf32>
      %swap3A_491 = arith.index_cast %scan3A_482 : i32 to index
      %swap3A_492 = arith.constant 16 : index
      %swap3A_493 = tpu.vector_load %arg8[%swap3A_491, %swap3A_492] {strides = array<i32>} : memref<80x128xf32, #tpu.memory_space<vmem>>, vector<1x16xf32>,
      %swap3A_494 = vector.shape_cast %swap3A_493 : vector<1x16xf32> to vector<16xf32>
      %swap3A_495 = vector.shape_cast %broadcast_in_dim3A_490 : vector<16xf32> to vector<1x16xf32>
      tpu.vector_store %arg8[%swap3A_491, %swap3A_492], %swap3A_495 {strides = array<i32>} : memref<80x128xf32, #tpu.memory_space<vmem>>, vector<1x16xf32>,
      %broadcast_in_dim3A_496 = arith.constant 0.000000e+00 : f32
      %broadcast_in_dim3A_497 = vector.broadcast %broadcast_in_dim3A_496 : f32 to vector<16xf32>
      %swap3A_498 = arith.index_cast %scan3A_482 : i32 to index
      %swap3A_499 = arith.constant 32 : index
      %swap3A_500 = tpu.vector_load %arg8[%swap3A_498, %swap3A_499] {strides = array<i32>} : memref<80x128xf32, #tpu.memory_space<vmem>>, vector<1x16xf32>,
      %swap3A_501 = vector.shape_cast %swap3A_500 : vector<1x16xf32> to vector<16xf32>
      %swap3A_502 = vector.shape_cast %broadcast_in_dim3A_497 : vector<16xf32> to vector<1x16xf32>
      tpu.vector_store %arg8[%swap3A_498, %swap3A_499], %swap3A_502 {strides = array<i32>} : memref<80x128xf32, #tpu.memory_space<vmem>>, vector<1x16xf32>,
      %broadcast_in_dim3A_503 = arith.constant 0.000000e+00 : f32
      %broadcast_in_dim3A_504 = vector.broadcast %broadcast_in_dim3A_503 : f32 to vector<16xf32>
      %swap3A_505 = arith.index_cast %scan3A_482 : i32 to index
      %swap3A_506 = arith.constant 48 : index
      %swap3A_507 = tpu.vector_load %arg8[%swap3A_505, %swap3A_506] {strides = array<i32>} : memref<80x128xf32, #tpu.memory_space<vmem>>, vector<1x16xf32>,
      %swap3A_508 = vector.shape_cast %swap3A_507 : vector<1x16xf32> to vector<16xf32>
      %swap3A_509 = vector.shape_cast %broadcast_in_dim3A_504 : vector<16xf32> to vector<1x16xf32>
      tpu.vector_store %arg8[%swap3A_505, %swap3A_506], %swap3A_509 {strides = array<i32>} : memref<80x128xf32, #tpu.memory_space<vmem>>, vector<1x16xf32>,
      %broadcast_in_dim3A_510 = arith.constant 0.000000e+00 : f32
      %broadcast_in_dim3A_511 = vector.broadcast %broadcast_in_dim3A_510 : f32 to vector<16xf32>
      %swap3A_512 = arith.index_cast %scan3A_482 : i32 to index
      %swap3A_513 = arith.constant 64 : index
      %swap3A_514 = tpu.vector_load %arg8[%swap3A_512, %swap3A_513] {strides = array<i32>} : memref<80x128xf32, #tpu.memory_space<vmem>>, vector<1x16xf32>,
      %swap3A_515 = vector.shape_cast %swap3A_514 : vector<1x16xf32> to vector<16xf32>
      %swap3A_516 = vector.shape_cast %broadcast_in_dim3A_511 : vector<16xf32> to vector<1x16xf32>
      tpu.vector_store %arg8[%swap3A_512, %swap3A_513], %swap3A_516 {strides = array<i32>} : memref<80x128xf32, #tpu.memory_space<vmem>>, vector<1x16xf32>,
      %broadcast_in_dim3A_517 = arith.constant 0.000000e+00 : f32
      %broadcast_in_dim3A_518 = vector.broadcast %broadcast_in_dim3A_517 : f32 to vector<16xf32>
      %swap3A_519 = arith.index_cast %scan3A_482 : i32 to index
      %swap3A_520 = arith.constant 80 : index
      %swap3A_521 = tpu.vector_load %arg8[%swap3A_519, %swap3A_520] {strides = array<i32>} : memref<80x128xf32, #tpu.memory_space<vmem>>, vector<1x16xf32>,
      %swap3A_522 = vector.shape_cast %swap3A_521 : vector<1x16xf32> to vector<16xf32>
      %swap3A_523 = vector.shape_cast %broadcast_in_dim3A_518 : vector<16xf32> to vector<1x16xf32>
      tpu.vector_store %arg8[%swap3A_519, %swap3A_520], %swap3A_523 {strides = array<i32>} : memref<80x128xf32, #tpu.memory_space<vmem>>, vector<1x16xf32>,
      %broadcast_in_dim3A_524 = arith.constant 0.000000e+00 : f32
      %broadcast_in_dim3A_525 = vector.broadcast %broadcast_in_dim3A_524 : f32 to vector<16xf32>
      %swap3A_526 = arith.index_cast %scan3A_482 : i32 to index
      %swap3A_527 = arith.constant 96 : index
      %swap3A_528 = tpu.vector_load %arg8[%swap3A_526, %swap3A_527] {strides = array<i32>} : memref<80x128xf32, #tpu.memory_space<vmem>>, vector<1x16xf32>,
      %swap3A_529 = vector.shape_cast %swap3A_528 : vector<1x16xf32> to vector<16xf32>
      %swap3A_530 = vector.shape_cast %broadcast_in_dim3A_525 : vector<16xf32> to vector<1x16xf32>
      tpu.vector_store %arg8[%swap3A_526, %swap3A_527], %swap3A_530 {strides = array<i32>} : memref<80x128xf32, #tpu.memory_space<vmem>>, vector<1x16xf32>,
      %broadcast_in_dim3A_531 = arith.constant 0.000000e+00 : f32
      %broadcast_in_dim3A_532 = vector.broadcast %broadcast_in_dim3A_531 : f32 to vector<16xf32>
      %swap3A_533 = arith.index_cast %scan3A_482 : i32 to index
      %swap3A_534 = arith.constant 112 : index
      %swap3A_535 = tpu.vector_load %arg8[%swap3A_533, %swap3A_534] {strides = array<i32>} : memref<80x128xf32, #tpu.memory_space<vmem>>, vector<1x16xf32>,
      %swap3A_536 = vector.shape_cast %swap3A_535 : vector<1x16xf32> to vector<16xf32>
      %swap3A_537 = vector.shape_cast %broadcast_in_dim3A_532 : vector<16xf32> to vector<1x16xf32>
      tpu.vector_store %arg8[%swap3A_533, %swap3A_534], %swap3A_537 {strides = array<i32>} : memref<80x128xf32, #tpu.memory_space<vmem>>, vector<1x16xf32>,
      %scan3A_538 = arith.constant 0 : i32
      scf.yield %scan3A_538 : i32
    }
    %scan3A_6 = arith.constant 80 : i32
    %mul3A_7 = arith.constant 640 : i32
    %mul3A_8 = arith.muli %arg1, %mul3A_7 : i32
    %add3A_9 = arith.constant 0 : i32
    %add3A_10 = arith.addi %mul3A_8, %add3A_9 : i32
    "tpu.region"() ({
      %run_scoped3A = tpu.sem_alloc : memref<!tpu.dma_semaphore, #tpu.memory_space<semaphore_mem>>
      %dma_start3A_482 = arith.constant 0 : i32
      %dma_start3A_483 = tpu.memref_slice %arg20[%add3A_10, %dma_start3A_482] : memref<10240x128xf32, #tpu.memory_space<vmem_shared>> -> memref<80x128xf32, #tpu.memory_space<vmem_shared>>
      %dma_start3A_484 = arith.constant 0 : i32
      %dma_start3A_485 = tpu.memref_slice %arg20[%add3A_10, %dma_start3A_484] : memref<10240x128xf32, #tpu.memory_space<vmem_shared>> -> memref<80x128xf32, #tpu.memory_space<vmem_shared>>
      tpu.enqueue_dma source(%arg8 : memref<80x128xf32, #tpu.memory_space<vmem>>) target(%dma_start3A_485 : memref<80x128xf32, #tpu.memory_space<vmem_shared>>) target_semaphore(%run_scoped3A : memref<!tpu.dma_semaphore, #tpu.memory_space<semaphore_mem>>)
      %dma_wait3A_486 = arith.constant 0 : i32
      %dma_wait3A_487 = tpu.memref_slice %arg20[%add3A_10, %dma_wait3A_486] : memref<10240x128xf32, #tpu.memory_space<vmem_shared>> -> memref<80x128xf32, #tpu.memory_space<vmem_shared>>
      %dma_wait3A_488 = arith.constant 0 : i32
      %dma_wait3A_489 = tpu.memref_slice %arg20[%add3A_10, %dma_wait3A_488] : memref<10240x128xf32, #tpu.memory_space<vmem_shared>> -> memref<80x128xf32, #tpu.memory_space<vmem_shared>>
      tpu.wait_dma2 semaphore(%run_scoped3A : memref<!tpu.dma_semaphore, #tpu.memory_space<semaphore_mem>>) src(%arg8 : memref<80x128xf32, #tpu.memory_space<vmem>>) dst(%dma_wait3A_489 : memref<80x128xf32, #tpu.memory_space<vmem_shared>>)
      tpu.yield
    }) : () -> ()
    %mul3A_11 = arith.constant 640 : i32
    %mul3A_12 = arith.muli %arg1, %mul3A_11 : i32
    %add3A_13 = arith.constant 80 : i32
    %add3A_14 = arith.addi %mul3A_12, %add3A_13 : i32
    "tpu.region"() ({
      %run_scoped3A = tpu.sem_alloc : memref<!tpu.dma_semaphore, #tpu.memory_space<semaphore_mem>>
      %dma_start3A_482 = arith.constant 0 : i32
      %dma_start3A_483 = tpu.memref_slice %arg20[%add3A_14, %dma_start3A_482] : memref<10240x128xf32, #tpu.memory_space<vmem_shared>> -> memref<80x128xf32, #tpu.memory_space<vmem_shared>>
      %dma_start3A_484 = arith.constant 0 : i32
      %dma_start3A_485 = tpu.memref_slice %arg20[%add3A_14, %dma_start3A_484] : memref<10240x128xf32, #tpu.memory_space<vmem_shared>> -> memref<80x128xf32, #tpu.memory_space<vmem_shared>>
      tpu.enqueue_dma source(%arg8 : memref<80x128xf32, #tpu.memory_space<vmem>>) target(%dma_start3A_485 : memref<80x128xf32, #tpu.memory_space<vmem_shared>>) target_semaphore(%run_scoped3A : memref<!tpu.dma_semaphore, #tpu.memory_space<semaphore_mem>>)
      %dma_wait3A_486 = arith.constant 0 : i32
      %dma_wait3A_487 = tpu.memref_slice %arg20[%add3A_14, %dma_wait3A_486] : memref<10240x128xf32, #tpu.memory_space<vmem_shared>> -> memref<80x128xf32, #tpu.memory_space<vmem_shared>>
      %dma_wait3A_488 = arith.constant 0 : i32
      %dma_wait3A_489 = tpu.memref_slice %arg20[%add3A_14, %dma_wait3A_488] : memref<10240x128xf32, #tpu.memory_space<vmem_shared>> -> memref<80x128xf32, #tpu.memory_space<vmem_shared>>
      tpu.wait_dma2 semaphore(%run_scoped3A : memref<!tpu.dma_semaphore, #tpu.memory_space<semaphore_mem>>) src(%arg8 : memref<80x128xf32, #tpu.memory_space<vmem>>) dst(%dma_wait3A_489 : memref<80x128xf32, #tpu.memory_space<vmem_shared>>)
      tpu.yield
    }) : () -> ()
    %mul3A_15 = arith.constant 640 : i32
    %mul3A_16 = arith.muli %arg1, %mul3A_15 : i32
    %add3A_17 = arith.constant 160 : i32
    %add3A_18 = arith.addi %mul3A_16, %add3A_17 : i32
    "tpu.region"() ({
      %run_scoped3A = tpu.sem_alloc : memref<!tpu.dma_semaphore, #tpu.memory_space<semaphore_mem>>
      %dma_start3A_482 = arith.constant 0 : i32
      %dma_start3A_483 = tpu.memref_slice %arg20[%add3A_18, %dma_start3A_482] : memref<10240x128xf32, #tpu.memory_space<vmem_shared>> -> memref<80x128xf32, #tpu.memory_space<vmem_shared>>
      %dma_start3A_484 = arith.constant 0 : i32
      %dma_start3A_485 = tpu.memref_slice %arg20[%add3A_18, %dma_start3A_484] : memref<10240x128xf32, #tpu.memory_space<vmem_shared>> -> memref<80x128xf32, #tpu.memory_space<vmem_shared>>
      tpu.enqueue_dma source(%arg8 : memref<80x128xf32, #tpu.memory_space<vmem>>) target(%dma_start3A_485 : memref<80x128xf32, #tpu.memory_space<vmem_shared>>) target_semaphore(%run_scoped3A : memref<!tpu.dma_semaphore, #tpu.memory_space<semaphore_mem>>)
      %dma_wait3A_486 = arith.constant 0 : i32
      %dma_wait3A_487 = tpu.memref_slice %arg20[%add3A_18, %dma_wait3A_486] : memref<10240x128xf32, #tpu.memory_space<vmem_shared>> -> memref<80x128xf32, #tpu.memory_space<vmem_shared>>
      %dma_wait3A_488 = arith.constant 0 : i32
      %dma_wait3A_489 = tpu.memref_slice %arg20[%add3A_18, %dma_wait3A_488] : memref<10240x128xf32, #tpu.memory_space<vmem_shared>> -> memref<80x128xf32, #tpu.memory_space<vmem_shared>>
      tpu.wait_dma2 semaphore(%run_scoped3A : memref<!tpu.dma_semaphore, #tpu.memory_space<semaphore_mem>>) src(%arg8 : memref<80x128xf32, #tpu.memory_space<vmem>>) dst(%dma_wait3A_489 : memref<80x128xf32, #tpu.memory_space<vmem_shared>>)
      tpu.yield
    }) : () -> ()
    %mul3A_19 = arith.constant 640 : i32
    %mul3A_20 = arith.muli %arg1, %mul3A_19 : i32
    %add3A_21 = arith.constant 240 : i32
    %add3A_22 = arith.addi %mul3A_20, %add3A_21 : i32
    "tpu.region"() ({
      %run_scoped3A = tpu.sem_alloc : memref<!tpu.dma_semaphore, #tpu.memory_space<semaphore_mem>>
      %dma_start3A_482 = arith.constant 0 : i32
      %dma_start3A_483 = tpu.memref_slice %arg20[%add3A_22, %dma_start3A_482] : memref<10240x128xf32, #tpu.memory_space<vmem_shared>> -> memref<80x128xf32, #tpu.memory_space<vmem_shared>>
      %dma_start3A_484 = arith.constant 0 : i32
      %dma_start3A_485 = tpu.memref_slice %arg20[%add3A_22, %dma_start3A_484] : memref<10240x128xf32, #tpu.memory_space<vmem_shared>> -> memref<80x128xf32, #tpu.memory_space<vmem_shared>>
      tpu.enqueue_dma source(%arg8 : memref<80x128xf32, #tpu.memory_space<vmem>>) target(%dma_start3A_485 : memref<80x128xf32, #tpu.memory_space<vmem_shared>>) target_semaphore(%run_scoped3A : memref<!tpu.dma_semaphore, #tpu.memory_space<semaphore_mem>>)
      %dma_wait3A_486 = arith.constant 0 : i32
      %dma_wait3A_487 = tpu.memref_slice %arg20[%add3A_22, %dma_wait3A_486] : memref<10240x128xf32, #tpu.memory_space<vmem_shared>> -> memref<80x128xf32, #tpu.memory_space<vmem_shared>>
      %dma_wait3A_488 = arith.constant 0 : i32
      %dma_wait3A_489 = tpu.memref_slice %arg20[%add3A_22, %dma_wait3A_488] : memref<10240x128xf32, #tpu.memory_space<vmem_shared>> -> memref<80x128xf32, #tpu.memory_space<vmem_shared>>
      tpu.wait_dma2 semaphore(%run_scoped3A : memref<!tpu.dma_semaphore, #tpu.memory_space<semaphore_mem>>) src(%arg8 : memref<80x128xf32, #tpu.memory_space<vmem>>) dst(%dma_wait3A_489 : memref<80x128xf32, #tpu.memory_space<vmem_shared>>)
      tpu.yield
    }) : () -> ()
    %mul3A_23 = arith.constant 640 : i32
    %mul3A_24 = arith.muli %arg1, %mul3A_23 : i32
    %add3A_25 = arith.constant 320 : i32
    %add3A_26 = arith.addi %mul3A_24, %add3A_25 : i32
    "tpu.region"() ({
      %run_scoped3A = tpu.sem_alloc : memref<!tpu.dma_semaphore, #tpu.memory_space<semaphore_mem>>
      %dma_start3A_482 = arith.constant 0 : i32
      %dma_start3A_483 = tpu.memref_slice %arg20[%add3A_26, %dma_start3A_482] : memref<10240x128xf32, #tpu.memory_space<vmem_shared>> -> memref<80x128xf32, #tpu.memory_space<vmem_shared>>
      %dma_start3A_484 = arith.constant 0 : i32
      %dma_start3A_485 = tpu.memref_slice %arg20[%add3A_26, %dma_start3A_484] : memref<10240x128xf32, #tpu.memory_space<vmem_shared>> -> memref<80x128xf32, #tpu.memory_space<vmem_shared>>
      tpu.enqueue_dma source(%arg8 : memref<80x128xf32, #tpu.memory_space<vmem>>) target(%dma_start3A_485 : memref<80x128xf32, #tpu.memory_space<vmem_shared>>) target_semaphore(%run_scoped3A : memref<!tpu.dma_semaphore, #tpu.memory_space<semaphore_mem>>)
      %dma_wait3A_486 = arith.constant 0 : i32
      %dma_wait3A_487 = tpu.memref_slice %arg20[%add3A_26, %dma_wait3A_486] : memref<10240x128xf32, #tpu.memory_space<vmem_shared>> -> memref<80x128xf32, #tpu.memory_space<vmem_shared>>
      %dma_wait3A_488 = arith.constant 0 : i32
      %dma_wait3A_489 = tpu.memref_slice %arg20[%add3A_26, %dma_wait3A_488] : memref<10240x128xf32, #tpu.memory_space<vmem_shared>> -> memref<80x128xf32, #tpu.memory_space<vmem_shared>>
      tpu.wait_dma2 semaphore(%run_scoped3A : memref<!tpu.dma_semaphore, #tpu.memory_space<semaphore_mem>>) src(%arg8 : memref<80x128xf32, #tpu.memory_space<vmem>>) dst(%dma_wait3A_489 : memref<80x128xf32, #tpu.memory_space<vmem_shared>>)
      tpu.yield
    }) : () -> ()
    %mul3A_27 = arith.constant 640 : i32
    %mul3A_28 = arith.muli %arg1, %mul3A_27 : i32
    %add3A_29 = arith.constant 400 : i32
    %add3A_30 = arith.addi %mul3A_28, %add3A_29 : i32
    "tpu.region"() ({
      %run_scoped3A = tpu.sem_alloc : memref<!tpu.dma_semaphore, #tpu.memory_space<semaphore_mem>>
      %dma_start3A_482 = arith.constant 0 : i32
      %dma_start3A_483 = tpu.memref_slice %arg20[%add3A_30, %dma_start3A_482] : memref<10240x128xf32, #tpu.memory_space<vmem_shared>> -> memref<80x128xf32, #tpu.memory_space<vmem_shared>>
      %dma_start3A_484 = arith.constant 0 : i32
      %dma_start3A_485 = tpu.memref_slice %arg20[%add3A_30, %dma_start3A_484] : memref<10240x128xf32, #tpu.memory_space<vmem_shared>> -> memref<80x128xf32, #tpu.memory_space<vmem_shared>>
      tpu.enqueue_dma source(%arg8 : memref<80x128xf32, #tpu.memory_space<vmem>>) target(%dma_start3A_485 : memref<80x128xf32, #tpu.memory_space<vmem_shared>>) target_semaphore(%run_scoped3A : memref<!tpu.dma_semaphore, #tpu.memory_space<semaphore_mem>>)
      %dma_wait3A_486 = arith.constant 0 : i32
      %dma_wait3A_487 = tpu.memref_slice %arg20[%add3A_30, %dma_wait3A_486] : memref<10240x128xf32, #tpu.memory_space<vmem_shared>> -> memref<80x128xf32, #tpu.memory_space<vmem_shared>>
      %dma_wait3A_488 = arith.constant 0 : i32
      %dma_wait3A_489 = tpu.memref_slice %arg20[%add3A_30, %dma_wait3A_488] : memref<10240x128xf32, #tpu.memory_space<vmem_shared>> -> memref<80x128xf32, #tpu.memory_space<vmem_shared>>
      tpu.wait_dma2 semaphore(%run_scoped3A : memref<!tpu.dma_semaphore, #tpu.memory_space<semaphore_mem>>) src(%arg8 : memref<80x128xf32, #tpu.memory_space<vmem>>) dst(%dma_wait3A_489 : memref<80x128xf32, #tpu.memory_space<vmem_shared>>)
      tpu.yield
    }) : () -> ()
    %mul3A_31 = arith.constant 640 : i32
    %mul3A_32 = arith.muli %arg1, %mul3A_31 : i32
    %add3A_33 = arith.constant 480 : i32
    %add3A_34 = arith.addi %mul3A_32, %add3A_33 : i32
    "tpu.region"() ({
      %run_scoped3A = tpu.sem_alloc : memref<!tpu.dma_semaphore, #tpu.memory_space<semaphore_mem>>
      %dma_start3A_482 = arith.constant 0 : i32
      %dma_start3A_483 = tpu.memref_slice %arg20[%add3A_34, %dma_start3A_482] : memref<10240x128xf32, #tpu.memory_space<vmem_shared>> -> memref<80x128xf32, #tpu.memory_space<vmem_shared>>
      %dma_start3A_484 = arith.constant 0 : i32
      %dma_start3A_485 = tpu.memref_slice %arg20[%add3A_34, %dma_start3A_484] : memref<10240x128xf32, #tpu.memory_space<vmem_shared>> -> memref<80x128xf32, #tpu.memory_space<vmem_shared>>
      tpu.enqueue_dma source(%arg8 : memref<80x128xf32, #tpu.memory_space<vmem>>) target(%dma_start3A_485 : memref<80x128xf32, #tpu.memory_space<vmem_shared>>) target_semaphore(%run_scoped3A : memref<!tpu.dma_semaphore, #tpu.memory_space<semaphore_mem>>)
      %dma_wait3A_486 = arith.constant 0 : i32
      %dma_wait3A_487 = tpu.memref_slice %arg20[%add3A_34, %dma_wait3A_486] : memref<10240x128xf32, #tpu.memory_space<vmem_shared>> -> memref<80x128xf32, #tpu.memory_space<vmem_shared>>
      %dma_wait3A_488 = arith.constant 0 : i32
      %dma_wait3A_489 = tpu.memref_slice %arg20[%add3A_34, %dma_wait3A_488] : memref<10240x128xf32, #tpu.memory_space<vmem_shared>> -> memref<80x128xf32, #tpu.memory_space<vmem_shared>>
      tpu.wait_dma2 semaphore(%run_scoped3A : memref<!tpu.dma_semaphore, #tpu.memory_space<semaphore_mem>>) src(%arg8 : memref<80x128xf32, #tpu.memory_space<vmem>>) dst(%dma_wait3A_489 : memref<80x128xf32, #tpu.memory_space<vmem_shared>>)
      tpu.yield
    }) : () -> ()
    %mul3A_35 = arith.constant 640 : i32
    %mul3A_36 = arith.muli %arg1, %mul3A_35 : i32
    %add3A_37 = arith.constant 560 : i32
    %add3A_38 = arith.addi %mul3A_36, %add3A_37 : i32
    "tpu.region"() ({
      %run_scoped3A = tpu.sem_alloc : memref<!tpu.dma_semaphore, #tpu.memory_space<semaphore_mem>>
      %dma_start3A_482 = arith.constant 0 : i32
      %dma_start3A_483 = tpu.memref_slice %arg20[%add3A_38, %dma_start3A_482] : memref<10240x128xf32, #tpu.memory_space<vmem_shared>> -> memref<80x128xf32, #tpu.memory_space<vmem_shared>>
      %dma_start3A_484 = arith.constant 0 : i32
      %dma_start3A_485 = tpu.memref_slice %arg20[%add3A_38, %dma_start3A_484] : memref<10240x128xf32, #tpu.memory_space<vmem_shared>> -> memref<80x128xf32, #tpu.memory_space<vmem_shared>>
      tpu.enqueue_dma source(%arg8 : memref<80x128xf32, #tpu.memory_space<vmem>>) target(%dma_start3A_485 : memref<80x128xf32, #tpu.memory_space<vmem_shared>>) target_semaphore(%run_scoped3A : memref<!tpu.dma_semaphore, #tpu.memory_space<semaphore_mem>>)
      %dma_wait3A_486 = arith.constant 0 : i32
      %dma_wait3A_487 = tpu.memref_slice %arg20[%add3A_38, %dma_wait3A_486] : memref<10240x128xf32, #tpu.memory_space<vmem_shared>> -> memref<80x128xf32, #tpu.memory_space<vmem_shared>>
      %dma_wait3A_488 = arith.constant 0 : i32
      %dma_wait3A_489 = tpu.memref_slice %arg20[%add3A_38, %dma_wait3A_488] : memref<10240x128xf32, #tpu.memory_space<vmem_shared>> -> memref<80x128xf32, #tpu.memory_space<vmem_shared>>
      tpu.wait_dma2 semaphore(%run_scoped3A : memref<!tpu.dma_semaphore, #tpu.memory_space<semaphore_mem>>) src(%arg8 : memref<80x128xf32, #tpu.memory_space<vmem>>) dst(%dma_wait3A_489 : memref<80x128xf32, #tpu.memory_space<vmem_shared>>)
      tpu.yield
    }) : () -> ()
    %mul3A_39 = arith.constant 10560 : i32
    %mul3A_40 = arith.muli %add3A, %mul3A_39 : i32
    "tpu.region"() ({
      %run_scoped3A = tpu.sem_alloc : memref<!tpu.dma_semaphore, #tpu.memory_space<semaphore_mem>>
      %dma_start3A_482 = tpu.memref_slice %arg2[%mul3A_40] : memref<337920xi32, #tpu.memory_space<hbm>> -> memref<10560xi32, #tpu.memory_space<hbm>>
      %dma_start3A_483 = tpu.memref_slice %arg2[%mul3A_40] : memref<337920xi32, #tpu.memory_space<hbm>> -> memref<10560xi32, #tpu.memory_space<hbm>>
      tpu.enqueue_dma source(%dma_start3A_483 : memref<10560xi32, #tpu.memory_space<hbm>>) target(%arg6 : memref<10560xi32, #tpu.memory_space<vmem>>) target_semaphore(%run_scoped3A : memref<!tpu.dma_semaphore, #tpu.memory_space<semaphore_mem>>)
      %dma_wait3A_484 = tpu.memref_slice %arg2[%mul3A_40] : memref<337920xi32, #tpu.memory_space<hbm>> -> memref<10560xi32, #tpu.memory_space<hbm>>
      %dma_wait3A_485 = tpu.memref_slice %arg2[%mul3A_40] : memref<337920xi32, #tpu.memory_space<hbm>> -> memref<10560xi32, #tpu.memory_space<hbm>>
      tpu.wait_dma2 semaphore(%run_scoped3A : memref<!tpu.dma_semaphore, #tpu.memory_space<semaphore_mem>>) src(%dma_wait3A_485 : memref<10560xi32, #tpu.memory_space<hbm>>) dst(%arg6 : memref<10560xi32, #tpu.memory_space<vmem>>)
      tpu.yield
    }) : () -> ()
    "tpu.region"() ({
      %run_scoped3A = tpu.sem_alloc : memref<!tpu.dma_semaphore, #tpu.memory_space<semaphore_mem>>
      %dma_start3A_482 = arith.constant 0 : i32
      %dma_start3A_483 = arith.constant 0 : i32
      %dma_start3A_484 = tpu.memref_slice %arg3[%add3A, %dma_start3A_482, %dma_start3A_483] : memref<32x132x80xi32, #tpu.memory_space<hbm>> -> memref<1x132x80xi32, #tpu.memory_space<hbm>>
      %dma_start3A_485 = tpu.memref_squeeze %dma_start3A_484 : memref<1x132x80xi32, #tpu.memory_space<hbm>> -> memref<132x80xi32, #tpu.memory_space<hbm>>
      %dma_start3A_486 = arith.constant 0 : i32
      %dma_start3A_487 = arith.constant 0 : i32
      %dma_start3A_488 = tpu.memref_slice %dma_start3A_485[%dma_start3A_486, %dma_start3A_487] : memref<132x80xi32, #tpu.memory_space<hbm>> -> memref<6x80xi32, #tpu.memory_space<hbm>>
      %dma_start3A_489 = arith.constant 0 : i32
      %dma_start3A_490 = arith.constant 0 : i32
      %dma_start3A_491 = tpu.memref_slice %arg3[%add3A, %dma_start3A_489, %dma_start3A_490] : memref<32x132x80xi32, #tpu.memory_space<hbm>> -> memref<1x132x80xi32, #tpu.memory_space<hbm>>
      %dma_start3A_492 = tpu.memref_squeeze %dma_start3A_491 : memref<1x132x80xi32, #tpu.memory_space<hbm>> -> memref<132x80xi32, #tpu.memory_space<hbm>>
      %dma_start3A_493 = arith.constant 0 : i32
      %dma_start3A_494 = arith.constant 0 : i32
      %dma_start3A_495 = tpu.memref_slice %dma_start3A_492[%dma_start3A_493, %dma_start3A_494] : memref<132x80xi32, #tpu.memory_space<hbm>> -> memref<6x80xi32, #tpu.memory_space<hbm>>
      tpu.enqueue_dma source(%dma_start3A_495 : memref<6x80xi32, #tpu.memory_space<hbm>>) target(%arg7 : memref<6x80xi32, #tpu.memory_space<vmem>>) target_semaphore(%run_scoped3A : memref<!tpu.dma_semaphore, #tpu.memory_space<semaphore_mem>>)
      %dma_wait3A_496 = arith.constant 0 : i32
      %dma_wait3A_497 = arith.constant 0 : i32
      %dma_wait3A_498 = tpu.memref_slice %arg3[%add3A, %dma_wait3A_496, %dma_wait3A_497] : memref<32x132x80xi32, #tpu.memory_space<hbm>> -> memref<1x132x80xi32, #tpu.memory_space<hbm>>
      %dma_wait3A_499 = tpu.memref_squeeze %dma_wait3A_498 : memref<1x132x80xi32, #tpu.memory_space<hbm>> -> memref<132x80xi32, #tpu.memory_space<hbm>>
      %dma_wait3A_500 = arith.constant 0 : i32
      %dma_wait3A_501 = arith.constant 0 : i32
      %dma_wait3A_502 = tpu.memref_slice %dma_wait3A_499[%dma_wait3A_500, %dma_wait3A_501] : memref<132x80xi32, #tpu.memory_space<hbm>> -> memref<6x80xi32, #tpu.memory_space<hbm>>
      %dma_wait3A_503 = arith.constant 0 : i32
      %dma_wait3A_504 = arith.constant 0 : i32
      %dma_wait3A_505 = tpu.memref_slice %arg3[%add3A, %dma_wait3A_503, %dma_wait3A_504] : memref<32x132x80xi32, #tpu.memory_space<hbm>> -> memref<1x132x80xi32, #tpu.memory_space<hbm>>
      %dma_wait3A_506 = tpu.memref_squeeze %dma_wait3A_505 : memref<1x132x80xi32, #tpu.memory_space<hbm>> -> memref<132x80xi32, #tpu.memory_space<hbm>>
      %dma_wait3A_507 = arith.constant 0 : i32
      %dma_wait3A_508 = arith.constant 0 : i32
      %dma_wait3A_509 = tpu.memref_slice %dma_wait3A_506[%dma_wait3A_507, %dma_wait3A_508] : memref<132x80xi32, #tpu.memory_space<hbm>> -> memref<6x80xi32, #tpu.memory_space<hbm>>
      tpu.wait_dma2 semaphore(%run_scoped3A : memref<!tpu.dma_semaphore, #tpu.memory_space<semaphore_mem>>) src(%dma_wait3A_509 : memref<6x80xi32, #tpu.memory_space<hbm>>) dst(%arg7 : memref<6x80xi32, #tpu.memory_space<vmem>>)
      tpu.yield
    }) : () -> ()
    %barrier3A = arith.constant 0 : index
    tpu.barrier barrier_id(%barrier3A)
    %dma_start3A = arith.constant 0 : i32
    %dma_start3A_41 = tpu.memref_slice %arg6[%dma_start3A] : memref<10560xi32, #tpu.memory_space<vmem>> -> memref<80xi32, #tpu.memory_space<vmem>>
    %dma_start3A_42 = arith.constant 0 : i32
    %dma_start3A_43 = arith.constant 0 : i32
    %dma_start3A_44 = tpu.memref_slice %arg4[%dma_start3A_42, %dma_start3A_43] : memref<10240x128xf32, #tpu.memory_space<hbm>> -> memref<10240x128xf32, #tpu.memory_space<hbm>>
    tpu.enqueue_indirect_dma source(%dma_start3A_44 : memref<10240x128xf32, #tpu.memory_space<hbm>>) target(%arg8 : memref<80x128xf32, #tpu.memory_space<vmem>>) offsets(%dma_start3A_41 : memref<80xi32, #tpu.memory_space<vmem>>) semaphore(%arg11 : memref<!tpu.dma_semaphore, #tpu.memory_space<semaphore_mem>>)
    %dma_start3A_45 = arith.constant 80 : i32
    %dma_start3A_46 = tpu.memref_slice %arg6[%dma_start3A_45] : memref<10560xi32, #tpu.memory_space<vmem>> -> memref<80xi32, #tpu.memory_space<vmem>>
    %dma_start3A_47 = arith.constant 0 : i32
    %dma_start3A_48 = arith.constant 0 : i32
    %dma_start3A_49 = tpu.memref_slice %arg4[%dma_start3A_47, %dma_start3A_48] : memref<10240x128xf32, #tpu.memory_space<hbm>> -> memref<10240x128xf32, #tpu.memory_space<hbm>>
    tpu.enqueue_indirect_dma source(%dma_start3A_49 : memref<10240x128xf32, #tpu.memory_space<hbm>>) target(%arg9 : memref<80x128xf32, #tpu.memory_space<vmem>>) offsets(%dma_start3A_46 : memref<80xi32, #tpu.memory_space<vmem>>) semaphore(%arg12 : memref<!tpu.dma_semaphore, #tpu.memory_space<semaphore_mem>>)
    %dma_start3A_50 = arith.constant 160 : i32
    %dma_start3A_51 = tpu.memref_slice %arg6[%dma_start3A_50] : memref<10560xi32, #tpu.memory_space<vmem>> -> memref<80xi32, #tpu.memory_space<vmem>>
    %dma_start3A_52 = arith.constant 0 : i32
    %dma_start3A_53 = arith.constant 0 : i32
    %dma_start3A_54 = tpu.memref_slice %arg4[%dma_start3A_52, %dma_start3A_53] : memref<10240x128xf32, #tpu.memory_space<hbm>> -> memref<10240x128xf32, #tpu.memory_space<hbm>>
    tpu.enqueue_indirect_dma source(%dma_start3A_54 : memref<10240x128xf32, #tpu.memory_space<hbm>>) target(%arg10 : memref<80x128xf32, #tpu.memory_space<vmem>>) offsets(%dma_start3A_51 : memref<80xi32, #tpu.memory_space<vmem>>) semaphore(%arg13 : memref<!tpu.dma_semaphore, #tpu.memory_space<semaphore_mem>>)
    %dma_wait3A = arith.constant 0 : i32
    %dma_wait3A_55 = tpu.memref_slice %arg6[%dma_wait3A] : memref<10560xi32, #tpu.memory_space<vmem>> -> memref<80xi32, #tpu.memory_space<vmem>>
    %dma_wait3A_56 = arith.constant 0 : i32
    %dma_wait3A_57 = arith.constant 0 : i32
    %dma_wait3A_58 = tpu.memref_slice %arg4[%dma_wait3A_56, %dma_wait3A_57] : memref<10240x128xf32, #tpu.memory_space<hbm>> -> memref<10240x128xf32, #tpu.memory_space<hbm>>
    tpu.wait_indirect_dma semaphore(%arg11 : memref<!tpu.dma_semaphore, #tpu.memory_space<semaphore_mem>>) src(%dma_wait3A_58 : memref<10240x128xf32, #tpu.memory_space<hbm>>) dst(%arg8 : memref<80x128xf32, #tpu.memory_space<vmem>>)
    %rem3A = arith.constant 0 : i32
    %rem3A_59 = arith.constant 6 : i32
    %rem3A_60 = arith.remsi %rem3A, %rem3A_59 : i32
    "tpu.region"() ({
      %run_scoped3A = tpu.sem_alloc : memref<!tpu.dma_semaphore, #tpu.memory_space<semaphore_mem>>
      %dma_start3A_482 = arith.constant 0 : i32
      %dma_start3A_483 = tpu.memref_slice %arg7[%rem3A_60, %dma_start3A_482] : memref<6x80xi32, #tpu.memory_space<vmem>> -> memref<1x80xi32, #tpu.memory_space<vmem>>
      %dma_start3A_484 = tpu.memref_squeeze %dma_start3A_483 : memref<1x80xi32, #tpu.memory_space<vmem>> -> memref<80xi32, #tpu.memory_space<vmem>>
      %dma_start3A_485 = arith.constant 0 : i32
      %dma_start3A_486 = arith.constant 0 : i32
      %dma_start3A_487 = tpu.memref_slice %arg20[%dma_start3A_485, %dma_start3A_486] : memref<10240x128xf32, #tpu.memory_space<vmem_shared>> -> memref<10240x128xf32, #tpu.memory_space<vmem_shared>>
      tpu.enqueue_indirect_dma source(%arg8 : memref<80x128xf32, #tpu.memory_space<vmem>>) target(%dma_start3A_487 : memref<10240x128xf32, #tpu.memory_space<vmem_shared>>) offsets(%dma_start3A_484 : memref<80xi32, #tpu.memory_space<vmem>>) semaphore(%run_scoped3A : memref<!tpu.dma_semaphore, #tpu.memory_space<semaphore_mem>>) {add = true}
      %dma_wait3A_488 = arith.constant 0 : i32
      %dma_wait3A_489 = tpu.memref_slice %arg7[%rem3A_60, %dma_wait3A_488] : memref<6x80xi32, #tpu.memory_space<vmem>> -> memref<1x80xi32, #tpu.memory_space<vmem>>
      %dma_wait3A_490 = tpu.memref_squeeze %dma_wait3A_489 : memref<1x80xi32, #tpu.memory_space<vmem>> -> memref<80xi32, #tpu.memory_space<vmem>>
      %dma_wait3A_491 = arith.constant 0 : i32
      %dma_wait3A_492 = arith.constant 0 : i32
      %dma_wait3A_493 = tpu.memref_slice %arg20[%dma_wait3A_491, %dma_wait3A_492] : memref<10240x128xf32, #tpu.memory_space<vmem_shared>> -> memref<10240x128xf32, #tpu.memory_space<vmem_shared>>
      tpu.wait_indirect_dma semaphore(%run_scoped3A : memref<!tpu.dma_semaphore, #tpu.memory_space<semaphore_mem>>) src(%arg8 : memref<80x128xf32, #tpu.memory_space<vmem>>) dst(%dma_wait3A_493 : memref<10240x128xf32, #tpu.memory_space<vmem_shared>>)
      tpu.yield
    }) : () -> ()
    %rem3A_61 = arith.constant 6 : i32
    %rem3A_62 = arith.constant 6 : i32
    %rem3A_63 = arith.remsi %rem3A_61, %rem3A_62 : i32
    %dma_start3A_64 = arith.constant 6 : i32
    %dma_start3A_65 = arith.constant 0 : i32
    %dma_start3A_66 = tpu.memref_slice %arg7[%rem3A_63, %dma_start3A_65] : memref<6x80xi32, #tpu.memory_space<vmem>> -> memref<1x80xi32, #tpu.memory_space<vmem>>
    %dma_start3A_67 = tpu.memref_squeeze %dma_start3A_66 : memref<1x80xi32, #tpu.memory_space<vmem>> -> memref<80xi32, #tpu.memory_space<vmem>>
    %dma_start3A_68 = arith.constant 0 : i32
    %dma_start3A_69 = arith.constant 0 : i32
    %dma_start3A_70 = tpu.memref_slice %arg3[%add3A, %dma_start3A_68, %dma_start3A_69] : memref<32x132x80xi32, #tpu.memory_space<hbm>> -> memref<1x132x80xi32, #tpu.memory_space<hbm>>
    %dma_start3A_71 = tpu.memref_squeeze %dma_start3A_70 : memref<1x132x80xi32, #tpu.memory_space<hbm>> -> memref<132x80xi32, #tpu.memory_space<hbm>>
    %dma_start3A_72 = arith.constant 0 : i32
    %dma_start3A_73 = tpu.memref_slice %dma_start3A_71[%dma_start3A_64, %dma_start3A_72] : memref<132x80xi32, #tpu.memory_space<hbm>> -> memref<1x80xi32, #tpu.memory_space<hbm>>
    %dma_start3A_74 = tpu.memref_squeeze %dma_start3A_73 : memref<1x80xi32, #tpu.memory_space<hbm>> -> memref<80xi32, #tpu.memory_space<hbm>>
    %dma_start3A_75 = arith.constant 0 : i32
    %dma_start3A_76 = tpu.memref_slice %arg7[%rem3A_63, %dma_start3A_75] : memref<6x80xi32, #tpu.memory_space<vmem>> -> memref<1x80xi32, #tpu.memory_space<vmem>>
    %dma_start3A_77 = tpu.memref_squeeze %dma_start3A_76 : memref<1x80xi32, #tpu.memory_space<vmem>> -> memref<80xi32, #tpu.memory_space<vmem>>
    %dma_start3A_78 = arith.constant 0 : i32
    %dma_start3A_79 = arith.constant 0 : i32
    %dma_start3A_80 = tpu.memref_slice %arg3[%add3A, %dma_start3A_78, %dma_start3A_79] : memref<32x132x80xi32, #tpu.memory_space<hbm>> -> memref<1x132x80xi32, #tpu.memory_space<hbm>>
    %dma_start3A_81 = tpu.memref_squeeze %dma_start3A_80 : memref<1x132x80xi32, #tpu.memory_space<hbm>> -> memref<132x80xi32, #tpu.memory_space<hbm>>
    %dma_start3A_82 = arith.constant 0 : i32
    %dma_start3A_83 = tpu.memref_slice %dma_start3A_81[%dma_start3A_64, %dma_start3A_82] : memref<132x80xi32, #tpu.memory_space<hbm>> -> memref<1x80xi32, #tpu.memory_space<hbm>>
    %dma_start3A_84 = tpu.memref_squeeze %dma_start3A_83 : memref<1x80xi32, #tpu.memory_space<hbm>> -> memref<80xi32, #tpu.memory_space<hbm>>
    tpu.enqueue_dma source(%dma_start3A_84 : memref<80xi32, #tpu.memory_space<hbm>>) target(%dma_start3A_77 : memref<80xi32, #tpu.memory_space<vmem>>) target_semaphore(%arg14 : memref<!tpu.dma_semaphore, #tpu.memory_space<semaphore_mem>>)
    %dma_start3A_85 = arith.constant 240 : i32
    %dma_start3A_86 = tpu.memref_slice %arg6[%dma_start3A_85] : memref<10560xi32, #tpu.memory_space<vmem>> -> memref<80xi32, #tpu.memory_space<vmem>>
    %dma_start3A_87 = arith.constant 0 : i32
    %dma_start3A_88 = arith.constant 0 : i32
    %dma_start3A_89 = tpu.memref_slice %arg4[%dma_start3A_87, %dma_start3A_88] : memref<10240x128xf32, #tpu.memory_space<hbm>> -> memref<10240x128xf32, #tpu.memory_space<hbm>>
    tpu.enqueue_indirect_dma source(%dma_start3A_89 : memref<10240x128xf32, #tpu.memory_space<hbm>>) target(%arg8 : memref<80x128xf32, #tpu.memory_space<vmem>>) offsets(%dma_start3A_86 : memref<80xi32, #tpu.memory_space<vmem>>) semaphore(%arg11 : memref<!tpu.dma_semaphore, #tpu.memory_space<semaphore_mem>>)
    %dma_wait3A_90 = arith.constant 80 : i32
    %dma_wait3A_91 = tpu.memref_slice %arg6[%dma_wait3A_90] : memref<10560xi32, #tpu.memory_space<vmem>> -> memref<80xi32, #tpu.memory_space<vmem>>
    %dma_wait3A_92 = arith.constant 0 : i32
    %dma_wait3A_93 = arith.constant 0 : i32
    %dma_wait3A_94 = tpu.memref_slice %arg4[%dma_wait3A_92, %dma_wait3A_93] : memref<10240x128xf32, #tpu.memory_space<hbm>> -> memref<10240x128xf32, #tpu.memory_space<hbm>>
    tpu.wait_indirect_dma semaphore(%arg12 : memref<!tpu.dma_semaphore, #tpu.memory_space<semaphore_mem>>) src(%dma_wait3A_94 : memref<10240x128xf32, #tpu.memory_space<hbm>>) dst(%arg9 : memref<80x128xf32, #tpu.memory_space<vmem>>)
    %rem3A_95 = arith.constant 1 : i32
    %rem3A_96 = arith.constant 6 : i32
    %rem3A_97 = arith.remsi %rem3A_95, %rem3A_96 : i32
    "tpu.region"() ({
      %run_scoped3A = tpu.sem_alloc : memref<!tpu.dma_semaphore, #tpu.memory_space<semaphore_mem>>
      %dma_start3A_482 = arith.constant 0 : i32
      %dma_start3A_483 = tpu.memref_slice %arg7[%rem3A_97, %dma_start3A_482] : memref<6x80xi32, #tpu.memory_space<vmem>> -> memref<1x80xi32, #tpu.memory_space<vmem>>
      %dma_start3A_484 = tpu.memref_squeeze %dma_start3A_483 : memref<1x80xi32, #tpu.memory_space<vmem>> -> memref<80xi32, #tpu.memory_space<vmem>>
      %dma_start3A_485 = arith.constant 0 : i32
      %dma_start3A_486 = arith.constant 0 : i32
      %dma_start3A_487 = tpu.memref_slice %arg20[%dma_start3A_485, %dma_start3A_486] : memref<10240x128xf32, #tpu.memory_space<vmem_shared>> -> memref<10240x128xf32, #tpu.memory_space<vmem_shared>>
      tpu.enqueue_indirect_dma source(%arg9 : memref<80x128xf32, #tpu.memory_space<vmem>>) target(%dma_start3A_487 : memref<10240x128xf32, #tpu.memory_space<vmem_shared>>) offsets(%dma_start3A_484 : memref<80xi32, #tpu.memory_space<vmem>>) semaphore(%run_scoped3A : memref<!tpu.dma_semaphore, #tpu.memory_space<semaphore_mem>>) {add = true}
      %dma_wait3A_488 = arith.constant 0 : i32
      %dma_wait3A_489 = tpu.memref_slice %arg7[%rem3A_97, %dma_wait3A_488] : memref<6x80xi32, #tpu.memory_space<vmem>> -> memref<1x80xi32, #tpu.memory_space<vmem>>
      %dma_wait3A_490 = tpu.memref_squeeze %dma_wait3A_489 : memref<1x80xi32, #tpu.memory_space<vmem>> -> memref<80xi32, #tpu.memory_space<vmem>>
      %dma_wait3A_491 = arith.constant 0 : i32
      %dma_wait3A_492 = arith.constant 0 : i32
      %dma_wait3A_493 = tpu.memref_slice %arg20[%dma_wait3A_491, %dma_wait3A_492] : memref<10240x128xf32, #tpu.memory_space<vmem_shared>> -> memref<10240x128xf32, #tpu.memory_space<vmem_shared>>
      tpu.wait_indirect_dma semaphore(%run_scoped3A : memref<!tpu.dma_semaphore, #tpu.memory_space<semaphore_mem>>) src(%arg9 : memref<80x128xf32, #tpu.memory_space<vmem>>) dst(%dma_wait3A_493 : memref<10240x128xf32, #tpu.memory_space<vmem_shared>>)
      tpu.yield
    }) : () -> ()
    %rem3A_98 = arith.constant 7 : i32
    %rem3A_99 = arith.constant 6 : i32
    %rem3A_100 = arith.remsi %rem3A_98, %rem3A_99 : i32
    %dma_start3A_101 = arith.constant 7 : i32
    %dma_start3A_102 = arith.constant 0 : i32
    %dma_start3A_103 = tpu.memref_slice %arg7[%rem3A_100, %dma_start3A_102] : memref<6x80xi32, #tpu.memory_space<vmem>> -> memref<1x80xi32, #tpu.memory_space<vmem>>
    %dma_start3A_104 = tpu.memref_squeeze %dma_start3A_103 : memref<1x80xi32, #tpu.memory_space<vmem>> -> memref<80xi32, #tpu.memory_space<vmem>>
    %dma_start3A_105 = arith.constant 0 : i32
    %dma_start3A_106 = arith.constant 0 : i32
    %dma_start3A_107 = tpu.memref_slice %arg3[%add3A, %dma_start3A_105, %dma_start3A_106] : memref<32x132x80xi32, #tpu.memory_space<hbm>> -> memref<1x132x80xi32, #tpu.memory_space<hbm>>
    %dma_start3A_108 = tpu.memref_squeeze %dma_start3A_107 : memref<1x132x80xi32, #tpu.memory_space<hbm>> -> memref<132x80xi32, #tpu.memory_space<hbm>>
    %dma_start3A_109 = arith.constant 0 : i32
    %dma_start3A_110 = tpu.memref_slice %dma_start3A_108[%dma_start3A_101, %dma_start3A_109] : memref<132x80xi32, #tpu.memory_space<hbm>> -> memref<1x80xi32, #tpu.memory_space<hbm>>
    %dma_start3A_111 = tpu.memref_squeeze %dma_start3A_110 : memref<1x80xi32, #tpu.memory_space<hbm>> -> memref<80xi32, #tpu.memory_space<hbm>>
    %dma_start3A_112 = arith.constant 0 : i32
    %dma_start3A_113 = tpu.memref_slice %arg7[%rem3A_100, %dma_start3A_112] : memref<6x80xi32, #tpu.memory_space<vmem>> -> memref<1x80xi32, #tpu.memory_space<vmem>>
    %dma_start3A_114 = tpu.memref_squeeze %dma_start3A_113 : memref<1x80xi32, #tpu.memory_space<vmem>> -> memref<80xi32, #tpu.memory_space<vmem>>
    %dma_start3A_115 = arith.constant 0 : i32
    %dma_start3A_116 = arith.constant 0 : i32
    %dma_start3A_117 = tpu.memref_slice %arg3[%add3A, %dma_start3A_115, %dma_start3A_116] : memref<32x132x80xi32, #tpu.memory_space<hbm>> -> memref<1x132x80xi32, #tpu.memory_space<hbm>>
    %dma_start3A_118 = tpu.memref_squeeze %dma_start3A_117 : memref<1x132x80xi32, #tpu.memory_space<hbm>> -> memref<132x80xi32, #tpu.memory_space<hbm>>
    %dma_start3A_119 = arith.constant 0 : i32
    %dma_start3A_120 = tpu.memref_slice %dma_start3A_118[%dma_start3A_101, %dma_start3A_119] : memref<132x80xi32, #tpu.memory_space<hbm>> -> memref<1x80xi32, #tpu.memory_space<hbm>>
    %dma_start3A_121 = tpu.memref_squeeze %dma_start3A_120 : memref<1x80xi32, #tpu.memory_space<hbm>> -> memref<80xi32, #tpu.memory_space<hbm>>
    tpu.enqueue_dma source(%dma_start3A_121 : memref<80xi32, #tpu.memory_space<hbm>>) target(%dma_start3A_114 : memref<80xi32, #tpu.memory_space<vmem>>) target_semaphore(%arg15 : memref<!tpu.dma_semaphore, #tpu.memory_space<semaphore_mem>>)
    %dma_start3A_122 = arith.constant 320 : i32
    %dma_start3A_123 = tpu.memref_slice %arg6[%dma_start3A_122] : memref<10560xi32, #tpu.memory_space<vmem>> -> memref<80xi32, #tpu.memory_space<vmem>>
    %dma_start3A_124 = arith.constant 0 : i32
    %dma_start3A_125 = arith.constant 0 : i32
    %dma_start3A_126 = tpu.memref_slice %arg4[%dma_start3A_124, %dma_start3A_125] : memref<10240x128xf32, #tpu.memory_space<hbm>> -> memref<10240x128xf32, #tpu.memory_space<hbm>>
    tpu.enqueue_indirect_dma source(%dma_start3A_126 : memref<10240x128xf32, #tpu.memory_space<hbm>>) target(%arg9 : memref<80x128xf32, #tpu.memory_space<vmem>>) offsets(%dma_start3A_123 : memref<80xi32, #tpu.memory_space<vmem>>) semaphore(%arg12 : memref<!tpu.dma_semaphore, #tpu.memory_space<semaphore_mem>>)
    %dma_wait3A_127 = arith.constant 160 : i32
    %dma_wait3A_128 = tpu.memref_slice %arg6[%dma_wait3A_127] : memref<10560xi32, #tpu.memory_space<vmem>> -> memref<80xi32, #tpu.memory_space<vmem>>
    %dma_wait3A_129 = arith.constant 0 : i32
    %dma_wait3A_130 = arith.constant 0 : i32
    %dma_wait3A_131 = tpu.memref_slice %arg4[%dma_wait3A_129, %dma_wait3A_130] : memref<10240x128xf32, #tpu.memory_space<hbm>> -> memref<10240x128xf32, #tpu.memory_space<hbm>>
    tpu.wait_indirect_dma semaphore(%arg13 : memref<!tpu.dma_semaphore, #tpu.memory_space<semaphore_mem>>) src(%dma_wait3A_131 : memref<10240x128xf32, #tpu.memory_space<hbm>>) dst(%arg10 : memref<80x128xf32, #tpu.memory_space<vmem>>)
    %rem3A_132 = arith.constant 2 : i32
    %rem3A_133 = arith.constant 6 : i32
    %rem3A_134 = arith.remsi %rem3A_132, %rem3A_133 : i32
    "tpu.region"() ({
      %run_scoped3A = tpu.sem_alloc : memref<!tpu.dma_semaphore, #tpu.memory_space<semaphore_mem>>
      %dma_start3A_482 = arith.constant 0 : i32
      %dma_start3A_483 = tpu.memref_slice %arg7[%rem3A_134, %dma_start3A_482] : memref<6x80xi32, #tpu.memory_space<vmem>> -> memref<1x80xi32, #tpu.memory_space<vmem>>
      %dma_start3A_484 = tpu.memref_squeeze %dma_start3A_483 : memref<1x80xi32, #tpu.memory_space<vmem>> -> memref<80xi32, #tpu.memory_space<vmem>>
      %dma_start3A_485 = arith.constant 0 : i32
      %dma_start3A_486 = arith.constant 0 : i32
      %dma_start3A_487 = tpu.memref_slice %arg20[%dma_start3A_485, %dma_start3A_486] : memref<10240x128xf32, #tpu.memory_space<vmem_shared>> -> memref<10240x128xf32, #tpu.memory_space<vmem_shared>>
      tpu.enqueue_indirect_dma source(%arg10 : memref<80x128xf32, #tpu.memory_space<vmem>>) target(%dma_start3A_487 : memref<10240x128xf32, #tpu.memory_space<vmem_shared>>) offsets(%dma_start3A_484 : memref<80xi32, #tpu.memory_space<vmem>>) semaphore(%run_scoped3A : memref<!tpu.dma_semaphore, #tpu.memory_space<semaphore_mem>>) {add = true}
      %dma_wait3A_488 = arith.constant 0 : i32
      %dma_wait3A_489 = tpu.memref_slice %arg7[%rem3A_134, %dma_wait3A_488] : memref<6x80xi32, #tpu.memory_space<vmem>> -> memref<1x80xi32, #tpu.memory_space<vmem>>
      %dma_wait3A_490 = tpu.memref_squeeze %dma_wait3A_489 : memref<1x80xi32, #tpu.memory_space<vmem>> -> memref<80xi32, #tpu.memory_space<vmem>>
      %dma_wait3A_491 = arith.constant 0 : i32
      %dma_wait3A_492 = arith.constant 0 : i32
      %dma_wait3A_493 = tpu.memref_slice %arg20[%dma_wait3A_491, %dma_wait3A_492] : memref<10240x128xf32, #tpu.memory_space<vmem_shared>> -> memref<10240x128xf32, #tpu.memory_space<vmem_shared>>
      tpu.wait_indirect_dma semaphore(%run_scoped3A : memref<!tpu.dma_semaphore, #tpu.memory_space<semaphore_mem>>) src(%arg10 : memref<80x128xf32, #tpu.memory_space<vmem>>) dst(%dma_wait3A_493 : memref<10240x128xf32, #tpu.memory_space<vmem_shared>>)
      tpu.yield
    }) : () -> ()
    %rem3A_135 = arith.constant 8 : i32
    %rem3A_136 = arith.constant 6 : i32
    %rem3A_137 = arith.remsi %rem3A_135, %rem3A_136 : i32
    %dma_start3A_138 = arith.constant 8 : i32
    %dma_start3A_139 = arith.constant 0 : i32
    %dma_start3A_140 = tpu.memref_slice %arg7[%rem3A_137, %dma_start3A_139] : memref<6x80xi32, #tpu.memory_space<vmem>> -> memref<1x80xi32, #tpu.memory_space<vmem>>
    %dma_start3A_141 = tpu.memref_squeeze %dma_start3A_140 : memref<1x80xi32, #tpu.memory_space<vmem>> -> memref<80xi32, #tpu.memory_space<vmem>>
    %dma_start3A_142 = arith.constant 0 : i32
    %dma_start3A_143 = arith.constant 0 : i32
    %dma_start3A_144 = tpu.memref_slice %arg3[%add3A, %dma_start3A_142, %dma_start3A_143] : memref<32x132x80xi32, #tpu.memory_space<hbm>> -> memref<1x132x80xi32, #tpu.memory_space<hbm>>
    %dma_start3A_145 = tpu.memref_squeeze %dma_start3A_144 : memref<1x132x80xi32, #tpu.memory_space<hbm>> -> memref<132x80xi32, #tpu.memory_space<hbm>>
    %dma_start3A_146 = arith.constant 0 : i32
    %dma_start3A_147 = tpu.memref_slice %dma_start3A_145[%dma_start3A_138, %dma_start3A_146] : memref<132x80xi32, #tpu.memory_space<hbm>> -> memref<1x80xi32, #tpu.memory_space<hbm>>
    %dma_start3A_148 = tpu.memref_squeeze %dma_start3A_147 : memref<1x80xi32, #tpu.memory_space<hbm>> -> memref<80xi32, #tpu.memory_space<hbm>>
    %dma_start3A_149 = arith.constant 0 : i32
    %dma_start3A_150 = tpu.memref_slice %arg7[%rem3A_137, %dma_start3A_149] : memref<6x80xi32, #tpu.memory_space<vmem>> -> memref<1x80xi32, #tpu.memory_space<vmem>>
    %dma_start3A_151 = tpu.memref_squeeze %dma_start3A_150 : memref<1x80xi32, #tpu.memory_space<vmem>> -> memref<80xi32, #tpu.memory_space<vmem>>
    %dma_start3A_152 = arith.constant 0 : i32
    %dma_start3A_153 = arith.constant 0 : i32
    %dma_start3A_154 = tpu.memref_slice %arg3[%add3A, %dma_start3A_152, %dma_start3A_153] : memref<32x132x80xi32, #tpu.memory_space<hbm>> -> memref<1x132x80xi32, #tpu.memory_space<hbm>>
    %dma_start3A_155 = tpu.memref_squeeze %dma_start3A_154 : memref<1x132x80xi32, #tpu.memory_space<hbm>> -> memref<132x80xi32, #tpu.memory_space<hbm>>
    %dma_start3A_156 = arith.constant 0 : i32
    %dma_start3A_157 = tpu.memref_slice %dma_start3A_155[%dma_start3A_138, %dma_start3A_156] : memref<132x80xi32, #tpu.memory_space<hbm>> -> memref<1x80xi32, #tpu.memory_space<hbm>>
    %dma_start3A_158 = tpu.memref_squeeze %dma_start3A_157 : memref<1x80xi32, #tpu.memory_space<hbm>> -> memref<80xi32, #tpu.memory_space<hbm>>
    tpu.enqueue_dma source(%dma_start3A_158 : memref<80xi32, #tpu.memory_space<hbm>>) target(%dma_start3A_151 : memref<80xi32, #tpu.memory_space<vmem>>) target_semaphore(%arg16 : memref<!tpu.dma_semaphore, #tpu.memory_space<semaphore_mem>>)
    %dma_start3A_159 = arith.constant 400 : i32
    %dma_start3A_160 = tpu.memref_slice %arg6[%dma_start3A_159] : memref<10560xi32, #tpu.memory_space<vmem>> -> memref<80xi32, #tpu.memory_space<vmem>>
    %dma_start3A_161 = arith.constant 0 : i32
    %dma_start3A_162 = arith.constant 0 : i32
    %dma_start3A_163 = tpu.memref_slice %arg4[%dma_start3A_161, %dma_start3A_162] : memref<10240x128xf32, #tpu.memory_space<hbm>> -> memref<10240x128xf32, #tpu.memory_space<hbm>>
    tpu.enqueue_indirect_dma source(%dma_start3A_163 : memref<10240x128xf32, #tpu.memory_space<hbm>>) target(%arg10 : memref<80x128xf32, #tpu.memory_space<vmem>>) offsets(%dma_start3A_160 : memref<80xi32, #tpu.memory_space<vmem>>) semaphore(%arg13 : memref<!tpu.dma_semaphore, #tpu.memory_space<semaphore_mem>>)
    %dma_wait3A_164 = arith.constant 240 : i32
    %dma_wait3A_165 = tpu.memref_slice %arg6[%dma_wait3A_164] : memref<10560xi32, #tpu.memory_space<vmem>> -> memref<80xi32, #tpu.memory_space<vmem>>
    %dma_wait3A_166 = arith.constant 0 : i32
    %dma_wait3A_167 = arith.constant 0 : i32
    %dma_wait3A_168 = tpu.memref_slice %arg4[%dma_wait3A_166, %dma_wait3A_167] : memref<10240x128xf32, #tpu.memory_space<hbm>> -> memref<10240x128xf32, #tpu.memory_space<hbm>>
    tpu.wait_indirect_dma semaphore(%arg11 : memref<!tpu.dma_semaphore, #tpu.memory_space<semaphore_mem>>) src(%dma_wait3A_168 : memref<10240x128xf32, #tpu.memory_space<hbm>>) dst(%arg8 : memref<80x128xf32, #tpu.memory_space<vmem>>)
    %rem3A_169 = arith.constant 3 : i32
    %rem3A_170 = arith.constant 6 : i32
    %rem3A_171 = arith.remsi %rem3A_169, %rem3A_170 : i32
    "tpu.region"() ({
      %run_scoped3A = tpu.sem_alloc : memref<!tpu.dma_semaphore, #tpu.memory_space<semaphore_mem>>
      %dma_start3A_482 = arith.constant 0 : i32
      %dma_start3A_483 = tpu.memref_slice %arg7[%rem3A_171, %dma_start3A_482] : memref<6x80xi32, #tpu.memory_space<vmem>> -> memref<1x80xi32, #tpu.memory_space<vmem>>
      %dma_start3A_484 = tpu.memref_squeeze %dma_start3A_483 : memref<1x80xi32, #tpu.memory_space<vmem>> -> memref<80xi32, #tpu.memory_space<vmem>>
      %dma_start3A_485 = arith.constant 0 : i32
      %dma_start3A_486 = arith.constant 0 : i32
      %dma_start3A_487 = tpu.memref_slice %arg20[%dma_start3A_485, %dma_start3A_486] : memref<10240x128xf32, #tpu.memory_space<vmem_shared>> -> memref<10240x128xf32, #tpu.memory_space<vmem_shared>>
      tpu.enqueue_indirect_dma source(%arg8 : memref<80x128xf32, #tpu.memory_space<vmem>>) target(%dma_start3A_487 : memref<10240x128xf32, #tpu.memory_space<vmem_shared>>) offsets(%dma_start3A_484 : memref<80xi32, #tpu.memory_space<vmem>>) semaphore(%run_scoped3A : memref<!tpu.dma_semaphore, #tpu.memory_space<semaphore_mem>>) {add = true}
      %dma_wait3A_488 = arith.constant 0 : i32
      %dma_wait3A_489 = tpu.memref_slice %arg7[%rem3A_171, %dma_wait3A_488] : memref<6x80xi32, #tpu.memory_space<vmem>> -> memref<1x80xi32, #tpu.memory_space<vmem>>
      %dma_wait3A_490 = tpu.memref_squeeze %dma_wait3A_489 : memref<1x80xi32, #tpu.memory_space<vmem>> -> memref<80xi32, #tpu.memory_space<vmem>>
      %dma_wait3A_491 = arith.constant 0 : i32
      %dma_wait3A_492 = arith.constant 0 : i32
      %dma_wait3A_493 = tpu.memref_slice %arg20[%dma_wait3A_491, %dma_wait3A_492] : memref<10240x128xf32, #tpu.memory_space<vmem_shared>> -> memref<10240x128xf32, #tpu.memory_space<vmem_shared>>
      tpu.wait_indirect_dma semaphore(%run_scoped3A : memref<!tpu.dma_semaphore, #tpu.memory_space<semaphore_mem>>) src(%arg8 : memref<80x128xf32, #tpu.memory_space<vmem>>) dst(%dma_wait3A_493 : memref<10240x128xf32, #tpu.memory_space<vmem_shared>>)
      tpu.yield
    }) : () -> ()
    %rem3A_172 = arith.constant 9 : i32
    %rem3A_173 = arith.constant 6 : i32
    %rem3A_174 = arith.remsi %rem3A_172, %rem3A_173 : i32
    %dma_start3A_175 = arith.constant 9 : i32
    %dma_start3A_176 = arith.constant 0 : i32
    %dma_start3A_177 = tpu.memref_slice %arg7[%rem3A_174, %dma_start3A_176] : memref<6x80xi32, #tpu.memory_space<vmem>> -> memref<1x80xi32, #tpu.memory_space<vmem>>
    %dma_start3A_178 = tpu.memref_squeeze %dma_start3A_177 : memref<1x80xi32, #tpu.memory_space<vmem>> -> memref<80xi32, #tpu.memory_space<vmem>>
    %dma_start3A_179 = arith.constant 0 : i32
    %dma_start3A_180 = arith.constant 0 : i32
    %dma_start3A_181 = tpu.memref_slice %arg3[%add3A, %dma_start3A_179, %dma_start3A_180] : memref<32x132x80xi32, #tpu.memory_space<hbm>> -> memref<1x132x80xi32, #tpu.memory_space<hbm>>
    %dma_start3A_182 = tpu.memref_squeeze %dma_start3A_181 : memref<1x132x80xi32, #tpu.memory_space<hbm>> -> memref<132x80xi32, #tpu.memory_space<hbm>>
    %dma_start3A_183 = arith.constant 0 : i32
    %dma_start3A_184 = tpu.memref_slice %dma_start3A_182[%dma_start3A_175, %dma_start3A_183] : memref<132x80xi32, #tpu.memory_space<hbm>> -> memref<1x80xi32, #tpu.memory_space<hbm>>
    %dma_start3A_185 = tpu.memref_squeeze %dma_start3A_184 : memref<1x80xi32, #tpu.memory_space<hbm>> -> memref<80xi32, #tpu.memory_space<hbm>>
    %dma_start3A_186 = arith.constant 0 : i32
    %dma_start3A_187 = tpu.memref_slice %arg7[%rem3A_174, %dma_start3A_186] : memref<6x80xi32, #tpu.memory_space<vmem>> -> memref<1x80xi32, #tpu.memory_space<vmem>>
    %dma_start3A_188 = tpu.memref_squeeze %dma_start3A_187 : memref<1x80xi32, #tpu.memory_space<vmem>> -> memref<80xi32, #tpu.memory_space<vmem>>
    %dma_start3A_189 = arith.constant 0 : i32
    %dma_start3A_190 = arith.constant 0 : i32
    %dma_start3A_191 = tpu.memref_slice %arg3[%add3A, %dma_start3A_189, %dma_start3A_190] : memref<32x132x80xi32, #tpu.memory_space<hbm>> -> memref<1x132x80xi32, #tpu.memory_space<hbm>>
    %dma_start3A_192 = tpu.memref_squeeze %dma_start3A_191 : memref<1x132x80xi32, #tpu.memory_space<hbm>> -> memref<132x80xi32, #tpu.memory_space<hbm>>
    %dma_start3A_193 = arith.constant 0 : i32
    %dma_start3A_194 = tpu.memref_slice %dma_start3A_192[%dma_start3A_175, %dma_start3A_193] : memref<132x80xi32, #tpu.memory_space<hbm>> -> memref<1x80xi32, #tpu.memory_space<hbm>>
    %dma_start3A_195 = tpu.memref_squeeze %dma_start3A_194 : memref<1x80xi32, #tpu.memory_space<hbm>> -> memref<80xi32, #tpu.memory_space<hbm>>
    tpu.enqueue_dma source(%dma_start3A_195 : memref<80xi32, #tpu.memory_space<hbm>>) target(%dma_start3A_188 : memref<80xi32, #tpu.memory_space<vmem>>) target_semaphore(%arg17 : memref<!tpu.dma_semaphore, #tpu.memory_space<semaphore_mem>>)
    %dma_start3A_196 = arith.constant 480 : i32
    %dma_start3A_197 = tpu.memref_slice %arg6[%dma_start3A_196] : memref<10560xi32, #tpu.memory_space<vmem>> -> memref<80xi32, #tpu.memory_space<vmem>>
    %dma_start3A_198 = arith.constant 0 : i32
    %dma_start3A_199 = arith.constant 0 : i32
    %dma_start3A_200 = tpu.memref_slice %arg4[%dma_start3A_198, %dma_start3A_199] : memref<10240x128xf32, #tpu.memory_space<hbm>> -> memref<10240x128xf32, #tpu.memory_space<hbm>>
    tpu.enqueue_indirect_dma source(%dma_start3A_200 : memref<10240x128xf32, #tpu.memory_space<hbm>>) target(%arg8 : memref<80x128xf32, #tpu.memory_space<vmem>>) offsets(%dma_start3A_197 : memref<80xi32, #tpu.memory_space<vmem>>) semaphore(%arg11 : memref<!tpu.dma_semaphore, #tpu.memory_space<semaphore_mem>>)
    %dma_wait3A_201 = arith.constant 320 : i32
    %dma_wait3A_202 = tpu.memref_slice %arg6[%dma_wait3A_201] : memref<10560xi32, #tpu.memory_space<vmem>> -> memref<80xi32, #tpu.memory_space<vmem>>
    %dma_wait3A_203 = arith.constant 0 : i32
    %dma_wait3A_204 = arith.constant 0 : i32
    %dma_wait3A_205 = tpu.memref_slice %arg4[%dma_wait3A_203, %dma_wait3A_204] : memref<10240x128xf32, #tpu.memory_space<hbm>> -> memref<10240x128xf32, #tpu.memory_space<hbm>>
    tpu.wait_indirect_dma semaphore(%arg12 : memref<!tpu.dma_semaphore, #tpu.memory_space<semaphore_mem>>) src(%dma_wait3A_205 : memref<10240x128xf32, #tpu.memory_space<hbm>>) dst(%arg9 : memref<80x128xf32, #tpu.memory_space<vmem>>)
    %rem3A_206 = arith.constant 4 : i32
    %rem3A_207 = arith.constant 6 : i32
    %rem3A_208 = arith.remsi %rem3A_206, %rem3A_207 : i32
    "tpu.region"() ({
      %run_scoped3A = tpu.sem_alloc : memref<!tpu.dma_semaphore, #tpu.memory_space<semaphore_mem>>
      %dma_start3A_482 = arith.constant 0 : i32
      %dma_start3A_483 = tpu.memref_slice %arg7[%rem3A_208, %dma_start3A_482] : memref<6x80xi32, #tpu.memory_space<vmem>> -> memref<1x80xi32, #tpu.memory_space<vmem>>
      %dma_start3A_484 = tpu.memref_squeeze %dma_start3A_483 : memref<1x80xi32, #tpu.memory_space<vmem>> -> memref<80xi32, #tpu.memory_space<vmem>>
      %dma_start3A_485 = arith.constant 0 : i32
      %dma_start3A_486 = arith.constant 0 : i32
      %dma_start3A_487 = tpu.memref_slice %arg20[%dma_start3A_485, %dma_start3A_486] : memref<10240x128xf32, #tpu.memory_space<vmem_shared>> -> memref<10240x128xf32, #tpu.memory_space<vmem_shared>>
      tpu.enqueue_indirect_dma source(%arg9 : memref<80x128xf32, #tpu.memory_space<vmem>>) target(%dma_start3A_487 : memref<10240x128xf32, #tpu.memory_space<vmem_shared>>) offsets(%dma_start3A_484 : memref<80xi32, #tpu.memory_space<vmem>>) semaphore(%run_scoped3A : memref<!tpu.dma_semaphore, #tpu.memory_space<semaphore_mem>>) {add = true}
      %dma_wait3A_488 = arith.constant 0 : i32
      %dma_wait3A_489 = tpu.memref_slice %arg7[%rem3A_208, %dma_wait3A_488] : memref<6x80xi32, #tpu.memory_space<vmem>> -> memref<1x80xi32, #tpu.memory_space<vmem>>
      %dma_wait3A_490 = tpu.memref_squeeze %dma_wait3A_489 : memref<1x80xi32, #tpu.memory_space<vmem>> -> memref<80xi32, #tpu.memory_space<vmem>>
      %dma_wait3A_491 = arith.constant 0 : i32
      %dma_wait3A_492 = arith.constant 0 : i32
      %dma_wait3A_493 = tpu.memref_slice %arg20[%dma_wait3A_491, %dma_wait3A_492] : memref<10240x128xf32, #tpu.memory_space<vmem_shared>> -> memref<10240x128xf32, #tpu.memory_space<vmem_shared>>
      tpu.wait_indirect_dma semaphore(%run_scoped3A : memref<!tpu.dma_semaphore, #tpu.memory_space<semaphore_mem>>) src(%arg9 : memref<80x128xf32, #tpu.memory_space<vmem>>) dst(%dma_wait3A_493 : memref<10240x128xf32, #tpu.memory_space<vmem_shared>>)
      tpu.yield
    }) : () -> ()
    %rem3A_209 = arith.constant 10 : i32
    %rem3A_210 = arith.constant 6 : i32
    %rem3A_211 = arith.remsi %rem3A_209, %rem3A_210 : i32
    %dma_start3A_212 = arith.constant 10 : i32
    %dma_start3A_213 = arith.constant 0 : i32
    %dma_start3A_214 = tpu.memref_slice %arg7[%rem3A_211, %dma_start3A_213] : memref<6x80xi32, #tpu.memory_space<vmem>> -> memref<1x80xi32, #tpu.memory_space<vmem>>
    %dma_start3A_215 = tpu.memref_squeeze %dma_start3A_214 : memref<1x80xi32, #tpu.memory_space<vmem>> -> memref<80xi32, #tpu.memory_space<vmem>>
    %dma_start3A_216 = arith.constant 0 : i32
    %dma_start3A_217 = arith.constant 0 : i32
    %dma_start3A_218 = tpu.memref_slice %arg3[%add3A, %dma_start3A_216, %dma_start3A_217] : memref<32x132x80xi32, #tpu.memory_space<hbm>> -> memref<1x132x80xi32, #tpu.memory_space<hbm>>
    %dma_start3A_219 = tpu.memref_squeeze %dma_start3A_218 : memref<1x132x80xi32, #tpu.memory_space<hbm>> -> memref<132x80xi32, #tpu.memory_space<hbm>>
    %dma_start3A_220 = arith.constant 0 : i32
    %dma_start3A_221 = tpu.memref_slice %dma_start3A_219[%dma_start3A_212, %dma_start3A_220] : memref<132x80xi32, #tpu.memory_space<hbm>> -> memref<1x80xi32, #tpu.memory_space<hbm>>
    %dma_start3A_222 = tpu.memref_squeeze %dma_start3A_221 : memref<1x80xi32, #tpu.memory_space<hbm>> -> memref<80xi32, #tpu.memory_space<hbm>>
    %dma_start3A_223 = arith.constant 0 : i32
    %dma_start3A_224 = tpu.memref_slice %arg7[%rem3A_211, %dma_start3A_223] : memref<6x80xi32, #tpu.memory_space<vmem>> -> memref<1x80xi32, #tpu.memory_space<vmem>>
    %dma_start3A_225 = tpu.memref_squeeze %dma_start3A_224 : memref<1x80xi32, #tpu.memory_space<vmem>> -> memref<80xi32, #tpu.memory_space<vmem>>
    %dma_start3A_226 = arith.constant 0 : i32
    %dma_start3A_227 = arith.constant 0 : i32
    %dma_start3A_228 = tpu.memref_slice %arg3[%add3A, %dma_start3A_226, %dma_start3A_227] : memref<32x132x80xi32, #tpu.memory_space<hbm>> -> memref<1x132x80xi32, #tpu.memory_space<hbm>>
    %dma_start3A_229 = tpu.memref_squeeze %dma_start3A_228 : memref<1x132x80xi32, #tpu.memory_space<hbm>> -> memref<132x80xi32, #tpu.memory_space<hbm>>
    %dma_start3A_230 = arith.constant 0 : i32
    %dma_start3A_231 = tpu.memref_slice %dma_start3A_229[%dma_start3A_212, %dma_start3A_230] : memref<132x80xi32, #tpu.memory_space<hbm>> -> memref<1x80xi32, #tpu.memory_space<hbm>>
    %dma_start3A_232 = tpu.memref_squeeze %dma_start3A_231 : memref<1x80xi32, #tpu.memory_space<hbm>> -> memref<80xi32, #tpu.memory_space<hbm>>
    tpu.enqueue_dma source(%dma_start3A_232 : memref<80xi32, #tpu.memory_space<hbm>>) target(%dma_start3A_225 : memref<80xi32, #tpu.memory_space<vmem>>) target_semaphore(%arg18 : memref<!tpu.dma_semaphore, #tpu.memory_space<semaphore_mem>>)
    %dma_start3A_233 = arith.constant 560 : i32
    %dma_start3A_234 = tpu.memref_slice %arg6[%dma_start3A_233] : memref<10560xi32, #tpu.memory_space<vmem>> -> memref<80xi32, #tpu.memory_space<vmem>>
    %dma_start3A_235 = arith.constant 0 : i32
    %dma_start3A_236 = arith.constant 0 : i32
    %dma_start3A_237 = tpu.memref_slice %arg4[%dma_start3A_235, %dma_start3A_236] : memref<10240x128xf32, #tpu.memory_space<hbm>> -> memref<10240x128xf32, #tpu.memory_space<hbm>>
    tpu.enqueue_indirect_dma source(%dma_start3A_237 : memref<10240x128xf32, #tpu.memory_space<hbm>>) target(%arg9 : memref<80x128xf32, #tpu.memory_space<vmem>>) offsets(%dma_start3A_234 : memref<80xi32, #tpu.memory_space<vmem>>) semaphore(%arg12 : memref<!tpu.dma_semaphore, #tpu.memory_space<semaphore_mem>>)
    %dma_wait3A_238 = arith.constant 400 : i32
    %dma_wait3A_239 = tpu.memref_slice %arg6[%dma_wait3A_238] : memref<10560xi32, #tpu.memory_space<vmem>> -> memref<80xi32, #tpu.memory_space<vmem>>
    %dma_wait3A_240 = arith.constant 0 : i32
    %dma_wait3A_241 = arith.constant 0 : i32
    %dma_wait3A_242 = tpu.memref_slice %arg4[%dma_wait3A_240, %dma_wait3A_241] : memref<10240x128xf32, #tpu.memory_space<hbm>> -> memref<10240x128xf32, #tpu.memory_space<hbm>>
    tpu.wait_indirect_dma semaphore(%arg13 : memref<!tpu.dma_semaphore, #tpu.memory_space<semaphore_mem>>) src(%dma_wait3A_242 : memref<10240x128xf32, #tpu.memory_space<hbm>>) dst(%arg10 : memref<80x128xf32, #tpu.memory_space<vmem>>)
    %rem3A_243 = arith.constant 5 : i32
    %rem3A_244 = arith.constant 6 : i32
    %rem3A_245 = arith.remsi %rem3A_243, %rem3A_244 : i32
    "tpu.region"() ({
      %run_scoped3A = tpu.sem_alloc : memref<!tpu.dma_semaphore, #tpu.memory_space<semaphore_mem>>
      %dma_start3A_482 = arith.constant 0 : i32
      %dma_start3A_483 = tpu.memref_slice %arg7[%rem3A_245, %dma_start3A_482] : memref<6x80xi32, #tpu.memory_space<vmem>> -> memref<1x80xi32, #tpu.memory_space<vmem>>
      %dma_start3A_484 = tpu.memref_squeeze %dma_start3A_483 : memref<1x80xi32, #tpu.memory_space<vmem>> -> memref<80xi32, #tpu.memory_space<vmem>>
      %dma_start3A_485 = arith.constant 0 : i32
      %dma_start3A_486 = arith.constant 0 : i32
      %dma_start3A_487 = tpu.memref_slice %arg20[%dma_start3A_485, %dma_start3A_486] : memref<10240x128xf32, #tpu.memory_space<vmem_shared>> -> memref<10240x128xf32, #tpu.memory_space<vmem_shared>>
      tpu.enqueue_indirect_dma source(%arg10 : memref<80x128xf32, #tpu.memory_space<vmem>>) target(%dma_start3A_487 : memref<10240x128xf32, #tpu.memory_space<vmem_shared>>) offsets(%dma_start3A_484 : memref<80xi32, #tpu.memory_space<vmem>>) semaphore(%run_scoped3A : memref<!tpu.dma_semaphore, #tpu.memory_space<semaphore_mem>>) {add = true}
      %dma_wait3A_488 = arith.constant 0 : i32
      %dma_wait3A_489 = tpu.memref_slice %arg7[%rem3A_245, %dma_wait3A_488] : memref<6x80xi32, #tpu.memory_space<vmem>> -> memref<1x80xi32, #tpu.memory_space<vmem>>
      %dma_wait3A_490 = tpu.memref_squeeze %dma_wait3A_489 : memref<1x80xi32, #tpu.memory_space<vmem>> -> memref<80xi32, #tpu.memory_space<vmem>>
      %dma_wait3A_491 = arith.constant 0 : i32
      %dma_wait3A_492 = arith.constant 0 : i32
      %dma_wait3A_493 = tpu.memref_slice %arg20[%dma_wait3A_491, %dma_wait3A_492] : memref<10240x128xf32, #tpu.memory_space<vmem_shared>> -> memref<10240x128xf32, #tpu.memory_space<vmem_shared>>
      tpu.wait_indirect_dma semaphore(%run_scoped3A : memref<!tpu.dma_semaphore, #tpu.memory_space<semaphore_mem>>) src(%arg10 : memref<80x128xf32, #tpu.memory_space<vmem>>) dst(%dma_wait3A_493 : memref<10240x128xf32, #tpu.memory_space<vmem_shared>>)
      tpu.yield
    }) : () -> ()
    %rem3A_246 = arith.constant 11 : i32
    %rem3A_247 = arith.constant 6 : i32
    %rem3A_248 = arith.remsi %rem3A_246, %rem3A_247 : i32
    %dma_start3A_249 = arith.constant 11 : i32
    %dma_start3A_250 = arith.constant 0 : i32
    %dma_start3A_251 = tpu.memref_slice %arg7[%rem3A_248, %dma_start3A_250] : memref<6x80xi32, #tpu.memory_space<vmem>> -> memref<1x80xi32, #tpu.memory_space<vmem>>
    %dma_start3A_252 = tpu.memref_squeeze %dma_start3A_251 : memref<1x80xi32, #tpu.memory_space<vmem>> -> memref<80xi32, #tpu.memory_space<vmem>>
    %dma_start3A_253 = arith.constant 0 : i32
    %dma_start3A_254 = arith.constant 0 : i32
    %dma_start3A_255 = tpu.memref_slice %arg3[%add3A, %dma_start3A_253, %dma_start3A_254] : memref<32x132x80xi32, #tpu.memory_space<hbm>> -> memref<1x132x80xi32, #tpu.memory_space<hbm>>
    %dma_start3A_256 = tpu.memref_squeeze %dma_start3A_255 : memref<1x132x80xi32, #tpu.memory_space<hbm>> -> memref<132x80xi32, #tpu.memory_space<hbm>>
    %dma_start3A_257 = arith.constant 0 : i32
    %dma_start3A_258 = tpu.memref_slice %dma_start3A_256[%dma_start3A_249, %dma_start3A_257] : memref<132x80xi32, #tpu.memory_space<hbm>> -> memref<1x80xi32, #tpu.memory_space<hbm>>
    %dma_start3A_259 = tpu.memref_squeeze %dma_start3A_258 : memref<1x80xi32, #tpu.memory_space<hbm>> -> memref<80xi32, #tpu.memory_space<hbm>>
    %dma_start3A_260 = arith.constant 0 : i32
    %dma_start3A_261 = tpu.memref_slice %arg7[%rem3A_248, %dma_start3A_260] : memref<6x80xi32, #tpu.memory_space<vmem>> -> memref<1x80xi32, #tpu.memory_space<vmem>>
    %dma_start3A_262 = tpu.memref_squeeze %dma_start3A_261 : memref<1x80xi32, #tpu.memory_space<vmem>> -> memref<80xi32, #tpu.memory_space<vmem>>
    %dma_start3A_263 = arith.constant 0 : i32
    %dma_start3A_264 = arith.constant 0 : i32
    %dma_start3A_265 = tpu.memref_slice %arg3[%add3A, %dma_start3A_263, %dma_start3A_264] : memref<32x132x80xi32, #tpu.memory_space<hbm>> -> memref<1x132x80xi32, #tpu.memory_space<hbm>>
    %dma_start3A_266 = tpu.memref_squeeze %dma_start3A_265 : memref<1x132x80xi32, #tpu.memory_space<hbm>> -> memref<132x80xi32, #tpu.memory_space<hbm>>
    %dma_start3A_267 = arith.constant 0 : i32
    %dma_start3A_268 = tpu.memref_slice %dma_start3A_266[%dma_start3A_249, %dma_start3A_267] : memref<132x80xi32, #tpu.memory_space<hbm>> -> memref<1x80xi32, #tpu.memory_space<hbm>>
    %dma_start3A_269 = tpu.memref_squeeze %dma_start3A_268 : memref<1x80xi32, #tpu.memory_space<hbm>> -> memref<80xi32, #tpu.memory_space<hbm>>
    tpu.enqueue_dma source(%dma_start3A_269 : memref<80xi32, #tpu.memory_space<hbm>>) target(%dma_start3A_262 : memref<80xi32, #tpu.memory_space<vmem>>) target_semaphore(%arg19 : memref<!tpu.dma_semaphore, #tpu.memory_space<semaphore_mem>>)
    %dma_start3A_270 = arith.constant 640 : i32
    %dma_start3A_271 = tpu.memref_slice %arg6[%dma_start3A_270] : memref<10560xi32, #tpu.memory_space<vmem>> -> memref<80xi32, #tpu.memory_space<vmem>>
    %dma_start3A_272 = arith.constant 0 : i32
    %dma_start3A_273 = arith.constant 0 : i32
    %dma_start3A_274 = tpu.memref_slice %arg4[%dma_start3A_272, %dma_start3A_273] : memref<10240x128xf32, #tpu.memory_space<hbm>> -> memref<10240x128xf32, #tpu.memory_space<hbm>>
    tpu.enqueue_indirect_dma source(%dma_start3A_274 : memref<10240x128xf32, #tpu.memory_space<hbm>>) target(%arg10 : memref<80x128xf32, #tpu.memory_space<vmem>>) offsets(%dma_start3A_271 : memref<80xi32, #tpu.memory_space<vmem>>) semaphore(%arg13 : memref<!tpu.dma_semaphore, #tpu.memory_space<semaphore_mem>>)
    %scan3A_275 = arith.constant 0 : i32
    %scan3A_276 = arith.constant 0 : i32
    %scan3A_277 = arith.constant 20 : i32
    %scan3A_278 = arith.addi %scan3A_276, %scan3A_277 : i32
    %scan3A_279 = arith.constant 1 : i32
    %scan3A_280 = scf.for %scan3A_482 = %scan3A_276 to %scan3A_278 step %scan3A_279 iter_args(%scan3A_483 = %scan3A_275) -> (i32)  : i32 {
      %mul3A_484 = arith.constant 6 : i32
      %mul3A_485 = arith.muli %mul3A_484, %scan3A_482 : i32
      %add3A_486 = arith.constant 6 : i32
      %add3A_487 = arith.addi %add3A_486, %mul3A_485 : i32
      %add3A_488 = arith.constant 0 : i32
      %add3A_489 = arith.addi %add3A_487, %add3A_488 : i32
      %mul3A_490 = arith.constant 80 : i32
      %mul3A_491 = arith.muli %add3A_489, %mul3A_490 : i32
      %dma_wait3A_492 = tpu.memref_slice %arg6[%mul3A_491] : memref<10560xi32, #tpu.memory_space<vmem>> -> memref<80xi32, #tpu.memory_space<vmem>>
      %dma_wait3A_493 = arith.constant 0 : i32
      %dma_wait3A_494 = arith.constant 0 : i32
      %dma_wait3A_495 = tpu.memref_slice %arg4[%dma_wait3A_493, %dma_wait3A_494] : memref<10240x128xf32, #tpu.memory_space<hbm>> -> memref<10240x128xf32, #tpu.memory_space<hbm>>
      tpu.wait_indirect_dma semaphore(%arg11 : memref<!tpu.dma_semaphore, #tpu.memory_space<semaphore_mem>>) src(%dma_wait3A_495 : memref<10240x128xf32, #tpu.memory_space<hbm>>) dst(%arg8 : memref<80x128xf32, #tpu.memory_space<vmem>>)
      %dma_wait3A_496 = arith.constant 0 : i32
      %dma_wait3A_497 = arith.constant 0 : i32
      %dma_wait3A_498 = arith.constant 0 : i32
      %dma_wait3A_499 = tpu.memref_slice %arg7[%dma_wait3A_497, %dma_wait3A_498] : memref<6x80xi32, #tpu.memory_space<vmem>> -> memref<1x80xi32, #tpu.memory_space<vmem>>
      %dma_wait3A_500 = tpu.memref_squeeze %dma_wait3A_499 : memref<1x80xi32, #tpu.memory_space<vmem>> -> memref<80xi32, #tpu.memory_space<vmem>>
      %dma_wait3A_501 = arith.constant 0 : i32
      %dma_wait3A_502 = arith.constant 0 : i32
      %dma_wait3A_503 = tpu.memref_slice %arg3[%add3A, %dma_wait3A_501, %dma_wait3A_502] : memref<32x132x80xi32, #tpu.memory_space<hbm>> -> memref<1x132x80xi32, #tpu.memory_space<hbm>>
      %dma_wait3A_504 = tpu.memref_squeeze %dma_wait3A_503 : memref<1x132x80xi32, #tpu.memory_space<hbm>> -> memref<132x80xi32, #tpu.memory_space<hbm>>
      %dma_wait3A_505 = arith.constant 0 : i32
      %dma_wait3A_506 = tpu.memref_slice %dma_wait3A_504[%dma_wait3A_496, %dma_wait3A_505] : memref<132x80xi32, #tpu.memory_space<hbm>> -> memref<1x80xi32, #tpu.memory_space<hbm>>
      %dma_wait3A_507 = tpu.memref_squeeze %dma_wait3A_506 : memref<1x80xi32, #tpu.memory_space<hbm>> -> memref<80xi32, #tpu.memory_space<hbm>>
      %dma_wait3A_508 = arith.constant 0 : i32
      %dma_wait3A_509 = tpu.memref_slice %arg7[%dma_wait3A_497, %dma_wait3A_508] : memref<6x80xi32, #tpu.memory_space<vmem>> -> memref<1x80xi32, #tpu.memory_space<vmem>>
      %dma_wait3A_510 = tpu.memref_squeeze %dma_wait3A_509 : memref<1x80xi32, #tpu.memory_space<vmem>> -> memref<80xi32, #tpu.memory_space<vmem>>
      %dma_wait3A_511 = arith.constant 0 : i32
      %dma_wait3A_512 = arith.constant 0 : i32
      %dma_wait3A_513 = tpu.memref_slice %arg3[%add3A, %dma_wait3A_511, %dma_wait3A_512] : memref<32x132x80xi32, #tpu.memory_space<hbm>> -> memref<1x132x80xi32, #tpu.memory_space<hbm>>
      %dma_wait3A_514 = tpu.memref_squeeze %dma_wait3A_513 : memref<1x132x80xi32, #tpu.memory_space<hbm>> -> memref<132x80xi32, #tpu.memory_space<hbm>>
      %dma_wait3A_515 = arith.constant 0 : i32
      %dma_wait3A_516 = tpu.memref_slice %dma_wait3A_514[%dma_wait3A_496, %dma_wait3A_515] : memref<132x80xi32, #tpu.memory_space<hbm>> -> memref<1x80xi32, #tpu.memory_space<hbm>>
      %dma_wait3A_517 = tpu.memref_squeeze %dma_wait3A_516 : memref<1x80xi32, #tpu.memory_space<hbm>> -> memref<80xi32, #tpu.memory_space<hbm>>
      tpu.wait_dma2 semaphore(%arg14 : memref<!tpu.dma_semaphore, #tpu.memory_space<semaphore_mem>>) src(%dma_wait3A_517 : memref<80xi32, #tpu.memory_space<hbm>>) dst(%dma_wait3A_510 : memref<80xi32, #tpu.memory_space<vmem>>)
      %rem3A_518 = arith.constant 6 : i32
      %rem3A_519 = arith.remsi %add3A_489, %rem3A_518 : i32
      "tpu.region"() ({
        %run_scoped3A = tpu.sem_alloc : memref<!tpu.dma_semaphore, #tpu.memory_space<semaphore_mem>>
        %dma_start3A_893 = arith.constant 0 : i32
        %dma_start3A_894 = tpu.memref_slice %arg7[%rem3A_519, %dma_start3A_893] : memref<6x80xi32, #tpu.memory_space<vmem>> -> memref<1x80xi32, #tpu.memory_space<vmem>>
        %dma_start3A_895 = tpu.memref_squeeze %dma_start3A_894 : memref<1x80xi32, #tpu.memory_space<vmem>> -> memref<80xi32, #tpu.memory_space<vmem>>
        %dma_start3A_896 = arith.constant 0 : i32
        %dma_start3A_897 = arith.constant 0 : i32
        %dma_start3A_898 = tpu.memref_slice %arg20[%dma_start3A_896, %dma_start3A_897] : memref<10240x128xf32, #tpu.memory_space<vmem_shared>> -> memref<10240x128xf32, #tpu.memory_space<vmem_shared>>
        tpu.enqueue_indirect_dma source(%arg8 : memref<80x128xf32, #tpu.memory_space<vmem>>) target(%dma_start3A_898 : memref<10240x128xf32, #tpu.memory_space<vmem_shared>>) offsets(%dma_start3A_895 : memref<80xi32, #tpu.memory_space<vmem>>) semaphore(%run_scoped3A : memref<!tpu.dma_semaphore, #tpu.memory_space<semaphore_mem>>) {add = true}
        %dma_wait3A_899 = arith.constant 0 : i32
        %dma_wait3A_900 = tpu.memref_slice %arg7[%rem3A_519, %dma_wait3A_899] : memref<6x80xi32, #tpu.memory_space<vmem>> -> memref<1x80xi32, #tpu.memory_space<vmem>>
        %dma_wait3A_901 = tpu.memref_squeeze %dma_wait3A_900 : memref<1x80xi32, #tpu.memory_space<vmem>> -> memref<80xi32, #tpu.memory_space<vmem>>
        %dma_wait3A_902 = arith.constant 0 : i32
        %dma_wait3A_903 = arith.constant 0 : i32
        %dma_wait3A_904 = tpu.memref_slice %arg20[%dma_wait3A_902, %dma_wait3A_903] : memref<10240x128xf32, #tpu.memory_space<vmem_shared>> -> memref<10240x128xf32, #tpu.memory_space<vmem_shared>>
        tpu.wait_indirect_dma semaphore(%run_scoped3A : memref<!tpu.dma_semaphore, #tpu.memory_space<semaphore_mem>>) src(%arg8 : memref<80x128xf32, #tpu.memory_space<vmem>>) dst(%dma_wait3A_904 : memref<10240x128xf32, #tpu.memory_space<vmem_shared>>)
        tpu.yield
      }) : () -> ()
      %add3A_520 = arith.constant 6 : i32
      %add3A_521 = arith.addi %add3A_489, %add3A_520 : i32
      %rem3A_522 = arith.constant 6 : i32
      %rem3A_523 = arith.remsi %add3A_521, %rem3A_522 : i32
      %dma_start3A_524 = arith.constant 0 : i32
      %dma_start3A_525 = tpu.memref_slice %arg7[%rem3A_523, %dma_start3A_524] : memref<6x80xi32, #tpu.memory_space<vmem>> -> memref<1x80xi32, #tpu.memory_space<vmem>>
      %dma_start3A_526 = tpu.memref_squeeze %dma_start3A_525 : memref<1x80xi32, #tpu.memory_space<vmem>> -> memref<80xi32, #tpu.memory_space<vmem>>
      %dma_start3A_527 = arith.constant 0 : i32
      %dma_start3A_528 = arith.constant 0 : i32
      %dma_start3A_529 = tpu.memref_slice %arg3[%add3A, %dma_start3A_527, %dma_start3A_528] : memref<32x132x80xi32, #tpu.memory_space<hbm>> -> memref<1x132x80xi32, #tpu.memory_space<hbm>>
      %dma_start3A_530 = tpu.memref_squeeze %dma_start3A_529 : memref<1x132x80xi32, #tpu.memory_space<hbm>> -> memref<132x80xi32, #tpu.memory_space<hbm>>
      %dma_start3A_531 = arith.constant 0 : i32
      %dma_start3A_532 = tpu.memref_slice %dma_start3A_530[%add3A_521, %dma_start3A_531] : memref<132x80xi32, #tpu.memory_space<hbm>> -> memref<1x80xi32, #tpu.memory_space<hbm>>
      %dma_start3A_533 = tpu.memref_squeeze %dma_start3A_532 : memref<1x80xi32, #tpu.memory_space<hbm>> -> memref<80xi32, #tpu.memory_space<hbm>>
      %dma_start3A_534 = arith.constant 0 : i32
      %dma_start3A_535 = tpu.memref_slice %arg7[%rem3A_523, %dma_start3A_534] : memref<6x80xi32, #tpu.memory_space<vmem>> -> memref<1x80xi32, #tpu.memory_space<vmem>>
      %dma_start3A_536 = tpu.memref_squeeze %dma_start3A_535 : memref<1x80xi32, #tpu.memory_space<vmem>> -> memref<80xi32, #tpu.memory_space<vmem>>
      %dma_start3A_537 = arith.constant 0 : i32
      %dma_start3A_538 = arith.constant 0 : i32
      %dma_start3A_539 = tpu.memref_slice %arg3[%add3A, %dma_start3A_537, %dma_start3A_538] : memref<32x132x80xi32, #tpu.memory_space<hbm>> -> memref<1x132x80xi32, #tpu.memory_space<hbm>>
      %dma_start3A_540 = tpu.memref_squeeze %dma_start3A_539 : memref<1x132x80xi32, #tpu.memory_space<hbm>> -> memref<132x80xi32, #tpu.memory_space<hbm>>
      %dma_start3A_541 = arith.constant 0 : i32
      %dma_start3A_542 = tpu.memref_slice %dma_start3A_540[%add3A_521, %dma_start3A_541] : memref<132x80xi32, #tpu.memory_space<hbm>> -> memref<1x80xi32, #tpu.memory_space<hbm>>
      %dma_start3A_543 = tpu.memref_squeeze %dma_start3A_542 : memref<1x80xi32, #tpu.memory_space<hbm>> -> memref<80xi32, #tpu.memory_space<hbm>>
      tpu.enqueue_dma source(%dma_start3A_543 : memref<80xi32, #tpu.memory_space<hbm>>) target(%dma_start3A_536 : memref<80xi32, #tpu.memory_space<vmem>>) target_semaphore(%arg14 : memref<!tpu.dma_semaphore, #tpu.memory_space<semaphore_mem>>)
      %add3A_544 = arith.constant 3 : i32
      %add3A_545 = arith.addi %add3A_489, %add3A_544 : i32
      %mul3A_546 = arith.constant 80 : i32
      %mul3A_547 = arith.muli %add3A_545, %mul3A_546 : i32
      %dma_start3A_548 = tpu.memref_slice %arg6[%mul3A_547] : memref<10560xi32, #tpu.memory_space<vmem>> -> memref<80xi32, #tpu.memory_space<vmem>>
      %dma_start3A_549 = arith.constant 0 : i32
      %dma_start3A_550 = arith.constant 0 : i32
      %dma_start3A_551 = tpu.memref_slice %arg4[%dma_start3A_549, %dma_start3A_550] : memref<10240x128xf32, #tpu.memory_space<hbm>> -> memref<10240x128xf32, #tpu.memory_space<hbm>>
      tpu.enqueue_indirect_dma source(%dma_start3A_551 : memref<10240x128xf32, #tpu.memory_space<hbm>>) target(%arg8 : memref<80x128xf32, #tpu.memory_space<vmem>>) offsets(%dma_start3A_548 : memref<80xi32, #tpu.memory_space<vmem>>) semaphore(%arg11 : memref<!tpu.dma_semaphore, #tpu.memory_space<semaphore_mem>>)
      %mul3A_552 = arith.constant 6 : i32
      %mul3A_553 = arith.muli %mul3A_552, %scan3A_482 : i32
      %add3A_554 = arith.constant 6 : i32
      %add3A_555 = arith.addi %add3A_554, %mul3A_553 : i32
      %add3A_556 = arith.constant 1 : i32
      %add3A_557 = arith.addi %add3A_555, %add3A_556 : i32
      %mul3A_558 = arith.constant 80 : i32
      %mul3A_559 = arith.muli %add3A_557, %mul3A_558 : i32
      %dma_wait3A_560 = tpu.memref_slice %arg6[%mul3A_559] : memref<10560xi32, #tpu.memory_space<vmem>> -> memref<80xi32, #tpu.memory_space<vmem>>
      %dma_wait3A_561 = arith.constant 0 : i32
      %dma_wait3A_562 = arith.constant 0 : i32
      %dma_wait3A_563 = tpu.memref_slice %arg4[%dma_wait3A_561, %dma_wait3A_562] : memref<10240x128xf32, #tpu.memory_space<hbm>> -> memref<10240x128xf32, #tpu.memory_space<hbm>>
      tpu.wait_indirect_dma semaphore(%arg12 : memref<!tpu.dma_semaphore, #tpu.memory_space<semaphore_mem>>) src(%dma_wait3A_563 : memref<10240x128xf32, #tpu.memory_space<hbm>>) dst(%arg9 : memref<80x128xf32, #tpu.memory_space<vmem>>)
      %dma_wait3A_564 = arith.constant 0 : i32
      %dma_wait3A_565 = arith.constant 0 : i32
      %dma_wait3A_566 = arith.constant 0 : i32
      %dma_wait3A_567 = tpu.memref_slice %arg7[%dma_wait3A_565, %dma_wait3A_566] : memref<6x80xi32, #tpu.memory_space<vmem>> -> memref<1x80xi32, #tpu.memory_space<vmem>>
      %dma_wait3A_568 = tpu.memref_squeeze %dma_wait3A_567 : memref<1x80xi32, #tpu.memory_space<vmem>> -> memref<80xi32, #tpu.memory_space<vmem>>
      %dma_wait3A_569 = arith.constant 0 : i32
      %dma_wait3A_570 = arith.constant 0 : i32
      %dma_wait3A_571 = tpu.memref_slice %arg3[%add3A, %dma_wait3A_569, %dma_wait3A_570] : memref<32x132x80xi32, #tpu.memory_space<hbm>> -> memref<1x132x80xi32, #tpu.memory_space<hbm>>
      %dma_wait3A_572 = tpu.memref_squeeze %dma_wait3A_571 : memref<1x132x80xi32, #tpu.memory_space<hbm>> -> memref<132x80xi32, #tpu.memory_space<hbm>>
      %dma_wait3A_573 = arith.constant 0 : i32
      %dma_wait3A_574 = tpu.memref_slice %dma_wait3A_572[%dma_wait3A_564, %dma_wait3A_573] : memref<132x80xi32, #tpu.memory_space<hbm>> -> memref<1x80xi32, #tpu.memory_space<hbm>>
      %dma_wait3A_575 = tpu.memref_squeeze %dma_wait3A_574 : memref<1x80xi32, #tpu.memory_space<hbm>> -> memref<80xi32, #tpu.memory_space<hbm>>
      %dma_wait3A_576 = arith.constant 0 : i32
      %dma_wait3A_577 = tpu.memref_slice %arg7[%dma_wait3A_565, %dma_wait3A_576] : memref<6x80xi32, #tpu.memory_space<vmem>> -> memref<1x80xi32, #tpu.memory_space<vmem>>
      %dma_wait3A_578 = tpu.memref_squeeze %dma_wait3A_577 : memref<1x80xi32, #tpu.memory_space<vmem>> -> memref<80xi32, #tpu.memory_space<vmem>>
      %dma_wait3A_579 = arith.constant 0 : i32
      %dma_wait3A_580 = arith.constant 0 : i32
      %dma_wait3A_581 = tpu.memref_slice %arg3[%add3A, %dma_wait3A_579, %dma_wait3A_580] : memref<32x132x80xi32, #tpu.memory_space<hbm>> -> memref<1x132x80xi32, #tpu.memory_space<hbm>>
      %dma_wait3A_582 = tpu.memref_squeeze %dma_wait3A_581 : memref<1x132x80xi32, #tpu.memory_space<hbm>> -> memref<132x80xi32, #tpu.memory_space<hbm>>
      %dma_wait3A_583 = arith.constant 0 : i32
      %dma_wait3A_584 = tpu.memref_slice %dma_wait3A_582[%dma_wait3A_564, %dma_wait3A_583] : memref<132x80xi32, #tpu.memory_space<hbm>> -> memref<1x80xi32, #tpu.memory_space<hbm>>
      %dma_wait3A_585 = tpu.memref_squeeze %dma_wait3A_584 : memref<1x80xi32, #tpu.memory_space<hbm>> -> memref<80xi32, #tpu.memory_space<hbm>>
      tpu.wait_dma2 semaphore(%arg15 : memref<!tpu.dma_semaphore, #tpu.memory_space<semaphore_mem>>) src(%dma_wait3A_585 : memref<80xi32, #tpu.memory_space<hbm>>) dst(%dma_wait3A_578 : memref<80xi32, #tpu.memory_space<vmem>>)
      %rem3A_586 = arith.constant 6 : i32
      %rem3A_587 = arith.remsi %add3A_557, %rem3A_586 : i32
      "tpu.region"() ({
        %run_scoped3A = tpu.sem_alloc : memref<!tpu.dma_semaphore, #tpu.memory_space<semaphore_mem>>
        %dma_start3A_893 = arith.constant 0 : i32
        %dma_start3A_894 = tpu.memref_slice %arg7[%rem3A_587, %dma_start3A_893] : memref<6x80xi32, #tpu.memory_space<vmem>> -> memref<1x80xi32, #tpu.memory_space<vmem>>
        %dma_start3A_895 = tpu.memref_squeeze %dma_start3A_894 : memref<1x80xi32, #tpu.memory_space<vmem>> -> memref<80xi32, #tpu.memory_space<vmem>>
        %dma_start3A_896 = arith.constant 0 : i32
        %dma_start3A_897 = arith.constant 0 : i32
        %dma_start3A_898 = tpu.memref_slice %arg20[%dma_start3A_896, %dma_start3A_897] : memref<10240x128xf32, #tpu.memory_space<vmem_shared>> -> memref<10240x128xf32, #tpu.memory_space<vmem_shared>>
        tpu.enqueue_indirect_dma source(%arg9 : memref<80x128xf32, #tpu.memory_space<vmem>>) target(%dma_start3A_898 : memref<10240x128xf32, #tpu.memory_space<vmem_shared>>) offsets(%dma_start3A_895 : memref<80xi32, #tpu.memory_space<vmem>>) semaphore(%run_scoped3A : memref<!tpu.dma_semaphore, #tpu.memory_space<semaphore_mem>>) {add = true}
        %dma_wait3A_899 = arith.constant 0 : i32
        %dma_wait3A_900 = tpu.memref_slice %arg7[%rem3A_587, %dma_wait3A_899] : memref<6x80xi32, #tpu.memory_space<vmem>> -> memref<1x80xi32, #tpu.memory_space<vmem>>
        %dma_wait3A_901 = tpu.memref_squeeze %dma_wait3A_900 : memref<1x80xi32, #tpu.memory_space<vmem>> -> memref<80xi32, #tpu.memory_space<vmem>>
        %dma_wait3A_902 = arith.constant 0 : i32
        %dma_wait3A_903 = arith.constant 0 : i32
        %dma_wait3A_904 = tpu.memref_slice %arg20[%dma_wait3A_902, %dma_wait3A_903] : memref<10240x128xf32, #tpu.memory_space<vmem_shared>> -> memref<10240x128xf32, #tpu.memory_space<vmem_shared>>
        tpu.wait_indirect_dma semaphore(%run_scoped3A : memref<!tpu.dma_semaphore, #tpu.memory_space<semaphore_mem>>) src(%arg9 : memref<80x128xf32, #tpu.memory_space<vmem>>) dst(%dma_wait3A_904 : memref<10240x128xf32, #tpu.memory_space<vmem_shared>>)
        tpu.yield
      }) : () -> ()
      %add3A_588 = arith.constant 6 : i32
      %add3A_589 = arith.addi %add3A_557, %add3A_588 : i32
      %rem3A_590 = arith.constant 6 : i32
      %rem3A_591 = arith.remsi %add3A_589, %rem3A_590 : i32
      %dma_start3A_592 = arith.constant 0 : i32
      %dma_start3A_593 = tpu.memref_slice %arg7[%rem3A_591, %dma_start3A_592] : memref<6x80xi32, #tpu.memory_space<vmem>> -> memref<1x80xi32, #tpu.memory_space<vmem>>
      %dma_start3A_594 = tpu.memref_squeeze %dma_start3A_593 : memref<1x80xi32, #tpu.memory_space<vmem>> -> memref<80xi32, #tpu.memory_space<vmem>>
      %dma_start3A_595 = arith.constant 0 : i32
      %dma_start3A_596 = arith.constant 0 : i32
      %dma_start3A_597 = tpu.memref_slice %arg3[%add3A, %dma_start3A_595, %dma_start3A_596] : memref<32x132x80xi32, #tpu.memory_space<hbm>> -> memref<1x132x80xi32, #tpu.memory_space<hbm>>
      %dma_start3A_598 = tpu.memref_squeeze %dma_start3A_597 : memref<1x132x80xi32, #tpu.memory_space<hbm>> -> memref<132x80xi32, #tpu.memory_space<hbm>>
      %dma_start3A_599 = arith.constant 0 : i32
      %dma_start3A_600 = tpu.memref_slice %dma_start3A_598[%add3A_589, %dma_start3A_599] : memref<132x80xi32, #tpu.memory_space<hbm>> -> memref<1x80xi32, #tpu.memory_space<hbm>>
      %dma_start3A_601 = tpu.memref_squeeze %dma_start3A_600 : memref<1x80xi32, #tpu.memory_space<hbm>> -> memref<80xi32, #tpu.memory_space<hbm>>
      %dma_start3A_602 = arith.constant 0 : i32
      %dma_start3A_603 = tpu.memref_slice %arg7[%rem3A_591, %dma_start3A_602] : memref<6x80xi32, #tpu.memory_space<vmem>> -> memref<1x80xi32, #tpu.memory_space<vmem>>
      %dma_start3A_604 = tpu.memref_squeeze %dma_start3A_603 : memref<1x80xi32, #tpu.memory_space<vmem>> -> memref<80xi32, #tpu.memory_space<vmem>>
      %dma_start3A_605 = arith.constant 0 : i32
      %dma_start3A_606 = arith.constant 0 : i32
      %dma_start3A_607 = tpu.memref_slice %arg3[%add3A, %dma_start3A_605, %dma_start3A_606] : memref<32x132x80xi32, #tpu.memory_space<hbm>> -> memref<1x132x80xi32, #tpu.memory_space<hbm>>
      %dma_start3A_608 = tpu.memref_squeeze %dma_start3A_607 : memref<1x132x80xi32, #tpu.memory_space<hbm>> -> memref<132x80xi32, #tpu.memory_space<hbm>>
      %dma_start3A_609 = arith.constant 0 : i32
      %dma_start3A_610 = tpu.memref_slice %dma_start3A_608[%add3A_589, %dma_start3A_609] : memref<132x80xi32, #tpu.memory_space<hbm>> -> memref<1x80xi32, #tpu.memory_space<hbm>>
      %dma_start3A_611 = tpu.memref_squeeze %dma_start3A_610 : memref<1x80xi32, #tpu.memory_space<hbm>> -> memref<80xi32, #tpu.memory_space<hbm>>
      tpu.enqueue_dma source(%dma_start3A_611 : memref<80xi32, #tpu.memory_space<hbm>>) target(%dma_start3A_604 : memref<80xi32, #tpu.memory_space<vmem>>) target_semaphore(%arg15 : memref<!tpu.dma_semaphore, #tpu.memory_space<semaphore_mem>>)
      %add3A_612 = arith.constant 3 : i32
      %add3A_613 = arith.addi %add3A_557, %add3A_612 : i32
      %mul3A_614 = arith.constant 80 : i32
      %mul3A_615 = arith.muli %add3A_613, %mul3A_614 : i32
      %dma_start3A_616 = tpu.memref_slice %arg6[%mul3A_615] : memref<10560xi32, #tpu.memory_space<vmem>> -> memref<80xi32, #tpu.memory_space<vmem>>
      %dma_start3A_617 = arith.constant 0 : i32
      %dma_start3A_618 = arith.constant 0 : i32
      %dma_start3A_619 = tpu.memref_slice %arg4[%dma_start3A_617, %dma_start3A_618] : memref<10240x128xf32, #tpu.memory_space<hbm>> -> memref<10240x128xf32, #tpu.memory_space<hbm>>
      tpu.enqueue_indirect_dma source(%dma_start3A_619 : memref<10240x128xf32, #tpu.memory_space<hbm>>) target(%arg9 : memref<80x128xf32, #tpu.memory_space<vmem>>) offsets(%dma_start3A_616 : memref<80xi32, #tpu.memory_space<vmem>>) semaphore(%arg12 : memref<!tpu.dma_semaphore, #tpu.memory_space<semaphore_mem>>)
      %mul3A_620 = arith.constant 6 : i32
      %mul3A_621 = arith.muli %mul3A_620, %scan3A_482 : i32
      %add3A_622 = arith.constant 6 : i32
      %add3A_623 = arith.addi %add3A_622, %mul3A_621 : i32
      %add3A_624 = arith.constant 2 : i32
      %add3A_625 = arith.addi %add3A_623, %add3A_624 : i32
      %mul3A_626 = arith.constant 80 : i32
      %mul3A_627 = arith.muli %add3A_625, %mul3A_626 : i32
      %dma_wait3A_628 = tpu.memref_slice %arg6[%mul3A_627] : memref<10560xi32, #tpu.memory_space<vmem>> -> memref<80xi32, #tpu.memory_space<vmem>>
      %dma_wait3A_629 = arith.constant 0 : i32
      %dma_wait3A_630 = arith.constant 0 : i32
      %dma_wait3A_631 = tpu.memref_slice %arg4[%dma_wait3A_629, %dma_wait3A_630] : memref<10240x128xf32, #tpu.memory_space<hbm>> -> memref<10240x128xf32, #tpu.memory_space<hbm>>
      tpu.wait_indirect_dma semaphore(%arg13 : memref<!tpu.dma_semaphore, #tpu.memory_space<semaphore_mem>>) src(%dma_wait3A_631 : memref<10240x128xf32, #tpu.memory_space<hbm>>) dst(%arg10 : memref<80x128xf32, #tpu.memory_space<vmem>>)
      %dma_wait3A_632 = arith.constant 0 : i32
      %dma_wait3A_633 = arith.constant 0 : i32
      %dma_wait3A_634 = arith.constant 0 : i32
      %dma_wait3A_635 = tpu.memref_slice %arg7[%dma_wait3A_633, %dma_wait3A_634] : memref<6x80xi32, #tpu.memory_space<vmem>> -> memref<1x80xi32, #tpu.memory_space<vmem>>
      %dma_wait3A_636 = tpu.memref_squeeze %dma_wait3A_635 : memref<1x80xi32, #tpu.memory_space<vmem>> -> memref<80xi32, #tpu.memory_space<vmem>>
      %dma_wait3A_637 = arith.constant 0 : i32
      %dma_wait3A_638 = arith.constant 0 : i32
      %dma_wait3A_639 = tpu.memref_slice %arg3[%add3A, %dma_wait3A_637, %dma_wait3A_638] : memref<32x132x80xi32, #tpu.memory_space<hbm>> -> memref<1x132x80xi32, #tpu.memory_space<hbm>>
      %dma_wait3A_640 = tpu.memref_squeeze %dma_wait3A_639 : memref<1x132x80xi32, #tpu.memory_space<hbm>> -> memref<132x80xi32, #tpu.memory_space<hbm>>
      %dma_wait3A_641 = arith.constant 0 : i32
      %dma_wait3A_642 = tpu.memref_slice %dma_wait3A_640[%dma_wait3A_632, %dma_wait3A_641] : memref<132x80xi32, #tpu.memory_space<hbm>> -> memref<1x80xi32, #tpu.memory_space<hbm>>
      %dma_wait3A_643 = tpu.memref_squeeze %dma_wait3A_642 : memref<1x80xi32, #tpu.memory_space<hbm>> -> memref<80xi32, #tpu.memory_space<hbm>>
      %dma_wait3A_644 = arith.constant 0 : i32
      %dma_wait3A_645 = tpu.memref_slice %arg7[%dma_wait3A_633, %dma_wait3A_644] : memref<6x80xi32, #tpu.memory_space<vmem>> -> memref<1x80xi32, #tpu.memory_space<vmem>>
      %dma_wait3A_646 = tpu.memref_squeeze %dma_wait3A_645 : memref<1x80xi32, #tpu.memory_space<vmem>> -> memref<80xi32, #tpu.memory_space<vmem>>
      %dma_wait3A_647 = arith.constant 0 : i32
      %dma_wait3A_648 = arith.constant 0 : i32
      %dma_wait3A_649 = tpu.memref_slice %arg3[%add3A, %dma_wait3A_647, %dma_wait3A_648] : memref<32x132x80xi32, #tpu.memory_space<hbm>> -> memref<1x132x80xi32, #tpu.memory_space<hbm>>
      %dma_wait3A_650 = tpu.memref_squeeze %dma_wait3A_649 : memref<1x132x80xi32, #tpu.memory_space<hbm>> -> memref<132x80xi32, #tpu.memory_space<hbm>>
      %dma_wait3A_651 = arith.constant 0 : i32
      %dma_wait3A_652 = tpu.memref_slice %dma_wait3A_650[%dma_wait3A_632, %dma_wait3A_651] : memref<132x80xi32, #tpu.memory_space<hbm>> -> memref<1x80xi32, #tpu.memory_space<hbm>>
      %dma_wait3A_653 = tpu.memref_squeeze %dma_wait3A_652 : memref<1x80xi32, #tpu.memory_space<hbm>> -> memref<80xi32, #tpu.memory_space<hbm>>
      tpu.wait_dma2 semaphore(%arg16 : memref<!tpu.dma_semaphore, #tpu.memory_space<semaphore_mem>>) src(%dma_wait3A_653 : memref<80xi32, #tpu.memory_space<hbm>>) dst(%dma_wait3A_646 : memref<80xi32, #tpu.memory_space<vmem>>)
      %rem3A_654 = arith.constant 6 : i32
      %rem3A_655 = arith.remsi %add3A_625, %rem3A_654 : i32
      "tpu.region"() ({
        %run_scoped3A = tpu.sem_alloc : memref<!tpu.dma_semaphore, #tpu.memory_space<semaphore_mem>>
        %dma_start3A_893 = arith.constant 0 : i32
        %dma_start3A_894 = tpu.memref_slice %arg7[%rem3A_655, %dma_start3A_893] : memref<6x80xi32, #tpu.memory_space<vmem>> -> memref<1x80xi32, #tpu.memory_space<vmem>>
        %dma_start3A_895 = tpu.memref_squeeze %dma_start3A_894 : memref<1x80xi32, #tpu.memory_space<vmem>> -> memref<80xi32, #tpu.memory_space<vmem>>
        %dma_start3A_896 = arith.constant 0 : i32
        %dma_start3A_897 = arith.constant 0 : i32
        %dma_start3A_898 = tpu.memref_slice %arg20[%dma_start3A_896, %dma_start3A_897] : memref<10240x128xf32, #tpu.memory_space<vmem_shared>> -> memref<10240x128xf32, #tpu.memory_space<vmem_shared>>
        tpu.enqueue_indirect_dma source(%arg10 : memref<80x128xf32, #tpu.memory_space<vmem>>) target(%dma_start3A_898 : memref<10240x128xf32, #tpu.memory_space<vmem_shared>>) offsets(%dma_start3A_895 : memref<80xi32, #tpu.memory_space<vmem>>) semaphore(%run_scoped3A : memref<!tpu.dma_semaphore, #tpu.memory_space<semaphore_mem>>) {add = true}
        %dma_wait3A_899 = arith.constant 0 : i32
        %dma_wait3A_900 = tpu.memref_slice %arg7[%rem3A_655, %dma_wait3A_899] : memref<6x80xi32, #tpu.memory_space<vmem>> -> memref<1x80xi32, #tpu.memory_space<vmem>>
        %dma_wait3A_901 = tpu.memref_squeeze %dma_wait3A_900 : memref<1x80xi32, #tpu.memory_space<vmem>> -> memref<80xi32, #tpu.memory_space<vmem>>
        %dma_wait3A_902 = arith.constant 0 : i32
        %dma_wait3A_903 = arith.constant 0 : i32
        %dma_wait3A_904 = tpu.memref_slice %arg20[%dma_wait3A_902, %dma_wait3A_903] : memref<10240x128xf32, #tpu.memory_space<vmem_shared>> -> memref<10240x128xf32, #tpu.memory_space<vmem_shared>>
        tpu.wait_indirect_dma semaphore(%run_scoped3A : memref<!tpu.dma_semaphore, #tpu.memory_space<semaphore_mem>>) src(%arg10 : memref<80x128xf32, #tpu.memory_space<vmem>>) dst(%dma_wait3A_904 : memref<10240x128xf32, #tpu.memory_space<vmem_shared>>)
        tpu.yield
      }) : () -> ()
      %add3A_656 = arith.constant 6 : i32
      %add3A_657 = arith.addi %add3A_625, %add3A_656 : i32
      %rem3A_658 = arith.constant 6 : i32
      %rem3A_659 = arith.remsi %add3A_657, %rem3A_658 : i32
      %dma_start3A_660 = arith.constant 0 : i32
      %dma_start3A_661 = tpu.memref_slice %arg7[%rem3A_659, %dma_start3A_660] : memref<6x80xi32, #tpu.memory_space<vmem>> -> memref<1x80xi32, #tpu.memory_space<vmem>>
      %dma_start3A_662 = tpu.memref_squeeze %dma_start3A_661 : memref<1x80xi32, #tpu.memory_space<vmem>> -> memref<80xi32, #tpu.memory_space<vmem>>
      %dma_start3A_663 = arith.constant 0 : i32
      %dma_start3A_664 = arith.constant 0 : i32
      %dma_start3A_665 = tpu.memref_slice %arg3[%add3A, %dma_start3A_663, %dma_start3A_664] : memref<32x132x80xi32, #tpu.memory_space<hbm>> -> memref<1x132x80xi32, #tpu.memory_space<hbm>>
      %dma_start3A_666 = tpu.memref_squeeze %dma_start3A_665 : memref<1x132x80xi32, #tpu.memory_space<hbm>> -> memref<132x80xi32, #tpu.memory_space<hbm>>
      %dma_start3A_667 = arith.constant 0 : i32
      %dma_start3A_668 = tpu.memref_slice %dma_start3A_666[%add3A_657, %dma_start3A_667] : memref<132x80xi32, #tpu.memory_space<hbm>> -> memref<1x80xi32, #tpu.memory_space<hbm>>
      %dma_start3A_669 = tpu.memref_squeeze %dma_start3A_668 : memref<1x80xi32, #tpu.memory_space<hbm>> -> memref<80xi32, #tpu.memory_space<hbm>>
      %dma_start3A_670 = arith.constant 0 : i32
      %dma_start3A_671 = tpu.memref_slice %arg7[%rem3A_659, %dma_start3A_670] : memref<6x80xi32, #tpu.memory_space<vmem>> -> memref<1x80xi32, #tpu.memory_space<vmem>>
      %dma_start3A_672 = tpu.memref_squeeze %dma_start3A_671 : memref<1x80xi32, #tpu.memory_space<vmem>> -> memref<80xi32, #tpu.memory_space<vmem>>
      %dma_start3A_673 = arith.constant 0 : i32
      %dma_start3A_674 = arith.constant 0 : i32
      %dma_start3A_675 = tpu.memref_slice %arg3[%add3A, %dma_start3A_673, %dma_start3A_674] : memref<32x132x80xi32, #tpu.memory_space<hbm>> -> memref<1x132x80xi32, #tpu.memory_space<hbm>>
      %dma_start3A_676 = tpu.memref_squeeze %dma_start3A_675 : memref<1x132x80xi32, #tpu.memory_space<hbm>> -> memref<132x80xi32, #tpu.memory_space<hbm>>
      %dma_start3A_677 = arith.constant 0 : i32
      %dma_start3A_678 = tpu.memref_slice %dma_start3A_676[%add3A_657, %dma_start3A_677] : memref<132x80xi32, #tpu.memory_space<hbm>> -> memref<1x80xi32, #tpu.memory_space<hbm>>
      %dma_start3A_679 = tpu.memref_squeeze %dma_start3A_678 : memref<1x80xi32, #tpu.memory_space<hbm>> -> memref<80xi32, #tpu.memory_space<hbm>>
      tpu.enqueue_dma source(%dma_start3A_679 : memref<80xi32, #tpu.memory_space<hbm>>) target(%dma_start3A_672 : memref<80xi32, #tpu.memory_space<vmem>>) target_semaphore(%arg16 : memref<!tpu.dma_semaphore, #tpu.memory_space<semaphore_mem>>)
      %add3A_680 = arith.constant 3 : i32
      %add3A_681 = arith.addi %add3A_625, %add3A_680 : i32
      %mul3A_682 = arith.constant 80 : i32
      %mul3A_683 = arith.muli %add3A_681, %mul3A_682 : i32
      %dma_start3A_684 = tpu.memref_slice %arg6[%mul3A_683] : memref<10560xi32, #tpu.memory_space<vmem>> -> memref<80xi32, #tpu.memory_space<vmem>>
      %dma_start3A_685 = arith.constant 0 : i32
      %dma_start3A_686 = arith.constant 0 : i32
      %dma_start3A_687 = tpu.memref_slice %arg4[%dma_start3A_685, %dma_start3A_686] : memref<10240x128xf32, #tpu.memory_space<hbm>> -> memref<10240x128xf32, #tpu.memory_space<hbm>>
      tpu.enqueue_indirect_dma source(%dma_start3A_687 : memref<10240x128xf32, #tpu.memory_space<hbm>>) target(%arg10 : memref<80x128xf32, #tpu.memory_space<vmem>>) offsets(%dma_start3A_684 : memref<80xi32, #tpu.memory_space<vmem>>) semaphore(%arg13 : memref<!tpu.dma_semaphore, #tpu.memory_space<semaphore_mem>>)
      %mul3A_688 = arith.constant 6 : i32
      %mul3A_689 = arith.muli %mul3A_688, %scan3A_482 : i32
      %add3A_690 = arith.constant 6 : i32
      %add3A_691 = arith.addi %add3A_690, %mul3A_689 : i32
      %add3A_692 = arith.constant 3 : i32
      %add3A_693 = arith.addi %add3A_691, %add3A_692 : i32
      %mul3A_694 = arith.constant 80 : i32
      %mul3A_695 = arith.muli %add3A_693, %mul3A_694 : i32
      %dma_wait3A_696 = tpu.memref_slice %arg6[%mul3A_695] : memref<10560xi32, #tpu.memory_space<vmem>> -> memref<80xi32, #tpu.memory_space<vmem>>
      %dma_wait3A_697 = arith.constant 0 : i32
      %dma_wait3A_698 = arith.constant 0 : i32
      %dma_wait3A_699 = tpu.memref_slice %arg4[%dma_wait3A_697, %dma_wait3A_698] : memref<10240x128xf32, #tpu.memory_space<hbm>> -> memref<10240x128xf32, #tpu.memory_space<hbm>>
      tpu.wait_indirect_dma semaphore(%arg11 : memref<!tpu.dma_semaphore, #tpu.memory_space<semaphore_mem>>) src(%dma_wait3A_699 : memref<10240x128xf32, #tpu.memory_space<hbm>>) dst(%arg8 : memref<80x128xf32, #tpu.memory_space<vmem>>)
      %dma_wait3A_700 = arith.constant 0 : i32
      %dma_wait3A_701 = arith.constant 0 : i32
      %dma_wait3A_702 = arith.constant 0 : i32
      %dma_wait3A_703 = tpu.memref_slice %arg7[%dma_wait3A_701, %dma_wait3A_702] : memref<6x80xi32, #tpu.memory_space<vmem>> -> memref<1x80xi32, #tpu.memory_space<vmem>>
      %dma_wait3A_704 = tpu.memref_squeeze %dma_wait3A_703 : memref<1x80xi32, #tpu.memory_space<vmem>> -> memref<80xi32, #tpu.memory_space<vmem>>
      %dma_wait3A_705 = arith.constant 0 : i32
      %dma_wait3A_706 = arith.constant 0 : i32
      %dma_wait3A_707 = tpu.memref_slice %arg3[%add3A, %dma_wait3A_705, %dma_wait3A_706] : memref<32x132x80xi32, #tpu.memory_space<hbm>> -> memref<1x132x80xi32, #tpu.memory_space<hbm>>
      %dma_wait3A_708 = tpu.memref_squeeze %dma_wait3A_707 : memref<1x132x80xi32, #tpu.memory_space<hbm>> -> memref<132x80xi32, #tpu.memory_space<hbm>>
      %dma_wait3A_709 = arith.constant 0 : i32
      %dma_wait3A_710 = tpu.memref_slice %dma_wait3A_708[%dma_wait3A_700, %dma_wait3A_709] : memref<132x80xi32, #tpu.memory_space<hbm>> -> memref<1x80xi32, #tpu.memory_space<hbm>>
      %dma_wait3A_711 = tpu.memref_squeeze %dma_wait3A_710 : memref<1x80xi32, #tpu.memory_space<hbm>> -> memref<80xi32, #tpu.memory_space<hbm>>
      %dma_wait3A_712 = arith.constant 0 : i32
      %dma_wait3A_713 = tpu.memref_slice %arg7[%dma_wait3A_701, %dma_wait3A_712] : memref<6x80xi32, #tpu.memory_space<vmem>> -> memref<1x80xi32, #tpu.memory_space<vmem>>
      %dma_wait3A_714 = tpu.memref_squeeze %dma_wait3A_713 : memref<1x80xi32, #tpu.memory_space<vmem>> -> memref<80xi32, #tpu.memory_space<vmem>>
      %dma_wait3A_715 = arith.constant 0 : i32
      %dma_wait3A_716 = arith.constant 0 : i32
      %dma_wait3A_717 = tpu.memref_slice %arg3[%add3A, %dma_wait3A_715, %dma_wait3A_716] : memref<32x132x80xi32, #tpu.memory_space<hbm>> -> memref<1x132x80xi32, #tpu.memory_space<hbm>>
      %dma_wait3A_718 = tpu.memref_squeeze %dma_wait3A_717 : memref<1x132x80xi32, #tpu.memory_space<hbm>> -> memref<132x80xi32, #tpu.memory_space<hbm>>
      %dma_wait3A_719 = arith.constant 0 : i32
      %dma_wait3A_720 = tpu.memref_slice %dma_wait3A_718[%dma_wait3A_700, %dma_wait3A_719] : memref<132x80xi32, #tpu.memory_space<hbm>> -> memref<1x80xi32, #tpu.memory_space<hbm>>
      %dma_wait3A_721 = tpu.memref_squeeze %dma_wait3A_720 : memref<1x80xi32, #tpu.memory_space<hbm>> -> memref<80xi32, #tpu.memory_space<hbm>>
      tpu.wait_dma2 semaphore(%arg17 : memref<!tpu.dma_semaphore, #tpu.memory_space<semaphore_mem>>) src(%dma_wait3A_721 : memref<80xi32, #tpu.memory_space<hbm>>) dst(%dma_wait3A_714 : memref<80xi32, #tpu.memory_space<vmem>>)
      %rem3A_722 = arith.constant 6 : i32
      %rem3A_723 = arith.remsi %add3A_693, %rem3A_722 : i32
      "tpu.region"() ({
        %run_scoped3A = tpu.sem_alloc : memref<!tpu.dma_semaphore, #tpu.memory_space<semaphore_mem>>
        %dma_start3A_893 = arith.constant 0 : i32
        %dma_start3A_894 = tpu.memref_slice %arg7[%rem3A_723, %dma_start3A_893] : memref<6x80xi32, #tpu.memory_space<vmem>> -> memref<1x80xi32, #tpu.memory_space<vmem>>
        %dma_start3A_895 = tpu.memref_squeeze %dma_start3A_894 : memref<1x80xi32, #tpu.memory_space<vmem>> -> memref<80xi32, #tpu.memory_space<vmem>>
        %dma_start3A_896 = arith.constant 0 : i32
        %dma_start3A_897 = arith.constant 0 : i32
        %dma_start3A_898 = tpu.memref_slice %arg20[%dma_start3A_896, %dma_start3A_897] : memref<10240x128xf32, #tpu.memory_space<vmem_shared>> -> memref<10240x128xf32, #tpu.memory_space<vmem_shared>>
        tpu.enqueue_indirect_dma source(%arg8 : memref<80x128xf32, #tpu.memory_space<vmem>>) target(%dma_start3A_898 : memref<10240x128xf32, #tpu.memory_space<vmem_shared>>) offsets(%dma_start3A_895 : memref<80xi32, #tpu.memory_space<vmem>>) semaphore(%run_scoped3A : memref<!tpu.dma_semaphore, #tpu.memory_space<semaphore_mem>>) {add = true}
        %dma_wait3A_899 = arith.constant 0 : i32
        %dma_wait3A_900 = tpu.memref_slice %arg7[%rem3A_723, %dma_wait3A_899] : memref<6x80xi32, #tpu.memory_space<vmem>> -> memref<1x80xi32, #tpu.memory_space<vmem>>
        %dma_wait3A_901 = tpu.memref_squeeze %dma_wait3A_900 : memref<1x80xi32, #tpu.memory_space<vmem>> -> memref<80xi32, #tpu.memory_space<vmem>>
        %dma_wait3A_902 = arith.constant 0 : i32
        %dma_wait3A_903 = arith.constant 0 : i32
        %dma_wait3A_904 = tpu.memref_slice %arg20[%dma_wait3A_902, %dma_wait3A_903] : memref<10240x128xf32, #tpu.memory_space<vmem_shared>> -> memref<10240x128xf32, #tpu.memory_space<vmem_shared>>
        tpu.wait_indirect_dma semaphore(%run_scoped3A : memref<!tpu.dma_semaphore, #tpu.memory_space<semaphore_mem>>) src(%arg8 : memref<80x128xf32, #tpu.memory_space<vmem>>) dst(%dma_wait3A_904 : memref<10240x128xf32, #tpu.memory_space<vmem_shared>>)
        tpu.yield
      }) : () -> ()
      %add3A_724 = arith.constant 6 : i32
      %add3A_725 = arith.addi %add3A_693, %add3A_724 : i32
      %rem3A_726 = arith.constant 6 : i32
      %rem3A_727 = arith.remsi %add3A_725, %rem3A_726 : i32
      %dma_start3A_728 = arith.constant 0 : i32
      %dma_start3A_729 = tpu.memref_slice %arg7[%rem3A_727, %dma_start3A_728] : memref<6x80xi32, #tpu.memory_space<vmem>> -> memref<1x80xi32, #tpu.memory_space<vmem>>
      %dma_start3A_730 = tpu.memref_squeeze %dma_start3A_729 : memref<1x80xi32, #tpu.memory_space<vmem>> -> memref<80xi32, #tpu.memory_space<vmem>>
      %dma_start3A_731 = arith.constant 0 : i32
      %dma_start3A_732 = arith.constant 0 : i32
      %dma_start3A_733 = tpu.memref_slice %arg3[%add3A, %dma_start3A_731, %dma_start3A_732] : memref<32x132x80xi32, #tpu.memory_space<hbm>> -> memref<1x132x80xi32, #tpu.memory_space<hbm>>
      %dma_start3A_734 = tpu.memref_squeeze %dma_start3A_733 : memref<1x132x80xi32, #tpu.memory_space<hbm>> -> memref<132x80xi32, #tpu.memory_space<hbm>>
      %dma_start3A_735 = arith.constant 0 : i32
      %dma_start3A_736 = tpu.memref_slice %dma_start3A_734[%add3A_725, %dma_start3A_735] : memref<132x80xi32, #tpu.memory_space<hbm>> -> memref<1x80xi32, #tpu.memory_space<hbm>>
      %dma_start3A_737 = tpu.memref_squeeze %dma_start3A_736 : memref<1x80xi32, #tpu.memory_space<hbm>> -> memref<80xi32, #tpu.memory_space<hbm>>
      %dma_start3A_738 = arith.constant 0 : i32
      %dma_start3A_739 = tpu.memref_slice %arg7[%rem3A_727, %dma_start3A_738] : memref<6x80xi32, #tpu.memory_space<vmem>> -> memref<1x80xi32, #tpu.memory_space<vmem>>
      %dma_start3A_740 = tpu.memref_squeeze %dma_start3A_739 : memref<1x80xi32, #tpu.memory_space<vmem>> -> memref<80xi32, #tpu.memory_space<vmem>>
      %dma_start3A_741 = arith.constant 0 : i32
      %dma_start3A_742 = arith.constant 0 : i32
      %dma_start3A_743 = tpu.memref_slice %arg3[%add3A, %dma_start3A_741, %dma_start3A_742] : memref<32x132x80xi32, #tpu.memory_space<hbm>> -> memref<1x132x80xi32, #tpu.memory_space<hbm>>
      %dma_start3A_744 = tpu.memref_squeeze %dma_start3A_743 : memref<1x132x80xi32, #tpu.memory_space<hbm>> -> memref<132x80xi32, #tpu.memory_space<hbm>>
      %dma_start3A_745 = arith.constant 0 : i32
      %dma_start3A_746 = tpu.memref_slice %dma_start3A_744[%add3A_725, %dma_start3A_745] : memref<132x80xi32, #tpu.memory_space<hbm>> -> memref<1x80xi32, #tpu.memory_space<hbm>>
      %dma_start3A_747 = tpu.memref_squeeze %dma_start3A_746 : memref<1x80xi32, #tpu.memory_space<hbm>> -> memref<80xi32, #tpu.memory_space<hbm>>
      tpu.enqueue_dma source(%dma_start3A_747 : memref<80xi32, #tpu.memory_space<hbm>>) target(%dma_start3A_740 : memref<80xi32, #tpu.memory_space<vmem>>) target_semaphore(%arg17 : memref<!tpu.dma_semaphore, #tpu.memory_space<semaphore_mem>>)
      %add3A_748 = arith.constant 3 : i32
      %add3A_749 = arith.addi %add3A_693, %add3A_748 : i32
      %mul3A_750 = arith.constant 80 : i32
      %mul3A_751 = arith.muli %add3A_749, %mul3A_750 : i32
      %dma_start3A_752 = tpu.memref_slice %arg6[%mul3A_751] : memref<10560xi32, #tpu.memory_space<vmem>> -> memref<80xi32, #tpu.memory_space<vmem>>
      %dma_start3A_753 = arith.constant 0 : i32
      %dma_start3A_754 = arith.constant 0 : i32
      %dma_start3A_755 = tpu.memref_slice %arg4[%dma_start3A_753, %dma_start3A_754] : memref<10240x128xf32, #tpu.memory_space<hbm>> -> memref<10240x128xf32, #tpu.memory_space<hbm>>
      tpu.enqueue_indirect_dma source(%dma_start3A_755 : memref<10240x128xf32, #tpu.memory_space<hbm>>) target(%arg8 : memref<80x128xf32, #tpu.memory_space<vmem>>) offsets(%dma_start3A_752 : memref<80xi32, #tpu.memory_space<vmem>>) semaphore(%arg11 : memref<!tpu.dma_semaphore, #tpu.memory_space<semaphore_mem>>)
      %mul3A_756 = arith.constant 6 : i32
      %mul3A_757 = arith.muli %mul3A_756, %scan3A_482 : i32
      %add3A_758 = arith.constant 6 : i32
      %add3A_759 = arith.addi %add3A_758, %mul3A_757 : i32
      %add3A_760 = arith.constant 4 : i32
      %add3A_761 = arith.addi %add3A_759, %add3A_760 : i32
      %mul3A_762 = arith.constant 80 : i32
      %mul3A_763 = arith.muli %add3A_761, %mul3A_762 : i32
      %dma_wait3A_764 = tpu.memref_slice %arg6[%mul3A_763] : memref<10560xi32, #tpu.memory_space<vmem>> -> memref<80xi32, #tpu.memory_space<vmem>>
      %dma_wait3A_765 = arith.constant 0 : i32
      %dma_wait3A_766 = arith.constant 0 : i32
      %dma_wait3A_767 = tpu.memref_slice %arg4[%dma_wait3A_765, %dma_wait3A_766] : memref<10240x128xf32, #tpu.memory_space<hbm>> -> memref<10240x128xf32, #tpu.memory_space<hbm>>
      tpu.wait_indirect_dma semaphore(%arg12 : memref<!tpu.dma_semaphore, #tpu.memory_space<semaphore_mem>>) src(%dma_wait3A_767 : memref<10240x128xf32, #tpu.memory_space<hbm>>) dst(%arg9 : memref<80x128xf32, #tpu.memory_space<vmem>>)
      %dma_wait3A_768 = arith.constant 0 : i32
      %dma_wait3A_769 = arith.constant 0 : i32
      %dma_wait3A_770 = arith.constant 0 : i32
      %dma_wait3A_771 = tpu.memref_slice %arg7[%dma_wait3A_769, %dma_wait3A_770] : memref<6x80xi32, #tpu.memory_space<vmem>> -> memref<1x80xi32, #tpu.memory_space<vmem>>
      %dma_wait3A_772 = tpu.memref_squeeze %dma_wait3A_771 : memref<1x80xi32, #tpu.memory_space<vmem>> -> memref<80xi32, #tpu.memory_space<vmem>>
      %dma_wait3A_773 = arith.constant 0 : i32
      %dma_wait3A_774 = arith.constant 0 : i32
      %dma_wait3A_775 = tpu.memref_slice %arg3[%add3A, %dma_wait3A_773, %dma_wait3A_774] : memref<32x132x80xi32, #tpu.memory_space<hbm>> -> memref<1x132x80xi32, #tpu.memory_space<hbm>>
      %dma_wait3A_776 = tpu.memref_squeeze %dma_wait3A_775 : memref<1x132x80xi32, #tpu.memory_space<hbm>> -> memref<132x80xi32, #tpu.memory_space<hbm>>
      %dma_wait3A_777 = arith.constant 0 : i32
      %dma_wait3A_778 = tpu.memref_slice %dma_wait3A_776[%dma_wait3A_768, %dma_wait3A_777] : memref<132x80xi32, #tpu.memory_space<hbm>> -> memref<1x80xi32, #tpu.memory_space<hbm>>
      %dma_wait3A_779 = tpu.memref_squeeze %dma_wait3A_778 : memref<1x80xi32, #tpu.memory_space<hbm>> -> memref<80xi32, #tpu.memory_space<hbm>>
      %dma_wait3A_780 = arith.constant 0 : i32
      %dma_wait3A_781 = tpu.memref_slice %arg7[%dma_wait3A_769, %dma_wait3A_780] : memref<6x80xi32, #tpu.memory_space<vmem>> -> memref<1x80xi32, #tpu.memory_space<vmem>>
      %dma_wait3A_782 = tpu.memref_squeeze %dma_wait3A_781 : memref<1x80xi32, #tpu.memory_space<vmem>> -> memref<80xi32, #tpu.memory_space<vmem>>
      %dma_wait3A_783 = arith.constant 0 : i32
      %dma_wait3A_784 = arith.constant 0 : i32
      %dma_wait3A_785 = tpu.memref_slice %arg3[%add3A, %dma_wait3A_783, %dma_wait3A_784] : memref<32x132x80xi32, #tpu.memory_space<hbm>> -> memref<1x132x80xi32, #tpu.memory_space<hbm>>
      %dma_wait3A_786 = tpu.memref_squeeze %dma_wait3A_785 : memref<1x132x80xi32, #tpu.memory_space<hbm>> -> memref<132x80xi32, #tpu.memory_space<hbm>>
      %dma_wait3A_787 = arith.constant 0 : i32
      %dma_wait3A_788 = tpu.memref_slice %dma_wait3A_786[%dma_wait3A_768, %dma_wait3A_787] : memref<132x80xi32, #tpu.memory_space<hbm>> -> memref<1x80xi32, #tpu.memory_space<hbm>>
      %dma_wait3A_789 = tpu.memref_squeeze %dma_wait3A_788 : memref<1x80xi32, #tpu.memory_space<hbm>> -> memref<80xi32, #tpu.memory_space<hbm>>
      tpu.wait_dma2 semaphore(%arg18 : memref<!tpu.dma_semaphore, #tpu.memory_space<semaphore_mem>>) src(%dma_wait3A_789 : memref<80xi32, #tpu.memory_space<hbm>>) dst(%dma_wait3A_782 : memref<80xi32, #tpu.memory_space<vmem>>)
      %rem3A_790 = arith.constant 6 : i32
      %rem3A_791 = arith.remsi %add3A_761, %rem3A_790 : i32
      "tpu.region"() ({
        %run_scoped3A = tpu.sem_alloc : memref<!tpu.dma_semaphore, #tpu.memory_space<semaphore_mem>>
        %dma_start3A_893 = arith.constant 0 : i32
        %dma_start3A_894 = tpu.memref_slice %arg7[%rem3A_791, %dma_start3A_893] : memref<6x80xi32, #tpu.memory_space<vmem>> -> memref<1x80xi32, #tpu.memory_space<vmem>>
        %dma_start3A_895 = tpu.memref_squeeze %dma_start3A_894 : memref<1x80xi32, #tpu.memory_space<vmem>> -> memref<80xi32, #tpu.memory_space<vmem>>
        %dma_start3A_896 = arith.constant 0 : i32
        %dma_start3A_897 = arith.constant 0 : i32
        %dma_start3A_898 = tpu.memref_slice %arg20[%dma_start3A_896, %dma_start3A_897] : memref<10240x128xf32, #tpu.memory_space<vmem_shared>> -> memref<10240x128xf32, #tpu.memory_space<vmem_shared>>
        tpu.enqueue_indirect_dma source(%arg9 : memref<80x128xf32, #tpu.memory_space<vmem>>) target(%dma_start3A_898 : memref<10240x128xf32, #tpu.memory_space<vmem_shared>>) offsets(%dma_start3A_895 : memref<80xi32, #tpu.memory_space<vmem>>) semaphore(%run_scoped3A : memref<!tpu.dma_semaphore, #tpu.memory_space<semaphore_mem>>) {add = true}
        %dma_wait3A_899 = arith.constant 0 : i32
        %dma_wait3A_900 = tpu.memref_slice %arg7[%rem3A_791, %dma_wait3A_899] : memref<6x80xi32, #tpu.memory_space<vmem>> -> memref<1x80xi32, #tpu.memory_space<vmem>>
        %dma_wait3A_901 = tpu.memref_squeeze %dma_wait3A_900 : memref<1x80xi32, #tpu.memory_space<vmem>> -> memref<80xi32, #tpu.memory_space<vmem>>
        %dma_wait3A_902 = arith.constant 0 : i32
        %dma_wait3A_903 = arith.constant 0 : i32
        %dma_wait3A_904 = tpu.memref_slice %arg20[%dma_wait3A_902, %dma_wait3A_903] : memref<10240x128xf32, #tpu.memory_space<vmem_shared>> -> memref<10240x128xf32, #tpu.memory_space<vmem_shared>>
        tpu.wait_indirect_dma semaphore(%run_scoped3A : memref<!tpu.dma_semaphore, #tpu.memory_space<semaphore_mem>>) src(%arg9 : memref<80x128xf32, #tpu.memory_space<vmem>>) dst(%dma_wait3A_904 : memref<10240x128xf32, #tpu.memory_space<vmem_shared>>)
        tpu.yield
      }) : () -> ()
      %add3A_792 = arith.constant 6 : i32
      %add3A_793 = arith.addi %add3A_761, %add3A_792 : i32
      %rem3A_794 = arith.constant 6 : i32
      %rem3A_795 = arith.remsi %add3A_793, %rem3A_794 : i32
      %dma_start3A_796 = arith.constant 0 : i32
      %dma_start3A_797 = tpu.memref_slice %arg7[%rem3A_795, %dma_start3A_796] : memref<6x80xi32, #tpu.memory_space<vmem>> -> memref<1x80xi32, #tpu.memory_space<vmem>>
      %dma_start3A_798 = tpu.memref_squeeze %dma_start3A_797 : memref<1x80xi32, #tpu.memory_space<vmem>> -> memref<80xi32, #tpu.memory_space<vmem>>
      %dma_start3A_799 = arith.constant 0 : i32
      %dma_start3A_800 = arith.constant 0 : i32
      %dma_start3A_801 = tpu.memref_slice %arg3[%add3A, %dma_start3A_799, %dma_start3A_800] : memref<32x132x80xi32, #tpu.memory_space<hbm>> -> memref<1x132x80xi32, #tpu.memory_space<hbm>>
      %dma_start3A_802 = tpu.memref_squeeze %dma_start3A_801 : memref<1x132x80xi32, #tpu.memory_space<hbm>> -> memref<132x80xi32, #tpu.memory_space<hbm>>
      %dma_start3A_803 = arith.constant 0 : i32
      %dma_start3A_804 = tpu.memref_slice %dma_start3A_802[%add3A_793, %dma_start3A_803] : memref<132x80xi32, #tpu.memory_space<hbm>> -> memref<1x80xi32, #tpu.memory_space<hbm>>
      %dma_start3A_805 = tpu.memref_squeeze %dma_start3A_804 : memref<1x80xi32, #tpu.memory_space<hbm>> -> memref<80xi32, #tpu.memory_space<hbm>>
      %dma_start3A_806 = arith.constant 0 : i32
      %dma_start3A_807 = tpu.memref_slice %arg7[%rem3A_795, %dma_start3A_806] : memref<6x80xi32, #tpu.memory_space<vmem>> -> memref<1x80xi32, #tpu.memory_space<vmem>>
      %dma_start3A_808 = tpu.memref_squeeze %dma_start3A_807 : memref<1x80xi32, #tpu.memory_space<vmem>> -> memref<80xi32, #tpu.memory_space<vmem>>
      %dma_start3A_809 = arith.constant 0 : i32
      %dma_start3A_810 = arith.constant 0 : i32
      %dma_start3A_811 = tpu.memref_slice %arg3[%add3A, %dma_start3A_809, %dma_start3A_810] : memref<32x132x80xi32, #tpu.memory_space<hbm>> -> memref<1x132x80xi32, #tpu.memory_space<hbm>>
      %dma_start3A_812 = tpu.memref_squeeze %dma_start3A_811 : memref<1x132x80xi32, #tpu.memory_space<hbm>> -> memref<132x80xi32, #tpu.memory_space<hbm>>
      %dma_start3A_813 = arith.constant 0 : i32
      %dma_start3A_814 = tpu.memref_slice %dma_start3A_812[%add3A_793, %dma_start3A_813] : memref<132x80xi32, #tpu.memory_space<hbm>> -> memref<1x80xi32, #tpu.memory_space<hbm>>
      %dma_start3A_815 = tpu.memref_squeeze %dma_start3A_814 : memref<1x80xi32, #tpu.memory_space<hbm>> -> memref<80xi32, #tpu.memory_space<hbm>>
      tpu.enqueue_dma source(%dma_start3A_815 : memref<80xi32, #tpu.memory_space<hbm>>) target(%dma_start3A_808 : memref<80xi32, #tpu.memory_space<vmem>>) target_semaphore(%arg18 : memref<!tpu.dma_semaphore, #tpu.memory_space<semaphore_mem>>)
      %add3A_816 = arith.constant 3 : i32
      %add3A_817 = arith.addi %add3A_761, %add3A_816 : i32
      %mul3A_818 = arith.constant 80 : i32
      %mul3A_819 = arith.muli %add3A_817, %mul3A_818 : i32
      %dma_start3A_820 = tpu.memref_slice %arg6[%mul3A_819] : memref<10560xi32, #tpu.memory_space<vmem>> -> memref<80xi32, #tpu.memory_space<vmem>>
      %dma_start3A_821 = arith.constant 0 : i32
      %dma_start3A_822 = arith.constant 0 : i32
      %dma_start3A_823 = tpu.memref_slice %arg4[%dma_start3A_821, %dma_start3A_822] : memref<10240x128xf32, #tpu.memory_space<hbm>> -> memref<10240x128xf32, #tpu.memory_space<hbm>>
      tpu.enqueue_indirect_dma source(%dma_start3A_823 : memref<10240x128xf32, #tpu.memory_space<hbm>>) target(%arg9 : memref<80x128xf32, #tpu.memory_space<vmem>>) offsets(%dma_start3A_820 : memref<80xi32, #tpu.memory_space<vmem>>) semaphore(%arg12 : memref<!tpu.dma_semaphore, #tpu.memory_space<semaphore_mem>>)
      %mul3A_824 = arith.constant 6 : i32
      %mul3A_825 = arith.muli %mul3A_824, %scan3A_482 : i32
      %add3A_826 = arith.constant 6 : i32
      %add3A_827 = arith.addi %add3A_826, %mul3A_825 : i32
      %add3A_828 = arith.constant 5 : i32
      %add3A_829 = arith.addi %add3A_827, %add3A_828 : i32
      %mul3A_830 = arith.constant 80 : i32
      %mul3A_831 = arith.muli %add3A_829, %mul3A_830 : i32
      %dma_wait3A_832 = tpu.memref_slice %arg6[%mul3A_831] : memref<10560xi32, #tpu.memory_space<vmem>> -> memref<80xi32, #tpu.memory_space<vmem>>
      %dma_wait3A_833 = arith.constant 0 : i32
      %dma_wait3A_834 = arith.constant 0 : i32
      %dma_wait3A_835 = tpu.memref_slice %arg4[%dma_wait3A_833, %dma_wait3A_834] : memref<10240x128xf32, #tpu.memory_space<hbm>> -> memref<10240x128xf32, #tpu.memory_space<hbm>>
      tpu.wait_indirect_dma semaphore(%arg13 : memref<!tpu.dma_semaphore, #tpu.memory_space<semaphore_mem>>) src(%dma_wait3A_835 : memref<10240x128xf32, #tpu.memory_space<hbm>>) dst(%arg10 : memref<80x128xf32, #tpu.memory_space<vmem>>)
      %dma_wait3A_836 = arith.constant 0 : i32
      %dma_wait3A_837 = arith.constant 0 : i32
      %dma_wait3A_838 = arith.constant 0 : i32
      %dma_wait3A_839 = tpu.memref_slice %arg7[%dma_wait3A_837, %dma_wait3A_838] : memref<6x80xi32, #tpu.memory_space<vmem>> -> memref<1x80xi32, #tpu.memory_space<vmem>>
      %dma_wait3A_840 = tpu.memref_squeeze %dma_wait3A_839 : memref<1x80xi32, #tpu.memory_space<vmem>> -> memref<80xi32, #tpu.memory_space<vmem>>
      %dma_wait3A_841 = arith.constant 0 : i32
      %dma_wait3A_842 = arith.constant 0 : i32
      %dma_wait3A_843 = tpu.memref_slice %arg3[%add3A, %dma_wait3A_841, %dma_wait3A_842] : memref<32x132x80xi32, #tpu.memory_space<hbm>> -> memref<1x132x80xi32, #tpu.memory_space<hbm>>
      %dma_wait3A_844 = tpu.memref_squeeze %dma_wait3A_843 : memref<1x132x80xi32, #tpu.memory_space<hbm>> -> memref<132x80xi32, #tpu.memory_space<hbm>>
      %dma_wait3A_845 = arith.constant 0 : i32
      %dma_wait3A_846 = tpu.memref_slice %dma_wait3A_844[%dma_wait3A_836, %dma_wait3A_845] : memref<132x80xi32, #tpu.memory_space<hbm>> -> memref<1x80xi32, #tpu.memory_space<hbm>>
      %dma_wait3A_847 = tpu.memref_squeeze %dma_wait3A_846 : memref<1x80xi32, #tpu.memory_space<hbm>> -> memref<80xi32, #tpu.memory_space<hbm>>
      %dma_wait3A_848 = arith.constant 0 : i32
      %dma_wait3A_849 = tpu.memref_slice %arg7[%dma_wait3A_837, %dma_wait3A_848] : memref<6x80xi32, #tpu.memory_space<vmem>> -> memref<1x80xi32, #tpu.memory_space<vmem>>
      %dma_wait3A_850 = tpu.memref_squeeze %dma_wait3A_849 : memref<1x80xi32, #tpu.memory_space<vmem>> -> memref<80xi32, #tpu.memory_space<vmem>>
      %dma_wait3A_851 = arith.constant 0 : i32
      %dma_wait3A_852 = arith.constant 0 : i32
      %dma_wait3A_853 = tpu.memref_slice %arg3[%add3A, %dma_wait3A_851, %dma_wait3A_852] : memref<32x132x80xi32, #tpu.memory_space<hbm>> -> memref<1x132x80xi32, #tpu.memory_space<hbm>>
      %dma_wait3A_854 = tpu.memref_squeeze %dma_wait3A_853 : memref<1x132x80xi32, #tpu.memory_space<hbm>> -> memref<132x80xi32, #tpu.memory_space<hbm>>
      %dma_wait3A_855 = arith.constant 0 : i32
      %dma_wait3A_856 = tpu.memref_slice %dma_wait3A_854[%dma_wait3A_836, %dma_wait3A_855] : memref<132x80xi32, #tpu.memory_space<hbm>> -> memref<1x80xi32, #tpu.memory_space<hbm>>
      %dma_wait3A_857 = tpu.memref_squeeze %dma_wait3A_856 : memref<1x80xi32, #tpu.memory_space<hbm>> -> memref<80xi32, #tpu.memory_space<hbm>>
      tpu.wait_dma2 semaphore(%arg19 : memref<!tpu.dma_semaphore, #tpu.memory_space<semaphore_mem>>) src(%dma_wait3A_857 : memref<80xi32, #tpu.memory_space<hbm>>) dst(%dma_wait3A_850 : memref<80xi32, #tpu.memory_space<vmem>>)
      %rem3A_858 = arith.constant 6 : i32
      %rem3A_859 = arith.remsi %add3A_829, %rem3A_858 : i32
      "tpu.region"() ({
        %run_scoped3A = tpu.sem_alloc : memref<!tpu.dma_semaphore, #tpu.memory_space<semaphore_mem>>
        %dma_start3A_893 = arith.constant 0 : i32
        %dma_start3A_894 = tpu.memref_slice %arg7[%rem3A_859, %dma_start3A_893] : memref<6x80xi32, #tpu.memory_space<vmem>> -> memref<1x80xi32, #tpu.memory_space<vmem>>
        %dma_start3A_895 = tpu.memref_squeeze %dma_start3A_894 : memref<1x80xi32, #tpu.memory_space<vmem>> -> memref<80xi32, #tpu.memory_space<vmem>>
        %dma_start3A_896 = arith.constant 0 : i32
        %dma_start3A_897 = arith.constant 0 : i32
        %dma_start3A_898 = tpu.memref_slice %arg20[%dma_start3A_896, %dma_start3A_897] : memref<10240x128xf32, #tpu.memory_space<vmem_shared>> -> memref<10240x128xf32, #tpu.memory_space<vmem_shared>>
        tpu.enqueue_indirect_dma source(%arg10 : memref<80x128xf32, #tpu.memory_space<vmem>>) target(%dma_start3A_898 : memref<10240x128xf32, #tpu.memory_space<vmem_shared>>) offsets(%dma_start3A_895 : memref<80xi32, #tpu.memory_space<vmem>>) semaphore(%run_scoped3A : memref<!tpu.dma_semaphore, #tpu.memory_space<semaphore_mem>>) {add = true}
        %dma_wait3A_899 = arith.constant 0 : i32
        %dma_wait3A_900 = tpu.memref_slice %arg7[%rem3A_859, %dma_wait3A_899] : memref<6x80xi32, #tpu.memory_space<vmem>> -> memref<1x80xi32, #tpu.memory_space<vmem>>
        %dma_wait3A_901 = tpu.memref_squeeze %dma_wait3A_900 : memref<1x80xi32, #tpu.memory_space<vmem>> -> memref<80xi32, #tpu.memory_space<vmem>>
        %dma_wait3A_902 = arith.constant 0 : i32
        %dma_wait3A_903 = arith.constant 0 : i32
        %dma_wait3A_904 = tpu.memref_slice %arg20[%dma_wait3A_902, %dma_wait3A_903] : memref<10240x128xf32, #tpu.memory_space<vmem_shared>> -> memref<10240x128xf32, #tpu.memory_space<vmem_shared>>
        tpu.wait_indirect_dma semaphore(%run_scoped3A : memref<!tpu.dma_semaphore, #tpu.memory_space<semaphore_mem>>) src(%arg10 : memref<80x128xf32, #tpu.memory_space<vmem>>) dst(%dma_wait3A_904 : memref<10240x128xf32, #tpu.memory_space<vmem_shared>>)
        tpu.yield
      }) : () -> ()
      %add3A_860 = arith.constant 6 : i32
      %add3A_861 = arith.addi %add3A_829, %add3A_860 : i32
      %rem3A_862 = arith.constant 6 : i32
      %rem3A_863 = arith.remsi %add3A_861, %rem3A_862 : i32
      %dma_start3A_864 = arith.constant 0 : i32
      %dma_start3A_865 = tpu.memref_slice %arg7[%rem3A_863, %dma_start3A_864] : memref<6x80xi32, #tpu.memory_space<vmem>> -> memref<1x80xi32, #tpu.memory_space<vmem>>
      %dma_start3A_866 = tpu.memref_squeeze %dma_start3A_865 : memref<1x80xi32, #tpu.memory_space<vmem>> -> memref<80xi32, #tpu.memory_space<vmem>>
      %dma_start3A_867 = arith.constant 0 : i32
      %dma_start3A_868 = arith.constant 0 : i32
      %dma_start3A_869 = tpu.memref_slice %arg3[%add3A, %dma_start3A_867, %dma_start3A_868] : memref<32x132x80xi32, #tpu.memory_space<hbm>> -> memref<1x132x80xi32, #tpu.memory_space<hbm>>
      %dma_start3A_870 = tpu.memref_squeeze %dma_start3A_869 : memref<1x132x80xi32, #tpu.memory_space<hbm>> -> memref<132x80xi32, #tpu.memory_space<hbm>>
      %dma_start3A_871 = arith.constant 0 : i32
      %dma_start3A_872 = tpu.memref_slice %dma_start3A_870[%add3A_861, %dma_start3A_871] : memref<132x80xi32, #tpu.memory_space<hbm>> -> memref<1x80xi32, #tpu.memory_space<hbm>>
      %dma_start3A_873 = tpu.memref_squeeze %dma_start3A_872 : memref<1x80xi32, #tpu.memory_space<hbm>> -> memref<80xi32, #tpu.memory_space<hbm>>
      %dma_start3A_874 = arith.constant 0 : i32
      %dma_start3A_875 = tpu.memref_slice %arg7[%rem3A_863, %dma_start3A_874] : memref<6x80xi32, #tpu.memory_space<vmem>> -> memref<1x80xi32, #tpu.memory_space<vmem>>
      %dma_start3A_876 = tpu.memref_squeeze %dma_start3A_875 : memref<1x80xi32, #tpu.memory_space<vmem>> -> memref<80xi32, #tpu.memory_space<vmem>>
      %dma_start3A_877 = arith.constant 0 : i32
      %dma_start3A_878 = arith.constant 0 : i32
      %dma_start3A_879 = tpu.memref_slice %arg3[%add3A, %dma_start3A_877, %dma_start3A_878] : memref<32x132x80xi32, #tpu.memory_space<hbm>> -> memref<1x132x80xi32, #tpu.memory_space<hbm>>
      %dma_start3A_880 = tpu.memref_squeeze %dma_start3A_879 : memref<1x132x80xi32, #tpu.memory_space<hbm>> -> memref<132x80xi32, #tpu.memory_space<hbm>>
      %dma_start3A_881 = arith.constant 0 : i32
      %dma_start3A_882 = tpu.memref_slice %dma_start3A_880[%add3A_861, %dma_start3A_881] : memref<132x80xi32, #tpu.memory_space<hbm>> -> memref<1x80xi32, #tpu.memory_space<hbm>>
      %dma_start3A_883 = tpu.memref_squeeze %dma_start3A_882 : memref<1x80xi32, #tpu.memory_space<hbm>> -> memref<80xi32, #tpu.memory_space<hbm>>
      tpu.enqueue_dma source(%dma_start3A_883 : memref<80xi32, #tpu.memory_space<hbm>>) target(%dma_start3A_876 : memref<80xi32, #tpu.memory_space<vmem>>) target_semaphore(%arg19 : memref<!tpu.dma_semaphore, #tpu.memory_space<semaphore_mem>>)
      %add3A_884 = arith.constant 3 : i32
      %add3A_885 = arith.addi %add3A_829, %add3A_884 : i32
      %mul3A_886 = arith.constant 80 : i32
      %mul3A_887 = arith.muli %add3A_885, %mul3A_886 : i32
      %dma_start3A_888 = tpu.memref_slice %arg6[%mul3A_887] : memref<10560xi32, #tpu.memory_space<vmem>> -> memref<80xi32, #tpu.memory_space<vmem>>
      %dma_start3A_889 = arith.constant 0 : i32
      %dma_start3A_890 = arith.constant 0 : i32
      %dma_start3A_891 = tpu.memref_slice %arg4[%dma_start3A_889, %dma_start3A_890] : memref<10240x128xf32, #tpu.memory_space<hbm>> -> memref<10240x128xf32, #tpu.memory_space<hbm>>
      tpu.enqueue_indirect_dma source(%dma_start3A_891 : memref<10240x128xf32, #tpu.memory_space<hbm>>) target(%arg10 : memref<80x128xf32, #tpu.memory_space<vmem>>) offsets(%dma_start3A_888 : memref<80xi32, #tpu.memory_space<vmem>>) semaphore(%arg13 : memref<!tpu.dma_semaphore, #tpu.memory_space<semaphore_mem>>)
      %scan3A_892 = arith.constant 0 : i32
      scf.yield %scan3A_892 : i32
    }
    %scan3A_281 = arith.constant 20 : i32
    %dma_wait3A_282 = arith.constant 10080 : i32
    %dma_wait3A_283 = tpu.memref_slice %arg6[%dma_wait3A_282] : memref<10560xi32, #tpu.memory_space<vmem>> -> memref<80xi32, #tpu.memory_space<vmem>>
    %dma_wait3A_284 = arith.constant 0 : i32
    %dma_wait3A_285 = arith.constant 0 : i32
    %dma_wait3A_286 = tpu.memref_slice %arg4[%dma_wait3A_284, %dma_wait3A_285] : memref<10240x128xf32, #tpu.memory_space<hbm>> -> memref<10240x128xf32, #tpu.memory_space<hbm>>
    tpu.wait_indirect_dma semaphore(%arg11 : memref<!tpu.dma_semaphore, #tpu.memory_space<semaphore_mem>>) src(%dma_wait3A_286 : memref<10240x128xf32, #tpu.memory_space<hbm>>) dst(%arg8 : memref<80x128xf32, #tpu.memory_space<vmem>>)
    %dma_wait3A_287 = arith.constant 0 : i32
    %dma_wait3A_288 = arith.constant 0 : i32
    %dma_wait3A_289 = arith.constant 0 : i32
    %dma_wait3A_290 = tpu.memref_slice %arg7[%dma_wait3A_288, %dma_wait3A_289] : memref<6x80xi32, #tpu.memory_space<vmem>> -> memref<1x80xi32, #tpu.memory_space<vmem>>
    %dma_wait3A_291 = tpu.memref_squeeze %dma_wait3A_290 : memref<1x80xi32, #tpu.memory_space<vmem>> -> memref<80xi32, #tpu.memory_space<vmem>>
    %dma_wait3A_292 = arith.constant 0 : i32
    %dma_wait3A_293 = arith.constant 0 : i32
    %dma_wait3A_294 = tpu.memref_slice %arg3[%add3A, %dma_wait3A_292, %dma_wait3A_293] : memref<32x132x80xi32, #tpu.memory_space<hbm>> -> memref<1x132x80xi32, #tpu.memory_space<hbm>>
    %dma_wait3A_295 = tpu.memref_squeeze %dma_wait3A_294 : memref<1x132x80xi32, #tpu.memory_space<hbm>> -> memref<132x80xi32, #tpu.memory_space<hbm>>
    %dma_wait3A_296 = arith.constant 0 : i32
    %dma_wait3A_297 = tpu.memref_slice %dma_wait3A_295[%dma_wait3A_287, %dma_wait3A_296] : memref<132x80xi32, #tpu.memory_space<hbm>> -> memref<1x80xi32, #tpu.memory_space<hbm>>
    %dma_wait3A_298 = tpu.memref_squeeze %dma_wait3A_297 : memref<1x80xi32, #tpu.memory_space<hbm>> -> memref<80xi32, #tpu.memory_space<hbm>>
    %dma_wait3A_299 = arith.constant 0 : i32
    %dma_wait3A_300 = tpu.memref_slice %arg7[%dma_wait3A_288, %dma_wait3A_299] : memref<6x80xi32, #tpu.memory_space<vmem>> -> memref<1x80xi32, #tpu.memory_space<vmem>>
    %dma_wait3A_301 = tpu.memref_squeeze %dma_wait3A_300 : memref<1x80xi32, #tpu.memory_space<vmem>> -> memref<80xi32, #tpu.memory_space<vmem>>
    %dma_wait3A_302 = arith.constant 0 : i32
    %dma_wait3A_303 = arith.constant 0 : i32
    %dma_wait3A_304 = tpu.memref_slice %arg3[%add3A, %dma_wait3A_302, %dma_wait3A_303] : memref<32x132x80xi32, #tpu.memory_space<hbm>> -> memref<1x132x80xi32, #tpu.memory_space<hbm>>
    %dma_wait3A_305 = tpu.memref_squeeze %dma_wait3A_304 : memref<1x132x80xi32, #tpu.memory_space<hbm>> -> memref<132x80xi32, #tpu.memory_space<hbm>>
    %dma_wait3A_306 = arith.constant 0 : i32
    %dma_wait3A_307 = tpu.memref_slice %dma_wait3A_305[%dma_wait3A_287, %dma_wait3A_306] : memref<132x80xi32, #tpu.memory_space<hbm>> -> memref<1x80xi32, #tpu.memory_space<hbm>>
    %dma_wait3A_308 = tpu.memref_squeeze %dma_wait3A_307 : memref<1x80xi32, #tpu.memory_space<hbm>> -> memref<80xi32, #tpu.memory_space<hbm>>
    tpu.wait_dma2 semaphore(%arg14 : memref<!tpu.dma_semaphore, #tpu.memory_space<semaphore_mem>>) src(%dma_wait3A_308 : memref<80xi32, #tpu.memory_space<hbm>>) dst(%dma_wait3A_301 : memref<80xi32, #tpu.memory_space<vmem>>)
    %rem3A_309 = arith.constant 126 : i32
    %rem3A_310 = arith.constant 6 : i32
    %rem3A_311 = arith.remsi %rem3A_309, %rem3A_310 : i32
    "tpu.region"() ({
      %run_scoped3A = tpu.sem_alloc : memref<!tpu.dma_semaphore, #tpu.memory_space<semaphore_mem>>
      %dma_start3A_482 = arith.constant 0 : i32
      %dma_start3A_483 = tpu.memref_slice %arg7[%rem3A_311, %dma_start3A_482] : memref<6x80xi32, #tpu.memory_space<vmem>> -> memref<1x80xi32, #tpu.memory_space<vmem>>
      %dma_start3A_484 = tpu.memref_squeeze %dma_start3A_483 : memref<1x80xi32, #tpu.memory_space<vmem>> -> memref<80xi32, #tpu.memory_space<vmem>>
      %dma_start3A_485 = arith.constant 0 : i32
      %dma_start3A_486 = arith.constant 0 : i32
      %dma_start3A_487 = tpu.memref_slice %arg20[%dma_start3A_485, %dma_start3A_486] : memref<10240x128xf32, #tpu.memory_space<vmem_shared>> -> memref<10240x128xf32, #tpu.memory_space<vmem_shared>>
      tpu.enqueue_indirect_dma source(%arg8 : memref<80x128xf32, #tpu.memory_space<vmem>>) target(%dma_start3A_487 : memref<10240x128xf32, #tpu.memory_space<vmem_shared>>) offsets(%dma_start3A_484 : memref<80xi32, #tpu.memory_space<vmem>>) semaphore(%run_scoped3A : memref<!tpu.dma_semaphore, #tpu.memory_space<semaphore_mem>>) {add = true}
      %dma_wait3A_488 = arith.constant 0 : i32
      %dma_wait3A_489 = tpu.memref_slice %arg7[%rem3A_311, %dma_wait3A_488] : memref<6x80xi32, #tpu.memory_space<vmem>> -> memref<1x80xi32, #tpu.memory_space<vmem>>
      %dma_wait3A_490 = tpu.memref_squeeze %dma_wait3A_489 : memref<1x80xi32, #tpu.memory_space<vmem>> -> memref<80xi32, #tpu.memory_space<vmem>>
      %dma_wait3A_491 = arith.constant 0 : i32
      %dma_wait3A_492 = arith.constant 0 : i32
      %dma_wait3A_493 = tpu.memref_slice %arg20[%dma_wait3A_491, %dma_wait3A_492] : memref<10240x128xf32, #tpu.memory_space<vmem_shared>> -> memref<10240x128xf32, #tpu.memory_space<vmem_shared>>
      tpu.wait_indirect_dma semaphore(%run_scoped3A : memref<!tpu.dma_semaphore, #tpu.memory_space<semaphore_mem>>) src(%arg8 : memref<80x128xf32, #tpu.memory_space<vmem>>) dst(%dma_wait3A_493 : memref<10240x128xf32, #tpu.memory_space<vmem_shared>>)
      tpu.yield
    }) : () -> ()
    %dma_start3A_312 = arith.constant 10320 : i32
    %dma_start3A_313 = tpu.memref_slice %arg6[%dma_start3A_312] : memref<10560xi32, #tpu.memory_space<vmem>> -> memref<80xi32, #tpu.memory_space<vmem>>
    %dma_start3A_314 = arith.constant 0 : i32
    %dma_start3A_315 = arith.constant 0 : i32
    %dma_start3A_316 = tpu.memref_slice %arg4[%dma_start3A_314, %dma_start3A_315] : memref<10240x128xf32, #tpu.memory_space<hbm>> -> memref<10240x128xf32, #tpu.memory_space<hbm>>
    tpu.enqueue_indirect_dma source(%dma_start3A_316 : memref<10240x128xf32, #tpu.memory_space<hbm>>) target(%arg8 : memref<80x128xf32, #tpu.memory_space<vmem>>) offsets(%dma_start3A_313 : memref<80xi32, #tpu.memory_space<vmem>>) semaphore(%arg11 : memref<!tpu.dma_semaphore, #tpu.memory_space<semaphore_mem>>)
    %dma_wait3A_317 = arith.constant 10160 : i32
    %dma_wait3A_318 = tpu.memref_slice %arg6[%dma_wait3A_317] : memref<10560xi32, #tpu.memory_space<vmem>> -> memref<80xi32, #tpu.memory_space<vmem>>
    %dma_wait3A_319 = arith.constant 0 : i32
    %dma_wait3A_320 = arith.constant 0 : i32
    %dma_wait3A_321 = tpu.memref_slice %arg4[%dma_wait3A_319, %dma_wait3A_320] : memref<10240x128xf32, #tpu.memory_space<hbm>> -> memref<10240x128xf32, #tpu.memory_space<hbm>>
    tpu.wait_indirect_dma semaphore(%arg12 : memref<!tpu.dma_semaphore, #tpu.memory_space<semaphore_mem>>) src(%dma_wait3A_321 : memref<10240x128xf32, #tpu.memory_space<hbm>>) dst(%arg9 : memref<80x128xf32, #tpu.memory_space<vmem>>)
    %dma_wait3A_322 = arith.constant 0 : i32
    %dma_wait3A_323 = arith.constant 0 : i32
    %dma_wait3A_324 = arith.constant 0 : i32
    %dma_wait3A_325 = tpu.memref_slice %arg7[%dma_wait3A_323, %dma_wait3A_324] : memref<6x80xi32, #tpu.memory_space<vmem>> -> memref<1x80xi32, #tpu.memory_space<vmem>>
    %dma_wait3A_326 = tpu.memref_squeeze %dma_wait3A_325 : memref<1x80xi32, #tpu.memory_space<vmem>> -> memref<80xi32, #tpu.memory_space<vmem>>
    %dma_wait3A_327 = arith.constant 0 : i32
    %dma_wait3A_328 = arith.constant 0 : i32
    %dma_wait3A_329 = tpu.memref_slice %arg3[%add3A, %dma_wait3A_327, %dma_wait3A_328] : memref<32x132x80xi32, #tpu.memory_space<hbm>> -> memref<1x132x80xi32, #tpu.memory_space<hbm>>
    %dma_wait3A_330 = tpu.memref_squeeze %dma_wait3A_329 : memref<1x132x80xi32, #tpu.memory_space<hbm>> -> memref<132x80xi32, #tpu.memory_space<hbm>>
    %dma_wait3A_331 = arith.constant 0 : i32
    %dma_wait3A_332 = tpu.memref_slice %dma_wait3A_330[%dma_wait3A_322, %dma_wait3A_331] : memref<132x80xi32, #tpu.memory_space<hbm>> -> memref<1x80xi32, #tpu.memory_space<hbm>>
    %dma_wait3A_333 = tpu.memref_squeeze %dma_wait3A_332 : memref<1x80xi32, #tpu.memory_space<hbm>> -> memref<80xi32, #tpu.memory_space<hbm>>
    %dma_wait3A_334 = arith.constant 0 : i32
    %dma_wait3A_335 = tpu.memref_slice %arg7[%dma_wait3A_323, %dma_wait3A_334] : memref<6x80xi32, #tpu.memory_space<vmem>> -> memref<1x80xi32, #tpu.memory_space<vmem>>
    %dma_wait3A_336 = tpu.memref_squeeze %dma_wait3A_335 : memref<1x80xi32, #tpu.memory_space<vmem>> -> memref<80xi32, #tpu.memory_space<vmem>>
    %dma_wait3A_337 = arith.constant 0 : i32
    %dma_wait3A_338 = arith.constant 0 : i32
    %dma_wait3A_339 = tpu.memref_slice %arg3[%add3A, %dma_wait3A_337, %dma_wait3A_338] : memref<32x132x80xi32, #tpu.memory_space<hbm>> -> memref<1x132x80xi32, #tpu.memory_space<hbm>>
    %dma_wait3A_340 = tpu.memref_squeeze %dma_wait3A_339 : memref<1x132x80xi32, #tpu.memory_space<hbm>> -> memref<132x80xi32, #tpu.memory_space<hbm>>
    %dma_wait3A_341 = arith.constant 0 : i32
    %dma_wait3A_342 = tpu.memref_slice %dma_wait3A_340[%dma_wait3A_322, %dma_wait3A_341] : memref<132x80xi32, #tpu.memory_space<hbm>> -> memref<1x80xi32, #tpu.memory_space<hbm>>
    %dma_wait3A_343 = tpu.memref_squeeze %dma_wait3A_342 : memref<1x80xi32, #tpu.memory_space<hbm>> -> memref<80xi32, #tpu.memory_space<hbm>>
    tpu.wait_dma2 semaphore(%arg15 : memref<!tpu.dma_semaphore, #tpu.memory_space<semaphore_mem>>) src(%dma_wait3A_343 : memref<80xi32, #tpu.memory_space<hbm>>) dst(%dma_wait3A_336 : memref<80xi32, #tpu.memory_space<vmem>>)
    %rem3A_344 = arith.constant 127 : i32
    %rem3A_345 = arith.constant 6 : i32
    %rem3A_346 = arith.remsi %rem3A_344, %rem3A_345 : i32
    "tpu.region"() ({
      %run_scoped3A = tpu.sem_alloc : memref<!tpu.dma_semaphore, #tpu.memory_space<semaphore_mem>>
      %dma_start3A_482 = arith.constant 0 : i32
      %dma_start3A_483 = tpu.memref_slice %arg7[%rem3A_346, %dma_start3A_482] : memref<6x80xi32, #tpu.memory_space<vmem>> -> memref<1x80xi32, #tpu.memory_space<vmem>>
      %dma_start3A_484 = tpu.memref_squeeze %dma_start3A_483 : memref<1x80xi32, #tpu.memory_space<vmem>> -> memref<80xi32, #tpu.memory_space<vmem>>
      %dma_start3A_485 = arith.constant 0 : i32
      %dma_start3A_486 = arith.constant 0 : i32
      %dma_start3A_487 = tpu.memref_slice %arg20[%dma_start3A_485, %dma_start3A_486] : memref<10240x128xf32, #tpu.memory_space<vmem_shared>> -> memref<10240x128xf32, #tpu.memory_space<vmem_shared>>
      tpu.enqueue_indirect_dma source(%arg9 : memref<80x128xf32, #tpu.memory_space<vmem>>) target(%dma_start3A_487 : memref<10240x128xf32, #tpu.memory_space<vmem_shared>>) offsets(%dma_start3A_484 : memref<80xi32, #tpu.memory_space<vmem>>) semaphore(%run_scoped3A : memref<!tpu.dma_semaphore, #tpu.memory_space<semaphore_mem>>) {add = true}
      %dma_wait3A_488 = arith.constant 0 : i32
      %dma_wait3A_489 = tpu.memref_slice %arg7[%rem3A_346, %dma_wait3A_488] : memref<6x80xi32, #tpu.memory_space<vmem>> -> memref<1x80xi32, #tpu.memory_space<vmem>>
      %dma_wait3A_490 = tpu.memref_squeeze %dma_wait3A_489 : memref<1x80xi32, #tpu.memory_space<vmem>> -> memref<80xi32, #tpu.memory_space<vmem>>
      %dma_wait3A_491 = arith.constant 0 : i32
      %dma_wait3A_492 = arith.constant 0 : i32
      %dma_wait3A_493 = tpu.memref_slice %arg20[%dma_wait3A_491, %dma_wait3A_492] : memref<10240x128xf32, #tpu.memory_space<vmem_shared>> -> memref<10240x128xf32, #tpu.memory_space<vmem_shared>>
      tpu.wait_indirect_dma semaphore(%run_scoped3A : memref<!tpu.dma_semaphore, #tpu.memory_space<semaphore_mem>>) src(%arg9 : memref<80x128xf32, #tpu.memory_space<vmem>>) dst(%dma_wait3A_493 : memref<10240x128xf32, #tpu.memory_space<vmem_shared>>)
      tpu.yield
    }) : () -> ()
    %dma_start3A_347 = arith.constant 10400 : i32
    %dma_start3A_348 = tpu.memref_slice %arg6[%dma_start3A_347] : memref<10560xi32, #tpu.memory_space<vmem>> -> memref<80xi32, #tpu.memory_space<vmem>>
    %dma_start3A_349 = arith.constant 0 : i32
    %dma_start3A_350 = arith.constant 0 : i32
    %dma_start3A_351 = tpu.memref_slice %arg4[%dma_start3A_349, %dma_start3A_350] : memref<10240x128xf32, #tpu.memory_space<hbm>> -> memref<10240x128xf32, #tpu.memory_space<hbm>>
    tpu.enqueue_indirect_dma source(%dma_start3A_351 : memref<10240x128xf32, #tpu.memory_space<hbm>>) target(%arg9 : memref<80x128xf32, #tpu.memory_space<vmem>>) offsets(%dma_start3A_348 : memref<80xi32, #tpu.memory_space<vmem>>) semaphore(%arg12 : memref<!tpu.dma_semaphore, #tpu.memory_space<semaphore_mem>>)
    %dma_wait3A_352 = arith.constant 10240 : i32
    %dma_wait3A_353 = tpu.memref_slice %arg6[%dma_wait3A_352] : memref<10560xi32, #tpu.memory_space<vmem>> -> memref<80xi32, #tpu.memory_space<vmem>>
    %dma_wait3A_354 = arith.constant 0 : i32
    %dma_wait3A_355 = arith.constant 0 : i32
    %dma_wait3A_356 = tpu.memref_slice %arg4[%dma_wait3A_354, %dma_wait3A_355] : memref<10240x128xf32, #tpu.memory_space<hbm>> -> memref<10240x128xf32, #tpu.memory_space<hbm>>
    tpu.wait_indirect_dma semaphore(%arg13 : memref<!tpu.dma_semaphore, #tpu.memory_space<semaphore_mem>>) src(%dma_wait3A_356 : memref<10240x128xf32, #tpu.memory_space<hbm>>) dst(%arg10 : memref<80x128xf32, #tpu.memory_space<vmem>>)
    %dma_wait3A_357 = arith.constant 0 : i32
    %dma_wait3A_358 = arith.constant 0 : i32
    %dma_wait3A_359 = arith.constant 0 : i32
    %dma_wait3A_360 = tpu.memref_slice %arg7[%dma_wait3A_358, %dma_wait3A_359] : memref<6x80xi32, #tpu.memory_space<vmem>> -> memref<1x80xi32, #tpu.memory_space<vmem>>
    %dma_wait3A_361 = tpu.memref_squeeze %dma_wait3A_360 : memref<1x80xi32, #tpu.memory_space<vmem>> -> memref<80xi32, #tpu.memory_space<vmem>>
    %dma_wait3A_362 = arith.constant 0 : i32
    %dma_wait3A_363 = arith.constant 0 : i32
    %dma_wait3A_364 = tpu.memref_slice %arg3[%add3A, %dma_wait3A_362, %dma_wait3A_363] : memref<32x132x80xi32, #tpu.memory_space<hbm>> -> memref<1x132x80xi32, #tpu.memory_space<hbm>>
    %dma_wait3A_365 = tpu.memref_squeeze %dma_wait3A_364 : memref<1x132x80xi32, #tpu.memory_space<hbm>> -> memref<132x80xi32, #tpu.memory_space<hbm>>
    %dma_wait3A_366 = arith.constant 0 : i32
    %dma_wait3A_367 = tpu.memref_slice %dma_wait3A_365[%dma_wait3A_357, %dma_wait3A_366] : memref<132x80xi32, #tpu.memory_space<hbm>> -> memref<1x80xi32, #tpu.memory_space<hbm>>
    %dma_wait3A_368 = tpu.memref_squeeze %dma_wait3A_367 : memref<1x80xi32, #tpu.memory_space<hbm>> -> memref<80xi32, #tpu.memory_space<hbm>>
    %dma_wait3A_369 = arith.constant 0 : i32
    %dma_wait3A_370 = tpu.memref_slice %arg7[%dma_wait3A_358, %dma_wait3A_369] : memref<6x80xi32, #tpu.memory_space<vmem>> -> memref<1x80xi32, #tpu.memory_space<vmem>>
    %dma_wait3A_371 = tpu.memref_squeeze %dma_wait3A_370 : memref<1x80xi32, #tpu.memory_space<vmem>> -> memref<80xi32, #tpu.memory_space<vmem>>
    %dma_wait3A_372 = arith.constant 0 : i32
    %dma_wait3A_373 = arith.constant 0 : i32
    %dma_wait3A_374 = tpu.memref_slice %arg3[%add3A, %dma_wait3A_372, %dma_wait3A_373] : memref<32x132x80xi32, #tpu.memory_space<hbm>> -> memref<1x132x80xi32, #tpu.memory_space<hbm>>
    %dma_wait3A_375 = tpu.memref_squeeze %dma_wait3A_374 : memref<1x132x80xi32, #tpu.memory_space<hbm>> -> memref<132x80xi32, #tpu.memory_space<hbm>>
    %dma_wait3A_376 = arith.constant 0 : i32
    %dma_wait3A_377 = tpu.memref_slice %dma_wait3A_375[%dma_wait3A_357, %dma_wait3A_376] : memref<132x80xi32, #tpu.memory_space<hbm>> -> memref<1x80xi32, #tpu.memory_space<hbm>>
    %dma_wait3A_378 = tpu.memref_squeeze %dma_wait3A_377 : memref<1x80xi32, #tpu.memory_space<hbm>> -> memref<80xi32, #tpu.memory_space<hbm>>
    tpu.wait_dma2 semaphore(%arg16 : memref<!tpu.dma_semaphore, #tpu.memory_space<semaphore_mem>>) src(%dma_wait3A_378 : memref<80xi32, #tpu.memory_space<hbm>>) dst(%dma_wait3A_371 : memref<80xi32, #tpu.memory_space<vmem>>)
    %rem3A_379 = arith.constant 128 : i32
    %rem3A_380 = arith.constant 6 : i32
    %rem3A_381 = arith.remsi %rem3A_379, %rem3A_380 : i32
    "tpu.region"() ({
      %run_scoped3A = tpu.sem_alloc : memref<!tpu.dma_semaphore, #tpu.memory_space<semaphore_mem>>
      %dma_start3A_482 = arith.constant 0 : i32
      %dma_start3A_483 = tpu.memref_slice %arg7[%rem3A_381, %dma_start3A_482] : memref<6x80xi32, #tpu.memory_space<vmem>> -> memref<1x80xi32, #tpu.memory_space<vmem>>
      %dma_start3A_484 = tpu.memref_squeeze %dma_start3A_483 : memref<1x80xi32, #tpu.memory_space<vmem>> -> memref<80xi32, #tpu.memory_space<vmem>>
      %dma_start3A_485 = arith.constant 0 : i32
      %dma_start3A_486 = arith.constant 0 : i32
      %dma_start3A_487 = tpu.memref_slice %arg20[%dma_start3A_485, %dma_start3A_486] : memref<10240x128xf32, #tpu.memory_space<vmem_shared>> -> memref<10240x128xf32, #tpu.memory_space<vmem_shared>>
      tpu.enqueue_indirect_dma source(%arg10 : memref<80x128xf32, #tpu.memory_space<vmem>>) target(%dma_start3A_487 : memref<10240x128xf32, #tpu.memory_space<vmem_shared>>) offsets(%dma_start3A_484 : memref<80xi32, #tpu.memory_space<vmem>>) semaphore(%run_scoped3A : memref<!tpu.dma_semaphore, #tpu.memory_space<semaphore_mem>>) {add = true}
      %dma_wait3A_488 = arith.constant 0 : i32
      %dma_wait3A_489 = tpu.memref_slice %arg7[%rem3A_381, %dma_wait3A_488] : memref<6x80xi32, #tpu.memory_space<vmem>> -> memref<1x80xi32, #tpu.memory_space<vmem>>
      %dma_wait3A_490 = tpu.memref_squeeze %dma_wait3A_489 : memref<1x80xi32, #tpu.memory_space<vmem>> -> memref<80xi32, #tpu.memory_space<vmem>>
      %dma_wait3A_491 = arith.constant 0 : i32
      %dma_wait3A_492 = arith.constant 0 : i32
      %dma_wait3A_493 = tpu.memref_slice %arg20[%dma_wait3A_491, %dma_wait3A_492] : memref<10240x128xf32, #tpu.memory_space<vmem_shared>> -> memref<10240x128xf32, #tpu.memory_space<vmem_shared>>
      tpu.wait_indirect_dma semaphore(%run_scoped3A : memref<!tpu.dma_semaphore, #tpu.memory_space<semaphore_mem>>) src(%arg10 : memref<80x128xf32, #tpu.memory_space<vmem>>) dst(%dma_wait3A_493 : memref<10240x128xf32, #tpu.memory_space<vmem_shared>>)
      tpu.yield
    }) : () -> ()
    %dma_start3A_382 = arith.constant 10480 : i32
    %dma_start3A_383 = tpu.memref_slice %arg6[%dma_start3A_382] : memref<10560xi32, #tpu.memory_space<vmem>> -> memref<80xi32, #tpu.memory_space<vmem>>
    %dma_start3A_384 = arith.constant 0 : i32
    %dma_start3A_385 = arith.constant 0 : i32
    %dma_start3A_386 = tpu.memref_slice %arg4[%dma_start3A_384, %dma_start3A_385] : memref<10240x128xf32, #tpu.memory_space<hbm>> -> memref<10240x128xf32, #tpu.memory_space<hbm>>
    tpu.enqueue_indirect_dma source(%dma_start3A_386 : memref<10240x128xf32, #tpu.memory_space<hbm>>) target(%arg10 : memref<80x128xf32, #tpu.memory_space<vmem>>) offsets(%dma_start3A_383 : memref<80xi32, #tpu.memory_space<vmem>>) semaphore(%arg13 : memref<!tpu.dma_semaphore, #tpu.memory_space<semaphore_mem>>)
    %dma_wait3A_387 = arith.constant 10320 : i32
    %dma_wait3A_388 = tpu.memref_slice %arg6[%dma_wait3A_387] : memref<10560xi32, #tpu.memory_space<vmem>> -> memref<80xi32, #tpu.memory_space<vmem>>
    %dma_wait3A_389 = arith.constant 0 : i32
    %dma_wait3A_390 = arith.constant 0 : i32
    %dma_wait3A_391 = tpu.memref_slice %arg4[%dma_wait3A_389, %dma_wait3A_390] : memref<10240x128xf32, #tpu.memory_space<hbm>> -> memref<10240x128xf32, #tpu.memory_space<hbm>>
    tpu.wait_indirect_dma semaphore(%arg11 : memref<!tpu.dma_semaphore, #tpu.memory_space<semaphore_mem>>) src(%dma_wait3A_391 : memref<10240x128xf32, #tpu.memory_space<hbm>>) dst(%arg8 : memref<80x128xf32, #tpu.memory_space<vmem>>)
    %dma_wait3A_392 = arith.constant 0 : i32
    %dma_wait3A_393 = arith.constant 0 : i32
    %dma_wait3A_394 = arith.constant 0 : i32
    %dma_wait3A_395 = tpu.memref_slice %arg7[%dma_wait3A_393, %dma_wait3A_394] : memref<6x80xi32, #tpu.memory_space<vmem>> -> memref<1x80xi32, #tpu.memory_space<vmem>>
    %dma_wait3A_396 = tpu.memref_squeeze %dma_wait3A_395 : memref<1x80xi32, #tpu.memory_space<vmem>> -> memref<80xi32, #tpu.memory_space<vmem>>
    %dma_wait3A_397 = arith.constant 0 : i32
    %dma_wait3A_398 = arith.constant 0 : i32
    %dma_wait3A_399 = tpu.memref_slice %arg3[%add3A, %dma_wait3A_397, %dma_wait3A_398] : memref<32x132x80xi32, #tpu.memory_space<hbm>> -> memref<1x132x80xi32, #tpu.memory_space<hbm>>
    %dma_wait3A_400 = tpu.memref_squeeze %dma_wait3A_399 : memref<1x132x80xi32, #tpu.memory_space<hbm>> -> memref<132x80xi32, #tpu.memory_space<hbm>>
    %dma_wait3A_401 = arith.constant 0 : i32
    %dma_wait3A_402 = tpu.memref_slice %dma_wait3A_400[%dma_wait3A_392, %dma_wait3A_401] : memref<132x80xi32, #tpu.memory_space<hbm>> -> memref<1x80xi32, #tpu.memory_space<hbm>>
    %dma_wait3A_403 = tpu.memref_squeeze %dma_wait3A_402 : memref<1x80xi32, #tpu.memory_space<hbm>> -> memref<80xi32, #tpu.memory_space<hbm>>
    %dma_wait3A_404 = arith.constant 0 : i32
    %dma_wait3A_405 = tpu.memref_slice %arg7[%dma_wait3A_393, %dma_wait3A_404] : memref<6x80xi32, #tpu.memory_space<vmem>> -> memref<1x80xi32, #tpu.memory_space<vmem>>
    %dma_wait3A_406 = tpu.memref_squeeze %dma_wait3A_405 : memref<1x80xi32, #tpu.memory_space<vmem>> -> memref<80xi32, #tpu.memory_space<vmem>>
    %dma_wait3A_407 = arith.constant 0 : i32
    %dma_wait3A_408 = arith.constant 0 : i32
    %dma_wait3A_409 = tpu.memref_slice %arg3[%add3A, %dma_wait3A_407, %dma_wait3A_408] : memref<32x132x80xi32, #tpu.memory_space<hbm>> -> memref<1x132x80xi32, #tpu.memory_space<hbm>>
    %dma_wait3A_410 = tpu.memref_squeeze %dma_wait3A_409 : memref<1x132x80xi32, #tpu.memory_space<hbm>> -> memref<132x80xi32, #tpu.memory_space<hbm>>
    %dma_wait3A_411 = arith.constant 0 : i32
    %dma_wait3A_412 = tpu.memref_slice %dma_wait3A_410[%dma_wait3A_392, %dma_wait3A_411] : memref<132x80xi32, #tpu.memory_space<hbm>> -> memref<1x80xi32, #tpu.memory_space<hbm>>
    %dma_wait3A_413 = tpu.memref_squeeze %dma_wait3A_412 : memref<1x80xi32, #tpu.memory_space<hbm>> -> memref<80xi32, #tpu.memory_space<hbm>>
    tpu.wait_dma2 semaphore(%arg17 : memref<!tpu.dma_semaphore, #tpu.memory_space<semaphore_mem>>) src(%dma_wait3A_413 : memref<80xi32, #tpu.memory_space<hbm>>) dst(%dma_wait3A_406 : memref<80xi32, #tpu.memory_space<vmem>>)
    %rem3A_414 = arith.constant 129 : i32
    %rem3A_415 = arith.constant 6 : i32
    %rem3A_416 = arith.remsi %rem3A_414, %rem3A_415 : i32
    "tpu.region"() ({
      %run_scoped3A = tpu.sem_alloc : memref<!tpu.dma_semaphore, #tpu.memory_space<semaphore_mem>>
      %dma_start3A_482 = arith.constant 0 : i32
      %dma_start3A_483 = tpu.memref_slice %arg7[%rem3A_416, %dma_start3A_482] : memref<6x80xi32, #tpu.memory_space<vmem>> -> memref<1x80xi32, #tpu.memory_space<vmem>>
      %dma_start3A_484 = tpu.memref_squeeze %dma_start3A_483 : memref<1x80xi32, #tpu.memory_space<vmem>> -> memref<80xi32, #tpu.memory_space<vmem>>
      %dma_start3A_485 = arith.constant 0 : i32
      %dma_start3A_486 = arith.constant 0 : i32
      %dma_start3A_487 = tpu.memref_slice %arg20[%dma_start3A_485, %dma_start3A_486] : memref<10240x128xf32, #tpu.memory_space<vmem_shared>> -> memref<10240x128xf32, #tpu.memory_space<vmem_shared>>
      tpu.enqueue_indirect_dma source(%arg8 : memref<80x128xf32, #tpu.memory_space<vmem>>) target(%dma_start3A_487 : memref<10240x128xf32, #tpu.memory_space<vmem_shared>>) offsets(%dma_start3A_484 : memref<80xi32, #tpu.memory_space<vmem>>) semaphore(%run_scoped3A : memref<!tpu.dma_semaphore, #tpu.memory_space<semaphore_mem>>) {add = true}
      %dma_wait3A_488 = arith.constant 0 : i32
      %dma_wait3A_489 = tpu.memref_slice %arg7[%rem3A_416, %dma_wait3A_488] : memref<6x80xi32, #tpu.memory_space<vmem>> -> memref<1x80xi32, #tpu.memory_space<vmem>>
      %dma_wait3A_490 = tpu.memref_squeeze %dma_wait3A_489 : memref<1x80xi32, #tpu.memory_space<vmem>> -> memref<80xi32, #tpu.memory_space<vmem>>
      %dma_wait3A_491 = arith.constant 0 : i32
      %dma_wait3A_492 = arith.constant 0 : i32
      %dma_wait3A_493 = tpu.memref_slice %arg20[%dma_wait3A_491, %dma_wait3A_492] : memref<10240x128xf32, #tpu.memory_space<vmem_shared>> -> memref<10240x128xf32, #tpu.memory_space<vmem_shared>>
      tpu.wait_indirect_dma semaphore(%run_scoped3A : memref<!tpu.dma_semaphore, #tpu.memory_space<semaphore_mem>>) src(%arg8 : memref<80x128xf32, #tpu.memory_space<vmem>>) dst(%dma_wait3A_493 : memref<10240x128xf32, #tpu.memory_space<vmem_shared>>)
      tpu.yield
    }) : () -> ()
    %dma_wait3A_417 = arith.constant 10400 : i32
    %dma_wait3A_418 = tpu.memref_slice %arg6[%dma_wait3A_417] : memref<10560xi32, #tpu.memory_space<vmem>> -> memref<80xi32, #tpu.memory_space<vmem>>
    %dma_wait3A_419 = arith.constant 0 : i32
    %dma_wait3A_420 = arith.constant 0 : i32
    %dma_wait3A_421 = tpu.memref_slice %arg4[%dma_wait3A_419, %dma_wait3A_420] : memref<10240x128xf32, #tpu.memory_space<hbm>> -> memref<10240x128xf32, #tpu.memory_space<hbm>>
    tpu.wait_indirect_dma semaphore(%arg12 : memref<!tpu.dma_semaphore, #tpu.memory_space<semaphore_mem>>) src(%dma_wait3A_421 : memref<10240x128xf32, #tpu.memory_space<hbm>>) dst(%arg9 : memref<80x128xf32, #tpu.memory_space<vmem>>)
    %dma_wait3A_422 = arith.constant 0 : i32
    %dma_wait3A_423 = arith.constant 0 : i32
    %dma_wait3A_424 = arith.constant 0 : i32
    %dma_wait3A_425 = tpu.memref_slice %arg7[%dma_wait3A_423, %dma_wait3A_424] : memref<6x80xi32, #tpu.memory_space<vmem>> -> memref<1x80xi32, #tpu.memory_space<vmem>>
    %dma_wait3A_426 = tpu.memref_squeeze %dma_wait3A_425 : memref<1x80xi32, #tpu.memory_space<vmem>> -> memref<80xi32, #tpu.memory_space<vmem>>
    %dma_wait3A_427 = arith.constant 0 : i32
    %dma_wait3A_428 = arith.constant 0 : i32
    %dma_wait3A_429 = tpu.memref_slice %arg3[%add3A, %dma_wait3A_427, %dma_wait3A_428] : memref<32x132x80xi32, #tpu.memory_space<hbm>> -> memref<1x132x80xi32, #tpu.memory_space<hbm>>
    %dma_wait3A_430 = tpu.memref_squeeze %dma_wait3A_429 : memref<1x132x80xi32, #tpu.memory_space<hbm>> -> memref<132x80xi32, #tpu.memory_space<hbm>>
    %dma_wait3A_431 = arith.constant 0 : i32
    %dma_wait3A_432 = tpu.memref_slice %dma_wait3A_430[%dma_wait3A_422, %dma_wait3A_431] : memref<132x80xi32, #tpu.memory_space<hbm>> -> memref<1x80xi32, #tpu.memory_space<hbm>>
    %dma_wait3A_433 = tpu.memref_squeeze %dma_wait3A_432 : memref<1x80xi32, #tpu.memory_space<hbm>> -> memref<80xi32, #tpu.memory_space<hbm>>
    %dma_wait3A_434 = arith.constant 0 : i32
    %dma_wait3A_435 = tpu.memref_slice %arg7[%dma_wait3A_423, %dma_wait3A_434] : memref<6x80xi32, #tpu.memory_space<vmem>> -> memref<1x80xi32, #tpu.memory_space<vmem>>
    %dma_wait3A_436 = tpu.memref_squeeze %dma_wait3A_435 : memref<1x80xi32, #tpu.memory_space<vmem>> -> memref<80xi32, #tpu.memory_space<vmem>>
    %dma_wait3A_437 = arith.constant 0 : i32
    %dma_wait3A_438 = arith.constant 0 : i32
    %dma_wait3A_439 = tpu.memref_slice %arg3[%add3A, %dma_wait3A_437, %dma_wait3A_438] : memref<32x132x80xi32, #tpu.memory_space<hbm>> -> memref<1x132x80xi32, #tpu.memory_space<hbm>>
    %dma_wait3A_440 = tpu.memref_squeeze %dma_wait3A_439 : memref<1x132x80xi32, #tpu.memory_space<hbm>> -> memref<132x80xi32, #tpu.memory_space<hbm>>
    %dma_wait3A_441 = arith.constant 0 : i32
    %dma_wait3A_442 = tpu.memref_slice %dma_wait3A_440[%dma_wait3A_422, %dma_wait3A_441] : memref<132x80xi32, #tpu.memory_space<hbm>> -> memref<1x80xi32, #tpu.memory_space<hbm>>
    %dma_wait3A_443 = tpu.memref_squeeze %dma_wait3A_442 : memref<1x80xi32, #tpu.memory_space<hbm>> -> memref<80xi32, #tpu.memory_space<hbm>>
    tpu.wait_dma2 semaphore(%arg18 : memref<!tpu.dma_semaphore, #tpu.memory_space<semaphore_mem>>) src(%dma_wait3A_443 : memref<80xi32, #tpu.memory_space<hbm>>) dst(%dma_wait3A_436 : memref<80xi32, #tpu.memory_space<vmem>>)
    %rem3A_444 = arith.constant 130 : i32
    %rem3A_445 = arith.constant 6 : i32
    %rem3A_446 = arith.remsi %rem3A_444, %rem3A_445 : i32
    "tpu.region"() ({
      %run_scoped3A = tpu.sem_alloc : memref<!tpu.dma_semaphore, #tpu.memory_space<semaphore_mem>>
      %dma_start3A_482 = arith.constant 0 : i32
      %dma_start3A_483 = tpu.memref_slice %arg7[%rem3A_446, %dma_start3A_482] : memref<6x80xi32, #tpu.memory_space<vmem>> -> memref<1x80xi32, #tpu.memory_space<vmem>>
      %dma_start3A_484 = tpu.memref_squeeze %dma_start3A_483 : memref<1x80xi32, #tpu.memory_space<vmem>> -> memref<80xi32, #tpu.memory_space<vmem>>
      %dma_start3A_485 = arith.constant 0 : i32
      %dma_start3A_486 = arith.constant 0 : i32
      %dma_start3A_487 = tpu.memref_slice %arg20[%dma_start3A_485, %dma_start3A_486] : memref<10240x128xf32, #tpu.memory_space<vmem_shared>> -> memref<10240x128xf32, #tpu.memory_space<vmem_shared>>
      tpu.enqueue_indirect_dma source(%arg9 : memref<80x128xf32, #tpu.memory_space<vmem>>) target(%dma_start3A_487 : memref<10240x128xf32, #tpu.memory_space<vmem_shared>>) offsets(%dma_start3A_484 : memref<80xi32, #tpu.memory_space<vmem>>) semaphore(%run_scoped3A : memref<!tpu.dma_semaphore, #tpu.memory_space<semaphore_mem>>) {add = true}
      %dma_wait3A_488 = arith.constant 0 : i32
      %dma_wait3A_489 = tpu.memref_slice %arg7[%rem3A_446, %dma_wait3A_488] : memref<6x80xi32, #tpu.memory_space<vmem>> -> memref<1x80xi32, #tpu.memory_space<vmem>>
      %dma_wait3A_490 = tpu.memref_squeeze %dma_wait3A_489 : memref<1x80xi32, #tpu.memory_space<vmem>> -> memref<80xi32, #tpu.memory_space<vmem>>
      %dma_wait3A_491 = arith.constant 0 : i32
      %dma_wait3A_492 = arith.constant 0 : i32
      %dma_wait3A_493 = tpu.memref_slice %arg20[%dma_wait3A_491, %dma_wait3A_492] : memref<10240x128xf32, #tpu.memory_space<vmem_shared>> -> memref<10240x128xf32, #tpu.memory_space<vmem_shared>>
      tpu.wait_indirect_dma semaphore(%run_scoped3A : memref<!tpu.dma_semaphore, #tpu.memory_space<semaphore_mem>>) src(%arg9 : memref<80x128xf32, #tpu.memory_space<vmem>>) dst(%dma_wait3A_493 : memref<10240x128xf32, #tpu.memory_space<vmem_shared>>)
      tpu.yield
    }) : () -> ()
    %dma_wait3A_447 = arith.constant 10480 : i32
    %dma_wait3A_448 = tpu.memref_slice %arg6[%dma_wait3A_447] : memref<10560xi32, #tpu.memory_space<vmem>> -> memref<80xi32, #tpu.memory_space<vmem>>
    %dma_wait3A_449 = arith.constant 0 : i32
    %dma_wait3A_450 = arith.constant 0 : i32
    %dma_wait3A_451 = tpu.memref_slice %arg4[%dma_wait3A_449, %dma_wait3A_450] : memref<10240x128xf32, #tpu.memory_space<hbm>> -> memref<10240x128xf32, #tpu.memory_space<hbm>>
    tpu.wait_indirect_dma semaphore(%arg13 : memref<!tpu.dma_semaphore, #tpu.memory_space<semaphore_mem>>) src(%dma_wait3A_451 : memref<10240x128xf32, #tpu.memory_space<hbm>>) dst(%arg10 : memref<80x128xf32, #tpu.memory_space<vmem>>)
    %dma_wait3A_452 = arith.constant 0 : i32
    %dma_wait3A_453 = arith.constant 0 : i32
    %dma_wait3A_454 = arith.constant 0 : i32
    %dma_wait3A_455 = tpu.memref_slice %arg7[%dma_wait3A_453, %dma_wait3A_454] : memref<6x80xi32, #tpu.memory_space<vmem>> -> memref<1x80xi32, #tpu.memory_space<vmem>>
    %dma_wait3A_456 = tpu.memref_squeeze %dma_wait3A_455 : memref<1x80xi32, #tpu.memory_space<vmem>> -> memref<80xi32, #tpu.memory_space<vmem>>
    %dma_wait3A_457 = arith.constant 0 : i32
    %dma_wait3A_458 = arith.constant 0 : i32
    %dma_wait3A_459 = tpu.memref_slice %arg3[%add3A, %dma_wait3A_457, %dma_wait3A_458] : memref<32x132x80xi32, #tpu.memory_space<hbm>> -> memref<1x132x80xi32, #tpu.memory_space<hbm>>
    %dma_wait3A_460 = tpu.memref_squeeze %dma_wait3A_459 : memref<1x132x80xi32, #tpu.memory_space<hbm>> -> memref<132x80xi32, #tpu.memory_space<hbm>>
    %dma_wait3A_461 = arith.constant 0 : i32
    %dma_wait3A_462 = tpu.memref_slice %dma_wait3A_460[%dma_wait3A_452, %dma_wait3A_461] : memref<132x80xi32, #tpu.memory_space<hbm>> -> memref<1x80xi32, #tpu.memory_space<hbm>>
    %dma_wait3A_463 = tpu.memref_squeeze %dma_wait3A_462 : memref<1x80xi32, #tpu.memory_space<hbm>> -> memref<80xi32, #tpu.memory_space<hbm>>
    %dma_wait3A_464 = arith.constant 0 : i32
    %dma_wait3A_465 = tpu.memref_slice %arg7[%dma_wait3A_453, %dma_wait3A_464] : memref<6x80xi32, #tpu.memory_space<vmem>> -> memref<1x80xi32, #tpu.memory_space<vmem>>
    %dma_wait3A_466 = tpu.memref_squeeze %dma_wait3A_465 : memref<1x80xi32, #tpu.memory_space<vmem>> -> memref<80xi32, #tpu.memory_space<vmem>>
    %dma_wait3A_467 = arith.constant 0 : i32
    %dma_wait3A_468 = arith.constant 0 : i32
    %dma_wait3A_469 = tpu.memref_slice %arg3[%add3A, %dma_wait3A_467, %dma_wait3A_468] : memref<32x132x80xi32, #tpu.memory_space<hbm>> -> memref<1x132x80xi32, #tpu.memory_space<hbm>>
    %dma_wait3A_470 = tpu.memref_squeeze %dma_wait3A_469 : memref<1x132x80xi32, #tpu.memory_space<hbm>> -> memref<132x80xi32, #tpu.memory_space<hbm>>
    %dma_wait3A_471 = arith.constant 0 : i32
    %dma_wait3A_472 = tpu.memref_slice %dma_wait3A_470[%dma_wait3A_452, %dma_wait3A_471] : memref<132x80xi32, #tpu.memory_space<hbm>> -> memref<1x80xi32, #tpu.memory_space<hbm>>
    %dma_wait3A_473 = tpu.memref_squeeze %dma_wait3A_472 : memref<1x80xi32, #tpu.memory_space<hbm>> -> memref<80xi32, #tpu.memory_space<hbm>>
    tpu.wait_dma2 semaphore(%arg19 : memref<!tpu.dma_semaphore, #tpu.memory_space<semaphore_mem>>) src(%dma_wait3A_473 : memref<80xi32, #tpu.memory_space<hbm>>) dst(%dma_wait3A_466 : memref<80xi32, #tpu.memory_space<vmem>>)
    %rem3A_474 = arith.constant 131 : i32
    %rem3A_475 = arith.constant 6 : i32
    %rem3A_476 = arith.remsi %rem3A_474, %rem3A_475 : i32
    "tpu.region"() ({
      %run_scoped3A = tpu.sem_alloc : memref<!tpu.dma_semaphore, #tpu.memory_space<semaphore_mem>>
      %dma_start3A_482 = arith.constant 0 : i32
      %dma_start3A_483 = tpu.memref_slice %arg7[%rem3A_476, %dma_start3A_482] : memref<6x80xi32, #tpu.memory_space<vmem>> -> memref<1x80xi32, #tpu.memory_space<vmem>>
      %dma_start3A_484 = tpu.memref_squeeze %dma_start3A_483 : memref<1x80xi32, #tpu.memory_space<vmem>> -> memref<80xi32, #tpu.memory_space<vmem>>
      %dma_start3A_485 = arith.constant 0 : i32
      %dma_start3A_486 = arith.constant 0 : i32
      %dma_start3A_487 = tpu.memref_slice %arg20[%dma_start3A_485, %dma_start3A_486] : memref<10240x128xf32, #tpu.memory_space<vmem_shared>> -> memref<10240x128xf32, #tpu.memory_space<vmem_shared>>
      tpu.enqueue_indirect_dma source(%arg10 : memref<80x128xf32, #tpu.memory_space<vmem>>) target(%dma_start3A_487 : memref<10240x128xf32, #tpu.memory_space<vmem_shared>>) offsets(%dma_start3A_484 : memref<80xi32, #tpu.memory_space<vmem>>) semaphore(%run_scoped3A : memref<!tpu.dma_semaphore, #tpu.memory_space<semaphore_mem>>) {add = true}
      %dma_wait3A_488 = arith.constant 0 : i32
      %dma_wait3A_489 = tpu.memref_slice %arg7[%rem3A_476, %dma_wait3A_488] : memref<6x80xi32, #tpu.memory_space<vmem>> -> memref<1x80xi32, #tpu.memory_space<vmem>>
      %dma_wait3A_490 = tpu.memref_squeeze %dma_wait3A_489 : memref<1x80xi32, #tpu.memory_space<vmem>> -> memref<80xi32, #tpu.memory_space<vmem>>
      %dma_wait3A_491 = arith.constant 0 : i32
      %dma_wait3A_492 = arith.constant 0 : i32
      %dma_wait3A_493 = tpu.memref_slice %arg20[%dma_wait3A_491, %dma_wait3A_492] : memref<10240x128xf32, #tpu.memory_space<vmem_shared>> -> memref<10240x128xf32, #tpu.memory_space<vmem_shared>>
      tpu.wait_indirect_dma semaphore(%run_scoped3A : memref<!tpu.dma_semaphore, #tpu.memory_space<semaphore_mem>>) src(%arg10 : memref<80x128xf32, #tpu.memory_space<vmem>>) dst(%dma_wait3A_493 : memref<10240x128xf32, #tpu.memory_space<vmem_shared>>)
      tpu.yield
    }) : () -> ()
    %barrier3A_477 = arith.constant 0 : index
    tpu.barrier barrier_id(%barrier3A_477)
    %mul3A_478 = arith.constant 640 : i32
    %mul3A_479 = arith.muli %arg1, %mul3A_478 : i32
    %mul3A_480 = arith.constant 640 : i32
    %mul3A_481 = arith.muli %arg1, %mul3A_480 : i32
    "tpu.region"() ({
      %run_scoped3A = tpu.sem_alloc : memref<!tpu.dma_semaphore, #tpu.memory_space<semaphore_mem>>
      %dma_start3A_482 = arith.constant 0 : i32
      %dma_start3A_483 = tpu.memref_slice %arg5[%arg0, %mul3A_481, %dma_start3A_482] : memref<2x10240x128xf32, #tpu.memory_space<hbm>> -> memref<1x640x128xf32, #tpu.memory_space<hbm>>
      %dma_start3A_484 = tpu.memref_squeeze %dma_start3A_483 : memref<1x640x128xf32, #tpu.memory_space<hbm>> -> memref<640x128xf32, #tpu.memory_space<hbm>>
      %dma_start3A_485 = arith.constant 0 : i32
      %dma_start3A_486 = tpu.memref_slice %arg20[%mul3A_479, %dma_start3A_485] : memref<10240x128xf32, #tpu.memory_space<vmem_shared>> -> memref<640x128xf32, #tpu.memory_space<vmem_shared>>
      tpu.enqueue_dma source(%dma_start3A_486 : memref<640x128xf32, #tpu.memory_space<vmem_shared>>) target(%dma_start3A_484 : memref<640x128xf32, #tpu.memory_space<hbm>>) target_semaphore(%run_scoped3A : memref<!tpu.dma_semaphore, #tpu.memory_space<semaphore_mem>>)
      %dma_wait3A_487 = arith.constant 0 : i32
      %dma_wait3A_488 = tpu.memref_slice %arg5[%arg0, %mul3A_481, %dma_wait3A_487] : memref<2x10240x128xf32, #tpu.memory_space<hbm>> -> memref<1x640x128xf32, #tpu.memory_space<hbm>>
      %dma_wait3A_489 = tpu.memref_squeeze %dma_wait3A_488 : memref<1x640x128xf32, #tpu.memory_space<hbm>> -> memref<640x128xf32, #tpu.memory_space<hbm>>
      %dma_wait3A_490 = arith.constant 0 : i32
      %dma_wait3A_491 = tpu.memref_slice %arg20[%mul3A_479, %dma_wait3A_490] : memref<10240x128xf32, #tpu.memory_space<vmem_shared>> -> memref<640x128xf32, #tpu.memory_space<vmem_shared>>
      tpu.wait_dma2 semaphore(%run_scoped3A : memref<!tpu.dma_semaphore, #tpu.memory_space<semaphore_mem>>) src(%dma_wait3A_491 : memref<640x128xf32, #tpu.memory_space<vmem_shared>>) dst(%dma_wait3A_489 : memref<640x128xf32, #tpu.memory_space<hbm>>)
      tpu.yield
    }) : () -> ()
    return
  }
}

module attributes {stable_mosaic.version = 14 : i64} {
  func.func @_k2_body(%arg0: memref<10240xf32, #tpu.memory_space<vmem>>, %arg1: memref<10000x128xf32, #tpu.memory_space<vmem>>, %arg2: memref<128x128xf32, #tpu.memory_space<vmem>>, %arg3: memref<10240x128xf32, #tpu.memory_space<vmem>>, %arg4: memref<10240xf32, #tpu.memory_space<vmem>>) attributes {dimension_semantics = [], scalar_prefetch = 0 : i64, scratch_operands = 0 : i64, tpu.core_type = #tpu.core_type<tc>} {
    %get3A = arith.constant 0 : index
    %get3A_0 = vector.load %arg0[%get3A] : memref<10240xf32, #tpu.memory_space<vmem>>, vector<10240xf32>
    %add3A = arith.constant 1.000000e+00 : f32
    %add3A_1 = vector.broadcast %add3A : f32 to vector<10240xf32>
    %add3A_2 = arith.addf %get3A_0, %add3A_1 : vector<10240xf32>
    %rsqrt3A = math.rsqrt %add3A_2 : vector<10240xf32>
    %get3A_3 = arith.constant 0 : index
    %get3A_4 = arith.constant 0 : index
    %get3A_5 = vector.load %arg1[%get3A_3, %get3A_4] : memref<10000x128xf32, #tpu.memory_space<vmem>>, vector<10000x128xf32>
    %get3A_6 = arith.constant 0 : index
    %get3A_7 = arith.constant 0 : index
    %get3A_8 = vector.load %arg2[%get3A_6, %get3A_7] : memref<128x128xf32, #tpu.memory_space<vmem>>, vector<128x128xf32>
    %dot_general3A = arith.constant dense<0.000000e+00> : vector<10000x128xf32>
    %dot_general3A_9 = tpu.matmul %get3A_5, %get3A_8, %dot_general3A {dimension_numbers = #tpu.dot_dimension_numbers<[1], [0], [0], [1], [0, 0, 1, 1], [], []>, transpose_lhs_hint = false} : vector<10000x128xf32>, vector<128x128xf32>, vector<10000x128xf32> -> vector<10000x128xf32>
    %slice3A = vector.extract_strided_slice %rsqrt3A {offsets = [0], sizes = [10000], strides = [1]} : vector<10240xf32> to vector<10000xf32>
    %broadcast_in_dim3A = vector.shape_cast %slice3A : vector<10000xf32> to vector<10000x1xf32>
    %mul3A = vector.broadcast %broadcast_in_dim3A : vector<10000x1xf32> to vector<10000x128xf32>
    %mul3A_10 = arith.mulf %dot_general3A_9, %mul3A : vector<10000x128xf32>
    %swap3A = arith.constant 0 : index
    %swap3A_11 = arith.constant 0 : index
    %swap3A_12 = vector.load %arg3[%swap3A, %swap3A_11] : memref<10240x128xf32, #tpu.memory_space<vmem>>, vector<10000x128xf32>
    tpu.vector_store %arg3[%swap3A, %swap3A_11], %mul3A_10 {strides = array<i32>} : memref<10240x128xf32, #tpu.memory_space<vmem>>, vector<10000x128xf32>,
    %broadcast_in_dim3A_13 = arith.constant 0.000000e+00 : f32
    %broadcast_in_dim3A_14 = vector.broadcast %broadcast_in_dim3A_13 : f32 to vector<240x128xf32>
    %swap3A_15 = arith.constant 10000 : index
    %swap3A_16 = arith.constant 0 : index
    %swap3A_17 = vector.load %arg3[%swap3A_15, %swap3A_16] : memref<10240x128xf32, #tpu.memory_space<vmem>>, vector<240x128xf32>
    tpu.vector_store %arg3[%swap3A_15, %swap3A_16], %broadcast_in_dim3A_14 {strides = array<i32>} : memref<10240x128xf32, #tpu.memory_space<vmem>>, vector<240x128xf32>,
    %swap3A_18 = arith.constant 0 : index
    %swap3A_19 = vector.load %arg4[%swap3A_18] : memref<10240xf32, #tpu.memory_space<vmem>>, vector<10240xf32>
    tpu.vector_store %arg4[%swap3A_18], %rsqrt3A {strides = array<i32>} : memref<10240xf32, #tpu.memory_space<vmem>>, vector<10240xf32>,
    return
  }
}

module attributes {stable_mosaic.version = 14 : i64} {
  func.func @_k4_body(%arg0: memref<2x10240x128xf32, #tpu.memory_space<vmem>>, %arg1: memref<10240x128xf32, #tpu.memory_space<vmem>>, %arg2: memref<10240xf32, #tpu.memory_space<vmem>>, %arg3: memref<128xf32, #tpu.memory_space<vmem>>, %arg4: memref<128x1xf32, #tpu.memory_space<vmem>>, %arg5: memref<1xf32, #tpu.memory_space<vmem>>, %arg6: memref<10240xf32, #tpu.memory_space<vmem>>, %arg7: memref<10240xf32, #tpu.memory_space<vmem>>) attributes {dimension_semantics = [], scalar_prefetch = 0 : i64, scratch_operands = 0 : i64, tpu.core_type = #tpu.core_type<tc>} {
    %get3A = arith.constant 0 : index
    %get3A_0 = vector.load %arg2[%get3A] : memref<10240xf32, #tpu.memory_space<vmem>>, vector<10240xf32>
    %get3A_1 = arith.constant 0 : index
    %get3A_2 = arith.constant 0 : index
    %get3A_3 = arith.constant 0 : index
    %get3A_4 = vector.load %arg0[%get3A_1, %get3A_2, %get3A_3] : memref<2x10240x128xf32, #tpu.memory_space<vmem>>, vector<1x10240x128xf32>
    %get3A_5 = vector.shape_cast %get3A_4 : vector<1x10240x128xf32> to vector<10240x128xf32>
    %get3A_6 = arith.constant 1 : index
    %get3A_7 = arith.constant 0 : index
    %get3A_8 = arith.constant 0 : index
    %get3A_9 = vector.load %arg0[%get3A_6, %get3A_7, %get3A_8] : memref<2x10240x128xf32, #tpu.memory_space<vmem>>, vector<1x10240x128xf32>
    %get3A_10 = vector.shape_cast %get3A_9 : vector<1x10240x128xf32> to vector<10240x128xf32>
    %add3A = arith.addf %get3A_5, %get3A_10 : vector<10240x128xf32>
    %get3A_11 = arith.constant 0 : index
    %get3A_12 = arith.constant 0 : index
    %get3A_13 = vector.load %arg1[%get3A_11, %get3A_12] : memref<10240x128xf32, #tpu.memory_space<vmem>>, vector<10240x128xf32>
    %add3A_14 = arith.addf %add3A, %get3A_13 : vector<10240x128xf32>
    %broadcast_in_dim3A = vector.shape_cast %get3A_0 : vector<10240xf32> to vector<10240x1xf32>
    %mul3A = vector.broadcast %broadcast_in_dim3A : vector<10240x1xf32> to vector<10240x128xf32>
    %mul3A_15 = arith.mulf %add3A_14, %mul3A : vector<10240x128xf32>
    %get3A_16 = arith.constant 0 : index
    %get3A_17 = vector.load %arg3[%get3A_16] : memref<128xf32, #tpu.memory_space<vmem>>, vector<128xf32>
    %broadcast_in_dim3A_18 = vector.shape_cast %get3A_17 : vector<128xf32> to vector<1x128xf32>
    %add3A_19 = vector.broadcast %broadcast_in_dim3A_18 : vector<1x128xf32> to vector<10240x128xf32>
    %add3A_20 = arith.addf %mul3A_15, %add3A_19 : vector<10240x128xf32>
    %max3A = arith.constant 0.000000e+00 : f32
    %max3A_21 = vector.broadcast %max3A : f32 to vector<10240x128xf32>
    %max3A_22 = arith.maximumf %add3A_20, %max3A_21 : vector<10240x128xf32>
    %get3A_23 = arith.constant 0 : index
    %get3A_24 = arith.constant 0 : index
    %get3A_25 = vector.load %arg4[%get3A_23, %get3A_24] : memref<128x1xf32, #tpu.memory_space<vmem>>, vector<128x1xf32>
    %dot_general3A = arith.constant dense<0.000000e+00> : vector<10240x1xf32>
    %dot_general3A_26 = tpu.matmul %max3A_22, %get3A_25, %dot_general3A {dimension_numbers = #tpu.dot_dimension_numbers<[1], [0], [0], [1], [0, 0, 1, 1], [], []>, transpose_lhs_hint = false} : vector<10240x128xf32>, vector<128x1xf32>, vector<10240x1xf32> -> vector<10240x1xf32>
    %squeeze3A = vector.shape_cast %dot_general3A_26 : vector<10240x1xf32> to vector<10240xf32>
    %mul3A_27 = arith.mulf %squeeze3A, %get3A_0 : vector<10240xf32>
    %swap3A = arith.constant 0 : index
    %swap3A_28 = vector.load %arg6[%swap3A] : memref<10240xf32, #tpu.memory_space<vmem>>, vector<10240xf32>
    tpu.vector_store %arg6[%swap3A], %mul3A_27 {strides = array<i32>} : memref<10240xf32, #tpu.memory_space<vmem>>, vector<10240xf32>,
    %mul3A_29 = arith.mulf %get3A_0, %mul3A_27 : vector<10240xf32>
    %get3A_30 = arith.constant 0 : index
    %get3A_31 = vector.load %arg5[%get3A_30] : memref<1xf32, #tpu.memory_space<vmem>>, vector<1xf32>
    %get3A_32 = vector.extract %get3A_31[0] : f32 from vector<1xf32>
    %add3A_33 = vector.broadcast %get3A_32 : f32 to vector<10240xf32>
    %add3A_34 = arith.addf %mul3A_29, %add3A_33 : vector<10240xf32>
    %swap3A_35 = arith.constant 0 : index
    %swap3A_36 = vector.load %arg7[%swap3A_35] : memref<10240xf32, #tpu.memory_space<vmem>>, vector<10240xf32>
    tpu.vector_store %arg7[%swap3A_35], %add3A_34 {strides = array<i32>} : memref<10240xf32, #tpu.memory_space<vmem>>, vector<10240xf32>,
    return
  }
}

module attributes {stable_mosaic.version = 14 : i64} {
  func.func @_k6_body(%arg0: memref<2x10240xf32, #tpu.memory_space<vmem>>, %arg1: memref<10240xf32, #tpu.memory_space<vmem>>, %arg2: memref<10240xf32, #tpu.memory_space<vmem>>, %arg3: memref<10240xf32, #tpu.memory_space<vmem>>) attributes {dimension_semantics = [], scalar_prefetch = 0 : i64, scratch_operands = 0 : i64, tpu.core_type = #tpu.core_type<tc>} {
    %get3A = arith.constant 0 : index
    %get3A_0 = vector.load %arg1[%get3A] : memref<10240xf32, #tpu.memory_space<vmem>>, vector<10240xf32>
    %get3A_1 = arith.constant 0 : index
    %get3A_2 = arith.constant 0 : index
    %get3A_3 = vector.load %arg0[%get3A_1, %get3A_2] : memref<2x10240xf32, #tpu.memory_space<vmem>>, vector<1x10240xf32>
    %get3A_4 = vector.shape_cast %get3A_3 : vector<1x10240xf32> to vector<10240xf32>
    %get3A_5 = arith.constant 1 : index
    %get3A_6 = arith.constant 0 : index
    %get3A_7 = vector.load %arg0[%get3A_5, %get3A_6] : memref<2x10240xf32, #tpu.memory_space<vmem>>, vector<1x10240xf32>
    %get3A_8 = vector.shape_cast %get3A_7 : vector<1x10240xf32> to vector<10240xf32>
    %add3A = arith.addf %get3A_4, %get3A_8 : vector<10240xf32>
    %mul3A = arith.mulf %get3A_0, %add3A : vector<10240xf32>
    %get3A_9 = arith.constant 0 : index
    %get3A_10 = vector.load %arg2[%get3A_9] : memref<10240xf32, #tpu.memory_space<vmem>>, vector<10240xf32>
    %add3A_11 = arith.addf %mul3A, %get3A_10 : vector<10240xf32>
    %swap3A = arith.constant 0 : index
    %swap3A_12 = vector.load %arg3[%swap3A] : memref<10240xf32, #tpu.memory_space<vmem>>, vector<10240xf32>
    tpu.vector_store %arg3[%swap3A], %add3A_11 {strides = array<i32>} : memref<10240xf32, #tpu.memory_space<vmem>>, vector<10240xf32>,
    return
  }
}

</mosaic_0001>

<sc_bundles>
// kernel: kernel.11.cloned.1.call-start
scs
__scs_entry_jumppad:
0x0: {  	(pc) =	sbr.rel $0x88, $3  }
0x1: {  	(tag) =	ssettag $0x0;
	lr =	simm.s32 $0x1  }
0x2: {  	[smem:$0x3F9B] =	sst lr;
	_ =	strace $0xD0000000  }
0x3: {  	_ = 	snop  }
0x4: {  	_ = 	snop  }
0x5: {  	_ = 	snop  }
0x6: {  	_ = 	snop  }
0x7: {  	_ = 	snop  }
__scs_overlays_trampoline_lowered:
0x8: {  	[smem:$0x3FAA] =	sst s0  }
0x9: {  	[smem:$0x3FAB] =	sst s1  }
0xa: {  	[smem:$0x3FAC] =	sst s2  }
0xb: {  	[smem:$0x3FAD] =	sst s3  }
0xc: {  	[smem:$0x3FAE] =	sst s4  }
0xd: {  	[smem:$0x3FAF] =	sst s5  }
0xe: {  	[smem:$0x3FB0] =	sst s6  }
0xf: {  	[smem:$0x3FB1] =	sst s7  }
0x10: {  	[smem:$0x3FB2] =	sst s8  }
0x11: {  	[smem:$0x3FB3] =	sst s9;
	s0 =	simm.s32 @!p0 $0x0  }
0x12: {  	s1 =	sld [smem:$0x3F99];
	s0 =	simm.s32 @p0 $0x1  }
0x13: {  	[smem:$0x3FB4] =	sst s0;
	s0 =	simm.s32 @!p1 $0x0  }
0x14: {  	s2 =	sld [smem:$0x3F98];
	s0 =	simm.s32 @p1 $0x1  }
0x15: {  	[smem:$0x3FB5] =	sst s0;
	s0 =	simm.s32 @!p2 $0x0  }
0x16: {  	s3 =	sld [smem:$0x3FDB];
	s0 =	simm.s32 @p2 $0x1  }
0x17: {  	s4 =	simm.s32 $0x1BF5;
	[smem:$0x3FB7] =	sst s0  }
0x18: {  	s0 =	sld [smem:$0x3F9A];
	_ =	swait.ge [sflag:s4], $0x0  }
0x19: {  	s7 =	sld [smem:$0x3F9B]  }
0x1a: {  	s8 =	sadd.s32 $0xFFFFE003, lr  }
0x1b: {  	s9 =	sadd.s32 $0xFFFFFEF7, lr;
	s5 =	simm.s32 $0xFFFFFFFF;
	p2 =	slt.u32 s8, $0xFFFFF086  }
0x1c: {  	p1 =	slt.u32 s9, $0xF7A;
	s5 =	simm.s32 @!p2 $0x0  }
0x1d: {  	s5 =	simm.s32 @p1 $0x1;
	p0 =	seq.s32 s7, s2  }
0x1e: {  	s7 =	smul.u32 @!p0 $0xF7A, s2;
	p2 =	seq.s32 @!p0 s5, $0x0  }
0x1f: {  	s9 =	smul.u32 $0xF7A, s1;
	s8 =	simm.s32 @!p0 $0x1BF5;
	p2 =	por !p2, p0  }
0x20: {  	[sflag:s8] =	ssyncset.s32 @!p0 $0xFFFFF086;
	s6 =	sadd.s32 @!p0 s3, s7;
	s7 =	simm.s32 @!p0 $0x108  }
0x21: {  	s3 =	sadd.s32 s3, s9;
	s6 =	sadd.s32 @!p0 $0x88, s6;
	s7 =	simm.s32 @p2 $0x1082  }
0x22: {  	[simem:s7], [sflag:s8] =	dma.local @!p0 [hbm:s6], $0xF7A  }
0x23: {  	s9 =	sor.u32 $0xD0000000, s2;
	s6 =	simm.s32 $0x108;
	_ =	swait.ge @!p0 [sflag:s8], $0x0  }
0x24: {  	s3 =	sadd.s32 $0x88, s3;
	s6 =	simm.s32 @!p1 $0x1082;
	[sflag:s4] =	ssyncset.s32 $0xFFFFF086  }
0x25: {  	[simem:s6], [sflag:s4] =	dma.local [hbm:s3], $0xF7A  }
0x26: {  	[smem:$0x3F9B] =	sst s1;
	(tag) =	ssettag s2;
	_ =	strace s9  }
0x27: {  	s1 =	sld [smem:$0x3FAB]  }
0x28: {  	s2 =	sld [smem:$0x3FAC]  }
0x29: {  	s4 =	sld [smem:$0x3FAE]  }
0x2a: {  	p0 =	seq.s32 s5, $0x0;
	s5 =	sld [smem:$0x3FAF]  }
0x2b: {  	s6 =	sld [smem:$0x3FB0]  }
0x2c: {  	s7 =	sld [smem:$0x3FB1]  }
0x2d: {  	s3 =	simm.s32 $0x108;
	s8 =	sld [smem:$0x3FB2]  }
0x2e: {  	s3 =	simm.s32 @!p0 $0x1082;
	s9 =	sld [smem:$0x3FB3]  }
0x2f: {  	lr =	sadd.s32 s0, s3;
	s0 =	sld [smem:$0x3FAA]  }
0x30: {  	s3 =	sld [smem:$0x3FAD]  }
0x31: {  	[smem:$0x3FB6] =	sst s10  }
0x32: {  	s10 =	sld [smem:$0x3FB4];
	_ =	sdelay $0x3  }
0x33: {  	p0 =	seq.s32 s10, $0x1;
	s10 =	sld [smem:$0x3FB6];
	_ =	sdelay $0x3  }
0x34: {  	[smem:$0x3FB6] =	sst s10  }
0x35: {  	s10 =	sld [smem:$0x3FB5];
	_ =	sdelay $0x3  }
0x36: {  	p1 =	seq.s32 s10, $0x1;
	s10 =	sld [smem:$0x3FB6];
	_ =	sdelay $0x3  }
0x37: {  	[smem:$0x3FB6] =	sst s10  }
0x38: {  	s10 =	sld [smem:$0x3FB7]  }
0x39: {  	_ = 	snop;
	(pc) =	sbr.ind lr, $3  }
0x3a: {  	_ = 	snop  }
0x3b: {  	_ = 	snop  }
0x3c: {  	p2 =	seq.s32 s10, $0x1;
	s10 =	sld [smem:$0x3FB6]  }
0x3d: {  	_ =	shalt  }
0x3e: {  	_ =	shalt  }
0x3f: {  	_ =	shalt  }
0x40: {  	_ =	shalt  }
0x41: {  	_ =	shalt  }
0x42: {  	_ =	shalt  }
0x43: {  	_ =	shalt  }
0x44: {  	_ =	shalt  }
0x45: {  	_ =	shalt  }
0x46: {  	_ =	shalt  }
0x47: {  	_ =	shalt  }
0x48: {  	_ =	shalt  }
0x49: {  	_ =	shalt  }
0x4a: {  	_ =	shalt  }
0x4b: {  	_ =	shalt  }
0x4c: {  	_ =	shalt  }
0x4d: {  	_ =	shalt  }
0x4e: {  	_ =	shalt  }
0x4f: {  	_ =	shalt  }
0x50: {  	_ =	shalt  }
0x51: {  	_ =	shalt  }
0x52: {  	_ =	shalt  }
0x53: {  	_ =	shalt  }
0x54: {  	_ =	shalt  }
0x55: {  	_ =	shalt  }
0x56: {  	_ =	shalt  }
0x57: {  	_ =	shalt  }
0x58: {  	_ =	shalt  }
0x59: {  	_ =	shalt  }
0x5a: {  	_ =	shalt  }
0x5b: {  	_ =	shalt  }
0x5c: {  	_ =	shalt  }
0x5d: {  	_ =	shalt  }
0x5e: {  	_ =	shalt  }
0x5f: {  	_ =	shalt  }
0x60: {  	_ =	shalt  }
0x61: {  	_ =	shalt  }
0x62: {  	_ =	shalt  }
0x63: {  	_ =	shalt  }
0x64: {  	_ =	shalt  }
0x65: {  	_ =	shalt  }
0x66: {  	_ =	shalt  }
0x67: {  	_ =	shalt  }
0x68: {  	_ =	shalt  }
0x69: {  	_ =	shalt  }
0x6a: {  	_ =	shalt  }
0x6b: {  	_ =	shalt  }
0x6c: {  	_ =	shalt  }
0x6d: {  	_ =	shalt  }
0x6e: {  	_ =	shalt  }
0x6f: {  	_ =	shalt  }
0x70: {  	_ =	shalt  }
0x71: {  	_ =	shalt  }
0x72: {  	_ =	shalt  }
0x73: {  	_ =	shalt  }
0x74: {  	_ =	shalt  }
0x75: {  	_ =	shalt  }
0x76: {  	_ =	shalt  }
0x77: {  	_ =	shalt  }
0x78: {  	_ =	shalt  }
0x79: {  	_ =	shalt  }
0x7a: {  	_ =	shalt  }
0x7b: {  	_ =	shalt  }
0x7c: {  	_ =	shalt  }
0x7d: {  	_ =	shalt  }
0x7e: {  	_ =	shalt  }
0x7f: {  	_ =	shalt  }
0x80: {  	_ =	shalt  }
0x81: {  	_ =	shalt  }
0x82: {  	_ =	shalt  }
0x83: {  	_ =	shalt  }
0x84: {  	_ =	shalt  }
0x85: {  	_ =	shalt  }
0x86: {  	_ =	shalt  }
0x87: {  	_ =	shalt  }
.Lfunc_end0:
.L_simem_size_0:
called_computation.1_lowered:
.L_overlay_start_0:
0x88: {  	s2 =	sld [smem:$0x3FD9]  }
0x89: {  	s3 =	sld [smem:$0x3FFE];
	_ =	sdelay $0x1  }
0x8a: {  	s1 =	srdreg.scid  }
0x8b: {  	s0 =	sand.u32 $0x1, s1  }
0x8c: {  	s16 =	sshll.u32 s0, $0xA;
	s2 =	sadd.s32 s3, s2  }
0x8d: {  	s2 =	sadd.s32 s2, s16  }
0x8e: {  	[smem:$0x3FC2] =	sst s2  }
0x8f: {  	_ = 	snop  }
0x90: {  	(tm) =	ssettm $0x1  }
0x91: {  	s17 =	sld [smem:$0x3FFB];
	_ =	sdelay $0x3  }
0x92: {  	_ =	strace s17  }
0x93: {  	s2 =	sld [smem:$0x3FFC];
	_ =	sdelay $0x3  }
0x94: {  	_ =	strace s2  }
0x95: {  	s2 =	sld [smem:$0x3FFD];
	_ =	sdelay $0x3  }
0x96: {  	_ =	strace s2  }
0x97: {  	_ =	strace $0x8FFFFFFF  }
0x98: {  	s18 =	sld [smem:$0x3FDB];
	_ =	sdelay $0x1  }
0x99: {  	s19 =	simm.s32 $_scs_section_size  }
0x9a: {  	s4 =	simm.s32 $_size__tile_overlayer_lowered;
	s5 =	simm.s32 $_tile_overlayer_lowered  }
0x9b: {  	s22 =	simm.s32 $0x1BFF;
	s21 =	sshll.u32 s5, $0x1;
	s2 =	sadd.s32 s19, s18  }
0x9c: {  	s6 =	simm.s32 $0x0;
	s20 =	sshll.u32 s4, $0x1;
	s4 =	sadd.s32 s21, s2  }
0x9d: {  	[timem:s6], [sflag:s22] =	dma.local [hbm:s4], s20  }
0x9e: {  	_ =	swait.ge [sflag:s22], s20  }
0x9f: {  	s3 =	ssub.s32 $0x0, s20;
	[sflag:s22] =	ssyncset.done $0x0  }
0xa0: {  	[sflag:s22] =	ssyncadd.s32 s3;
	_ =	sdelay $0x1  }
0xa1: {  	s23 =	simm.s32 $0x1B8B  }
0xa2: {  	_ =	swait.ge [sflag:s23], $0x1  }
0xa3: {  	[sflag:s23] =	ssyncset.done $0x0  }
0xa4: {  	s25 =	simm.s32 $0x1B8E;
	s24 =	sld [smem:$0x3FFE];
	[sflag:s23] =	ssyncadd.s32 $0xFFFFFFFF  }
0xa5: {  	s26 =	simm.s32 $execute0_lowered;
	[smem:$0x3FD2] =	sst s25  }
0xa6: {  	s4 =	sshll.u32 s26, $0x1;
	_ =	strace $0x80000049;
	[dreg:$0x1] =	wrdreg $0xFFFFFFFF  }
0xa7: {  	s28 =	simm.s32 $_size_execute0_lowered;
	s2 =	sadd.s32 s2, s4;
	[dreg:$0x0] =	wrdreg $0x0  }
0xa8: {  	s4 =	sshll.u32 s28, $0x1;
	[dreg:$0x2] =	wrdreg s2  }
0xa9: {  	[dreg:$0x3] =	wrdreg s4  }
0xaa: {  	[dreg:$0x4] =	wrdreg $0xC0  }
0xab: {  	_ =	task [dreg:s6], $0x5FFFF  }
0xac: {  	[dreg:$0x1] =	wrdreg $0xFFFFFFFF  }
0xad: {  	[dreg:$0x0] =	wrdreg $0x60  }
0xae: {  	[dreg:$0x2] =	wrdreg s24  }
0xaf: {  	[dreg:$0x3] =	wrdreg $0xA5800  }
0xb0: {  	[dreg:$0x4] =	wrdreg $0x9  }
0xb1: {  	_ =	task.clear_ibuf [dreg:s6], $0x5FFFF;
	_ =	strace $0x90000049  }
0xb2: {  	s29 =	simm.s32 $0x9;
	_ =	strace $0x8000004B  }
0xb3: {  	_ =	swait.ge [sflag:s29], $0x1  }
0xb4: {  	[sflag:s29] =	ssyncadd.s32 $0xFFFFFFFF  }
0xb5: {  	_ =	strace $0x9000004B  }
0xb6: {  	_ =	sfence  }
0xb7: {  	s30 =	sld [smem:$0x0];
	_ =	sdelay $0x2  }
0xb8: {  	s31 =	sshll.u32 s1, $0xD;
	s1 =	sshrl.u32 s1, $0x2  }
0xb9: {  	s3 =	sand.u32 $0x4000, s31;
	s1 =	sadd.s32 s1, s30  }
0xba: {  	s0 =	sor.u32 s3, s0;
	s1 =	sshll.u32 s1, $0x11  }
0xbb: {  	s0 =	sor.u32 s1, s0  }
0xbc: {  	s0 =	sadd.s32 $0x8F2B, s0  }
0xbd: {  	[sflag:s0] =	ssyncadd.remote.s32 $0x1  }
0xbe: {  	_ =	sfence.sel $0xFFFF  }
0xbf: {  	[dreg:$0x0] =	wrdreg $0xFFFFFFFF;
	(pc) =	sbr.abs _section_cstart, $3  }
0xc0: {  	[dreg:$0x1] =	wrdreg $0xFFFFFFFF  }
0xc1: {  	_ =	task.clear_ibuf [dreg:s6], $0x2FFFF;
	_ =	strace $0x9FFFFFFF  }
0xc2: {  	(tm) =	ssettm $0x7FFFFFFF  }
0xc3: {  	_ =	shalt  }
tec
execute0_lowered:
.L_overlay_start_1:
0x0: {  	(tag) =	ssettag $0x1  }
0x1: {  	s0 =	srdreg.scid;
	s5 =	rddreg [dreg:$0x0]  }
0x2: {  	s9 =	stileid.u32;
	s2 =	rddreg [dreg:$0x1]  }
0x3: {  	s3 =	simm.s32 $0x0;
	s17 =	simm.s32 $0x2D80;
	s14 =	simm.s32 $0x2980  }
0x4: {  	s15 =	simm.s32 $0x2A00;
	s30 =	simm.s32 $0x3;
	s31 =	simm.s32 $0x2A80  }
0x5: {  	s16 =	simm.s32 $0x2B00;
	s29 =	simm.s32 $0x2B80;
	s12 =	simm.s32 $0x2C00  }
0x6: {  	s10 =	simm.s32 $0x0;
	s0 =	sand.u32 $0x1, s0;
	s7 =	smul.u32 $0x14000, s9  }
0x7: {  	[smem:$0x7FF] =	sst s3;
	s1 =	sshll.u32 s0, $0x4;
	s6 =	smul.u32 $0x140000, s0  }
0x8: {  	s0 =	ssub.s32 $0x2, s0;
	s1 =	sor.u32 s9, s1;
	s9 =	smul.u32 $0x50000, s9  }
0x9: {  	_ =	strace $0x8000004A;
	s18 =	sshrl.u32 s0, $0x1;
	s4 =	smul.u32 $0x528, s1  }
0xa: {  	s1 =	smul.u32 $0x880, s1;
	s6 =	sadd.s32 s7, s6;
	s0 =	ssub.s32 s0, s18  }
0xb: {  	s18 =	simm.s32 $0xA;
	s9 =	sshrl.u32 s9, $0x2;
	s0 =	smax.u32 s0, $0x1  }
0xc: {  	s7 =	simm.s32 $0x7;
	s11 =	sadd.s32 s9, s2;
	[dreg:$0xd] =	wrdreg s0  }
0xd: {  	s6 =	sshrl.u32 s6, $0x3;
	s19 =	sadd.s32 $0x2800, s11;
	[dreg:$0x3] =	wrdreg s11  }
0xe: {  	s8 =	sadd.s32 s4, s5;
	s20 =	sadd.s32 $0x5000, s11;
	[dreg:$0x4] =	wrdreg s19  }
0xf: {  	s1 =	sadd.s32 s1, s5;
	s21 =	sadd.s32 $0x7800, s11;
	[dreg:$0x5] =	wrdreg s20  }
0x10: {  	s4 =	sadd.s32 $0x2E000, s5;
	s22 =	sadd.s32 $0xA000, s11;
	[dreg:$0x6] =	wrdreg s21  }
0x11: {  	s5 =	sadd.s32 s6, s5;
	s23 =	sadd.s32 $0xC800, s11;
	[dreg:$0x7] =	wrdreg s22  }
0x12: {  	s0 =	simm.s32 $0x5;
	s24 =	sadd.s32 $0xF000, s11;
	[dreg:$0x8] =	wrdreg s23  }
0x13: {  	s6 =	simm.s32 $0x6;
	s25 =	sadd.s32 $0x11800, s11;
	[dreg:$0x9] =	wrdreg s24  }
0x14: {  	s9 =	simm.s32 $0x9;
	s26 =	sadd.s32 $0x12A00, s8;
	[dreg:$0xa] =	wrdreg s25  }
0x15: {  	s28 =	sadd.s32 $0x56000, s5;
	s8 =	simm.s32 $0x8;
	[dreg:$0xb] =	wrdreg s26  }
0x16: {  	s22 =	sadd.s32 $0x1D000, s1;
	[dreg:$0xc] =	wrdreg s28;
	s20 =	simm.s32 $0x50  }
0x17: {  	s21 =	simm.s32 $0x5580;
	s23 =	simm.s32 $0x7D80;
	s24 =	simm.s32 $0x1  }
0x18: {  	v0 =	vimm.f32 $0.0e+00;
	s26 =	simm.s32 $0x2;
	s1 =	simm.s32 $0x4;
	s25 =	simm.s32 $0x2B00  }
.LBB2_1:
0x19: {  	[dreg:$0xe] =	wrdreg s10;
	s5 =	simm.s32 $0x0;
	s10 =	simm.s32 $0x200  }
.LBB2_2:
0x1a: {  	p0 =	sne.s32 s10, $0x9E00;
	[tilespmem:s5+$0x2DF0] =	vst v0  }
0x1b: {  	[tilespmem:s5+$0x2D80] =	vst v0  }
0x1c: {  	[tilespmem:s5+$0x2D90] =	vst v0  }
.Ltmp0:
0x1d: {  	[tilespmem:s5+$0x2DA0] =	vst v0;
	(pc) =	sbr.rel @p0 .LBB2_2-.Ltmp0, $4  }
0x1e: {  	[tilespmem:s5+$0x2DB0] =	vst v0  }
0x1f: {  	[tilespmem:s5+$0x2DC0] =	vst v0  }
0x20: {  	[tilespmem:s5+$0x2DD0] =	vst v0  }
0x21: {  	[tilespmem:s5+$0x2DE0] =	vst v0;
	s5 =	sshra.s32 s10, $0x2;
	s10 =	sadd.s32 $0x200, s10  }
0x22: {  	[tilespmem:s5+$0x2DF0] =	vst v0  }
0x23: {  	[tilespmem:s5+$0x2D80] =	vst v0  }
0x24: {  	[tilespmem:s5+$0x2D90] =	vst v0  }
0x25: {  	[tilespmem:s5+$0x2DA0] =	vst v0  }
0x26: {  	[tilespmem:s5+$0x2DB0] =	vst v0  }
0x27: {  	[tilespmem:s5+$0x2DC0] =	vst v0  }
0x28: {  	[tilespmem:s5+$0x2DD0] =	vst v0  }
0x29: {  	[tilespmem:s5+$0x2DE0] =	vst v0  }
0x2a: {  	[spmem:s11] =	stream.linear.scatter [tilespmem:s17], [sflag:$0xA], $0x2800, $0x38;
	[tilespmem:$0x1E580] =	vst v63  }
0x2b: {  	_ =	swait.ge [sflag:s18], $0x2800  }
0x2c: {  	[sflag:s18] =	ssyncset.done $0x0  }
0x2d: {  	s19 =	rddreg [dreg:$0x4];
	[sflag:s18] =	ssyncadd.s32 $0xFFFFD800  }
0x2e: {  	[spmem:s19] =	stream.linear.scatter [tilespmem:s17], [sflag:$0xA], $0x2800, $0x38;
	[tilespmem:$0x1E580] =	vst v63  }
0x2f: {  	_ =	swait.ge [sflag:s18], $0x2800  }
0x30: {  	[sflag:s18] =	ssyncset.done $0x0  }
0x31: {  	s10 =	rddreg [dreg:$0x5];
	[sflag:s18] =	ssyncadd.s32 $0xFFFFD800  }
0x32: {  	[spmem:s10] =	stream.linear.scatter [tilespmem:s17], [sflag:$0xA], $0x2800, $0x38;
	[tilespmem:$0x1E580] =	vst v63  }
0x33: {  	_ =	swait.ge [sflag:s18], $0x2800  }
0x34: {  	[sflag:s18] =	ssyncset.done $0x0  }
0x35: {  	s11 =	rddreg [dreg:$0x6];
	[sflag:s18] =	ssyncadd.s32 $0xFFFFD800  }
0x36: {  	[spmem:s11] =	stream.linear.scatter [tilespmem:s17], [sflag:$0xA], $0x2800, $0x38;
	[tilespmem:$0x1E580] =	vst v63  }
0x37: {  	_ =	swait.ge [sflag:s18], $0x2800  }
0x38: {  	[sflag:s18] =	ssyncset.done $0x0  }
0x39: {  	s13 =	rddreg [dreg:$0x7];
	[sflag:s18] =	ssyncadd.s32 $0xFFFFD800  }
0x3a: {  	[spmem:s13] =	stream.linear.scatter [tilespmem:s17], [sflag:$0xA], $0x2800, $0x38;
	[tilespmem:$0x1E580] =	vst v63  }
0x3b: {  	_ =	swait.ge [sflag:s18], $0x2800  }
0x3c: {  	[sflag:s18] =	ssyncset.done $0x0  }
0x3d: {  	s19 =	rddreg [dreg:$0x8];
	[sflag:s18] =	ssyncadd.s32 $0xFFFFD800  }
0x3e: {  	[spmem:s19] =	stream.linear.scatter [tilespmem:s17], [sflag:$0xA], $0x2800, $0x38;
	[tilespmem:$0x1E580] =	vst v63  }
0x3f: {  	_ =	swait.ge [sflag:s18], $0x2800  }
0x40: {  	[sflag:s18] =	ssyncset.done $0x0  }
0x41: {  	s10 =	rddreg [dreg:$0x9];
	[sflag:s18] =	ssyncadd.s32 $0xFFFFD800  }
0x42: {  	[spmem:s10] =	stream.linear.scatter [tilespmem:s17], [sflag:$0xA], $0x2800, $0x38;
	[tilespmem:$0x1E580] =	vst v63  }
0x43: {  	_ =	swait.ge [sflag:s18], $0x2800  }
0x44: {  	[sflag:s18] =	ssyncset.done $0x0  }
0x45: {  	s11 =	rddreg [dreg:$0xa];
	[sflag:s18] =	ssyncadd.s32 $0xFFFFD800  }
0x46: {  	[spmem:s11] =	stream.linear.scatter [tilespmem:s17], [sflag:$0xA], $0x2800, $0x38;
	[tilespmem:$0x1E580] =	vst v63  }
0x47: {  	_ =	swait.ge [sflag:s18], $0x2800  }
0x48: {  	[sflag:s18] =	ssyncset.done $0x0  }
0x49: {  	s11 =	simm.s32 $0x0;
	s13 =	rddreg [dreg:$0xb];
	[sflag:s18] =	ssyncadd.s32 $0xFFFFD800  }
0x4a: {  	[tilespmem:s11], [sflag:$0xA] =	stream.linear.gather [hbm4b:s13+s11], $0x2940, $0x38;
	[tilespmem:$0x1E580] =	vst v63  }
0x4b: {  	_ =	swait.ge [sflag:s18], $0x2940  }
0x4c: {  	[sflag:s18] =	ssyncset.done $0x0  }
0x4d: {  	[sflag:s18] =	ssyncadd.s32 $0xFFFFD6C0  }
0x4e: {  	[tilespmem:s14], [sflag:$0xA] =	stream.linear.gather [hbm4b:s22+s11], $0x300, $0x38;
	[tilespmem:$0x1E580] =	vst v63  }
0x4f: {  	_ =	swait.ge [sflag:s18], $0x300  }
0x50: {  	[sflag:s18] =	ssyncset.done $0x0  }
0x51: {  	[sflag:s18] =	ssyncadd.s32 $0xFFFFFD00  }
0x52: {  	[bflag:$0x0] =	sbarrier.arrive $0xFFFF  }
0x53: {  	[tilespmem:s17], [sflag:$0x1] =	stream.indirect.gather [hbm4b:s4+s20], $0x80, s11, s20, $0xb8;
	[tilespmem:$0x1E580] =	vst v63  }
0x54: {  	_ = 	snop  }
0x55: {  	[tilespmem:s21], [sflag:$0x2] =	stream.indirect.gather [hbm4b:s4+s20], $0x80, s20, s20, $0xb8;
	[tilespmem:$0x1E580] =	vst v63  }
0x56: {  	s19 =	simm.s32 $0xA0  }
0x57: {  	[tilespmem:s23], [sflag:$0x3] =	stream.indirect.gather [hbm4b:s4+s20], $0x80, s19, s20, $0xb8;
	[tilespmem:$0x1E580] =	vst v63  }
0x58: {  	_ =	swait.ge [sflag:s24], $0x2800  }
0x59: {  	[sflag:s24] =	ssyncset.done $0x0  }
0x5a: {  	[sflag:s24] =	ssyncadd.s32 $0xFFFFD800  }
0x5b: {  	[spmem:s2] =	stream.indirect.scatter.add.f32 [tilespmem:s17], [sflag:$0xA], $0x80, s14, s20, $0xb8;
	[tilespmem:$0x1E580] =	vst v63  }
0x5c: {  	_ =	swait.ge [sflag:s18], $0x2800  }
0x5d: {  	[sflag:s18] =	ssyncset.done $0x0  }
0x5e: {  	s10 =	sadd.s32 $0x60, s22;
	[sflag:s18] =	ssyncadd.s32 $0xFFFFD800  }
0x5f: {  	[tilespmem:s14], [sflag:$0x4] =	stream.linear.gather [hbm4b:s10+s11], $0x80, $0x38;
	[tilespmem:$0x1E580] =	vst v63  }
0x60: {  	s13 =	simm.s32 $0xF0  }
0x61: {  	[tilespmem:s17], [sflag:$0x1] =	stream.indirect.gather [hbm4b:s4+s20], $0x80, s13, s20, $0xb8;
	[tilespmem:$0x1E580] =	vst v63  }
0x62: {  	_ =	swait.ge [sflag:s26], $0x2800  }
0x63: {  	[sflag:s26] =	ssyncset.done $0x0  }
0x64: {  	[sflag:s26] =	ssyncadd.s32 $0xFFFFD800  }
0x65: {  	[spmem:s2] =	stream.indirect.scatter.add.f32 [tilespmem:s21], [sflag:$0xA], $0x80, s15, s20, $0xb8;
	[tilespmem:$0x1E580] =	vst v63  }
0x66: {  	_ =	swait.ge [sflag:s18], $0x2800  }
0x67: {  	[sflag:s18] =	ssyncset.done $0x0  }
0x68: {  	s19 =	sadd.s32 $0x70, s22;
	[sflag:s18] =	ssyncadd.s32 $0xFFFFD800  }
0x69: {  	[tilespmem:s15], [sflag:$0x5] =	stream.linear.gather [hbm4b:s19+s11], $0x80, $0x38;
	[tilespmem:$0x1E580] =	vst v63  }
0x6a: {  	s10 =	simm.s32 $0x140  }
0x6b: {  	[tilespmem:s21], [sflag:$0x2] =	stream.indirect.gather [hbm4b:s4+s20], $0x80, s10, s20, $0xb8;
	[tilespmem:$0x1E580] =	vst v63  }
0x6c: {  	_ =	swait.ge [sflag:s30], $0x2800  }
0x6d: {  	[sflag:s30] =	ssyncset.done $0x0  }
0x6e: {  	[sflag:s30] =	ssyncadd.s32 $0xFFFFD800  }
0x6f: {  	[spmem:s2] =	stream.indirect.scatter.add.f32 [tilespmem:s23], [sflag:$0xA], $0x80, s31, s20, $0xb8;
	[tilespmem:$0x1E580] =	vst v63  }
0x70: {  	_ =	swait.ge [sflag:s18], $0x2800  }
0x71: {  	[sflag:s18] =	ssyncset.done $0x0  }
0x72: {  	s13 =	sadd.s32 $0x80, s22;
	[sflag:s18] =	ssyncadd.s32 $0xFFFFD800  }
0x73: {  	[tilespmem:s31], [sflag:$0x6] =	stream.linear.gather [hbm4b:s13+s11], $0x80, $0x38;
	[tilespmem:$0x1E580] =	vst v63  }
0x74: {  	s19 =	simm.s32 $0x190  }
0x75: {  	[tilespmem:s23], [sflag:$0x3] =	stream.indirect.gather [hbm4b:s4+s20], $0x80, s19, s20, $0xb8;
	[tilespmem:$0x1E580] =	vst v63  }
0x76: {  	_ =	swait.ge [sflag:s24], $0x2800  }
0x77: {  	[sflag:s24] =	ssyncset.done $0x0  }
0x78: {  	[sflag:s24] =	ssyncadd.s32 $0xFFFFD800  }
0x79: {  	[spmem:s2] =	stream.indirect.scatter.add.f32 [tilespmem:s17], [sflag:$0xA], $0x80, s16, s20, $0xb8;
	[tilespmem:$0x1E580] =	vst v63  }
0x7a: {  	_ =	swait.ge [sflag:s18], $0x2800  }
0x7b: {  	[sflag:s18] =	ssyncset.done $0x0  }
0x7c: {  	s10 =	sadd.s32 $0x90, s22;
	[sflag:s18] =	ssyncadd.s32 $0xFFFFD800  }
0x7d: {  	[tilespmem:s16], [sflag:$0x7] =	stream.linear.gather [hbm4b:s10+s11], $0x80, $0x38;
	[tilespmem:$0x1E580] =	vst v63  }
0x7e: {  	s13 =	simm.s32 $0x1E0  }
0x7f: {  	[tilespmem:s17], [sflag:$0x1] =	stream.indirect.gather [hbm4b:s4+s20], $0x80, s13, s20, $0xb8;
	[tilespmem:$0x1E580] =	vst v63  }
0x80: {  	_ =	swait.ge [sflag:s26], $0x2800  }
0x81: {  	[sflag:s26] =	ssyncset.done $0x0  }
0x82: {  	[sflag:s26] =	ssyncadd.s32 $0xFFFFD800  }
0x83: {  	[spmem:s2] =	stream.indirect.scatter.add.f32 [tilespmem:s21], [sflag:$0xA], $0x80, s29, s20, $0xb8;
	[tilespmem:$0x1E580] =	vst v63  }
0x84: {  	_ =	swait.ge [sflag:s18], $0x2800  }
0x85: {  	[sflag:s18] =	ssyncset.done $0x0  }
0x86: {  	s19 =	sadd.s32 $0xA0, s22;
	[sflag:s18] =	ssyncadd.s32 $0xFFFFD800  }
0x87: {  	[tilespmem:s29], [sflag:$0x8] =	stream.linear.gather [hbm4b:s19+s11], $0x80, $0x38;
	[tilespmem:$0x1E580] =	vst v63  }
0x88: {  	s10 =	simm.s32 $0x230  }
0x89: {  	[tilespmem:s21], [sflag:$0x2] =	stream.indirect.gather [hbm4b:s4+s20], $0x80, s10, s20, $0xb8;
	[tilespmem:$0x1E580] =	vst v63  }
0x8a: {  	_ =	swait.ge [sflag:s30], $0x2800  }
0x8b: {  	[sflag:s30] =	ssyncset.done $0x0  }
0x8c: {  	[sflag:s30] =	ssyncadd.s32 $0xFFFFD800  }
0x8d: {  	[spmem:s2] =	stream.indirect.scatter.add.f32 [tilespmem:s23], [sflag:$0xA], $0x80, s12, s20, $0xb8;
	[tilespmem:$0x1E580] =	vst v63  }
0x8e: {  	_ =	swait.ge [sflag:s18], $0x2800  }
0x8f: {  	[sflag:s18] =	ssyncset.done $0x0  }
0x90: {  	s13 =	sadd.s32 $0xB0, s22;
	[sflag:s18] =	ssyncadd.s32 $0xFFFFD800  }
0x91: {  	[tilespmem:s12], [sflag:$0x9] =	stream.linear.gather [hbm4b:s13+s11], $0x80, $0x38;
	[tilespmem:$0x1E580] =	vst v63  }
0x92: {  	s12 =	simm.s32 $0x6  }
0x93: {  	s19 =	sand.u32 $0xFF, s12  }
0x94: {  	s10 =	simm.s32 $0x280;
	s5 =	smul.u32 $0xAB, s19  }
0x95: {  	[tilespmem:s23], [sflag:$0x3] =	stream.indirect.gather [hbm4b:s4+s20], $0x80, s10, s20, $0xb8;
	[tilespmem:$0x1E580] =	vst v63  }
0x96: {  	s5 =	sshrl.u32 s5, $0xA  }
0x97: {  	_ =	swait.ge [sflag:s24], $0x2800;
	s5 =	smul.u32 $0x6, s5  }
0x98: {  	[sflag:s24] =	ssyncset.done $0x0  }
0x99: {  	[sflag:s24] =	ssyncadd.s32 $0xFFFFD800;
	s5 =	ssub.s32 $0x6, s5  }
0x9a: {  	_ =	swait.ge [sflag:s1], $0x80;
	s5 =	sand.u32 $0xFF, s5  }
0x9b: {  	[sflag:s1] =	ssyncset.done $0x0;
	s5 =	sshll.u32 s5, $0x7  }
0x9c: {  	[sflag:s1] =	ssyncadd.s32 $0xFFFFFF80;
	s5 =	sadd.s32 $0x2980, s5  }
0x9d: {  	[spmem:s2] =	stream.indirect.scatter.add.f32 [tilespmem:s17], [sflag:$0xA], $0x80, s5, s20, $0xb8;
	[tilespmem:$0x1E580] =	vst v63  }
0x9e: {  	s10 =	simm.s32 $0x7;
	_ =	swait.ge [sflag:s18], $0x2800  }
0x9f: {  	s13 =	sadd.s32 $0x110, s22;
	s5 =	sand.u32 $0xFF, s10;
	[sflag:s18] =	ssyncset.done $0x0  }
0xa0: {  	s19 =	sadd.s32 $0xFFFFFFB0, s13;
	s5 =	smul.u32 $0xAB, s5;
	[sflag:s18] =	ssyncadd.s32 $0xFFFFD800  }
0xa1: {  	[tilespmem:s14], [sflag:$0x4] =	stream.linear.gather [hbm4b:s19+s3], $0x80, $0x38;
	[tilespmem:$0x1E580] =	vst v63  }
0xa2: {  	s5 =	sshrl.u32 s5, $0xA;
	s19 =	simm.s32 $0x2D0  }
0xa3: {  	[tilespmem:s17], [sflag:$0x1] =	stream.indirect.gather [hbm4b:s4+s20], $0x80, s19, s20, $0xb8;
	[tilespmem:$0x1E580] =	vst v63  }
0xa4: {  	s5 =	smul.u32 $0x6, s5;
	_ =	swait.ge [sflag:s26], $0x2800  }
0xa5: {  	[sflag:s26] =	ssyncset.done $0x0  }
0xa6: {  	s5 =	ssub.s32 $0x7, s5;
	[sflag:s26] =	ssyncadd.s32 $0xFFFFD800  }
0xa7: {  	s5 =	sand.u32 $0xFF, s5;
	_ =	swait.ge [sflag:s0], $0x80  }
0xa8: {  	s5 =	sshll.u32 s5, $0x7;
	[sflag:s0] =	ssyncset.done $0x0  }
0xa9: {  	s5 =	sadd.s32 $0x2980, s5;
	[sflag:s0] =	ssyncadd.s32 $0xFFFFFF80  }
0xaa: {  	[spmem:s2] =	stream.indirect.scatter.add.f32 [tilespmem:s21], [sflag:$0xA], $0x80, s5, s20, $0xb8;
	[tilespmem:$0x1E580] =	vst v63  }
0xab: {  	s10 =	simm.s32 $0x8;
	_ =	swait.ge [sflag:s18], $0x2800  }
0xac: {  	s5 =	sand.u32 $0xFF, s10;
	[sflag:s18] =	ssyncset.done $0x0  }
0xad: {  	s14 =	sadd.s32 $0xFFFFFFC0, s13;
	s5 =	smul.u32 $0xAB, s5;
	[sflag:s18] =	ssyncadd.s32 $0xFFFFD800  }
0xae: {  	[tilespmem:s15], [sflag:$0x5] =	stream.linear.gather [hbm4b:s14+s3], $0x80, $0x38;
	[tilespmem:$0x1E580] =	vst v63  }
0xaf: {  	s5 =	sshrl.u32 s5, $0xA;
	s15 =	simm.s32 $0x320  }
0xb0: {  	[tilespmem:s21], [sflag:$0x2] =	stream.indirect.gather [hbm4b:s4+s20], $0x80, s15, s20, $0xb8;
	[tilespmem:$0x1E580] =	vst v63  }
0xb1: {  	s5 =	smul.u32 $0x6, s5;
	_ =	swait.ge [sflag:s30], $0x2800  }
0xb2: {  	[sflag:s30] =	ssyncset.done $0x0  }
0xb3: {  	s5 =	ssub.s32 $0x8, s5;
	[sflag:s30] =	ssyncadd.s32 $0xFFFFD800  }
0xb4: {  	s5 =	sand.u32 $0xFF, s5;
	_ =	swait.ge [sflag:s6], $0x80  }
0xb5: {  	s5 =	sshll.u32 s5, $0x7;
	[sflag:s6] =	ssyncset.done $0x0  }
0xb6: {  	s5 =	sadd.s32 $0x2980, s5;
	[sflag:s6] =	ssyncadd.s32 $0xFFFFFF80  }
0xb7: {  	[spmem:s2] =	stream.indirect.scatter.add.f32 [tilespmem:s23], [sflag:$0xA], $0x80, s5, s20, $0xb8;
	[tilespmem:$0x1E580] =	vst v63  }
0xb8: {  	_ =	swait.ge [sflag:s18], $0x2800  }
0xb9: {  	[sflag:s18] =	ssyncset.done $0x0  }
0xba: {  	s19 =	sadd.s32 $0xFFFFFFD0, s13;
	[sflag:s18] =	ssyncadd.s32 $0xFFFFD800  }
0xbb: {  	[tilespmem:s31], [sflag:$0x6] =	stream.linear.gather [hbm4b:s19+s3], $0x80, $0x38;
	[tilespmem:$0x1E580] =	vst v63  }
0xbc: {  	s10 =	simm.s32 $0x370  }
0xbd: {  	[tilespmem:s23], [sflag:$0x3] =	stream.indirect.gather [hbm4b:s4+s20], $0x80, s10, s20, $0xb8;
	[tilespmem:$0x1E580] =	vst v63  }
0xbe: {  	_ =	swait.ge [sflag:s24], $0x2800  }
0xbf: {  	[sflag:s24] =	ssyncset.done $0x0  }
0xc0: {  	[sflag:s24] =	ssyncadd.s32 $0xFFFFD800  }
0xc1: {  	_ =	swait.ge [sflag:s7], $0x80  }
0xc2: {  	[sflag:s7] =	ssyncset.done $0x0  }
0xc3: {  	[sflag:s7] =	ssyncadd.s32 $0xFFFFFF80  }
0xc4: {  	[spmem:s2] =	stream.indirect.scatter.add.f32 [tilespmem:s17], [sflag:$0xA], $0x80, s16, s20, $0xb8;
	[tilespmem:$0x1E580] =	vst v63  }
0xc5: {  	_ =	swait.ge [sflag:s18], $0x2800  }
0xc6: {  	[sflag:s18] =	ssyncset.done $0x0  }
0xc7: {  	s14 =	sadd.s32 $0xFFFFFFE0, s13;
	[sflag:s18] =	ssyncadd.s32 $0xFFFFD800  }
0xc8: {  	[tilespmem:s16], [sflag:$0x7] =	stream.linear.gather [hbm4b:s14+s3], $0x80, $0x38;
	[tilespmem:$0x1E580] =	vst v63  }
0xc9: {  	s15 =	simm.s32 $0x3C0  }
0xca: {  	[tilespmem:s17], [sflag:$0x1] =	stream.indirect.gather [hbm4b:s4+s20], $0x80, s15, s20, $0xb8;
	[tilespmem:$0x1E580] =	vst v63  }
0xcb: {  	_ =	swait.ge [sflag:s26], $0x2800  }
0xcc: {  	[sflag:s26] =	ssyncset.done $0x0  }
0xcd: {  	[sflag:s26] =	ssyncadd.s32 $0xFFFFD800  }
0xce: {  	_ =	swait.ge [sflag:s8], $0x80  }
0xcf: {  	s16 =	simm.s32 $0x800;
	[sflag:s8] =	ssyncset.done $0x0  }
0xd0: {  	s19 =	sand.u32 $0x300, s11;
	s5 =	sand.u32 $0xFC00, s16;
	[sflag:s8] =	ssyncadd.s32 $0xFFFFFF80  }
0xd1: {  	[spmem:s2] =	stream.indirect.scatter.add.f32 [tilespmem:s21], [sflag:$0xA], $0x80, s29, s20, $0xb8;
	[tilespmem:$0x1E580] =	vst v63  }
0xd2: {  	s5 =	sor.u32 s19, s5;
	_ =	swait.ge [sflag:s18], $0x2800  }
0xd3: {  	s5 =	sshrl.u32 s5, $0x3;
	[sflag:s18] =	ssyncset.done $0x0  }
0xd4: {  	s5 =	sadd.s32 s22, s5;
	[sflag:s18] =	ssyncadd.s32 $0xFFFFD800  }
0xd5: {  	[tilespmem:s29], [sflag:$0x8] =	stream.linear.gather [hbm4b:s5+s3], $0x80, $0x38;
	[tilespmem:$0x1E580] =	vst v63  }
0xd6: {  	s10 =	smov.u32 s13;
	s29 =	simm.s32 $0x410  }
0xd7: {  	[tilespmem:s21], [sflag:$0x2] =	stream.indirect.gather [hbm4b:s4+s20], $0x80, s29, s20, $0xb8;
	[tilespmem:$0x1E580] =	vst v63  }
0xd8: {  	s16 =	simm.s32 $0xC;
	s15 =	simm.s32 $0x780;
	_ =	swait.ge [sflag:s30], $0x2800  }
0xd9: {  	s31 =	sand.u32 $0xFF, s16;
	s19 =	simm.s32 $0x0;
	[sflag:s30] =	ssyncset.done $0x0  }
0xda: {  	s28 =	smul.u32 $0xAB, s31;
	s5 =	simm.s32 $0xF00;
	[sflag:s30] =	ssyncadd.s32 $0xFFFFD800  }
.LBB2_4:
0xdb: {  	_ =	swait.ge [sflag:s9], $0x80  }
0xdc: {  	s11 =	sadd.s32 $0x300, s11;
	s13 =	sadd.s32 $0x60, s13;
	s31 =	smov.u32 s5  }
0xdd: {  	p0 =	sne.s32 s5, $0x8E80;
	s5 =	sadd.s32 $0x780, s5;
	[sflag:s9] =	ssyncset.done $0x0  }
0xde: {  	s14 =	simm.s32 $0x2C00;
	s28 =	sshrl.u32 s28, $0xA;
	[sflag:s9] =	ssyncadd.s32 $0xFFFFFF80  }
0xdf: {  	[spmem:s2] =	stream.indirect.scatter.add.f32 [tilespmem:s23], [sflag:$0xA], $0x80, s14, s20, $0xb8;
	[tilespmem:$0x1E580] =	vst v63  }
0xe0: {  	s28 =	smul.u32 $0x6, s28;
	_ =	swait.ge [sflag:s18], $0x2800  }
0xe1: {  	[sflag:s18] =	ssyncset.done $0x0  }
0xe2: {  	s28 =	ssub.s32 s16, s28;
	[sflag:s18] =	ssyncadd.s32 $0xFFFFD800  }
0xe3: {  	[tilespmem:s14], [sflag:$0x9] =	stream.linear.gather [hbm4b:s10+s3], $0x80, $0x38;
	[tilespmem:$0x1E580] =	vst v63  }
0xe4: {  	s19 =	sadd.s32 $0x460, s19;
	s28 =	sand.u32 $0xFF, s28;
	s10 =	smov.u32 s13  }
0xe5: {  	[tilespmem:s23], [sflag:$0x3] =	stream.indirect.gather [hbm4b:s4+s20], $0x80, s19, s20, $0xb8;
	[tilespmem:$0x1E580] =	vst v63  }
0xe6: {  	s19 =	sshll.u32 s28, $0x7;
	_ =	swait.ge [sflag:s24], $0x2800  }
0xe7: {  	[sflag:s24] =	ssyncset.done $0x0  }
0xe8: {  	s28 =	sadd.s32 $0x7, s12;
	[sflag:s24] =	ssyncadd.s32 $0xFFFFD800  }
0xe9: {  	s14 =	sand.u32 $0xFF, s28;
	_ =	swait.ge [sflag:s1], $0x80  }
0xea: {  	s14 =	smul.u32 $0xAB, s14;
	[sflag:s1] =	ssyncset.done $0x0  }
0xeb: {  	s19 =	sadd.s32 $0x2980, s19;
	[sflag:s1] =	ssyncadd.s32 $0xFFFFFF80  }
0xec: {  	s14 =	sshrl.u32 s14, $0xA  }
0xed: {  	[spmem:s2] =	stream.indirect.scatter.add.f32 [tilespmem:s17], [sflag:$0xA], $0x80, s19, s20, $0xb8;
	[tilespmem:$0x1E580] =	vst v63  }
0xee: {  	s29 =	smov.u32 s22;
	_ =	swait.ge [sflag:s18], $0x2800  }
0xef: {  	s22 =	sadd.s32 $0xFFFFFFB0, s13;
	s14 =	smul.u32 $0x6, s14;
	[sflag:s18] =	ssyncset.done $0x0  }
0xf0: {  	s1 =	simm.s32 $0x2980;
	s19 =	sshra.s32 s15, $0x2;
	[sflag:s18] =	ssyncadd.s32 $0xFFFFD800  }
0xf1: {  	[tilespmem:s1], [sflag:$0x4] =	stream.linear.gather [hbm4b:s22+s3], $0x80, $0x38;
	[tilespmem:$0x1E580] =	vst v63  }
0xf2: {  	s14 =	ssub.s32 s28, s14;
	s15 =	smov.u32 s31;
	s22 =	sadd.s32 $0x2D0, s19  }
0xf3: {  	[tilespmem:s17], [sflag:$0x1] =	stream.indirect.gather [hbm4b:s4+s20], $0x80, s22, s20, $0xb8;
	[tilespmem:$0x1E580] =	vst v63  }
0xf4: {  	s14 =	sand.u32 $0xFF, s14;
	_ =	swait.ge [sflag:s26], $0x2800  }
0xf5: {  	s14 =	sshll.u32 s14, $0x7;
	[sflag:s26] =	ssyncset.done $0x0  }
0xf6: {  	[sflag:s26] =	ssyncadd.s32 $0xFFFFD800  }
0xf7: {  	s22 =	sadd.s32 $0x8, s12;
	s12 =	smov.u32 s16;
	_ =	swait.ge [sflag:s0], $0x80  }
0xf8: {  	s14 =	sadd.s32 $0x2980, s14;
	s28 =	sand.u32 $0xFF, s22;
	[sflag:s0] =	ssyncset.done $0x0  }
0xf9: {  	s31 =	sadd.s32 $0x320, s19;
	s28 =	smul.u32 $0xAB, s28;
	[sflag:s0] =	ssyncadd.s32 $0xFFFFFF80  }
0xfa: {  	[spmem:s2] =	stream.indirect.scatter.add.f32 [tilespmem:s21], [sflag:$0xA], $0x80, s14, s20, $0xb8;
	[tilespmem:$0x1E580] =	vst v63  }
0xfb: {  	s14 =	sshrl.u32 s28, $0xA;
	_ =	swait.ge [sflag:s18], $0x2800  }
0xfc: {  	s1 =	simm.s32 $0x2A00;
	[sflag:s18] =	ssyncset.done $0x0  }
0xfd: {  	s28 =	sadd.s32 $0xFFFFFFC0, s13;
	s14 =	smul.u32 $0x6, s14;
	[sflag:s18] =	ssyncadd.s32 $0xFFFFD800  }
0xfe: {  	[tilespmem:s1], [sflag:$0x5] =	stream.linear.gather [hbm4b:s28+s3], $0x80, $0x38;
	[tilespmem:$0x1E580] =	vst v63  }
0xff: {  	s1 =	simm.s32 $0x4  }
0x100: {  	s14 =	ssub.s32 s22, s14  }
0x101: {  	[tilespmem:s21], [sflag:$0x2] =	stream.indirect.gather [hbm4b:s4+s20], $0x80, s31, s20, $0xb8;
	[tilespmem:$0x1E580] =	vst v63  }
0x102: {  	s31 =	simm.s32 $0x2A80  }
0x103: {  	s14 =	sand.u32 $0xFF, s14;
	_ =	swait.ge [sflag:s30], $0x2800  }
0x104: {  	s14 =	sshll.u32 s14, $0x7;
	[sflag:s30] =	ssyncset.done $0x0  }
0x105: {  	[sflag:s30] =	ssyncadd.s32 $0xFFFFD800  }
0x106: {  	_ =	swait.ge [sflag:s6], $0x80  }
0x107: {  	[sflag:s6] =	ssyncset.done $0x0  }
0x108: {  	s14 =	sadd.s32 $0x2980, s14;
	[sflag:s6] =	ssyncadd.s32 $0xFFFFFF80  }
0x109: {  	[spmem:s2] =	stream.indirect.scatter.add.f32 [tilespmem:s23], [sflag:$0xA], $0x80, s14, s20, $0xb8;
	[tilespmem:$0x1E580] =	vst v63  }
0x10a: {  	_ =	swait.ge [sflag:s18], $0x2800  }
0x10b: {  	[sflag:s18] =	ssyncset.done $0x0  }
0x10c: {  	s14 =	sadd.s32 $0xFFFFFFD0, s13;
	[sflag:s18] =	ssyncadd.s32 $0xFFFFD800  }
0x10d: {  	[tilespmem:s31], [sflag:$0x6] =	stream.linear.gather [hbm4b:s14+s3], $0x80, $0x38;
	[tilespmem:$0x1E580] =	vst v63  }
0x10e: {  	s14 =	sadd.s32 $0x370, s19  }
0x10f: {  	[tilespmem:s23], [sflag:$0x3] =	stream.indirect.gather [hbm4b:s4+s20], $0x80, s14, s20, $0xb8;
	[tilespmem:$0x1E580] =	vst v63  }
0x110: {  	_ =	swait.ge [sflag:s24], $0x2800  }
0x111: {  	[sflag:s24] =	ssyncset.done $0x0  }
0x112: {  	[sflag:s24] =	ssyncadd.s32 $0xFFFFD800  }
0x113: {  	_ =	swait.ge [sflag:s7], $0x80  }
0x114: {  	[sflag:s7] =	ssyncset.done $0x0  }
0x115: {  	[sflag:s7] =	ssyncadd.s32 $0xFFFFFF80  }
0x116: {  	[spmem:s2] =	stream.indirect.scatter.add.f32 [tilespmem:s17], [sflag:$0xA], $0x80, s25, s20, $0xb8;
	[tilespmem:$0x1E580] =	vst v63  }
0x117: {  	_ =	swait.ge [sflag:s18], $0x2800  }
0x118: {  	[sflag:s18] =	ssyncset.done $0x0  }
0x119: {  	s14 =	sadd.s32 $0xFFFFFFE0, s13;
	[sflag:s18] =	ssyncadd.s32 $0xFFFFD800  }
0x11a: {  	[tilespmem:s25], [sflag:$0x7] =	stream.linear.gather [hbm4b:s14+s3], $0x80, $0x38;
	[tilespmem:$0x1E580] =	vst v63  }
0x11b: {  	s14 =	sadd.s32 $0x3C0, s19  }
0x11c: {  	[tilespmem:s17], [sflag:$0x1] =	stream.indirect.gather [hbm4b:s4+s20], $0x80, s14, s20, $0xb8;
	[tilespmem:$0x1E580] =	vst v63  }
0x11d: {  	s14 =	sadd.s32 $0x800, s11;
	_ =	swait.ge [sflag:s26], $0x2800  }
0x11e: {  	s22 =	sand.u32 $0x300, s11;
	s14 =	sand.u32 $0xFC00, s14;
	[sflag:s26] =	ssyncset.done $0x0  }
0x11f: {  	s14 =	sor.u32 s22, s14;
	[sflag:s26] =	ssyncadd.s32 $0xFFFFD800  }
0x120: {  	s22 =	smov.u32 s29;
	s29 =	simm.s32 $0x2B80;
	_ =	swait.ge [sflag:s8], $0x80  }
0x121: {  	[sflag:s8] =	ssyncset.done $0x0  }
0x122: {  	s14 =	sshrl.u32 s14, $0x3;
	[sflag:s8] =	ssyncadd.s32 $0xFFFFFF80  }
0x123: {  	[spmem:s2] =	stream.indirect.scatter.add.f32 [tilespmem:s21], [sflag:$0xA], $0x80, s29, s20, $0xb8;
	[tilespmem:$0x1E580] =	vst v63  }
0x124: {  	_ =	swait.ge [sflag:s18], $0x2800  }
0x125: {  	[sflag:s18] =	ssyncset.done $0x0  }
0x126: {  	s14 =	sadd.s32 s22, s14;
	[sflag:s18] =	ssyncadd.s32 $0xFFFFD800  }
0x127: {  	[tilespmem:s29], [sflag:$0x8] =	stream.linear.gather [hbm4b:s14+s3], $0x80, $0x38;
	[tilespmem:$0x1E580] =	vst v63  }
.Ltmp1:
0x128: {  	s16 =	sadd.s32 $0x6, s16;
	s14 =	sadd.s32 $0x410, s19;
	(pc) =	sbr.rel @p0 .LBB2_4-.Ltmp1, $4  }
0x129: {  	[tilespmem:s21], [sflag:$0x2] =	stream.indirect.gather [hbm4b:s4+s20], $0x80, s14, s20, $0xb8;
	[tilespmem:$0x1E580] =	vst v63  }
0x12a: {  	s14 =	sand.u32 $0xFF, s16;
	_ =	swait.ge [sflag:s30], $0x2800  }
0x12b: {  	[sflag:s30] =	ssyncset.done $0x0  }
0x12c: {  	s28 =	smul.u32 $0xAB, s14;
	[sflag:s30] =	ssyncadd.s32 $0xFFFFD800  }
0x12d: {  	_ =	swait.ge [sflag:s9], $0x80  }
0x12e: {  	[sflag:s9] =	ssyncset.done $0x0  }
0x12f: {  	s5 =	simm.s32 $0x2C00;
	[sflag:s9] =	ssyncadd.s32 $0xFFFFFF80  }
0x130: {  	[spmem:s2] =	stream.indirect.scatter.add.f32 [tilespmem:s23], [sflag:$0xA], $0x80, s5, s20, $0xb8;
	[tilespmem:$0x1E580] =	vst v63  }
0x131: {  	_ =	swait.ge [sflag:s18], $0x2800  }
0x132: {  	[sflag:s18] =	ssyncset.done $0x0  }
0x133: {  	[sflag:s18] =	ssyncadd.s32 $0xFFFFD800  }
0x134: {  	[tilespmem:s5], [sflag:$0x9] =	stream.linear.gather [hbm4b:s10+s3], $0x80, $0x38;
	[tilespmem:$0x1E580] =	vst v63  }
0x135: {  	s19 =	sadd.s32 $0x460, s19;
	s14 =	sshrl.u32 s28, $0xA  }
0x136: {  	[tilespmem:s23], [sflag:$0x3] =	stream.indirect.gather [hbm4b:s4+s20], $0x80, s19, s20, $0xb8;
	[tilespmem:$0x1E580] =	vst v63  }
0x137: {  	s5 =	smul.u32 $0x6, s14;
	_ =	swait.ge [sflag:s24], $0x2800  }
0x138: {  	[sflag:s24] =	ssyncset.done $0x0  }
0x139: {  	s5 =	ssub.s32 s16, s5;
	[sflag:s24] =	ssyncadd.s32 $0xFFFFD800  }
0x13a: {  	s5 =	sand.u32 $0xFF, s5;
	_ =	swait.ge [sflag:s1], $0x80  }
0x13b: {  	s5 =	sshll.u32 s5, $0x7;
	[sflag:s1] =	ssyncset.done $0x0  }
0x13c: {  	s14 =	sadd.s32 $0x7, s12;
	s5 =	sadd.s32 $0x2980, s5;
	[sflag:s1] =	ssyncadd.s32 $0xFFFFFF80  }
0x13d: {  	[spmem:s2] =	stream.indirect.scatter.add.f32 [tilespmem:s17], [sflag:$0xA], $0x80, s5, s20, $0xb8;
	[tilespmem:$0x1E580] =	vst v63  }
0x13e: {  	s10 =	sshra.s32 s15, $0x2;
	s19 =	simm.s32 $0x2980;
	_ =	swait.ge [sflag:s18], $0x2800  }
0x13f: {  	s5 =	sadd.s32 $0x60, s13;
	s13 =	sand.u32 $0xFF, s14;
	[sflag:s18] =	ssyncset.done $0x0  }
0x140: {  	s28 =	sadd.s32 $0xFFFFFFB0, s5;
	s13 =	smul.u32 $0xAB, s13;
	[sflag:s18] =	ssyncadd.s32 $0xFFFFD800  }
0x141: {  	[tilespmem:s19], [sflag:$0x4] =	stream.linear.gather [hbm4b:s28+s3], $0x80, $0x38;
	[tilespmem:$0x1E580] =	vst v63  }
0x142: {  	s15 =	sadd.s32 $0x2D0, s10;
	s13 =	sshrl.u32 s13, $0xA  }
0x143: {  	[tilespmem:s17], [sflag:$0x1] =	stream.indirect.gather [hbm4b:s4+s20], $0x80, s15, s20, $0xb8;
	[tilespmem:$0x1E580] =	vst v63  }
0x144: {  	s13 =	smul.u32 $0x6, s13;
	_ =	swait.ge [sflag:s26], $0x2800  }
0x145: {  	[sflag:s26] =	ssyncset.done $0x0  }
0x146: {  	s13 =	ssub.s32 s14, s13;
	[sflag:s26] =	ssyncadd.s32 $0xFFFFD800  }
0x147: {  	s13 =	sand.u32 $0xFF, s13;
	_ =	swait.ge [sflag:s0], $0x80  }
0x148: {  	s13 =	sshll.u32 s13, $0x7;
	[sflag:s0] =	ssyncset.done $0x0  }
0x149: {  	s13 =	sadd.s32 $0x2980, s13;
	[sflag:s0] =	ssyncadd.s32 $0xFFFFFF80  }
0x14a: {  	[spmem:s2] =	stream.indirect.scatter.add.f32 [tilespmem:s21], [sflag:$0xA], $0x80, s13, s20, $0xb8;
	[tilespmem:$0x1E580] =	vst v63  }
0x14b: {  	s12 =	sadd.s32 $0x8, s12;
	_ =	swait.ge [sflag:s18], $0x2800  }
0x14c: {  	s28 =	sadd.s32 $0xFFFFFFC0, s5;
	s13 =	sand.u32 $0xFF, s12;
	[sflag:s18] =	ssyncset.done $0x0  }
0x14d: {  	s15 =	simm.s32 $0x2A00;
	s13 =	smul.u32 $0xAB, s13;
	[sflag:s18] =	ssyncadd.s32 $0xFFFFD800  }
0x14e: {  	[tilespmem:s15], [sflag:$0x5] =	stream.linear.gather [hbm4b:s28+s3], $0x80, $0x38;
	[tilespmem:$0x1E580] =	vst v63  }
0x14f: {  	s16 =	sadd.s32 $0x320, s10;
	s13 =	sshrl.u32 s13, $0xA  }
0x150: {  	[tilespmem:s21], [sflag:$0x2] =	stream.indirect.gather [hbm4b:s4+s20], $0x80, s16, s20, $0xb8;
	[tilespmem:$0x1E580] =	vst v63  }
0x151: {  	s13 =	smul.u32 $0x6, s13;
	_ =	swait.ge [sflag:s30], $0x2800  }
0x152: {  	[sflag:s30] =	ssyncset.done $0x0  }
0x153: {  	s12 =	ssub.s32 s12, s13;
	[sflag:s30] =	ssyncadd.s32 $0xFFFFD800  }
0x154: {  	s12 =	sand.u32 $0xFF, s12;
	_ =	swait.ge [sflag:s6], $0x80  }
0x155: {  	s12 =	sshll.u32 s12, $0x7;
	[sflag:s6] =	ssyncset.done $0x0  }
0x156: {  	s12 =	sadd.s32 $0x2980, s12;
	[sflag:s6] =	ssyncadd.s32 $0xFFFFFF80  }
0x157: {  	[spmem:s2] =	stream.indirect.scatter.add.f32 [tilespmem:s23], [sflag:$0xA], $0x80, s12, s20, $0xb8;
	[tilespmem:$0x1E580] =	vst v63  }
0x158: {  	_ =	swait.ge [sflag:s18], $0x2800  }
0x159: {  	[sflag:s18] =	ssyncset.done $0x0  }
0x15a: {  	s28 =	sadd.s32 $0xFFFFFFD0, s5;
	[sflag:s18] =	ssyncadd.s32 $0xFFFFD800  }
0x15b: {  	[tilespmem:s31], [sflag:$0x6] =	stream.linear.gather [hbm4b:s28+s3], $0x80, $0x38;
	[tilespmem:$0x1E580] =	vst v63  }
0x15c: {  	s13 =	sadd.s32 $0x370, s10  }
0x15d: {  	[tilespmem:s23], [sflag:$0x3] =	stream.indirect.gather [hbm4b:s4+s20], $0x80, s13, s20, $0xb8;
	[tilespmem:$0x1E580] =	vst v63  }
0x15e: {  	_ =	swait.ge [sflag:s24], $0x2800  }
0x15f: {  	[sflag:s24] =	ssyncset.done $0x0  }
0x160: {  	[sflag:s24] =	ssyncadd.s32 $0xFFFFD800  }
0x161: {  	_ =	swait.ge [sflag:s7], $0x80  }
0x162: {  	[sflag:s7] =	ssyncset.done $0x0  }
0x163: {  	[sflag:s7] =	ssyncadd.s32 $0xFFFFFF80  }
0x164: {  	[spmem:s2] =	stream.indirect.scatter.add.f32 [tilespmem:s17], [sflag:$0xA], $0x80, s25, s20, $0xb8;
	[tilespmem:$0x1E580] =	vst v63  }
0x165: {  	_ =	swait.ge [sflag:s18], $0x2800  }
0x166: {  	[sflag:s18] =	ssyncset.done $0x0  }
0x167: {  	s14 =	sadd.s32 $0xFFFFFFE0, s5;
	[sflag:s18] =	ssyncadd.s32 $0xFFFFD800  }
0x168: {  	[tilespmem:s25], [sflag:$0x7] =	stream.linear.gather [hbm4b:s14+s3], $0x80, $0x38;
	[tilespmem:$0x1E580] =	vst v63  }
0x169: {  	s16 =	sadd.s32 $0x3C0, s10  }
0x16a: {  	[tilespmem:s17], [sflag:$0x1] =	stream.indirect.gather [hbm4b:s4+s20], $0x80, s16, s20, $0xb8;
	[tilespmem:$0x1E580] =	vst v63  }
0x16b: {  	_ =	swait.ge [sflag:s26], $0x2800  }
0x16c: {  	[sflag:s26] =	ssyncset.done $0x0  }
0x16d: {  	[sflag:s26] =	ssyncadd.s32 $0xFFFFD800  }
0x16e: {  	s11 =	sadd.s32 $0x300, s11;
	_ =	swait.ge [sflag:s8], $0x80  }
0x16f: {  	s28 =	sadd.s32 $0x800, s11;
	[sflag:s8] =	ssyncset.done $0x0  }
0x170: {  	s11 =	sand.u32 $0x300, s11;
	s12 =	sand.u32 $0xFC00, s28;
	[sflag:s8] =	ssyncadd.s32 $0xFFFFFF80  }
0x171: {  	[spmem:s2] =	stream.indirect.scatter.add.f32 [tilespmem:s21], [sflag:$0xA], $0x80, s29, s20, $0xb8;
	[tilespmem:$0x1E580] =	vst v63  }
0x172: {  	s11 =	sor.u32 s11, s12;
	_ =	swait.ge [sflag:s18], $0x2800  }
0x173: {  	s11 =	sshrl.u32 s11, $0x3;
	[sflag:s18] =	ssyncset.done $0x0  }
0x174: {  	s11 =	sadd.s32 s22, s11;
	[sflag:s18] =	ssyncadd.s32 $0xFFFFD800  }
0x175: {  	[tilespmem:s29], [sflag:$0x8] =	stream.linear.gather [hbm4b:s11+s3], $0x80, $0x38;
	[tilespmem:$0x1E580] =	vst v63  }
0x176: {  	s13 =	sadd.s32 $0x410, s10  }
0x177: {  	[tilespmem:s21], [sflag:$0x2] =	stream.indirect.gather [hbm4b:s4+s20], $0x80, s13, s20, $0xb8;
	[tilespmem:$0x1E580] =	vst v63  }
0x178: {  	_ =	swait.ge [sflag:s30], $0x2800  }
0x179: {  	[sflag:s30] =	ssyncset.done $0x0  }
0x17a: {  	[sflag:s30] =	ssyncadd.s32 $0xFFFFD800  }
0x17b: {  	_ =	swait.ge [sflag:s9], $0x80  }
0x17c: {  	[sflag:s9] =	ssyncset.done $0x0  }
0x17d: {  	s14 =	simm.s32 $0x2C00;
	[sflag:s9] =	ssyncadd.s32 $0xFFFFFF80  }
0x17e: {  	[spmem:s2] =	stream.indirect.scatter.add.f32 [tilespmem:s23], [sflag:$0xA], $0x80, s14, s20, $0xb8;
	[tilespmem:$0x1E580] =	vst v63  }
0x17f: {  	_ =	swait.ge [sflag:s18], $0x2800  }
0x180: {  	[sflag:s18] =	ssyncset.done $0x0  }
0x181: {  	[sflag:s18] =	ssyncadd.s32 $0xFFFFD800  }
0x182: {  	[tilespmem:s14], [sflag:$0x9] =	stream.linear.gather [hbm4b:s5+s3], $0x80, $0x38;
	[tilespmem:$0x1E580] =	vst v63  }
0x183: {  	s28 =	sadd.s32 $0x460, s10  }
0x184: {  	[tilespmem:s23], [sflag:$0x3] =	stream.indirect.gather [hbm4b:s4+s20], $0x80, s28, s20, $0xb8;
	[tilespmem:$0x1E580] =	vst v63  }
0x185: {  	_ =	swait.ge [sflag:s24], $0x2800  }
0x186: {  	[sflag:s24] =	ssyncset.done $0x0  }
0x187: {  	[sflag:s24] =	ssyncadd.s32 $0xFFFFD800  }
0x188: {  	_ =	swait.ge [sflag:s1], $0x80  }
0x189: {  	[sflag:s1] =	ssyncset.done $0x0  }
0x18a: {  	[sflag:s1] =	ssyncadd.s32 $0xFFFFFF80  }
0x18b: {  	[spmem:s2] =	stream.indirect.scatter.add.f32 [tilespmem:s17], [sflag:$0xA], $0x80, s19, s20, $0xb8;
	[tilespmem:$0x1E580] =	vst v63  }
0x18c: {  	_ =	swait.ge [sflag:s18], $0x2800  }
0x18d: {  	[sflag:s18] =	ssyncset.done $0x0  }
0x18e: {  	s10 =	simm.s32 $0x2850;
	[sflag:s18] =	ssyncadd.s32 $0xFFFFD800  }
0x18f: {  	[tilespmem:s17], [sflag:$0x1] =	stream.indirect.gather [hbm4b:s4+s20], $0x80, s10, s20, $0xb8;
	[tilespmem:$0x1E580] =	vst v63  }
0x190: {  	_ =	swait.ge [sflag:s26], $0x2800  }
0x191: {  	[sflag:s26] =	ssyncset.done $0x0  }
0x192: {  	[sflag:s26] =	ssyncadd.s32 $0xFFFFD800  }
0x193: {  	_ =	swait.ge [sflag:s0], $0x80  }
0x194: {  	[sflag:s0] =	ssyncset.done $0x0  }
0x195: {  	[sflag:s0] =	ssyncadd.s32 $0xFFFFFF80  }
0x196: {  	[spmem:s2] =	stream.indirect.scatter.add.f32 [tilespmem:s21], [sflag:$0xA], $0x80, s15, s20, $0xb8;
	[tilespmem:$0x1E580] =	vst v63  }
0x197: {  	_ =	swait.ge [sflag:s18], $0x2800  }
0x198: {  	[sflag:s18] =	ssyncset.done $0x0  }
0x199: {  	s12 =	simm.s32 $0x28A0;
	[sflag:s18] =	ssyncadd.s32 $0xFFFFD800  }
0x19a: {  	[tilespmem:s21], [sflag:$0x2] =	stream.indirect.gather [hbm4b:s4+s20], $0x80, s12, s20, $0xb8;
	[tilespmem:$0x1E580] =	vst v63  }
0x19b: {  	_ =	swait.ge [sflag:s30], $0x2800  }
0x19c: {  	[sflag:s30] =	ssyncset.done $0x0  }
0x19d: {  	[sflag:s30] =	ssyncadd.s32 $0xFFFFD800  }
0x19e: {  	_ =	swait.ge [sflag:s6], $0x80  }
0x19f: {  	[sflag:s6] =	ssyncset.done $0x0  }
0x1a0: {  	[sflag:s6] =	ssyncadd.s32 $0xFFFFFF80  }
0x1a1: {  	[spmem:s2] =	stream.indirect.scatter.add.f32 [tilespmem:s23], [sflag:$0xA], $0x80, s31, s20, $0xb8;
	[tilespmem:$0x1E580] =	vst v63  }
0x1a2: {  	_ =	swait.ge [sflag:s18], $0x2800  }
0x1a3: {  	[sflag:s18] =	ssyncset.done $0x0  }
0x1a4: {  	s13 =	simm.s32 $0x28F0;
	[sflag:s18] =	ssyncadd.s32 $0xFFFFD800  }
0x1a5: {  	[tilespmem:s23], [sflag:$0x3] =	stream.indirect.gather [hbm4b:s4+s20], $0x80, s13, s20, $0xb8;
	[tilespmem:$0x1E580] =	vst v63  }
0x1a6: {  	_ =	swait.ge [sflag:s24], $0x2800  }
0x1a7: {  	[sflag:s24] =	ssyncset.done $0x0  }
0x1a8: {  	[sflag:s24] =	ssyncadd.s32 $0xFFFFD800  }
0x1a9: {  	_ =	swait.ge [sflag:s7], $0x80  }
0x1aa: {  	[sflag:s7] =	ssyncset.done $0x0  }
0x1ab: {  	[sflag:s7] =	ssyncadd.s32 $0xFFFFFF80  }
0x1ac: {  	[spmem:s2] =	stream.indirect.scatter.add.f32 [tilespmem:s17], [sflag:$0xA], $0x80, s25, s20, $0xb8;
	[tilespmem:$0x1E580] =	vst v63  }
0x1ad: {  	_ =	swait.ge [sflag:s18], $0x2800  }
0x1ae: {  	[sflag:s18] =	ssyncset.done $0x0  }
0x1af: {  	[sflag:s18] =	ssyncadd.s32 $0xFFFFD800  }
0x1b0: {  	_ =	swait.ge [sflag:s26], $0x2800  }
0x1b1: {  	[sflag:s26] =	ssyncset.done $0x0  }
0x1b2: {  	[sflag:s26] =	ssyncadd.s32 $0xFFFFD800  }
0x1b3: {  	_ =	swait.ge [sflag:s8], $0x80  }
0x1b4: {  	[sflag:s8] =	ssyncset.done $0x0  }
0x1b5: {  	[sflag:s8] =	ssyncadd.s32 $0xFFFFFF80  }
0x1b6: {  	[spmem:s2] =	stream.indirect.scatter.add.f32 [tilespmem:s21], [sflag:$0xA], $0x80, s29, s20, $0xb8;
	[tilespmem:$0x1E580] =	vst v63  }
0x1b7: {  	_ =	swait.ge [sflag:s18], $0x2800  }
0x1b8: {  	[sflag:s18] =	ssyncset.done $0x0  }
0x1b9: {  	[sflag:s18] =	ssyncadd.s32 $0xFFFFD800  }
0x1ba: {  	_ =	swait.ge [sflag:s30], $0x2800  }
0x1bb: {  	[sflag:s30] =	ssyncset.done $0x0  }
0x1bc: {  	[sflag:s30] =	ssyncadd.s32 $0xFFFFD800  }
0x1bd: {  	_ =	swait.ge [sflag:s9], $0x80  }
0x1be: {  	[sflag:s9] =	ssyncset.done $0x0  }
0x1bf: {  	s16 =	simm.s32 $0x2C00;
	[sflag:s9] =	ssyncadd.s32 $0xFFFFFF80  }
0x1c0: {  	[spmem:s2] =	stream.indirect.scatter.add.f32 [tilespmem:s23], [sflag:$0xA], $0x80, s16, s20, $0xb8;
	[tilespmem:$0x1E580] =	vst v63  }
0x1c1: {  	_ =	swait.ge [sflag:s18], $0x2800  }
0x1c2: {  	[sflag:s18] =	ssyncset.done $0x0  }
0x1c3: {  	[sflag:s18] =	ssyncadd.s32 $0xFFFFD800  }
0x1c4: {  	s14 =	stileid.u32;
	[bflag:$0x0] =	sbarrier.arrive $0xFFFF  }
0x1c5: {  	s5 =	sshll.u32 s14, $0x6;
	s11 =	rddreg [dreg:$0x3]  }
0x1c6: {  	s5 =	sor.u32 $0x1C0A, s5;
	s16 =	rddreg [dreg:$0xc];
	s15 =	sshrl.u32 s11, $0x3  }
0x1c7: {  	[hbm:s16], [sflag:s5] =	dma.local [spmem:s15], $0x2800  }
0x1c8: {  	_ =	swait.ge [sflag:s18], $0x2800  }
0x1c9: {  	s19 =	rddreg [dreg:$0xe]  }
0x1ca: {  	s28 =	rddreg [dreg:$0xd];
	s10 =	sadd.s32 $0x1, s19  }
0x1cb: {  	p0 =	sne.s32 s10, s28  }
.Ltmp2:
0x1cc: {  	_ = 	snop;
	(pc) =	sbr.rel @p0 .LBB2_1-.Ltmp2, $3  }
0x1cd: {  	_ =	sdelay $0x1  }
0x1ce: {  	s14 =	simm.s32 $0x2980;
	s12 =	simm.s32 $0x2C00;
	[sflag:s18] =	ssyncset.done $0x0  }
0x1cf: {  	s15 =	simm.s32 $0x2A00;
	s16 =	simm.s32 $0x2B00;
	[sflag:s18] =	ssyncadd.s32 $0xFFFFD800  }
0x1d0: {  	_ =	sfence.sel $0x180000  }
0x1d1: {  	[bflag:$0x0] =	sbarrier.arrive $0xFFFF  }
0x1d2: {  	_ =	strace $0x9000004A  }
0x1d3: {  	s0 =	stileid.u32;
	[bflag:$0x2] =	sbarrier.arrive $0xFFFF  }
0x1d4: {  	p0 =	sne.s32 s0, $0x0;
	s0 =	rddreg [dreg:$0x2]  }
0x1d5: {  	s0 =	sadd.s32 @!p0 $0x100000, s0  }
0x1d6: {  	[sflag:s0] =	ssyncadd.tile.s32 @!p0 $0x1;
	_ =	shalt  }
.Lfunc_end2:
_tile_overlayer_lowered:
.L_overlay_start_2:
0x1d7: {  	(tag) =	ssettag $0x2  }
0x1d8: {  	s0 =	rddreg [dreg:$0x0];
	s2 =	stileid.u32  }
0x1d9: {  	s1 =	rddreg [dreg:$0x1];
	p0 =	sne.s32 s2, $0x0  }
0x1da: {  	s3 =	rddreg [dreg:$0x2];
	[bflag:$0x3] =	sbarrier.arrive $0xFFFF;
	s2 =	simm.s32 @!p0 $0x1C0A  }
0x1db: {  	[timem:s3], [sflag:s2] =	dma.local @!p0 [hbm:s0], s1  }
0x1dc: {  	s0 =	simm.s32 @!p0 $0xA  }
0x1dd: {  	_ =	swait.ge @!p0 [sflag:s0], s1  }
0x1de: {  	s1 =	ssub.s32 @!p0 $0x0, s1;
	[sflag:s0] =	ssyncset.done @!p0 $0x0  }
0x1df: {  	[sflag:s0] =	ssyncadd.s32 @!p0 s1  }
0x1e0: {  	[bflag:$0x3] =	sbarrier.arrive $0xFFFF  }
0x1e1: {  	_ =	shalt  }

// kernel: kernel.14.cloned.1.call-start
scs
__scs_entry_jumppad:
0x0: {  	(pc) =	sbr.rel $0x88, $3  }
0x1: {  	(tag) =	ssettag $0x0;
	lr =	simm.s32 $0x1  }
0x2: {  	[smem:$0x3F9B] =	sst lr;
	_ =	strace $0xD0000000  }
0x3: {  	_ = 	snop  }
0x4: {  	_ = 	snop  }
0x5: {  	_ = 	snop  }
0x6: {  	_ = 	snop  }
0x7: {  	_ = 	snop  }
__scs_overlays_trampoline_lowered:
0x8: {  	[smem:$0x3FAA] =	sst s0  }
0x9: {  	[smem:$0x3FAB] =	sst s1  }
0xa: {  	[smem:$0x3FAC] =	sst s2  }
0xb: {  	[smem:$0x3FAD] =	sst s3  }
0xc: {  	[smem:$0x3FAE] =	sst s4  }
0xd: {  	[smem:$0x3FAF] =	sst s5  }
0xe: {  	[smem:$0x3FB0] =	sst s6  }
0xf: {  	[smem:$0x3FB1] =	sst s7  }
0x10: {  	[smem:$0x3FB2] =	sst s8  }
0x11: {  	[smem:$0x3FB3] =	sst s9;
	s0 =	simm.s32 @!p0 $0x0  }
0x12: {  	s1 =	sld [smem:$0x3F99];
	s0 =	simm.s32 @p0 $0x1  }
0x13: {  	[smem:$0x3FB4] =	sst s0;
	s0 =	simm.s32 @!p1 $0x0  }
0x14: {  	s2 =	sld [smem:$0x3F98];
	s0 =	simm.s32 @p1 $0x1  }
0x15: {  	[smem:$0x3FB5] =	sst s0;
	s0 =	simm.s32 @!p2 $0x0  }
0x16: {  	s3 =	sld [smem:$0x3FDB];
	s0 =	simm.s32 @p2 $0x1  }
0x17: {  	s4 =	simm.s32 $0x1BF5;
	[smem:$0x3FB7] =	sst s0  }
0x18: {  	s0 =	sld [smem:$0x3F9A];
	_ =	swait.ge [sflag:s4], $0x0  }
0x19: {  	s7 =	sld [smem:$0x3F9B]  }
0x1a: {  	s8 =	sadd.s32 $0xFFFFE003, lr  }
0x1b: {  	s9 =	sadd.s32 $0xFFFFFEF7, lr;
	s5 =	simm.s32 $0xFFFFFFFF;
	p2 =	slt.u32 s8, $0xFFFFF086  }
0x1c: {  	p1 =	slt.u32 s9, $0xF7A;
	s5 =	simm.s32 @!p2 $0x0  }
0x1d: {  	s5 =	simm.s32 @p1 $0x1;
	p0 =	seq.s32 s7, s2  }
0x1e: {  	s7 =	smul.u32 @!p0 $0xF7A, s2;
	p2 =	seq.s32 @!p0 s5, $0x0  }
0x1f: {  	s9 =	smul.u32 $0xF7A, s1;
	s8 =	simm.s32 @!p0 $0x1BF5;
	p2 =	por !p2, p0  }
0x20: {  	[sflag:s8] =	ssyncset.s32 @!p0 $0xFFFFF086;
	s6 =	sadd.s32 @!p0 s3, s7;
	s7 =	simm.s32 @!p0 $0x108  }
0x21: {  	s3 =	sadd.s32 s3, s9;
	s6 =	sadd.s32 @!p0 $0x88, s6;
	s7 =	simm.s32 @p2 $0x1082  }
0x22: {  	[simem:s7], [sflag:s8] =	dma.local @!p0 [hbm:s6], $0xF7A  }
0x23: {  	s9 =	sor.u32 $0xD0000000, s2;
	s6 =	simm.s32 $0x108;
	_ =	swait.ge @!p0 [sflag:s8], $0x0  }
0x24: {  	s3 =	sadd.s32 $0x88, s3;
	s6 =	simm.s32 @!p1 $0x1082;
	[sflag:s4] =	ssyncset.s32 $0xFFFFF086  }
0x25: {  	[simem:s6], [sflag:s4] =	dma.local [hbm:s3], $0xF7A  }
0x26: {  	[smem:$0x3F9B] =	sst s1;
	(tag) =	ssettag s2;
	_ =	strace s9  }
0x27: {  	s1 =	sld [smem:$0x3FAB]  }
0x28: {  	s2 =	sld [smem:$0x3FAC]  }
0x29: {  	s4 =	sld [smem:$0x3FAE]  }
0x2a: {  	p0 =	seq.s32 s5, $0x0;
	s5 =	sld [smem:$0x3FAF]  }
0x2b: {  	s6 =	sld [smem:$0x3FB0]  }
0x2c: {  	s7 =	sld [smem:$0x3FB1]  }
0x2d: {  	s3 =	simm.s32 $0x108;
	s8 =	sld [smem:$0x3FB2]  }
0x2e: {  	s3 =	simm.s32 @!p0 $0x1082;
	s9 =	sld [smem:$0x3FB3]  }
0x2f: {  	lr =	sadd.s32 s0, s3;
	s0 =	sld [smem:$0x3FAA]  }
0x30: {  	s3 =	sld [smem:$0x3FAD]  }
0x31: {  	[smem:$0x3FB6] =	sst s10  }
0x32: {  	s10 =	sld [smem:$0x3FB4];
	_ =	sdelay $0x3  }
0x33: {  	p0 =	seq.s32 s10, $0x1;
	s10 =	sld [smem:$0x3FB6];
	_ =	sdelay $0x3  }
0x34: {  	[smem:$0x3FB6] =	sst s10  }
0x35: {  	s10 =	sld [smem:$0x3FB5];
	_ =	sdelay $0x3  }
0x36: {  	p1 =	seq.s32 s10, $0x1;
	s10 =	sld [smem:$0x3FB6];
	_ =	sdelay $0x3  }
0x37: {  	[smem:$0x3FB6] =	sst s10  }
0x38: {  	s10 =	sld [smem:$0x3FB7]  }
0x39: {  	_ = 	snop;
	(pc) =	sbr.ind lr, $3  }
0x3a: {  	_ = 	snop  }
0x3b: {  	_ = 	snop  }
0x3c: {  	p2 =	seq.s32 s10, $0x1;
	s10 =	sld [smem:$0x3FB6]  }
0x3d: {  	_ =	shalt  }
0x3e: {  	_ =	shalt  }
0x3f: {  	_ =	shalt  }
0x40: {  	_ =	shalt  }
0x41: {  	_ =	shalt  }
0x42: {  	_ =	shalt  }
0x43: {  	_ =	shalt  }
0x44: {  	_ =	shalt  }
0x45: {  	_ =	shalt  }
0x46: {  	_ =	shalt  }
0x47: {  	_ =	shalt  }
0x48: {  	_ =	shalt  }
0x49: {  	_ =	shalt  }
0x4a: {  	_ =	shalt  }
0x4b: {  	_ =	shalt  }
0x4c: {  	_ =	shalt  }
0x4d: {  	_ =	shalt  }
0x4e: {  	_ =	shalt  }
0x4f: {  	_ =	shalt  }
0x50: {  	_ =	shalt  }
0x51: {  	_ =	shalt  }
0x52: {  	_ =	shalt  }
0x53: {  	_ =	shalt  }
0x54: {  	_ =	shalt  }
0x55: {  	_ =	shalt  }
0x56: {  	_ =	shalt  }
0x57: {  	_ =	shalt  }
0x58: {  	_ =	shalt  }
0x59: {  	_ =	shalt  }
0x5a: {  	_ =	shalt  }
0x5b: {  	_ =	shalt  }
0x5c: {  	_ =	shalt  }
0x5d: {  	_ =	shalt  }
0x5e: {  	_ =	shalt  }
0x5f: {  	_ =	shalt  }
0x60: {  	_ =	shalt  }
0x61: {  	_ =	shalt  }
0x62: {  	_ =	shalt  }
0x63: {  	_ =	shalt  }
0x64: {  	_ =	shalt  }
0x65: {  	_ =	shalt  }
0x66: {  	_ =	shalt  }
0x67: {  	_ =	shalt  }
0x68: {  	_ =	shalt  }
0x69: {  	_ =	shalt  }
0x6a: {  	_ =	shalt  }
0x6b: {  	_ =	shalt  }
0x6c: {  	_ =	shalt  }
0x6d: {  	_ =	shalt  }
0x6e: {  	_ =	shalt  }
0x6f: {  	_ =	shalt  }
0x70: {  	_ =	shalt  }
0x71: {  	_ =	shalt  }
0x72: {  	_ =	shalt  }
0x73: {  	_ =	shalt  }
0x74: {  	_ =	shalt  }
0x75: {  	_ =	shalt  }
0x76: {  	_ =	shalt  }
0x77: {  	_ =	shalt  }
0x78: {  	_ =	shalt  }
0x79: {  	_ =	shalt  }
0x7a: {  	_ =	shalt  }
0x7b: {  	_ =	shalt  }
0x7c: {  	_ =	shalt  }
0x7d: {  	_ =	shalt  }
0x7e: {  	_ =	shalt  }
0x7f: {  	_ =	shalt  }
0x80: {  	_ =	shalt  }
0x81: {  	_ =	shalt  }
0x82: {  	_ =	shalt  }
0x83: {  	_ =	shalt  }
0x84: {  	_ =	shalt  }
0x85: {  	_ =	shalt  }
0x86: {  	_ =	shalt  }
0x87: {  	_ =	shalt  }
.Lfunc_end0:
.L_simem_size_0:
called_computation.2_lowered:
.L_overlay_start_0:
0x88: {  	s2 =	sld [smem:$0x3FD9]  }
0x89: {  	s3 =	sld [smem:$0x3FFE];
	_ =	sdelay $0x1  }
0x8a: {  	s1 =	srdreg.scid  }
0x8b: {  	s0 =	sand.u32 $0x1, s1  }
0x8c: {  	s17 =	sshll.u32 s0, $0xA;
	s2 =	sadd.s32 s3, s2  }
0x8d: {  	s2 =	sadd.s32 s2, s17  }
0x8e: {  	[smem:$0x3FC2] =	sst s2  }
0x8f: {  	_ = 	snop  }
0x90: {  	s2 =	sld [smem:$0x3FD0];
	(tm) =	ssettm $0x1  }
0x91: {  	s18 =	sld [smem:$0x3FFB];
	_ =	sdelay $0x3  }
0x92: {  	_ =	strace s18  }
0x93: {  	s3 =	sld [smem:$0x3FFC];
	_ =	sdelay $0x3  }
0x94: {  	_ =	strace s3  }
0x95: {  	s3 =	sld [smem:$0x3FFD];
	_ =	sdelay $0x3  }
0x96: {  	_ =	strace s3  }
0x97: {  	_ =	strace $0x8FFFFFFF  }
0x98: {  	s19 =	sld [smem:$0x3FDB];
	_ =	sdelay $0x1  }
0x99: {  	s4 =	simm.s32 $_scs_section_size  }
0x9a: {  	s5 =	simm.s32 $_size__tile_overlayer_lowered;
	s6 =	simm.s32 $_tile_overlayer_lowered  }
0x9b: {  	s22 =	simm.s32 $0x1BFF;
	s21 =	sshll.u32 s6, $0x1;
	s3 =	sadd.s32 s4, s19  }
0x9c: {  	s7 =	simm.s32 $0x0;
	s20 =	sshll.u32 s5, $0x1;
	s5 =	sadd.s32 s21, s3  }
0x9d: {  	[timem:s7], [sflag:s22] =	dma.local [hbm:s5], s20  }
0x9e: {  	_ =	swait.ge [sflag:s22], s20  }
0x9f: {  	s4 =	ssub.s32 $0x0, s20;
	[sflag:s22] =	ssyncset.done $0x0  }
0xa0: {  	[sflag:s22] =	ssyncadd.s32 s4;
	_ =	sdelay $0x1  }
0xa1: {  	s23 =	simm.s32 $0x1B8B  }
0xa2: {  	_ =	swait.ge [sflag:s23], $0x1  }
0xa3: {  	[sflag:s23] =	ssyncset.done $0x0  }
0xa4: {  	s25 =	simm.s32 $0x1B8E;
	s24 =	sld [smem:$0x3FFE];
	[sflag:s23] =	ssyncadd.s32 $0xFFFFFFFF  }
0xa5: {  	s26 =	simm.s32 $execute0_lowered;
	[smem:$0x3FD2] =	sst s25  }
0xa6: {  	s5 =	sshll.u32 s26, $0x1;
	_ =	strace $0x8000004C;
	[dreg:$0x1] =	wrdreg $0xFFFFFFFF  }
0xa7: {  	s28 =	simm.s32 $_size_execute0_lowered;
	s3 =	sadd.s32 s3, s5;
	[dreg:$0x0] =	wrdreg $0x0  }
0xa8: {  	s5 =	sshll.u32 s28, $0x1;
	[dreg:$0x2] =	wrdreg s3  }
0xa9: {  	[dreg:$0x3] =	wrdreg s5  }
0xaa: {  	[dreg:$0x4] =	wrdreg $0xC0  }
0xab: {  	_ =	task [dreg:s7], $0x5FFFF  }
0xac: {  	[dreg:$0x1] =	wrdreg $0xFFFFFFFF  }
0xad: {  	[dreg:$0x0] =	wrdreg $0x60  }
0xae: {  	[dreg:$0x2] =	wrdreg s24  }
0xaf: {  	[dreg:$0x3] =	wrdreg s2  }
0xb0: {  	[dreg:$0x4] =	wrdreg $0x8A800  }
0xb1: {  	[dreg:$0x5] =	wrdreg $0x8D000  }
0xb2: {  	[dreg:$0x6] =	wrdreg $0x9  }
0xb3: {  	_ =	task.clear_ibuf [dreg:s7], $0x7FFFF;
	_ =	strace $0x9000004C  }
0xb4: {  	s29 =	simm.s32 $0x9;
	_ =	strace $0x8000004E  }
0xb5: {  	_ =	swait.ge [sflag:s29], $0x1  }
0xb6: {  	[sflag:s29] =	ssyncadd.s32 $0xFFFFFFFF  }
0xb7: {  	_ =	strace $0x9000004E  }
0xb8: {  	_ =	sfence  }
0xb9: {  	s30 =	sld [smem:$0x0];
	_ =	sdelay $0x2  }
0xba: {  	s31 =	sshll.u32 s1, $0xD;
	s1 =	sshrl.u32 s1, $0x2  }
0xbb: {  	s3 =	sand.u32 $0x4000, s31;
	s1 =	sadd.s32 s1, s30  }
0xbc: {  	s0 =	sor.u32 s3, s0;
	s1 =	sshll.u32 s1, $0x11  }
0xbd: {  	s0 =	sor.u32 s1, s0  }
0xbe: {  	s0 =	sadd.s32 $0x8F2B, s0  }
0xbf: {  	[sflag:s0] =	ssyncadd.remote.s32 $0x1  }
0xc0: {  	_ =	sfence.sel $0xFFFF  }
0xc1: {  	[dreg:$0x0] =	wrdreg $0xFFFFFFFF;
	(pc) =	sbr.abs _section_cstart, $3  }
0xc2: {  	[dreg:$0x1] =	wrdreg $0xFFFFFFFF  }
0xc3: {  	_ =	task.clear_ibuf [dreg:s7], $0x2FFFF;
	_ =	strace $0x9FFFFFFF  }
0xc4: {  	(tm) =	ssettm $0x7FFFFFFF  }
0xc5: {  	_ =	shalt  }
tec
execute0_lowered:
.L_overlay_start_1:
0x0: {  	(tag) =	ssettag $0x1  }
0x1: {  	s0 =	rddreg [dreg:$0x0]  }
0x2: {  	s3 =	rddreg [dreg:$0x1]  }
0x3: {  	s1 =	rddreg [dreg:$0x2]  }
0x4: {  	s2 =	rddreg [dreg:$0x3];
	s4 =	simm.s32 $0x0  }
0x5: {  	s21 =	srdreg.scid;
	s9 =	stileid.u32;
	s18 =	simm.s32 $0x3  }
0x6: {  	s16 =	simm.s32 $0x50;
	[smem:$0x7FF] =	sst s4;
	s5 =	smul.u32 $0x500, s9  }
0x7: {  	s4 =	sand.u32 $0x1, s21;
	s7 =	sshll.u32 s9, $0xB;
	s23 =	smul.u32 $0x280, s9  }
0x8: {  	s30 =	sshll.u32 s9, $0x6;
	_ =	strace $0x8000004D;
	s6 =	sshll.u32 s4, $0xF  }
0x9: {  	s8 =	sshll.u32 s4, $0x7;
	s4 =	ssub.s32 $0x2, s4;
	s19 =	sor.u32 $0x1C03, s30  }
0xa: {  	s6 =	sor.u32 s7, s6;
	s5 =	sor.u32 s8, s5;
	s22 =	sshrl.u32 s4, $0x1  }
0xb: {  	s17 =	sadd.s32 s23, s1;
	s25 =	sshrl.u32 s23, $0x3;
	[dreg:$0xc] =	wrdreg s19  }
0xc: {  	s24 =	sadd.s32 s23, s2;
	s3 =	sadd.s32 s3, s25;
	[dreg:$0x6] =	wrdreg s17  }
0xd: {  	s6 =	sadd.s32 s6, s0;
	s31 =	sshrl.u32 s24, $0x3;
	[dreg:$0x7] =	wrdreg s3  }
0xe: {  	s5 =	sshrl.u32 s5, $0x3;
	s26 =	sadd.s32 $0xA6000, s6;
	[dreg:$0xd] =	wrdreg s31  }
0xf: {  	s4 =	ssub.s32 s4, s22;
	s28 =	sadd.s32 $0x2A00, s6;
	[dreg:$0x8] =	wrdreg s26  }
0x10: {  	s0 =	sadd.s32 s5, s0;
	s29 =	smax.u32 s4, $0x1;
	[dreg:$0x9] =	wrdreg s28  }
0x11: {  	s13 =	simm.s32 $0x2;
	s0 =	sadd.s32 $0x12A00, s0;
	[dreg:$0xb] =	wrdreg s29  }
0x12: {  	v0 =	vimm.f32 $0.0e+00;
	s5 =	simm.s32 $0x1;
	[dreg:$0xa] =	wrdreg s0;
	s0 =	simm.s32 $0x0  }
.LBB2_1:
0x13: {  	[tilespmem:$0x8800] =	vst v0  }
0x14: {  	[tilespmem:$0x8810] =	vst v0  }
0x15: {  	[tilespmem:$0x8820] =	vst v0  }
0x16: {  	[tilespmem:$0x8830] =	vst v0  }
0x17: {  	[tilespmem:$0x8840] =	vst v0  }
0x18: {  	[tilespmem:$0x8850] =	vst v0  }
0x19: {  	[tilespmem:$0x8860] =	vst v0  }
0x1a: {  	[tilespmem:$0x8870] =	vst v0  }
0x1b: {  	[tilespmem:$0x8880] =	vst v0  }
0x1c: {  	[tilespmem:$0x8890] =	vst v0  }
0x1d: {  	[tilespmem:$0x88A0] =	vst v0  }
0x1e: {  	[tilespmem:$0x88B0] =	vst v0  }
0x1f: {  	[tilespmem:$0x88C0] =	vst v0  }
0x20: {  	[tilespmem:$0x88D0] =	vst v0  }
0x21: {  	[tilespmem:$0x88E0] =	vst v0  }
0x22: {  	[tilespmem:$0x88F0] =	vst v0  }
0x23: {  	[tilespmem:$0x8900] =	vst v0  }
0x24: {  	[tilespmem:$0x8910] =	vst v0  }
0x25: {  	[tilespmem:$0x8920] =	vst v0  }
0x26: {  	[tilespmem:$0x8930] =	vst v0  }
0x27: {  	[tilespmem:$0x8940] =	vst v0  }
0x28: {  	[tilespmem:$0x8950] =	vst v0  }
0x29: {  	[tilespmem:$0x8960] =	vst v0  }
0x2a: {  	[tilespmem:$0x8970] =	vst v0  }
0x2b: {  	[tilespmem:$0x8980] =	vst v0  }
0x2c: {  	[tilespmem:$0x8990] =	vst v0  }
0x2d: {  	[tilespmem:$0x89A0] =	vst v0  }
0x2e: {  	[tilespmem:$0x89B0] =	vst v0  }
0x2f: {  	[tilespmem:$0x89C0] =	vst v0  }
0x30: {  	[tilespmem:$0x89D0] =	vst v0  }
0x31: {  	[tilespmem:$0x89E0] =	vst v0  }
0x32: {  	[tilespmem:$0x89F0] =	vst v0  }
0x33: {  	[tilespmem:$0x8A00] =	vst v0  }
0x34: {  	[tilespmem:$0x8A10] =	vst v0  }
0x35: {  	[tilespmem:$0x8A20] =	vst v0  }
0x36: {  	[tilespmem:$0x8A30] =	vst v0  }
0x37: {  	[tilespmem:$0x8A40] =	vst v0  }
0x38: {  	[tilespmem:$0x8A50] =	vst v0  }
0x39: {  	[tilespmem:$0x8A60] =	vst v0  }
0x3a: {  	[dreg:$0xe] =	wrdreg s0;
	[tilespmem:$0x8A70] =	vst v0;
	s12 =	simm.s32 $0x8800  }
0x3b: {  	[spmem:s17] =	stream.linear.scatter [tilespmem:s12], [sflag:$0x3], $0x280, $0x38;
	[tilespmem:$0x8F80] =	vst v63  }
0x3c: {  	_ =	swait.ge [sflag:s18], $0x280  }
0x3d: {  	[sflag:s18] =	ssyncset.done $0x0;
	s25 =	rddreg [dreg:$0x7]  }
0x3e: {  	s26 =	rddreg [dreg:$0xd];
	[sflag:s18] =	ssyncadd.s32 $0xFFFFFD80  }
0x3f: {  	[spmem:s26], [sflag:s19] =	dma.local [hbm:s25], $0x50  }
0x40: {  	_ =	swait.ge [sflag:s18], $0x50  }
0x41: {  	[sflag:s18] =	ssyncset.done $0x0  }
0x42: {  	s28 =	simm.s32 $0x0;
	s29 =	rddreg [dreg:$0x8];
	[sflag:s18] =	ssyncadd.s32 $0xFFFFFFB0  }
0x43: {  	[tilespmem:s28], [sflag:$0x3] =	stream.linear.gather [hbm4b:s29+s28], $0x3E80, $0x38;
	[tilespmem:$0x8F80] =	vst v63  }
0x44: {  	_ =	swait.ge [sflag:s18], $0x3E80  }
0x45: {  	[sflag:s18] =	ssyncset.done $0x0  }
0x46: {  	s31 =	simm.s32 $0x4000;
	s30 =	rddreg [dreg:$0x9];
	[sflag:s18] =	ssyncadd.s32 $0xFFFFC180  }
0x47: {  	[tilespmem:s31], [sflag:$0x3] =	stream.linear.gather [hbm4b:s30+s28], $0x3E80, $0x38;
	[tilespmem:$0x8F80] =	vst v63  }
0x48: {  	_ =	swait.ge [sflag:s18], $0x3E80  }
0x49: {  	[sflag:s18] =	ssyncset.done $0x0  }
0x4a: {  	[sflag:s18] =	ssyncadd.s32 $0xFFFFC180  }
0x4b: {  	s0 =	simm.s32 $0x0;
	s17 =	simm.s32 $0x8000;
	[bflag:$0x0] =	sbarrier.arrive $0xFFFF  }
0x4c: {  	[tilespmem:s17], [sflag:$0x1] =	stream.indirect.gather [spmem:s2], $0x1, s0, s16, $0xb8;
	[tilespmem:$0x8F80] =	vst v63  }
0x4d: {  	s3 =	simm.s32 $0x80;
	s18 =	simm.s32 $0x8050  }
0x4e: {  	[tilespmem:s18], [sflag:$0x1] =	stream.indirect.gather [spmem:s2], $0x1, s3, s16, $0xb8;
	[tilespmem:$0x8F80] =	vst v63  }
0x4f: {  	s4 =	simm.s32 $0x100;
	s19 =	simm.s32 $0x80A0  }
0x50: {  	[tilespmem:s19], [sflag:$0x1] =	stream.indirect.gather [spmem:s2], $0x1, s4, s16, $0xb8;
	[tilespmem:$0x8F80] =	vst v63  }
0x51: {  	s6 =	simm.s32 $0x180;
	s20 =	simm.s32 $0x80F0  }
0x52: {  	[tilespmem:s20], [sflag:$0x1] =	stream.indirect.gather [spmem:s2], $0x1, s6, s16, $0xb8;
	[tilespmem:$0x8F80] =	vst v63  }
0x53: {  	s7 =	simm.s32 $0x200;
	s21 =	simm.s32 $0x8140  }
0x54: {  	[tilespmem:s21], [sflag:$0x1] =	stream.indirect.gather [spmem:s2], $0x1, s7, s16, $0xb8;
	[tilespmem:$0x8F80] =	vst v63  }
0x55: {  	s8 =	simm.s32 $0x280;
	s22 =	simm.s32 $0x8190  }
0x56: {  	[tilespmem:s22], [sflag:$0x1] =	stream.indirect.gather [spmem:s2], $0x1, s8, s16, $0xb8;
	[tilespmem:$0x8F80] =	vst v63  }
0x57: {  	s9 =	simm.s32 $0x300;
	s23 =	simm.s32 $0x81E0  }
0x58: {  	[tilespmem:s23], [sflag:$0x1] =	stream.indirect.gather [spmem:s2], $0x1, s9, s16, $0xb8;
	[tilespmem:$0x8F80] =	vst v63  }
0x59: {  	s10 =	simm.s32 $0x380;
	s24 =	simm.s32 $0x8230  }
0x5a: {  	[tilespmem:s24], [sflag:$0x1] =	stream.indirect.gather [spmem:s2], $0x1, s10, s16, $0xb8;
	[tilespmem:$0x8F80] =	vst v63  }
0x5b: {  	s11 =	simm.s32 $0x400;
	s25 =	simm.s32 $0x8280  }
0x5c: {  	[tilespmem:s25], [sflag:$0x1] =	stream.indirect.gather [spmem:s2], $0x1, s11, s16, $0xb8;
	[tilespmem:$0x8F80] =	vst v63  }
0x5d: {  	s14 =	simm.s32 $0x480;
	s26 =	simm.s32 $0x82D0  }
0x5e: {  	[tilespmem:s26], [sflag:$0x1] =	stream.indirect.gather [spmem:s2], $0x1, s14, s16, $0xb8;
	[tilespmem:$0x8F80] =	vst v63  }
0x5f: {  	s15 =	simm.s32 $0x500;
	s28 =	simm.s32 $0x8320  }
0x60: {  	[tilespmem:s28], [sflag:$0x1] =	stream.indirect.gather [spmem:s2], $0x1, s15, s16, $0xb8;
	[tilespmem:$0x8F80] =	vst v63  }
0x61: {  	s29 =	simm.s32 $0x580;
	s0 =	simm.s32 $0x8370  }
0x62: {  	[tilespmem:s0], [sflag:$0x1] =	stream.indirect.gather [spmem:s2], $0x1, s29, s16, $0xb8;
	[tilespmem:$0x8F80] =	vst v63  }
0x63: {  	s30 =	simm.s32 $0x600;
	s3 =	simm.s32 $0x83C0  }
0x64: {  	[tilespmem:s3], [sflag:$0x1] =	stream.indirect.gather [spmem:s2], $0x1, s30, s16, $0xb8;
	[tilespmem:$0x8F80] =	vst v63  }
0x65: {  	s31 =	simm.s32 $0x680;
	s11 =	simm.s32 $0x8410  }
0x66: {  	[tilespmem:s11], [sflag:$0x1] =	stream.indirect.gather [spmem:s2], $0x1, s31, s16, $0xb8;
	[tilespmem:$0x8F80] =	vst v63  }
0x67: {  	s4 =	simm.s32 $0x700;
	s15 =	simm.s32 $0x8460  }
0x68: {  	[tilespmem:s15], [sflag:$0x1] =	stream.indirect.gather [spmem:s2], $0x1, s4, s16, $0xb8;
	[tilespmem:$0x8F80] =	vst v63  }
0x69: {  	s6 =	simm.s32 $0x780;
	s4 =	simm.s32 $0x84B0  }
0x6a: {  	[tilespmem:s4], [sflag:$0x1] =	stream.indirect.gather [spmem:s2], $0x1, s6, s16, $0xb8;
	[tilespmem:$0x8F80] =	vst v63  }
0x6b: {  	s7 =	simm.s32 $0x800;
	s6 =	simm.s32 $0x8500  }
0x6c: {  	[tilespmem:s6], [sflag:$0x1] =	stream.indirect.gather [spmem:s2], $0x1, s7, s16, $0xb8;
	[tilespmem:$0x8F80] =	vst v63  }
0x6d: {  	s8 =	simm.s32 $0x880;
	s7 =	simm.s32 $0x8550  }
0x6e: {  	[tilespmem:s7], [sflag:$0x1] =	stream.indirect.gather [spmem:s2], $0x1, s8, s16, $0xb8;
	[tilespmem:$0x8F80] =	vst v63  }
0x6f: {  	s9 =	simm.s32 $0x900;
	s8 =	simm.s32 $0x85A0  }
0x70: {  	[tilespmem:s8], [sflag:$0x1] =	stream.indirect.gather [spmem:s2], $0x1, s9, s16, $0xb8;
	[tilespmem:$0x8F80] =	vst v63  }
0x71: {  	s10 =	simm.s32 $0x980;
	s9 =	simm.s32 $0x85F0  }
0x72: {  	[tilespmem:s9], [sflag:$0x1] =	stream.indirect.gather [spmem:s2], $0x1, s10, s16, $0xb8;
	[tilespmem:$0x8F80] =	vst v63  }
0x73: {  	s14 =	simm.s32 $0xA00;
	s10 =	simm.s32 $0x8640  }
0x74: {  	[tilespmem:s10], [sflag:$0x1] =	stream.indirect.gather [spmem:s2], $0x1, s14, s16, $0xb8;
	[tilespmem:$0x8F80] =	vst v63  }
0x75: {  	s29 =	simm.s32 $0xA80;
	s14 =	simm.s32 $0x8690  }
0x76: {  	[tilespmem:s14], [sflag:$0x1] =	stream.indirect.gather [spmem:s2], $0x1, s29, s16, $0xb8;
	[tilespmem:$0x8F80] =	vst v63  }
0x77: {  	s30 =	simm.s32 $0xB00;
	s29 =	simm.s32 $0x86E0  }
0x78: {  	[tilespmem:s29], [sflag:$0x1] =	stream.indirect.gather [spmem:s2], $0x1, s30, s16, $0xb8;
	[tilespmem:$0x8F80] =	vst v63  }
0x79: {  	s31 =	simm.s32 $0xB80;
	s30 =	simm.s32 $0x8730  }
0x7a: {  	[tilespmem:s30], [sflag:$0x1] =	stream.indirect.gather [spmem:s2], $0x1, s31, s16, $0xb8;
	[tilespmem:$0x8F80] =	vst v63  }
0x7b: {  	s12 =	simm.s32 $0xC00;
	s31 =	simm.s32 $0x8780  }
0x7c: {  	[tilespmem:s31], [sflag:$0x1] =	stream.indirect.gather [spmem:s2], $0x1, s12, s16, $0xb8;
	[tilespmem:$0x8F80] =	vst v63  }
0x7d: {  	_ =	swait.ge [sflag:s5], $0x50  }
0x7e: {  	[sflag:s5] =	ssyncset.done $0x0  }
0x7f: {  	[sflag:s5] =	ssyncadd.s32 $0xFFFFFFB0  }
0x80: {  	_ =	swait.ge [sflag:s5], $0x50  }
0x81: {  	[sflag:s5] =	ssyncset.done $0x0  }
0x82: {  	[sflag:s5] =	ssyncadd.s32 $0xFFFFFFB0  }
0x83: {  	_ =	swait.ge [sflag:s5], $0x50  }
0x84: {  	[sflag:s5] =	ssyncset.done $0x0  }
0x85: {  	[sflag:s5] =	ssyncadd.s32 $0xFFFFFFB0  }
0x86: {  	_ =	swait.ge [sflag:s5], $0x50  }
0x87: {  	[sflag:s5] =	ssyncset.done $0x0  }
0x88: {  	[sflag:s5] =	ssyncadd.s32 $0xFFFFFFB0  }
0x89: {  	_ =	swait.ge [sflag:s5], $0x50  }
0x8a: {  	[sflag:s5] =	ssyncset.done $0x0  }
0x8b: {  	[sflag:s5] =	ssyncadd.s32 $0xFFFFFFB0  }
0x8c: {  	_ =	swait.ge [sflag:s5], $0x50  }
0x8d: {  	[sflag:s5] =	ssyncset.done $0x0  }
0x8e: {  	[sflag:s5] =	ssyncadd.s32 $0xFFFFFFB0  }
0x8f: {  	_ =	swait.ge [sflag:s5], $0x50  }
0x90: {  	[sflag:s5] =	ssyncset.done $0x0  }
0x91: {  	[sflag:s5] =	ssyncadd.s32 $0xFFFFFFB0  }
0x92: {  	_ =	swait.ge [sflag:s5], $0x50  }
0x93: {  	[sflag:s5] =	ssyncset.done $0x0  }
0x94: {  	[sflag:s5] =	ssyncadd.s32 $0xFFFFFFB0  }
0x95: {  	_ =	swait.ge [sflag:s5], $0x50  }
0x96: {  	[sflag:s5] =	ssyncset.done $0x0  }
0x97: {  	[sflag:s5] =	ssyncadd.s32 $0xFFFFFFB0  }
0x98: {  	_ =	swait.ge [sflag:s5], $0x50  }
0x99: {  	[sflag:s5] =	ssyncset.done $0x0  }
0x9a: {  	[sflag:s5] =	ssyncadd.s32 $0xFFFFFFB0  }
0x9b: {  	_ =	swait.ge [sflag:s5], $0x50  }
0x9c: {  	[sflag:s5] =	ssyncset.done $0x0  }
0x9d: {  	[sflag:s5] =	ssyncadd.s32 $0xFFFFFFB0  }
0x9e: {  	_ =	swait.ge [sflag:s5], $0x50  }
0x9f: {  	[sflag:s5] =	ssyncset.done $0x0  }
0xa0: {  	[sflag:s5] =	ssyncadd.s32 $0xFFFFFFB0  }
0xa1: {  	_ =	swait.ge [sflag:s5], $0x50  }
0xa2: {  	[sflag:s5] =	ssyncset.done $0x0  }
0xa3: {  	[sflag:s5] =	ssyncadd.s32 $0xFFFFFFB0  }
0xa4: {  	_ =	swait.ge [sflag:s5], $0x50  }
0xa5: {  	[sflag:s5] =	ssyncset.done $0x0  }
0xa6: {  	[sflag:s5] =	ssyncadd.s32 $0xFFFFFFB0  }
0xa7: {  	_ =	swait.ge [sflag:s5], $0x50  }
0xa8: {  	[sflag:s5] =	ssyncset.done $0x0  }
0xa9: {  	[sflag:s5] =	ssyncadd.s32 $0xFFFFFFB0  }
0xaa: {  	_ =	swait.ge [sflag:s5], $0x50  }
0xab: {  	[sflag:s5] =	ssyncset.done $0x0  }
0xac: {  	[sflag:s5] =	ssyncadd.s32 $0xFFFFFFB0  }
0xad: {  	_ =	swait.ge [sflag:s5], $0x50  }
0xae: {  	[sflag:s5] =	ssyncset.done $0x0  }
0xaf: {  	[sflag:s5] =	ssyncadd.s32 $0xFFFFFFB0  }
0xb0: {  	_ =	swait.ge [sflag:s5], $0x50  }
0xb1: {  	[sflag:s5] =	ssyncset.done $0x0  }
0xb2: {  	[sflag:s5] =	ssyncadd.s32 $0xFFFFFFB0  }
0xb3: {  	_ =	swait.ge [sflag:s5], $0x50  }
0xb4: {  	[sflag:s5] =	ssyncset.done $0x0  }
0xb5: {  	[sflag:s5] =	ssyncadd.s32 $0xFFFFFFB0  }
0xb6: {  	_ =	swait.ge [sflag:s5], $0x50  }
0xb7: {  	[sflag:s5] =	ssyncset.done $0x0  }
0xb8: {  	[sflag:s5] =	ssyncadd.s32 $0xFFFFFFB0  }
0xb9: {  	_ =	swait.ge [sflag:s5], $0x50  }
0xba: {  	[sflag:s5] =	ssyncset.done $0x0  }
0xbb: {  	[sflag:s5] =	ssyncadd.s32 $0xFFFFFFB0  }
0xbc: {  	_ =	swait.ge [sflag:s5], $0x50  }
0xbd: {  	[sflag:s5] =	ssyncset.done $0x0  }
0xbe: {  	[sflag:s5] =	ssyncadd.s32 $0xFFFFFFB0  }
0xbf: {  	_ =	swait.ge [sflag:s5], $0x50  }
0xc0: {  	[sflag:s5] =	ssyncset.done $0x0  }
0xc1: {  	[sflag:s5] =	ssyncadd.s32 $0xFFFFFFB0  }
0xc2: {  	_ =	swait.ge [sflag:s5], $0x50  }
0xc3: {  	[sflag:s5] =	ssyncset.done $0x0  }
0xc4: {  	[sflag:s5] =	ssyncadd.s32 $0xFFFFFFB0  }
0xc5: {  	_ =	swait.ge [sflag:s5], $0x50  }
0xc6: {  	[sflag:s5] =	ssyncset.done $0x0  }
0xc7: {  	s12 =	simm.s32 $0x4000;
	[sflag:s5] =	ssyncadd.s32 $0xFFFFFFB0  }
0xc8: {  	[spmem:s1] =	stream.indirect.scatter.add.f32 [tilespmem:s17], [sflag:$0x2], $0x1, s12, s16, $0xb8;
	[tilespmem:$0x8F80] =	vst v63  }
0xc9: {  	s17 =	simm.s32 $0x4080  }
0xca: {  	[spmem:s1] =	stream.indirect.scatter.add.f32 [tilespmem:s18], [sflag:$0x2], $0x1, s17, s16, $0xb8;
	[tilespmem:$0x8F80] =	vst v63  }
0xcb: {  	s18 =	simm.s32 $0x4100  }
0xcc: {  	[spmem:s1] =	stream.indirect.scatter.add.f32 [tilespmem:s19], [sflag:$0x2], $0x1, s18, s16, $0xb8;
	[tilespmem:$0x8F80] =	vst v63  }
0xcd: {  	s19 =	simm.s32 $0x4180  }
0xce: {  	[spmem:s1] =	stream.indirect.scatter.add.f32 [tilespmem:s20], [sflag:$0x2], $0x1, s19, s16, $0xb8;
	[tilespmem:$0x8F80] =	vst v63  }
0xcf: {  	s20 =	simm.s32 $0x4200  }
0xd0: {  	[spmem:s1] =	stream.indirect.scatter.add.f32 [tilespmem:s21], [sflag:$0x2], $0x1, s20, s16, $0xb8;
	[tilespmem:$0x8F80] =	vst v63  }
0xd1: {  	s21 =	simm.s32 $0x4280  }
0xd2: {  	[spmem:s1] =	stream.indirect.scatter.add.f32 [tilespmem:s22], [sflag:$0x2], $0x1, s21, s16, $0xb8;
	[tilespmem:$0x8F80] =	vst v63  }
0xd3: {  	s22 =	simm.s32 $0x4300  }
0xd4: {  	[spmem:s1] =	stream.indirect.scatter.add.f32 [tilespmem:s23], [sflag:$0x2], $0x1, s22, s16, $0xb8;
	[tilespmem:$0x8F80] =	vst v63  }
0xd5: {  	s23 =	simm.s32 $0x4380  }
0xd6: {  	[spmem:s1] =	stream.indirect.scatter.add.f32 [tilespmem:s24], [sflag:$0x2], $0x1, s23, s16, $0xb8;
	[tilespmem:$0x8F80] =	vst v63  }
0xd7: {  	s24 =	simm.s32 $0x4400  }
0xd8: {  	[spmem:s1] =	stream.indirect.scatter.add.f32 [tilespmem:s25], [sflag:$0x2], $0x1, s24, s16, $0xb8;
	[tilespmem:$0x8F80] =	vst v63  }
0xd9: {  	s25 =	simm.s32 $0x4480  }
0xda: {  	[spmem:s1] =	stream.indirect.scatter.add.f32 [tilespmem:s26], [sflag:$0x2], $0x1, s25, s16, $0xb8;
	[tilespmem:$0x8F80] =	vst v63  }
0xdb: {  	s26 =	simm.s32 $0x4500  }
0xdc: {  	[spmem:s1] =	stream.indirect.scatter.add.f32 [tilespmem:s28], [sflag:$0x2], $0x1, s26, s16, $0xb8;
	[tilespmem:$0x8F80] =	vst v63  }
0xdd: {  	s28 =	simm.s32 $0x4580  }
0xde: {  	[spmem:s1] =	stream.indirect.scatter.add.f32 [tilespmem:s0], [sflag:$0x2], $0x1, s28, s16, $0xb8;
	[tilespmem:$0x8F80] =	vst v63  }
0xdf: {  	s17 =	simm.s32 $0x4600  }
0xe0: {  	[spmem:s1] =	stream.indirect.scatter.add.f32 [tilespmem:s3], [sflag:$0x2], $0x1, s17, s16, $0xb8;
	[tilespmem:$0x8F80] =	vst v63  }
0xe1: {  	s18 =	simm.s32 $0x4680  }
0xe2: {  	[spmem:s1] =	stream.indirect.scatter.add.f32 [tilespmem:s11], [sflag:$0x2], $0x1, s18, s16, $0xb8;
	[tilespmem:$0x8F80] =	vst v63  }
0xe3: {  	s19 =	simm.s32 $0x4700  }
0xe4: {  	[spmem:s1] =	stream.indirect.scatter.add.f32 [tilespmem:s15], [sflag:$0x2], $0x1, s19, s16, $0xb8;
	[tilespmem:$0x8F80] =	vst v63  }
0xe5: {  	s20 =	simm.s32 $0x4780  }
0xe6: {  	[spmem:s1] =	stream.indirect.scatter.add.f32 [tilespmem:s4], [sflag:$0x2], $0x1, s20, s16, $0xb8;
	[tilespmem:$0x8F80] =	vst v63  }
0xe7: {  	s21 =	simm.s32 $0x4800  }
0xe8: {  	[spmem:s1] =	stream.indirect.scatter.add.f32 [tilespmem:s6], [sflag:$0x2], $0x1, s21, s16, $0xb8;
	[tilespmem:$0x8F80] =	vst v63  }
0xe9: {  	s22 =	simm.s32 $0x4880  }
0xea: {  	[spmem:s1] =	stream.indirect.scatter.add.f32 [tilespmem:s7], [sflag:$0x2], $0x1, s22, s16, $0xb8;
	[tilespmem:$0x8F80] =	vst v63  }
0xeb: {  	s23 =	simm.s32 $0x4900  }
0xec: {  	[spmem:s1] =	stream.indirect.scatter.add.f32 [tilespmem:s8], [sflag:$0x2], $0x1, s23, s16, $0xb8;
	[tilespmem:$0x8F80] =	vst v63  }
0xed: {  	s24 =	simm.s32 $0x4980  }
0xee: {  	[spmem:s1] =	stream.indirect.scatter.add.f32 [tilespmem:s9], [sflag:$0x2], $0x1, s24, s16, $0xb8;
	[tilespmem:$0x8F80] =	vst v63  }
0xef: {  	s25 =	simm.s32 $0x4A00  }
0xf0: {  	[spmem:s1] =	stream.indirect.scatter.add.f32 [tilespmem:s10], [sflag:$0x2], $0x1, s25, s16, $0xb8;
	[tilespmem:$0x8F80] =	vst v63  }
0xf1: {  	s26 =	simm.s32 $0x4A80  }
0xf2: {  	[spmem:s1] =	stream.indirect.scatter.add.f32 [tilespmem:s14], [sflag:$0x2], $0x1, s26, s16, $0xb8;
	[tilespmem:$0x8F80] =	vst v63  }
0xf3: {  	s28 =	simm.s32 $0x4B00  }
0xf4: {  	[spmem:s1] =	stream.indirect.scatter.add.f32 [tilespmem:s29], [sflag:$0x2], $0x1, s28, s16, $0xb8;
	[tilespmem:$0x8F80] =	vst v63  }
0xf5: {  	s29 =	simm.s32 $0x4B80  }
0xf6: {  	[spmem:s1] =	stream.indirect.scatter.add.f32 [tilespmem:s30], [sflag:$0x2], $0x1, s29, s16, $0xb8;
	[tilespmem:$0x8F80] =	vst v63  }
0xf7: {  	s30 =	simm.s32 $0x4C00  }
0xf8: {  	[spmem:s1] =	stream.indirect.scatter.add.f32 [tilespmem:s31], [sflag:$0x2], $0x1, s30, s16, $0xb8;
	[tilespmem:$0x8F80] =	vst v63  }
0xf9: {  	_ =	swait.ge [sflag:s13], $0x50  }
0xfa: {  	[sflag:s13] =	ssyncset.done $0x0  }
0xfb: {  	[sflag:s13] =	ssyncadd.s32 $0xFFFFFFB0  }
0xfc: {  	_ =	swait.ge [sflag:s13], $0x50  }
0xfd: {  	[sflag:s13] =	ssyncset.done $0x0  }
0xfe: {  	[sflag:s13] =	ssyncadd.s32 $0xFFFFFFB0  }
0xff: {  	_ =	swait.ge [sflag:s13], $0x50  }
0x100: {  	[sflag:s13] =	ssyncset.done $0x0  }
0x101: {  	[sflag:s13] =	ssyncadd.s32 $0xFFFFFFB0  }
0x102: {  	_ =	swait.ge [sflag:s13], $0x50  }
0x103: {  	[sflag:s13] =	ssyncset.done $0x0  }
0x104: {  	[sflag:s13] =	ssyncadd.s32 $0xFFFFFFB0  }
0x105: {  	_ =	swait.ge [sflag:s13], $0x50  }
0x106: {  	[sflag:s13] =	ssyncset.done $0x0  }
0x107: {  	[sflag:s13] =	ssyncadd.s32 $0xFFFFFFB0  }
0x108: {  	_ =	swait.ge [sflag:s13], $0x50  }
0x109: {  	[sflag:s13] =	ssyncset.done $0x0  }
0x10a: {  	[sflag:s13] =	ssyncadd.s32 $0xFFFFFFB0  }
0x10b: {  	_ =	swait.ge [sflag:s13], $0x50  }
0x10c: {  	[sflag:s13] =	ssyncset.done $0x0  }
0x10d: {  	[sflag:s13] =	ssyncadd.s32 $0xFFFFFFB0  }
0x10e: {  	_ =	swait.ge [sflag:s13], $0x50  }
0x10f: {  	[sflag:s13] =	ssyncset.done $0x0  }
0x110: {  	[sflag:s13] =	ssyncadd.s32 $0xFFFFFFB0  }
0x111: {  	_ =	swait.ge [sflag:s13], $0x50  }
0x112: {  	[sflag:s13] =	ssyncset.done $0x0  }
0x113: {  	[sflag:s13] =	ssyncadd.s32 $0xFFFFFFB0  }
0x114: {  	_ =	swait.ge [sflag:s13], $0x50  }
0x115: {  	[sflag:s13] =	ssyncset.done $0x0  }
0x116: {  	[sflag:s13] =	ssyncadd.s32 $0xFFFFFFB0  }
0x117: {  	_ =	swait.ge [sflag:s13], $0x50  }
0x118: {  	[sflag:s13] =	ssyncset.done $0x0  }
0x119: {  	[sflag:s13] =	ssyncadd.s32 $0xFFFFFFB0  }
0x11a: {  	_ =	swait.ge [sflag:s13], $0x50  }
0x11b: {  	[sflag:s13] =	ssyncset.done $0x0  }
0x11c: {  	[sflag:s13] =	ssyncadd.s32 $0xFFFFFFB0  }
0x11d: {  	_ =	swait.ge [sflag:s13], $0x50  }
0x11e: {  	[sflag:s13] =	ssyncset.done $0x0  }
0x11f: {  	[sflag:s13] =	ssyncadd.s32 $0xFFFFFFB0  }
0x120: {  	_ =	swait.ge [sflag:s13], $0x50  }
0x121: {  	[sflag:s13] =	ssyncset.done $0x0  }
0x122: {  	[sflag:s13] =	ssyncadd.s32 $0xFFFFFFB0  }
0x123: {  	_ =	swait.ge [sflag:s13], $0x50  }
0x124: {  	[sflag:s13] =	ssyncset.done $0x0  }
0x125: {  	[sflag:s13] =	ssyncadd.s32 $0xFFFFFFB0  }
0x126: {  	_ =	swait.ge [sflag:s13], $0x50  }
0x127: {  	[sflag:s13] =	ssyncset.done $0x0  }
0x128: {  	[sflag:s13] =	ssyncadd.s32 $0xFFFFFFB0  }
0x129: {  	_ =	swait.ge [sflag:s13], $0x50  }
0x12a: {  	[sflag:s13] =	ssyncset.done $0x0  }
0x12b: {  	[sflag:s13] =	ssyncadd.s32 $0xFFFFFFB0  }
0x12c: {  	_ =	swait.ge [sflag:s13], $0x50  }
0x12d: {  	[sflag:s13] =	ssyncset.done $0x0  }
0x12e: {  	[sflag:s13] =	ssyncadd.s32 $0xFFFFFFB0  }
0x12f: {  	_ =	swait.ge [sflag:s13], $0x50  }
0x130: {  	[sflag:s13] =	ssyncset.done $0x0  }
0x131: {  	[sflag:s13] =	ssyncadd.s32 $0xFFFFFFB0  }
0x132: {  	_ =	swait.ge [sflag:s13], $0x50  }
0x133: {  	[sflag:s13] =	ssyncset.done $0x0  }
0x134: {  	[sflag:s13] =	ssyncadd.s32 $0xFFFFFFB0  }
0x135: {  	_ =	swait.ge [sflag:s13], $0x50  }
0x136: {  	[sflag:s13] =	ssyncset.done $0x0  }
0x137: {  	[sflag:s13] =	ssyncadd.s32 $0xFFFFFFB0  }
0x138: {  	_ =	swait.ge [sflag:s13], $0x50  }
0x139: {  	[sflag:s13] =	ssyncset.done $0x0  }
0x13a: {  	[sflag:s13] =	ssyncadd.s32 $0xFFFFFFB0  }
0x13b: {  	_ =	swait.ge [sflag:s13], $0x50  }
0x13c: {  	[sflag:s13] =	ssyncset.done $0x0  }
0x13d: {  	[sflag:s13] =	ssyncadd.s32 $0xFFFFFFB0  }
0x13e: {  	_ =	swait.ge [sflag:s13], $0x50  }
0x13f: {  	[sflag:s13] =	ssyncset.done $0x0  }
0x140: {  	[sflag:s13] =	ssyncadd.s32 $0xFFFFFFB0  }
0x141: {  	_ =	swait.ge [sflag:s13], $0x50  }
0x142: {  	s12 =	simm.s32 $0x3200;
	s17 =	simm.s32 $0x6400;
	[sflag:s13] =	ssyncset.done $0x0  }
.LBB2_2:
0x143: {  	s18 =	sshra.s32 s12, $0x2  }
0x144: {  	[sflag:s13] =	ssyncadd.s32 $0xFFFFFFB0;
	s0 =	sadd.s32 $0x3200, s17;
	s31 =	simm.s32 $0x8000  }
0x145: {  	[tilespmem:s31], [sflag:$0x1] =	stream.indirect.gather [spmem:s2], $0x1, s18, s16, $0xb8;
	[tilespmem:$0x8F80] =	vst v63  }
0x146: {  	s21 =	simm.s32 $0x8050;
	[dreg:$0x5] =	wrdreg s0;
	s0 =	sadd.s32 $0x80, s18  }
0x147: {  	[tilespmem:s21], [sflag:$0x1] =	stream.indirect.gather [spmem:s2], $0x1, s0, s16, $0xb8;
	[tilespmem:$0x8F80] =	vst v63  }
0x148: {  	s22 =	simm.s32 $0x80A0;
	s3 =	sadd.s32 $0x100, s18  }
0x149: {  	[tilespmem:s22], [sflag:$0x1] =	stream.indirect.gather [spmem:s2], $0x1, s3, s16, $0xb8;
	[tilespmem:$0x8F80] =	vst v63  }
0x14a: {  	s23 =	simm.s32 $0x80F0;
	s4 =	sadd.s32 $0x180, s18  }
0x14b: {  	[tilespmem:s23], [sflag:$0x1] =	stream.indirect.gather [spmem:s2], $0x1, s4, s16, $0xb8;
	[tilespmem:$0x8F80] =	vst v63  }
0x14c: {  	s24 =	simm.s32 $0x8140;
	s6 =	sadd.s32 $0x200, s18  }
0x14d: {  	[tilespmem:s24], [sflag:$0x1] =	stream.indirect.gather [spmem:s2], $0x1, s6, s16, $0xb8;
	[tilespmem:$0x8F80] =	vst v63  }
0x14e: {  	s25 =	simm.s32 $0x8190;
	s7 =	sadd.s32 $0x280, s18  }
0x14f: {  	[tilespmem:s25], [sflag:$0x1] =	stream.indirect.gather [spmem:s2], $0x1, s7, s16, $0xb8;
	[tilespmem:$0x8F80] =	vst v63  }
0x150: {  	s26 =	simm.s32 $0x81E0;
	s8 =	sadd.s32 $0x300, s18  }
0x151: {  	[tilespmem:s26], [sflag:$0x1] =	stream.indirect.gather [spmem:s2], $0x1, s8, s16, $0xb8;
	[tilespmem:$0x8F80] =	vst v63  }
0x152: {  	s28 =	simm.s32 $0x8230;
	s9 =	sadd.s32 $0x380, s18  }
0x153: {  	[tilespmem:s28], [sflag:$0x1] =	stream.indirect.gather [spmem:s2], $0x1, s9, s16, $0xb8;
	[tilespmem:$0x8F80] =	vst v63  }
0x154: {  	s29 =	simm.s32 $0x8280;
	s10 =	sadd.s32 $0x400, s18  }
0x155: {  	[tilespmem:s29], [sflag:$0x1] =	stream.indirect.gather [spmem:s2], $0x1, s10, s16, $0xb8;
	[tilespmem:$0x8F80] =	vst v63  }
0x156: {  	s30 =	simm.s32 $0x82D0;
	s11 =	sadd.s32 $0x480, s18  }
0x157: {  	[tilespmem:s30], [sflag:$0x1] =	stream.indirect.gather [spmem:s2], $0x1, s11, s16, $0xb8;
	[tilespmem:$0x8F80] =	vst v63  }
0x158: {  	s14 =	sadd.s32 $0x500, s18;
	s31 =	simm.s32 $0x8320  }
0x159: {  	[tilespmem:s31], [sflag:$0x1] =	stream.indirect.gather [spmem:s2], $0x1, s14, s16, $0xb8;
	[tilespmem:$0x8F80] =	vst v63  }
0x15a: {  	s19 =	simm.s32 $0x8370;
	s15 =	sadd.s32 $0x580, s18  }
0x15b: {  	[tilespmem:s19], [sflag:$0x1] =	stream.indirect.gather [spmem:s2], $0x1, s15, s16, $0xb8;
	[tilespmem:$0x8F80] =	vst v63  }
0x15c: {  	s20 =	sadd.s32 $0x600, s18;
	s3 =	simm.s32 $0x83C0  }
0x15d: {  	[tilespmem:s3], [sflag:$0x1] =	stream.indirect.gather [spmem:s2], $0x1, s20, s16, $0xb8;
	[tilespmem:$0x8F80] =	vst v63  }
0x15e: {  	s0 =	sadd.s32 $0x680, s18;
	s11 =	simm.s32 $0x8410  }
0x15f: {  	[tilespmem:s11], [sflag:$0x1] =	stream.indirect.gather [spmem:s2], $0x1, s0, s16, $0xb8;
	[tilespmem:$0x8F80] =	vst v63  }
0x160: {  	s4 =	sadd.s32 $0x700, s18;
	s15 =	simm.s32 $0x8460  }
0x161: {  	[tilespmem:s15], [sflag:$0x1] =	stream.indirect.gather [spmem:s2], $0x1, s4, s16, $0xb8;
	[tilespmem:$0x8F80] =	vst v63  }
0x162: {  	s6 =	sadd.s32 $0x780, s18;
	s4 =	simm.s32 $0x84B0  }
0x163: {  	[tilespmem:s4], [sflag:$0x1] =	stream.indirect.gather [spmem:s2], $0x1, s6, s16, $0xb8;
	[tilespmem:$0x8F80] =	vst v63  }
0x164: {  	s7 =	sadd.s32 $0x800, s18;
	s6 =	simm.s32 $0x8500  }
0x165: {  	[tilespmem:s6], [sflag:$0x1] =	stream.indirect.gather [spmem:s2], $0x1, s7, s16, $0xb8;
	[tilespmem:$0x8F80] =	vst v63  }
0x166: {  	s8 =	sadd.s32 $0x880, s18;
	s7 =	simm.s32 $0x8550  }
0x167: {  	[tilespmem:s7], [sflag:$0x1] =	stream.indirect.gather [spmem:s2], $0x1, s8, s16, $0xb8;
	[tilespmem:$0x8F80] =	vst v63  }
0x168: {  	s9 =	sadd.s32 $0x900, s18;
	s8 =	simm.s32 $0x85A0  }
0x169: {  	[tilespmem:s8], [sflag:$0x1] =	stream.indirect.gather [spmem:s2], $0x1, s9, s16, $0xb8;
	[tilespmem:$0x8F80] =	vst v63  }
0x16a: {  	s10 =	sadd.s32 $0x980, s18;
	s9 =	simm.s32 $0x85F0  }
0x16b: {  	[tilespmem:s9], [sflag:$0x1] =	stream.indirect.gather [spmem:s2], $0x1, s10, s16, $0xb8;
	[tilespmem:$0x8F80] =	vst v63  }
0x16c: {  	s14 =	sadd.s32 $0xA00, s18;
	s10 =	simm.s32 $0x8640  }
0x16d: {  	[tilespmem:s10], [sflag:$0x1] =	stream.indirect.gather [spmem:s2], $0x1, s14, s16, $0xb8;
	[tilespmem:$0x8F80] =	vst v63  }
0x16e: {  	s19 =	sadd.s32 $0xA80, s18;
	s14 =	simm.s32 $0x8690  }
0x16f: {  	[tilespmem:s14], [sflag:$0x1] =	stream.indirect.gather [spmem:s2], $0x1, s19, s16, $0xb8;
	[tilespmem:$0x8F80] =	vst v63  }
0x170: {  	s20 =	sadd.s32 $0xB00, s18;
	s19 =	simm.s32 $0x86E0  }
0x171: {  	[tilespmem:s19], [sflag:$0x1] =	stream.indirect.gather [spmem:s2], $0x1, s20, s16, $0xb8;
	[tilespmem:$0x8F80] =	vst v63  }
0x172: {  	s12 =	smov.u32 s17;
	s0 =	sadd.s32 $0xB80, s18;
	s20 =	simm.s32 $0x8730  }
0x173: {  	[tilespmem:s20], [sflag:$0x1] =	stream.indirect.gather [spmem:s2], $0x1, s0, s16, $0xb8;
	[tilespmem:$0x8F80] =	vst v63  }
0x174: {  	p0 =	sne.s32 s17, $0xC800;
	s17 =	sadd.s32 $0xC00, s18;
	s0 =	simm.s32 $0x8780  }
0x175: {  	[tilespmem:s0], [sflag:$0x1] =	stream.indirect.gather [spmem:s2], $0x1, s17, s16, $0xb8;
	[tilespmem:$0x8F80] =	vst v63  }
0x176: {  	_ =	swait.ge [sflag:s5], $0x50  }
0x177: {  	[sflag:s5] =	ssyncset.done $0x0  }
0x178: {  	[sflag:s5] =	ssyncadd.s32 $0xFFFFFFB0  }
0x179: {  	_ =	swait.ge [sflag:s5], $0x50  }
0x17a: {  	[sflag:s5] =	ssyncset.done $0x0  }
0x17b: {  	[sflag:s5] =	ssyncadd.s32 $0xFFFFFFB0  }
0x17c: {  	_ =	swait.ge [sflag:s5], $0x50  }
0x17d: {  	[sflag:s5] =	ssyncset.done $0x0  }
0x17e: {  	[sflag:s5] =	ssyncadd.s32 $0xFFFFFFB0  }
0x17f: {  	_ =	swait.ge [sflag:s5], $0x50  }
0x180: {  	[sflag:s5] =	ssyncset.done $0x0  }
0x181: {  	[sflag:s5] =	ssyncadd.s32 $0xFFFFFFB0  }
0x182: {  	_ =	swait.ge [sflag:s5], $0x50  }
0x183: {  	[sflag:s5] =	ssyncset.done $0x0  }
0x184: {  	[sflag:s5] =	ssyncadd.s32 $0xFFFFFFB0  }
0x185: {  	_ =	swait.ge [sflag:s5], $0x50  }
0x186: {  	[sflag:s5] =	ssyncset.done $0x0  }
0x187: {  	[sflag:s5] =	ssyncadd.s32 $0xFFFFFFB0  }
0x188: {  	_ =	swait.ge [sflag:s5], $0x50  }
0x189: {  	[sflag:s5] =	ssyncset.done $0x0  }
0x18a: {  	[sflag:s5] =	ssyncadd.s32 $0xFFFFFFB0  }
0x18b: {  	_ =	swait.ge [sflag:s5], $0x50  }
0x18c: {  	[sflag:s5] =	ssyncset.done $0x0  }
0x18d: {  	[sflag:s5] =	ssyncadd.s32 $0xFFFFFFB0  }
0x18e: {  	_ =	swait.ge [sflag:s5], $0x50  }
0x18f: {  	[sflag:s5] =	ssyncset.done $0x0  }
0x190: {  	[sflag:s5] =	ssyncadd.s32 $0xFFFFFFB0  }
0x191: {  	_ =	swait.ge [sflag:s5], $0x50  }
0x192: {  	[sflag:s5] =	ssyncset.done $0x0  }
0x193: {  	[sflag:s5] =	ssyncadd.s32 $0xFFFFFFB0  }
0x194: {  	_ =	swait.ge [sflag:s5], $0x50  }
0x195: {  	[sflag:s5] =	ssyncset.done $0x0  }
0x196: {  	[sflag:s5] =	ssyncadd.s32 $0xFFFFFFB0  }
0x197: {  	_ =	swait.ge [sflag:s5], $0x50  }
0x198: {  	[sflag:s5] =	ssyncset.done $0x0  }
0x199: {  	[sflag:s5] =	ssyncadd.s32 $0xFFFFFFB0  }
0x19a: {  	_ =	swait.ge [sflag:s5], $0x50  }
0x19b: {  	[sflag:s5] =	ssyncset.done $0x0  }
0x19c: {  	[sflag:s5] =	ssyncadd.s32 $0xFFFFFFB0  }
0x19d: {  	_ =	swait.ge [sflag:s5], $0x50  }
0x19e: {  	[sflag:s5] =	ssyncset.done $0x0  }
0x19f: {  	[sflag:s5] =	ssyncadd.s32 $0xFFFFFFB0  }
0x1a0: {  	_ =	swait.ge [sflag:s5], $0x50  }
0x1a1: {  	[sflag:s5] =	ssyncset.done $0x0  }
0x1a2: {  	[sflag:s5] =	ssyncadd.s32 $0xFFFFFFB0  }
0x1a3: {  	_ =	swait.ge [sflag:s5], $0x50  }
0x1a4: {  	[sflag:s5] =	ssyncset.done $0x0  }
0x1a5: {  	[sflag:s5] =	ssyncadd.s32 $0xFFFFFFB0  }
0x1a6: {  	_ =	swait.ge [sflag:s5], $0x50  }
0x1a7: {  	[sflag:s5] =	ssyncset.done $0x0  }
0x1a8: {  	[sflag:s5] =	ssyncadd.s32 $0xFFFFFFB0  }
0x1a9: {  	_ =	swait.ge [sflag:s5], $0x50  }
0x1aa: {  	[sflag:s5] =	ssyncset.done $0x0  }
0x1ab: {  	[sflag:s5] =	ssyncadd.s32 $0xFFFFFFB0  }
0x1ac: {  	_ =	swait.ge [sflag:s5], $0x50  }
0x1ad: {  	[sflag:s5] =	ssyncset.done $0x0  }
0x1ae: {  	[sflag:s5] =	ssyncadd.s32 $0xFFFFFFB0  }
0x1af: {  	_ =	swait.ge [sflag:s5], $0x50  }
0x1b0: {  	[sflag:s5] =	ssyncset.done $0x0  }
0x1b1: {  	[sflag:s5] =	ssyncadd.s32 $0xFFFFFFB0  }
0x1b2: {  	_ =	swait.ge [sflag:s5], $0x50  }
0x1b3: {  	[sflag:s5] =	ssyncset.done $0x0  }
0x1b4: {  	[sflag:s5] =	ssyncadd.s32 $0xFFFFFFB0  }
0x1b5: {  	_ =	swait.ge [sflag:s5], $0x50  }
0x1b6: {  	[sflag:s5] =	ssyncset.done $0x0  }
0x1b7: {  	[sflag:s5] =	ssyncadd.s32 $0xFFFFFFB0  }
0x1b8: {  	_ =	swait.ge [sflag:s5], $0x50  }
0x1b9: {  	[sflag:s5] =	ssyncset.done $0x0  }
0x1ba: {  	[sflag:s5] =	ssyncadd.s32 $0xFFFFFFB0  }
0x1bb: {  	_ =	swait.ge [sflag:s5], $0x50  }
0x1bc: {  	[sflag:s5] =	ssyncset.done $0x0  }
0x1bd: {  	[sflag:s5] =	ssyncadd.s32 $0xFFFFFFB0  }
0x1be: {  	_ =	swait.ge [sflag:s5], $0x50  }
0x1bf: {  	[sflag:s5] =	ssyncset.done $0x0  }
0x1c0: {  	s17 =	sadd.s32 $0x4000, s18;
	s0 =	simm.s32 $0x8000;
	[sflag:s5] =	ssyncadd.s32 $0xFFFFFFB0  }
0x1c1: {  	[spmem:s1] =	stream.indirect.scatter.add.f32 [tilespmem:s0], [sflag:$0x2], $0x1, s17, s16, $0xb8;
	[tilespmem:$0x8F80] =	vst v63  }
0x1c2: {  	s0 =	sadd.s32 $0x4080, s18  }
0x1c3: {  	[spmem:s1] =	stream.indirect.scatter.add.f32 [tilespmem:s21], [sflag:$0x2], $0x1, s0, s16, $0xb8;
	[tilespmem:$0x8F80] =	vst v63  }
0x1c4: {  	s0 =	sadd.s32 $0x4100, s18  }
0x1c5: {  	[spmem:s1] =	stream.indirect.scatter.add.f32 [tilespmem:s22], [sflag:$0x2], $0x1, s0, s16, $0xb8;
	[tilespmem:$0x8F80] =	vst v63  }
0x1c6: {  	s21 =	sadd.s32 $0x4180, s18  }
0x1c7: {  	[spmem:s1] =	stream.indirect.scatter.add.f32 [tilespmem:s23], [sflag:$0x2], $0x1, s21, s16, $0xb8;
	[tilespmem:$0x8F80] =	vst v63  }
0x1c8: {  	s22 =	sadd.s32 $0x4200, s18  }
0x1c9: {  	[spmem:s1] =	stream.indirect.scatter.add.f32 [tilespmem:s24], [sflag:$0x2], $0x1, s22, s16, $0xb8;
	[tilespmem:$0x8F80] =	vst v63  }
0x1ca: {  	s23 =	sadd.s32 $0x4280, s18  }
0x1cb: {  	[spmem:s1] =	stream.indirect.scatter.add.f32 [tilespmem:s25], [sflag:$0x2], $0x1, s23, s16, $0xb8;
	[tilespmem:$0x8F80] =	vst v63  }
0x1cc: {  	s24 =	sadd.s32 $0x4300, s18  }
0x1cd: {  	[spmem:s1] =	stream.indirect.scatter.add.f32 [tilespmem:s26], [sflag:$0x2], $0x1, s24, s16, $0xb8;
	[tilespmem:$0x8F80] =	vst v63  }
0x1ce: {  	s25 =	sadd.s32 $0x4380, s18  }
0x1cf: {  	[spmem:s1] =	stream.indirect.scatter.add.f32 [tilespmem:s28], [sflag:$0x2], $0x1, s25, s16, $0xb8;
	[tilespmem:$0x8F80] =	vst v63  }
0x1d0: {  	s26 =	sadd.s32 $0x4400, s18  }
0x1d1: {  	[spmem:s1] =	stream.indirect.scatter.add.f32 [tilespmem:s29], [sflag:$0x2], $0x1, s26, s16, $0xb8;
	[tilespmem:$0x8F80] =	vst v63  }
0x1d2: {  	s28 =	sadd.s32 $0x4480, s18  }
0x1d3: {  	[spmem:s1] =	stream.indirect.scatter.add.f32 [tilespmem:s30], [sflag:$0x2], $0x1, s28, s16, $0xb8;
	[tilespmem:$0x8F80] =	vst v63  }
0x1d4: {  	s29 =	sadd.s32 $0x4500, s18  }
0x1d5: {  	[spmem:s1] =	stream.indirect.scatter.add.f32 [tilespmem:s31], [sflag:$0x2], $0x1, s29, s16, $0xb8;
	[tilespmem:$0x8F80] =	vst v63  }
0x1d6: {  	s30 =	sadd.s32 $0x4580, s18;
	s31 =	simm.s32 $0x8370  }
0x1d7: {  	[spmem:s1] =	stream.indirect.scatter.add.f32 [tilespmem:s31], [sflag:$0x2], $0x1, s30, s16, $0xb8;
	[tilespmem:$0x8F80] =	vst v63  }
0x1d8: {  	s0 =	sadd.s32 $0x4600, s18  }
0x1d9: {  	[spmem:s1] =	stream.indirect.scatter.add.f32 [tilespmem:s3], [sflag:$0x2], $0x1, s0, s16, $0xb8;
	[tilespmem:$0x8F80] =	vst v63  }
0x1da: {  	s3 =	sadd.s32 $0x4680, s18  }
0x1db: {  	[spmem:s1] =	stream.indirect.scatter.add.f32 [tilespmem:s11], [sflag:$0x2], $0x1, s3, s16, $0xb8;
	[tilespmem:$0x8F80] =	vst v63  }
0x1dc: {  	s11 =	sadd.s32 $0x4700, s18  }
0x1dd: {  	[spmem:s1] =	stream.indirect.scatter.add.f32 [tilespmem:s15], [sflag:$0x2], $0x1, s11, s16, $0xb8;
	[tilespmem:$0x8F80] =	vst v63  }
0x1de: {  	s15 =	sadd.s32 $0x4780, s18  }
0x1df: {  	[spmem:s1] =	stream.indirect.scatter.add.f32 [tilespmem:s4], [sflag:$0x2], $0x1, s15, s16, $0xb8;
	[tilespmem:$0x8F80] =	vst v63  }
0x1e0: {  	s21 =	sadd.s32 $0x4800, s18  }
0x1e1: {  	[spmem:s1] =	stream.indirect.scatter.add.f32 [tilespmem:s6], [sflag:$0x2], $0x1, s21, s16, $0xb8;
	[tilespmem:$0x8F80] =	vst v63  }
0x1e2: {  	s22 =	sadd.s32 $0x4880, s18  }
0x1e3: {  	[spmem:s1] =	stream.indirect.scatter.add.f32 [tilespmem:s7], [sflag:$0x2], $0x1, s22, s16, $0xb8;
	[tilespmem:$0x8F80] =	vst v63  }
0x1e4: {  	s23 =	sadd.s32 $0x4900, s18  }
0x1e5: {  	[spmem:s1] =	stream.indirect.scatter.add.f32 [tilespmem:s8], [sflag:$0x2], $0x1, s23, s16, $0xb8;
	[tilespmem:$0x8F80] =	vst v63  }
0x1e6: {  	s24 =	sadd.s32 $0x4980, s18  }
0x1e7: {  	[spmem:s1] =	stream.indirect.scatter.add.f32 [tilespmem:s9], [sflag:$0x2], $0x1, s24, s16, $0xb8;
	[tilespmem:$0x8F80] =	vst v63  }
0x1e8: {  	s25 =	sadd.s32 $0x4A00, s18  }
0x1e9: {  	[spmem:s1] =	stream.indirect.scatter.add.f32 [tilespmem:s10], [sflag:$0x2], $0x1, s25, s16, $0xb8;
	[tilespmem:$0x8F80] =	vst v63  }
0x1ea: {  	s26 =	sadd.s32 $0x4A80, s18  }
0x1eb: {  	[spmem:s1] =	stream.indirect.scatter.add.f32 [tilespmem:s14], [sflag:$0x2], $0x1, s26, s16, $0xb8;
	[tilespmem:$0x8F80] =	vst v63  }
0x1ec: {  	s28 =	sadd.s32 $0x4B00, s18  }
0x1ed: {  	[spmem:s1] =	stream.indirect.scatter.add.f32 [tilespmem:s19], [sflag:$0x2], $0x1, s28, s16, $0xb8;
	[tilespmem:$0x8F80] =	vst v63  }
0x1ee: {  	s29 =	sadd.s32 $0x4B80, s18  }
0x1ef: {  	[spmem:s1] =	stream.indirect.scatter.add.f32 [tilespmem:s20], [sflag:$0x2], $0x1, s29, s16, $0xb8;
	[tilespmem:$0x8F80] =	vst v63  }
0x1f0: {  	s30 =	sadd.s32 $0x4C00, s18;
	s31 =	simm.s32 $0x8780  }
0x1f1: {  	[spmem:s1] =	stream.indirect.scatter.add.f32 [tilespmem:s31], [sflag:$0x2], $0x1, s30, s16, $0xb8;
	[tilespmem:$0x8F80] =	vst v63  }
0x1f2: {  	_ =	swait.ge [sflag:s13], $0x50  }
0x1f3: {  	[sflag:s13] =	ssyncset.done $0x0  }
0x1f4: {  	[sflag:s13] =	ssyncadd.s32 $0xFFFFFFB0  }
0x1f5: {  	_ =	swait.ge [sflag:s13], $0x50  }
0x1f6: {  	[sflag:s13] =	ssyncset.done $0x0  }
0x1f7: {  	[sflag:s13] =	ssyncadd.s32 $0xFFFFFFB0  }
0x1f8: {  	_ =	swait.ge [sflag:s13], $0x50  }
0x1f9: {  	[sflag:s13] =	ssyncset.done $0x0  }
0x1fa: {  	[sflag:s13] =	ssyncadd.s32 $0xFFFFFFB0  }
0x1fb: {  	_ =	swait.ge [sflag:s13], $0x50  }
0x1fc: {  	[sflag:s13] =	ssyncset.done $0x0  }
0x1fd: {  	[sflag:s13] =	ssyncadd.s32 $0xFFFFFFB0  }
0x1fe: {  	_ =	swait.ge [sflag:s13], $0x50  }
0x1ff: {  	[sflag:s13] =	ssyncset.done $0x0  }
0x200: {  	[sflag:s13] =	ssyncadd.s32 $0xFFFFFFB0  }
0x201: {  	_ =	swait.ge [sflag:s13], $0x50  }
0x202: {  	[sflag:s13] =	ssyncset.done $0x0  }
0x203: {  	[sflag:s13] =	ssyncadd.s32 $0xFFFFFFB0  }
0x204: {  	_ =	swait.ge [sflag:s13], $0x50  }
0x205: {  	[sflag:s13] =	ssyncset.done $0x0  }
0x206: {  	[sflag:s13] =	ssyncadd.s32 $0xFFFFFFB0  }
0x207: {  	_ =	swait.ge [sflag:s13], $0x50  }
0x208: {  	[sflag:s13] =	ssyncset.done $0x0  }
0x209: {  	[sflag:s13] =	ssyncadd.s32 $0xFFFFFFB0  }
0x20a: {  	_ =	swait.ge [sflag:s13], $0x50  }
0x20b: {  	[sflag:s13] =	ssyncset.done $0x0  }
0x20c: {  	[sflag:s13] =	ssyncadd.s32 $0xFFFFFFB0  }
0x20d: {  	_ =	swait.ge [sflag:s13], $0x50  }
0x20e: {  	[sflag:s13] =	ssyncset.done $0x0  }
0x20f: {  	[sflag:s13] =	ssyncadd.s32 $0xFFFFFFB0  }
0x210: {  	_ =	swait.ge [sflag:s13], $0x50  }
0x211: {  	[sflag:s13] =	ssyncset.done $0x0  }
0x212: {  	[sflag:s13] =	ssyncadd.s32 $0xFFFFFFB0  }
0x213: {  	_ =	swait.ge [sflag:s13], $0x50  }
0x214: {  	[sflag:s13] =	ssyncset.done $0x0  }
0x215: {  	[sflag:s13] =	ssyncadd.s32 $0xFFFFFFB0  }
0x216: {  	_ =	swait.ge [sflag:s13], $0x50  }
0x217: {  	[sflag:s13] =	ssyncset.done $0x0  }
0x218: {  	[sflag:s13] =	ssyncadd.s32 $0xFFFFFFB0  }
0x219: {  	_ =	swait.ge [sflag:s13], $0x50  }
0x21a: {  	[sflag:s13] =	ssyncset.done $0x0  }
0x21b: {  	[sflag:s13] =	ssyncadd.s32 $0xFFFFFFB0  }
0x21c: {  	_ =	swait.ge [sflag:s13], $0x50  }
0x21d: {  	[sflag:s13] =	ssyncset.done $0x0  }
0x21e: {  	[sflag:s13] =	ssyncadd.s32 $0xFFFFFFB0  }
0x21f: {  	_ =	swait.ge [sflag:s13], $0x50  }
0x220: {  	[sflag:s13] =	ssyncset.done $0x0  }
0x221: {  	[sflag:s13] =	ssyncadd.s32 $0xFFFFFFB0  }
0x222: {  	_ =	swait.ge [sflag:s13], $0x50  }
0x223: {  	[sflag:s13] =	ssyncset.done $0x0  }
0x224: {  	[sflag:s13] =	ssyncadd.s32 $0xFFFFFFB0  }
0x225: {  	_ =	swait.ge [sflag:s13], $0x50  }
0x226: {  	[sflag:s13] =	ssyncset.done $0x0  }
0x227: {  	[sflag:s13] =	ssyncadd.s32 $0xFFFFFFB0  }
0x228: {  	_ =	swait.ge [sflag:s13], $0x50  }
0x229: {  	[sflag:s13] =	ssyncset.done $0x0  }
0x22a: {  	[sflag:s13] =	ssyncadd.s32 $0xFFFFFFB0  }
0x22b: {  	_ =	swait.ge [sflag:s13], $0x50  }
0x22c: {  	[sflag:s13] =	ssyncset.done $0x0  }
0x22d: {  	[sflag:s13] =	ssyncadd.s32 $0xFFFFFFB0  }
0x22e: {  	_ =	swait.ge [sflag:s13], $0x50  }
0x22f: {  	[sflag:s13] =	ssyncset.done $0x0  }
0x230: {  	[sflag:s13] =	ssyncadd.s32 $0xFFFFFFB0  }
0x231: {  	_ =	swait.ge [sflag:s13], $0x50  }
0x232: {  	[sflag:s13] =	ssyncset.done $0x0  }
0x233: {  	[sflag:s13] =	ssyncadd.s32 $0xFFFFFFB0  }
0x234: {  	_ =	swait.ge [sflag:s13], $0x50  }
0x235: {  	[sflag:s13] =	ssyncset.done $0x0  }
0x236: {  	[sflag:s13] =	ssyncadd.s32 $0xFFFFFFB0  }
.Ltmp0:
0x237: {  	_ =	swait.ge [sflag:s13], $0x50;
	(pc) =	sbr.rel @p0 .LBB2_2-.Ltmp0, $4  }
0x238: {  	[sflag:s13] =	ssyncset.done $0x0  }
0x239: {  	[sflag:s13] =	ssyncadd.s32 $0xFFFFFFB0  }
0x23a: {  	_ =	swait.ge [sflag:s13], $0x50  }
0x23b: {  	[sflag:s13] =	ssyncset.done $0x0;
	s17 =	rddreg [dreg:$0x5]  }
0x23c: {  	s12 =	sshra.s32 s12, $0x2;
	[sflag:s13] =	ssyncadd.s32 $0xFFFFFFB0;
	s18 =	simm.s32 $0x8000  }
0x23d: {  	[tilespmem:s18], [sflag:$0x1] =	stream.indirect.gather [spmem:s2], $0x1, s12, s16, $0xb8;
	[tilespmem:$0x8F80] =	vst v63  }
0x23e: {  	s19 =	simm.s32 $0x8050;
	s17 =	sadd.s32 $0x80, s12  }
0x23f: {  	[tilespmem:s19], [sflag:$0x1] =	stream.indirect.gather [spmem:s2], $0x1, s17, s16, $0xb8;
	[tilespmem:$0x8F80] =	vst v63  }
0x240: {  	s20 =	simm.s32 $0x80A0;
	s4 =	sadd.s32 $0x100, s12  }
0x241: {  	[tilespmem:s20], [sflag:$0x1] =	stream.indirect.gather [spmem:s2], $0x1, s4, s16, $0xb8;
	[tilespmem:$0x8F80] =	vst v63  }
0x242: {  	s21 =	simm.s32 $0x80F0;
	s6 =	sadd.s32 $0x180, s12  }
0x243: {  	[tilespmem:s21], [sflag:$0x1] =	stream.indirect.gather [spmem:s2], $0x1, s6, s16, $0xb8;
	[tilespmem:$0x8F80] =	vst v63  }
0x244: {  	s22 =	simm.s32 $0x8140;
	s7 =	sadd.s32 $0x200, s12  }
0x245: {  	[tilespmem:s22], [sflag:$0x1] =	stream.indirect.gather [spmem:s2], $0x1, s7, s16, $0xb8;
	[tilespmem:$0x8F80] =	vst v63  }
0x246: {  	s23 =	simm.s32 $0x8190;
	s8 =	sadd.s32 $0x280, s12  }
0x247: {  	[tilespmem:s23], [sflag:$0x1] =	stream.indirect.gather [spmem:s2], $0x1, s8, s16, $0xb8;
	[tilespmem:$0x8F80] =	vst v63  }
0x248: {  	s24 =	simm.s32 $0x81E0;
	s9 =	sadd.s32 $0x300, s12  }
0x249: {  	[tilespmem:s24], [sflag:$0x1] =	stream.indirect.gather [spmem:s2], $0x1, s9, s16, $0xb8;
	[tilespmem:$0x8F80] =	vst v63  }
0x24a: {  	s25 =	simm.s32 $0x8230;
	s10 =	sadd.s32 $0x380, s12  }
0x24b: {  	[tilespmem:s25], [sflag:$0x1] =	stream.indirect.gather [spmem:s2], $0x1, s10, s16, $0xb8;
	[tilespmem:$0x8F80] =	vst v63  }
0x24c: {  	s26 =	simm.s32 $0x8280;
	s11 =	sadd.s32 $0x400, s12  }
0x24d: {  	[tilespmem:s26], [sflag:$0x1] =	stream.indirect.gather [spmem:s2], $0x1, s11, s16, $0xb8;
	[tilespmem:$0x8F80] =	vst v63  }
0x24e: {  	s28 =	simm.s32 $0x82D0;
	s14 =	sadd.s32 $0x480, s12  }
0x24f: {  	[tilespmem:s28], [sflag:$0x1] =	stream.indirect.gather [spmem:s2], $0x1, s14, s16, $0xb8;
	[tilespmem:$0x8F80] =	vst v63  }
0x250: {  	s29 =	simm.s32 $0x8320;
	s15 =	sadd.s32 $0x500, s12  }
0x251: {  	[tilespmem:s29], [sflag:$0x1] =	stream.indirect.gather [spmem:s2], $0x1, s15, s16, $0xb8;
	[tilespmem:$0x8F80] =	vst v63  }
0x252: {  	s0 =	simm.s32 $0x8370;
	s30 =	sadd.s32 $0x580, s12  }
0x253: {  	[tilespmem:s0], [sflag:$0x1] =	stream.indirect.gather [spmem:s2], $0x1, s30, s16, $0xb8;
	[tilespmem:$0x8F80] =	vst v63  }
0x254: {  	s3 =	simm.s32 $0x83C0;
	s31 =	sadd.s32 $0x600, s12  }
0x255: {  	[tilespmem:s3], [sflag:$0x1] =	stream.indirect.gather [spmem:s2], $0x1, s31, s16, $0xb8;
	[tilespmem:$0x8F80] =	vst v63  }
0x256: {  	s11 =	simm.s32 $0x8410;
	s0 =	sadd.s32 $0x680, s12  }
0x257: {  	[tilespmem:s11], [sflag:$0x1] =	stream.indirect.gather [spmem:s2], $0x1, s0, s16, $0xb8;
	[tilespmem:$0x8F80] =	vst v63  }
0x258: {  	s4 =	sadd.s32 $0x700, s12;
	s15 =	simm.s32 $0x8460  }
0x259: {  	[tilespmem:s15], [sflag:$0x1] =	stream.indirect.gather [spmem:s2], $0x1, s4, s16, $0xb8;
	[tilespmem:$0x8F80] =	vst v63  }
0x25a: {  	s6 =	sadd.s32 $0x780, s12;
	s4 =	simm.s32 $0x84B0  }
0x25b: {  	[tilespmem:s4], [sflag:$0x1] =	stream.indirect.gather [spmem:s2], $0x1, s6, s16, $0xb8;
	[tilespmem:$0x8F80] =	vst v63  }
0x25c: {  	s7 =	sadd.s32 $0x800, s12;
	s6 =	simm.s32 $0x8500  }
0x25d: {  	[tilespmem:s6], [sflag:$0x1] =	stream.indirect.gather [spmem:s2], $0x1, s7, s16, $0xb8;
	[tilespmem:$0x8F80] =	vst v63  }
0x25e: {  	s8 =	sadd.s32 $0x880, s12;
	s7 =	simm.s32 $0x8550  }
0x25f: {  	[tilespmem:s7], [sflag:$0x1] =	stream.indirect.gather [spmem:s2], $0x1, s8, s16, $0xb8;
	[tilespmem:$0x8F80] =	vst v63  }
0x260: {  	s9 =	sadd.s32 $0x900, s12;
	s8 =	simm.s32 $0x85A0  }
0x261: {  	[tilespmem:s8], [sflag:$0x1] =	stream.indirect.gather [spmem:s2], $0x1, s9, s16, $0xb8;
	[tilespmem:$0x8F80] =	vst v63  }
0x262: {  	s10 =	sadd.s32 $0x980, s12;
	s9 =	simm.s32 $0x85F0  }
0x263: {  	[tilespmem:s9], [sflag:$0x1] =	stream.indirect.gather [spmem:s2], $0x1, s10, s16, $0xb8;
	[tilespmem:$0x8F80] =	vst v63  }
0x264: {  	s14 =	sadd.s32 $0xA00, s12;
	s10 =	simm.s32 $0x8640  }
0x265: {  	[tilespmem:s10], [sflag:$0x1] =	stream.indirect.gather [spmem:s2], $0x1, s14, s16, $0xb8;
	[tilespmem:$0x8F80] =	vst v63  }
0x266: {  	s30 =	sadd.s32 $0xA80, s12;
	s14 =	simm.s32 $0x8690  }
0x267: {  	[tilespmem:s14], [sflag:$0x1] =	stream.indirect.gather [spmem:s2], $0x1, s30, s16, $0xb8;
	[tilespmem:$0x8F80] =	vst v63  }
0x268: {  	s31 =	sadd.s32 $0xB00, s12;
	s30 =	simm.s32 $0x86E0  }
0x269: {  	[tilespmem:s30], [sflag:$0x1] =	stream.indirect.gather [spmem:s2], $0x1, s31, s16, $0xb8;
	[tilespmem:$0x8F80] =	vst v63  }
0x26a: {  	s0 =	sadd.s32 $0xB80, s12;
	s31 =	simm.s32 $0x8730  }
0x26b: {  	[tilespmem:s31], [sflag:$0x1] =	stream.indirect.gather [spmem:s2], $0x1, s0, s16, $0xb8;
	[tilespmem:$0x8F80] =	vst v63  }
0x26c: {  	s17 =	sadd.s32 $0xC00, s12;
	s0 =	simm.s32 $0x8780  }
0x26d: {  	[tilespmem:s0], [sflag:$0x1] =	stream.indirect.gather [spmem:s2], $0x1, s17, s16, $0xb8;
	[tilespmem:$0x8F80] =	vst v63  }
0x26e: {  	_ =	swait.ge [sflag:s5], $0x50  }
0x26f: {  	[sflag:s5] =	ssyncset.done $0x0  }
0x270: {  	[sflag:s5] =	ssyncadd.s32 $0xFFFFFFB0  }
0x271: {  	_ =	swait.ge [sflag:s5], $0x50  }
0x272: {  	[sflag:s5] =	ssyncset.done $0x0  }
0x273: {  	[sflag:s5] =	ssyncadd.s32 $0xFFFFFFB0  }
0x274: {  	_ =	swait.ge [sflag:s5], $0x50  }
0x275: {  	[sflag:s5] =	ssyncset.done $0x0  }
0x276: {  	[sflag:s5] =	ssyncadd.s32 $0xFFFFFFB0  }
0x277: {  	_ =	swait.ge [sflag:s5], $0x50  }
0x278: {  	[sflag:s5] =	ssyncset.done $0x0  }
0x279: {  	[sflag:s5] =	ssyncadd.s32 $0xFFFFFFB0  }
0x27a: {  	_ =	swait.ge [sflag:s5], $0x50  }
0x27b: {  	[sflag:s5] =	ssyncset.done $0x0  }
0x27c: {  	[sflag:s5] =	ssyncadd.s32 $0xFFFFFFB0  }
0x27d: {  	_ =	swait.ge [sflag:s5], $0x50  }
0x27e: {  	[sflag:s5] =	ssyncset.done $0x0  }
0x27f: {  	[sflag:s5] =	ssyncadd.s32 $0xFFFFFFB0  }
0x280: {  	_ =	swait.ge [sflag:s5], $0x50  }
0x281: {  	[sflag:s5] =	ssyncset.done $0x0  }
0x282: {  	[sflag:s5] =	ssyncadd.s32 $0xFFFFFFB0  }
0x283: {  	_ =	swait.ge [sflag:s5], $0x50  }
0x284: {  	[sflag:s5] =	ssyncset.done $0x0  }
0x285: {  	[sflag:s5] =	ssyncadd.s32 $0xFFFFFFB0  }
0x286: {  	_ =	swait.ge [sflag:s5], $0x50  }
0x287: {  	[sflag:s5] =	ssyncset.done $0x0  }
0x288: {  	[sflag:s5] =	ssyncadd.s32 $0xFFFFFFB0  }
0x289: {  	_ =	swait.ge [sflag:s5], $0x50  }
0x28a: {  	[sflag:s5] =	ssyncset.done $0x0  }
0x28b: {  	[sflag:s5] =	ssyncadd.s32 $0xFFFFFFB0  }
0x28c: {  	_ =	swait.ge [sflag:s5], $0x50  }
0x28d: {  	[sflag:s5] =	ssyncset.done $0x0  }
0x28e: {  	[sflag:s5] =	ssyncadd.s32 $0xFFFFFFB0  }
0x28f: {  	_ =	swait.ge [sflag:s5], $0x50  }
0x290: {  	[sflag:s5] =	ssyncset.done $0x0  }
0x291: {  	[sflag:s5] =	ssyncadd.s32 $0xFFFFFFB0  }
0x292: {  	_ =	swait.ge [sflag:s5], $0x50  }
0x293: {  	[sflag:s5] =	ssyncset.done $0x0  }
0x294: {  	[sflag:s5] =	ssyncadd.s32 $0xFFFFFFB0  }
0x295: {  	_ =	swait.ge [sflag:s5], $0x50  }
0x296: {  	[sflag:s5] =	ssyncset.done $0x0  }
0x297: {  	[sflag:s5] =	ssyncadd.s32 $0xFFFFFFB0  }
0x298: {  	_ =	swait.ge [sflag:s5], $0x50  }
0x299: {  	[sflag:s5] =	ssyncset.done $0x0  }
0x29a: {  	[sflag:s5] =	ssyncadd.s32 $0xFFFFFFB0  }
0x29b: {  	_ =	swait.ge [sflag:s5], $0x50  }
0x29c: {  	[sflag:s5] =	ssyncset.done $0x0  }
0x29d: {  	[sflag:s5] =	ssyncadd.s32 $0xFFFFFFB0  }
0x29e: {  	_ =	swait.ge [sflag:s5], $0x50  }
0x29f: {  	[sflag:s5] =	ssyncset.done $0x0  }
0x2a0: {  	[sflag:s5] =	ssyncadd.s32 $0xFFFFFFB0  }
0x2a1: {  	_ =	swait.ge [sflag:s5], $0x50  }
0x2a2: {  	[sflag:s5] =	ssyncset.done $0x0  }
0x2a3: {  	[sflag:s5] =	ssyncadd.s32 $0xFFFFFFB0  }
0x2a4: {  	_ =	swait.ge [sflag:s5], $0x50  }
0x2a5: {  	[sflag:s5] =	ssyncset.done $0x0  }
0x2a6: {  	[sflag:s5] =	ssyncadd.s32 $0xFFFFFFB0  }
0x2a7: {  	_ =	swait.ge [sflag:s5], $0x50  }
0x2a8: {  	[sflag:s5] =	ssyncset.done $0x0  }
0x2a9: {  	[sflag:s5] =	ssyncadd.s32 $0xFFFFFFB0  }
0x2aa: {  	_ =	swait.ge [sflag:s5], $0x50  }
0x2ab: {  	[sflag:s5] =	ssyncset.done $0x0  }
0x2ac: {  	[sflag:s5] =	ssyncadd.s32 $0xFFFFFFB0  }
0x2ad: {  	_ =	swait.ge [sflag:s5], $0x50  }
0x2ae: {  	[sflag:s5] =	ssyncset.done $0x0  }
0x2af: {  	[sflag:s5] =	ssyncadd.s32 $0xFFFFFFB0  }
0x2b0: {  	_ =	swait.ge [sflag:s5], $0x50  }
0x2b1: {  	[sflag:s5] =	ssyncset.done $0x0  }
0x2b2: {  	[sflag:s5] =	ssyncadd.s32 $0xFFFFFFB0  }
0x2b3: {  	_ =	swait.ge [sflag:s5], $0x50  }
0x2b4: {  	[sflag:s5] =	ssyncset.done $0x0  }
0x2b5: {  	[sflag:s5] =	ssyncadd.s32 $0xFFFFFFB0  }
0x2b6: {  	_ =	swait.ge [sflag:s5], $0x50  }
0x2b7: {  	[sflag:s5] =	ssyncset.done $0x0  }
0x2b8: {  	s17 =	sadd.s32 $0x4000, s12;
	[sflag:s5] =	ssyncadd.s32 $0xFFFFFFB0  }
0x2b9: {  	[spmem:s1] =	stream.indirect.scatter.add.f32 [tilespmem:s18], [sflag:$0x2], $0x1, s17, s16, $0xb8;
	[tilespmem:$0x8F80] =	vst v63  }
0x2ba: {  	s18 =	sadd.s32 $0x4080, s12  }
0x2bb: {  	[spmem:s1] =	stream.indirect.scatter.add.f32 [tilespmem:s19], [sflag:$0x2], $0x1, s18, s16, $0xb8;
	[tilespmem:$0x8F80] =	vst v63  }
0x2bc: {  	s19 =	sadd.s32 $0x4100, s12  }
0x2bd: {  	[spmem:s1] =	stream.indirect.scatter.add.f32 [tilespmem:s20], [sflag:$0x2], $0x1, s19, s16, $0xb8;
	[tilespmem:$0x8F80] =	vst v63  }
0x2be: {  	s20 =	sadd.s32 $0x4180, s12  }
0x2bf: {  	[spmem:s1] =	stream.indirect.scatter.add.f32 [tilespmem:s21], [sflag:$0x2], $0x1, s20, s16, $0xb8;
	[tilespmem:$0x8F80] =	vst v63  }
0x2c0: {  	s18 =	sadd.s32 $0x4200, s12  }
0x2c1: {  	[spmem:s1] =	stream.indirect.scatter.add.f32 [tilespmem:s22], [sflag:$0x2], $0x1, s18, s16, $0xb8;
	[tilespmem:$0x8F80] =	vst v63  }
0x2c2: {  	s19 =	sadd.s32 $0x4280, s12  }
0x2c3: {  	[spmem:s1] =	stream.indirect.scatter.add.f32 [tilespmem:s23], [sflag:$0x2], $0x1, s19, s16, $0xb8;
	[tilespmem:$0x8F80] =	vst v63  }
0x2c4: {  	s20 =	sadd.s32 $0x4300, s12  }
0x2c5: {  	[spmem:s1] =	stream.indirect.scatter.add.f32 [tilespmem:s24], [sflag:$0x2], $0x1, s20, s16, $0xb8;
	[tilespmem:$0x8F80] =	vst v63  }
0x2c6: {  	s21 =	sadd.s32 $0x4380, s12  }
0x2c7: {  	[spmem:s1] =	stream.indirect.scatter.add.f32 [tilespmem:s25], [sflag:$0x2], $0x1, s21, s16, $0xb8;
	[tilespmem:$0x8F80] =	vst v63  }
0x2c8: {  	s22 =	sadd.s32 $0x4400, s12  }
0x2c9: {  	[spmem:s1] =	stream.indirect.scatter.add.f32 [tilespmem:s26], [sflag:$0x2], $0x1, s22, s16, $0xb8;
	[tilespmem:$0x8F80] =	vst v63  }
0x2ca: {  	s23 =	sadd.s32 $0x4480, s12  }
0x2cb: {  	[spmem:s1] =	stream.indirect.scatter.add.f32 [tilespmem:s28], [sflag:$0x2], $0x1, s23, s16, $0xb8;
	[tilespmem:$0x8F80] =	vst v63  }
0x2cc: {  	s24 =	sadd.s32 $0x4500, s12  }
0x2cd: {  	[spmem:s1] =	stream.indirect.scatter.add.f32 [tilespmem:s29], [sflag:$0x2], $0x1, s24, s16, $0xb8;
	[tilespmem:$0x8F80] =	vst v63  }
0x2ce: {  	s25 =	sadd.s32 $0x4580, s12;
	s26 =	simm.s32 $0x8370  }
0x2cf: {  	[spmem:s1] =	stream.indirect.scatter.add.f32 [tilespmem:s26], [sflag:$0x2], $0x1, s25, s16, $0xb8;
	[tilespmem:$0x8F80] =	vst v63  }
0x2d0: {  	s28 =	sadd.s32 $0x4600, s12  }
0x2d1: {  	[spmem:s1] =	stream.indirect.scatter.add.f32 [tilespmem:s3], [sflag:$0x2], $0x1, s28, s16, $0xb8;
	[tilespmem:$0x8F80] =	vst v63  }
0x2d2: {  	s29 =	sadd.s32 $0x4680, s12  }
0x2d3: {  	[spmem:s1] =	stream.indirect.scatter.add.f32 [tilespmem:s11], [sflag:$0x2], $0x1, s29, s16, $0xb8;
	[tilespmem:$0x8F80] =	vst v63  }
0x2d4: {  	s3 =	sadd.s32 $0x4700, s12  }
0x2d5: {  	[spmem:s1] =	stream.indirect.scatter.add.f32 [tilespmem:s15], [sflag:$0x2], $0x1, s3, s16, $0xb8;
	[tilespmem:$0x8F80] =	vst v63  }
0x2d6: {  	s11 =	sadd.s32 $0x4780, s12  }
0x2d7: {  	[spmem:s1] =	stream.indirect.scatter.add.f32 [tilespmem:s4], [sflag:$0x2], $0x1, s11, s16, $0xb8;
	[tilespmem:$0x8F80] =	vst v63  }
0x2d8: {  	s15 =	sadd.s32 $0x4800, s12  }
0x2d9: {  	[spmem:s1] =	stream.indirect.scatter.add.f32 [tilespmem:s6], [sflag:$0x2], $0x1, s15, s16, $0xb8;
	[tilespmem:$0x8F80] =	vst v63  }
0x2da: {  	s18 =	sadd.s32 $0x4880, s12  }
0x2db: {  	[spmem:s1] =	stream.indirect.scatter.add.f32 [tilespmem:s7], [sflag:$0x2], $0x1, s18, s16, $0xb8;
	[tilespmem:$0x8F80] =	vst v63  }
0x2dc: {  	s19 =	sadd.s32 $0x4900, s12  }
0x2dd: {  	[spmem:s1] =	stream.indirect.scatter.add.f32 [tilespmem:s8], [sflag:$0x2], $0x1, s19, s16, $0xb8;
	[tilespmem:$0x8F80] =	vst v63  }
0x2de: {  	s20 =	sadd.s32 $0x4980, s12  }
0x2df: {  	[spmem:s1] =	stream.indirect.scatter.add.f32 [tilespmem:s9], [sflag:$0x2], $0x1, s20, s16, $0xb8;
	[tilespmem:$0x8F80] =	vst v63  }
0x2e0: {  	s21 =	sadd.s32 $0x4A00, s12  }
0x2e1: {  	[spmem:s1] =	stream.indirect.scatter.add.f32 [tilespmem:s10], [sflag:$0x2], $0x1, s21, s16, $0xb8;
	[tilespmem:$0x8F80] =	vst v63  }
0x2e2: {  	s22 =	sadd.s32 $0x4A80, s12  }
0x2e3: {  	[spmem:s1] =	stream.indirect.scatter.add.f32 [tilespmem:s14], [sflag:$0x2], $0x1, s22, s16, $0xb8;
	[tilespmem:$0x8F80] =	vst v63  }
0x2e4: {  	s23 =	sadd.s32 $0x4B00, s12  }
0x2e5: {  	[spmem:s1] =	stream.indirect.scatter.add.f32 [tilespmem:s30], [sflag:$0x2], $0x1, s23, s16, $0xb8;
	[tilespmem:$0x8F80] =	vst v63  }
0x2e6: {  	s24 =	sadd.s32 $0x4B80, s12  }
0x2e7: {  	[spmem:s1] =	stream.indirect.scatter.add.f32 [tilespmem:s31], [sflag:$0x2], $0x1, s24, s16, $0xb8;
	[tilespmem:$0x8F80] =	vst v63  }
0x2e8: {  	s0 =	simm.s32 $0x8780;
	s12 =	sadd.s32 $0x4C00, s12  }
0x2e9: {  	[spmem:s1] =	stream.indirect.scatter.add.f32 [tilespmem:s0], [sflag:$0x2], $0x1, s12, s16, $0xb8;
	[tilespmem:$0x8F80] =	vst v63  }
0x2ea: {  	_ =	swait.ge [sflag:s13], $0x50  }
0x2eb: {  	[sflag:s13] =	ssyncset.done $0x0  }
0x2ec: {  	[sflag:s13] =	ssyncadd.s32 $0xFFFFFFB0  }
0x2ed: {  	_ =	swait.ge [sflag:s13], $0x50  }
0x2ee: {  	[sflag:s13] =	ssyncset.done $0x0  }
0x2ef: {  	[sflag:s13] =	ssyncadd.s32 $0xFFFFFFB0  }
0x2f0: {  	_ =	swait.ge [sflag:s13], $0x50  }
0x2f1: {  	[sflag:s13] =	ssyncset.done $0x0  }
0x2f2: {  	[sflag:s13] =	ssyncadd.s32 $0xFFFFFFB0  }
0x2f3: {  	_ =	swait.ge [sflag:s13], $0x50  }
0x2f4: {  	[sflag:s13] =	ssyncset.done $0x0  }
0x2f5: {  	[sflag:s13] =	ssyncadd.s32 $0xFFFFFFB0  }
0x2f6: {  	_ =	swait.ge [sflag:s13], $0x50  }
0x2f7: {  	[sflag:s13] =	ssyncset.done $0x0  }
0x2f8: {  	[sflag:s13] =	ssyncadd.s32 $0xFFFFFFB0  }
0x2f9: {  	_ =	swait.ge [sflag:s13], $0x50  }
0x2fa: {  	[sflag:s13] =	ssyncset.done $0x0  }
0x2fb: {  	[sflag:s13] =	ssyncadd.s32 $0xFFFFFFB0  }
0x2fc: {  	_ =	swait.ge [sflag:s13], $0x50  }
0x2fd: {  	[sflag:s13] =	ssyncset.done $0x0  }
0x2fe: {  	[sflag:s13] =	ssyncadd.s32 $0xFFFFFFB0  }
0x2ff: {  	_ =	swait.ge [sflag:s13], $0x50  }
0x300: {  	[sflag:s13] =	ssyncset.done $0x0  }
0x301: {  	[sflag:s13] =	ssyncadd.s32 $0xFFFFFFB0  }
0x302: {  	_ =	swait.ge [sflag:s13], $0x50  }
0x303: {  	[sflag:s13] =	ssyncset.done $0x0  }
0x304: {  	[sflag:s13] =	ssyncadd.s32 $0xFFFFFFB0  }
0x305: {  	_ =	swait.ge [sflag:s13], $0x50  }
0x306: {  	[sflag:s13] =	ssyncset.done $0x0  }
0x307: {  	[sflag:s13] =	ssyncadd.s32 $0xFFFFFFB0  }
0x308: {  	_ =	swait.ge [sflag:s13], $0x50  }
0x309: {  	[sflag:s13] =	ssyncset.done $0x0  }
0x30a: {  	[sflag:s13] =	ssyncadd.s32 $0xFFFFFFB0  }
0x30b: {  	_ =	swait.ge [sflag:s13], $0x50  }
0x30c: {  	[sflag:s13] =	ssyncset.done $0x0  }
0x30d: {  	[sflag:s13] =	ssyncadd.s32 $0xFFFFFFB0  }
0x30e: {  	_ =	swait.ge [sflag:s13], $0x50  }
0x30f: {  	[sflag:s13] =	ssyncset.done $0x0  }
0x310: {  	[sflag:s13] =	ssyncadd.s32 $0xFFFFFFB0  }
0x311: {  	_ =	swait.ge [sflag:s13], $0x50  }
0x312: {  	[sflag:s13] =	ssyncset.done $0x0  }
0x313: {  	[sflag:s13] =	ssyncadd.s32 $0xFFFFFFB0  }
0x314: {  	_ =	swait.ge [sflag:s13], $0x50  }
0x315: {  	[sflag:s13] =	ssyncset.done $0x0  }
0x316: {  	[sflag:s13] =	ssyncadd.s32 $0xFFFFFFB0  }
0x317: {  	_ =	swait.ge [sflag:s13], $0x50  }
0x318: {  	[sflag:s13] =	ssyncset.done $0x0  }
0x319: {  	[sflag:s13] =	ssyncadd.s32 $0xFFFFFFB0  }
0x31a: {  	_ =	swait.ge [sflag:s13], $0x50  }
0x31b: {  	[sflag:s13] =	ssyncset.done $0x0  }
0x31c: {  	[sflag:s13] =	ssyncadd.s32 $0xFFFFFFB0  }
0x31d: {  	_ =	swait.ge [sflag:s13], $0x50  }
0x31e: {  	[sflag:s13] =	ssyncset.done $0x0  }
0x31f: {  	[sflag:s13] =	ssyncadd.s32 $0xFFFFFFB0  }
0x320: {  	_ =	swait.ge [sflag:s13], $0x50  }
0x321: {  	[sflag:s13] =	ssyncset.done $0x0  }
0x322: {  	[sflag:s13] =	ssyncadd.s32 $0xFFFFFFB0  }
0x323: {  	_ =	swait.ge [sflag:s13], $0x50  }
0x324: {  	[sflag:s13] =	ssyncset.done $0x0  }
0x325: {  	[sflag:s13] =	ssyncadd.s32 $0xFFFFFFB0  }
0x326: {  	_ =	swait.ge [sflag:s13], $0x50  }
0x327: {  	[sflag:s13] =	ssyncset.done $0x0  }
0x328: {  	[sflag:s13] =	ssyncadd.s32 $0xFFFFFFB0  }
0x329: {  	_ =	swait.ge [sflag:s13], $0x50  }
0x32a: {  	[sflag:s13] =	ssyncset.done $0x0  }
0x32b: {  	[sflag:s13] =	ssyncadd.s32 $0xFFFFFFB0  }
0x32c: {  	_ =	swait.ge [sflag:s13], $0x50  }
0x32d: {  	[sflag:s13] =	ssyncset.done $0x0  }
0x32e: {  	[sflag:s13] =	ssyncadd.s32 $0xFFFFFFB0  }
0x32f: {  	_ =	swait.ge [sflag:s13], $0x50  }
0x330: {  	[sflag:s13] =	ssyncset.done $0x0  }
0x331: {  	[sflag:s13] =	ssyncadd.s32 $0xFFFFFFB0  }
0x332: {  	_ =	swait.ge [sflag:s13], $0x50  }
0x333: {  	[sflag:s13] =	ssyncset.done $0x0  }
0x334: {  	[sflag:s13] =	ssyncadd.s32 $0xFFFFFFB0  }
0x335: {  	[bflag:$0x0] =	sbarrier.arrive $0xFFFF  }
0x336: {  	s17 =	rddreg [dreg:$0x6]  }
0x337: {  	s28 =	simm.s32 $0x20;
	s29 =	simm.s32 $0x10;
	s26 =	rddreg [dreg:$0xa]  }
0x338: {  	s18 =	simm.s32 $0x3;
	s19 =	rddreg [dreg:$0xc];
	s25 =	sshrl.u32 s17, $0x3  }
0x339: {  	[hbm:s26@s28], [sflag:s19] =	dma.strided [spmem:s25@s29], $0x50, s5, $0x10   }
0x33a: {  	_ =	swait.ge [sflag:s18], $0x50  }
0x33b: {  	s30 =	rddreg [dreg:$0xe]  }
0x33c: {  	s31 =	rddreg [dreg:$0xb];
	s0 =	sadd.s32 $0x1, s30  }
0x33d: {  	p0 =	sne.s32 s0, s31  }
.Ltmp1:
0x33e: {  	_ = 	snop;
	(pc) =	sbr.rel @p0 .LBB2_1-.Ltmp1, $3  }
0x33f: {  	_ =	sdelay $0x1  }
0x340: {  	[sflag:s18] =	ssyncset.done $0x0  }
0x341: {  	[sflag:s18] =	ssyncadd.s32 $0xFFFFFFB0  }
0x342: {  	_ =	sfence.sel $0x180000  }
0x343: {  	[bflag:$0x0] =	sbarrier.arrive $0xFFFF  }
0x344: {  	_ =	strace $0x9000004D  }
0x345: {  	s0 =	stileid.u32;
	[bflag:$0x2] =	sbarrier.arrive $0xFFFF  }
0x346: {  	p0 =	sne.s32 s0, $0x0;
	s0 =	rddreg [dreg:$0x4]  }
0x347: {  	s0 =	sadd.s32 @!p0 $0x100000, s0  }
0x348: {  	[sflag:s0] =	ssyncadd.tile.s32 @!p0 $0x1;
	_ =	shalt  }
.Lfunc_end2:
_tile_overlayer_lowered:
.L_overlay_start_2:
0x349: {  	(tag) =	ssettag $0x2  }
0x34a: {  	s0 =	rddreg [dreg:$0x0];
	s2 =	stileid.u32  }
0x34b: {  	s1 =	rddreg [dreg:$0x1];
	p0 =	sne.s32 s2, $0x0  }
0x34c: {  	s3 =	rddreg [dreg:$0x2];
	[bflag:$0x3] =	sbarrier.arrive $0xFFFF;
	s2 =	simm.s32 @!p0 $0x1C03  }
0x34d: {  	[timem:s3], [sflag:s2] =	dma.local @!p0 [hbm:s0], s1  }
0x34e: {  	s0 =	simm.s32 @!p0 $0x3  }
0x34f: {  	_ =	swait.ge @!p0 [sflag:s0], s1  }
0x350: {  	s1 =	ssub.s32 @!p0 $0x0, s1;
	[sflag:s0] =	ssyncset.done @!p0 $0x0  }
0x351: {  	[sflag:s0] =	ssyncadd.s32 @!p0 s1  }
0x352: {  	[bflag:$0x3] =	sbarrier.arrive $0xFFFF  }
0x353: {  	_ =	shalt  }

// kernel: kernel.8.cloned.1.call-start
scs
__scs_entry_jumppad:
0x0: {  	(pc) =	sbr.rel $0x88, $3  }
0x1: {  	(tag) =	ssettag $0x0;
	lr =	simm.s32 $0x1  }
0x2: {  	[smem:$0x3F9B] =	sst lr;
	_ =	strace $0xD0000000  }
0x3: {  	_ = 	snop  }
0x4: {  	_ = 	snop  }
0x5: {  	_ = 	snop  }
0x6: {  	_ = 	snop  }
0x7: {  	_ = 	snop  }
__scs_overlays_trampoline_lowered:
0x8: {  	[smem:$0x3FAA] =	sst s0  }
0x9: {  	[smem:$0x3FAB] =	sst s1  }
0xa: {  	[smem:$0x3FAC] =	sst s2  }
0xb: {  	[smem:$0x3FAD] =	sst s3  }
0xc: {  	[smem:$0x3FAE] =	sst s4  }
0xd: {  	[smem:$0x3FAF] =	sst s5  }
0xe: {  	[smem:$0x3FB0] =	sst s6  }
0xf: {  	[smem:$0x3FB1] =	sst s7  }
0x10: {  	[smem:$0x3FB2] =	sst s8  }
0x11: {  	[smem:$0x3FB3] =	sst s9;
	s0 =	simm.s32 @!p0 $0x0  }
0x12: {  	s1 =	sld [smem:$0x3F99];
	s0 =	simm.s32 @p0 $0x1  }
0x13: {  	[smem:$0x3FB4] =	sst s0;
	s0 =	simm.s32 @!p1 $0x0  }
0x14: {  	s2 =	sld [smem:$0x3F98];
	s0 =	simm.s32 @p1 $0x1  }
0x15: {  	[smem:$0x3FB5] =	sst s0;
	s0 =	simm.s32 @!p2 $0x0  }
0x16: {  	s3 =	sld [smem:$0x3FDB];
	s0 =	simm.s32 @p2 $0x1  }
0x17: {  	s4 =	simm.s32 $0x1BF5;
	[smem:$0x3FB7] =	sst s0  }
0x18: {  	s0 =	sld [smem:$0x3F9A];
	_ =	swait.ge [sflag:s4], $0x0  }
0x19: {  	s7 =	sld [smem:$0x3F9B]  }
0x1a: {  	s8 =	sadd.s32 $0xFFFFE003, lr  }
0x1b: {  	s9 =	sadd.s32 $0xFFFFFEF7, lr;
	s5 =	simm.s32 $0xFFFFFFFF;
	p2 =	slt.u32 s8, $0xFFFFF086  }
0x1c: {  	p1 =	slt.u32 s9, $0xF7A;
	s5 =	simm.s32 @!p2 $0x0  }
0x1d: {  	s5 =	simm.s32 @p1 $0x1;
	p0 =	seq.s32 s7, s2  }
0x1e: {  	s7 =	smul.u32 @!p0 $0xF7A, s2;
	p2 =	seq.s32 @!p0 s5, $0x0  }
0x1f: {  	s9 =	smul.u32 $0xF7A, s1;
	s8 =	simm.s32 @!p0 $0x1BF5;
	p2 =	por !p2, p0  }
0x20: {  	[sflag:s8] =	ssyncset.s32 @!p0 $0xFFFFF086;
	s6 =	sadd.s32 @!p0 s3, s7;
	s7 =	simm.s32 @!p0 $0x108  }
0x21: {  	s3 =	sadd.s32 s3, s9;
	s6 =	sadd.s32 @!p0 $0x88, s6;
	s7 =	simm.s32 @p2 $0x1082  }
0x22: {  	[simem:s7], [sflag:s8] =	dma.local @!p0 [hbm:s6], $0xF7A  }
0x23: {  	s9 =	sor.u32 $0xD0000000, s2;
	s6 =	simm.s32 $0x108;
	_ =	swait.ge @!p0 [sflag:s8], $0x0  }
0x24: {  	s3 =	sadd.s32 $0x88, s3;
	s6 =	simm.s32 @!p1 $0x1082;
	[sflag:s4] =	ssyncset.s32 $0xFFFFF086  }
0x25: {  	[simem:s6], [sflag:s4] =	dma.local [hbm:s3], $0xF7A  }
0x26: {  	[smem:$0x3F9B] =	sst s1;
	(tag) =	ssettag s2;
	_ =	strace s9  }
0x27: {  	s1 =	sld [smem:$0x3FAB]  }
0x28: {  	s2 =	sld [smem:$0x3FAC]  }
0x29: {  	s4 =	sld [smem:$0x3FAE]  }
0x2a: {  	p0 =	seq.s32 s5, $0x0;
	s5 =	sld [smem:$0x3FAF]  }
0x2b: {  	s6 =	sld [smem:$0x3FB0]  }
0x2c: {  	s7 =	sld [smem:$0x3FB1]  }
0x2d: {  	s3 =	simm.s32 $0x108;
	s8 =	sld [smem:$0x3FB2]  }
0x2e: {  	s3 =	simm.s32 @!p0 $0x1082;
	s9 =	sld [smem:$0x3FB3]  }
0x2f: {  	lr =	sadd.s32 s0, s3;
	s0 =	sld [smem:$0x3FAA]  }
0x30: {  	s3 =	sld [smem:$0x3FAD]  }
0x31: {  	[smem:$0x3FB6] =	sst s10  }
0x32: {  	s10 =	sld [smem:$0x3FB4];
	_ =	sdelay $0x3  }
0x33: {  	p0 =	seq.s32 s10, $0x1;
	s10 =	sld [smem:$0x3FB6];
	_ =	sdelay $0x3  }
0x34: {  	[smem:$0x3FB6] =	sst s10  }
0x35: {  	s10 =	sld [smem:$0x3FB5];
	_ =	sdelay $0x3  }
0x36: {  	p1 =	seq.s32 s10, $0x1;
	s10 =	sld [smem:$0x3FB6];
	_ =	sdelay $0x3  }
0x37: {  	[smem:$0x3FB6] =	sst s10  }
0x38: {  	s10 =	sld [smem:$0x3FB7]  }
0x39: {  	_ = 	snop;
	(pc) =	sbr.ind lr, $3  }
0x3a: {  	_ = 	snop  }
0x3b: {  	_ = 	snop  }
0x3c: {  	p2 =	seq.s32 s10, $0x1;
	s10 =	sld [smem:$0x3FB6]  }
0x3d: {  	_ =	shalt  }
0x3e: {  	_ =	shalt  }
0x3f: {  	_ =	shalt  }
0x40: {  	_ =	shalt  }
0x41: {  	_ =	shalt  }
0x42: {  	_ =	shalt  }
0x43: {  	_ =	shalt  }
0x44: {  	_ =	shalt  }
0x45: {  	_ =	shalt  }
0x46: {  	_ =	shalt  }
0x47: {  	_ =	shalt  }
0x48: {  	_ =	shalt  }
0x49: {  	_ =	shalt  }
0x4a: {  	_ =	shalt  }
0x4b: {  	_ =	shalt  }
0x4c: {  	_ =	shalt  }
0x4d: {  	_ =	shalt  }
0x4e: {  	_ =	shalt  }
0x4f: {  	_ =	shalt  }
0x50: {  	_ =	shalt  }
0x51: {  	_ =	shalt  }
0x52: {  	_ =	shalt  }
0x53: {  	_ =	shalt  }
0x54: {  	_ =	shalt  }
0x55: {  	_ =	shalt  }
0x56: {  	_ =	shalt  }
0x57: {  	_ =	shalt  }
0x58: {  	_ =	shalt  }
0x59: {  	_ =	shalt  }
0x5a: {  	_ =	shalt  }
0x5b: {  	_ =	shalt  }
0x5c: {  	_ =	shalt  }
0x5d: {  	_ =	shalt  }
0x5e: {  	_ =	shalt  }
0x5f: {  	_ =	shalt  }
0x60: {  	_ =	shalt  }
0x61: {  	_ =	shalt  }
0x62: {  	_ =	shalt  }
0x63: {  	_ =	shalt  }
0x64: {  	_ =	shalt  }
0x65: {  	_ =	shalt  }
0x66: {  	_ =	shalt  }
0x67: {  	_ =	shalt  }
0x68: {  	_ =	shalt  }
0x69: {  	_ =	shalt  }
0x6a: {  	_ =	shalt  }
0x6b: {  	_ =	shalt  }
0x6c: {  	_ =	shalt  }
0x6d: {  	_ =	shalt  }
0x6e: {  	_ =	shalt  }
0x6f: {  	_ =	shalt  }
0x70: {  	_ =	shalt  }
0x71: {  	_ =	shalt  }
0x72: {  	_ =	shalt  }
0x73: {  	_ =	shalt  }
0x74: {  	_ =	shalt  }
0x75: {  	_ =	shalt  }
0x76: {  	_ =	shalt  }
0x77: {  	_ =	shalt  }
0x78: {  	_ =	shalt  }
0x79: {  	_ =	shalt  }
0x7a: {  	_ =	shalt  }
0x7b: {  	_ =	shalt  }
0x7c: {  	_ =	shalt  }
0x7d: {  	_ =	shalt  }
0x7e: {  	_ =	shalt  }
0x7f: {  	_ =	shalt  }
0x80: {  	_ =	shalt  }
0x81: {  	_ =	shalt  }
0x82: {  	_ =	shalt  }
0x83: {  	_ =	shalt  }
0x84: {  	_ =	shalt  }
0x85: {  	_ =	shalt  }
0x86: {  	_ =	shalt  }
0x87: {  	_ =	shalt  }
.Lfunc_end0:
.L_simem_size_0:
called_computation_lowered:
.L_overlay_start_0:
0x88: {  	s2 =	sld [smem:$0x3FD9]  }
0x89: {  	s3 =	sld [smem:$0x3FFE];
	_ =	sdelay $0x1  }
0x8a: {  	s1 =	srdreg.scid  }
0x8b: {  	s0 =	sand.u32 $0x1, s1  }
0x8c: {  	s17 =	sshll.u32 s0, $0xA;
	s2 =	sadd.s32 s3, s2  }
0x8d: {  	s2 =	sadd.s32 s2, s17  }
0x8e: {  	[smem:$0x3FC2] =	sst s2  }
0x8f: {  	_ = 	snop  }
0x90: {  	s2 =	sld [smem:$0x3FD0];
	(tm) =	ssettm $0x1  }
0x91: {  	s18 =	sld [smem:$0x3FFB];
	_ =	sdelay $0x3  }
0x92: {  	_ =	strace s18  }
0x93: {  	s3 =	sld [smem:$0x3FFC];
	_ =	sdelay $0x3  }
0x94: {  	_ =	strace s3  }
0x95: {  	s3 =	sld [smem:$0x3FFD];
	_ =	sdelay $0x3  }
0x96: {  	_ =	strace s3  }
0x97: {  	_ =	strace $0x8FFFFFFF  }
0x98: {  	s19 =	sld [smem:$0x3FDB];
	_ =	sdelay $0x1  }
0x99: {  	s4 =	simm.s32 $_scs_section_size  }
0x9a: {  	s5 =	simm.s32 $_size__tile_overlayer_lowered;
	s6 =	simm.s32 $_tile_overlayer_lowered  }
0x9b: {  	s22 =	simm.s32 $0x1BFF;
	s21 =	sshll.u32 s6, $0x1;
	s3 =	sadd.s32 s4, s19  }
0x9c: {  	s7 =	simm.s32 $0x0;
	s20 =	sshll.u32 s5, $0x1;
	s5 =	sadd.s32 s21, s3  }
0x9d: {  	[timem:s7], [sflag:s22] =	dma.local [hbm:s5], s20  }
0x9e: {  	_ =	swait.ge [sflag:s22], s20  }
0x9f: {  	s4 =	ssub.s32 $0x0, s20;
	[sflag:s22] =	ssyncset.done $0x0  }
0xa0: {  	[sflag:s22] =	ssyncadd.s32 s4;
	_ =	sdelay $0x1  }
0xa1: {  	s23 =	simm.s32 $0x1B8B  }
0xa2: {  	_ =	swait.ge [sflag:s23], $0x1  }
0xa3: {  	[sflag:s23] =	ssyncset.done $0x0  }
0xa4: {  	s25 =	simm.s32 $0x1B8E;
	s24 =	sld [smem:$0x3FFE];
	[sflag:s23] =	ssyncadd.s32 $0xFFFFFFFF  }
0xa5: {  	s26 =	simm.s32 $execute0_lowered;
	[smem:$0x3FD2] =	sst s25  }
0xa6: {  	s5 =	sshll.u32 s26, $0x1;
	_ =	strace $0x80000046;
	[dreg:$0x1] =	wrdreg $0xFFFFFFFF  }
0xa7: {  	s28 =	simm.s32 $_size_execute0_lowered;
	s3 =	sadd.s32 s3, s5;
	[dreg:$0x0] =	wrdreg $0x0  }
0xa8: {  	s5 =	sshll.u32 s28, $0x1;
	[dreg:$0x2] =	wrdreg s3  }
0xa9: {  	[dreg:$0x3] =	wrdreg s5  }
0xaa: {  	[dreg:$0x4] =	wrdreg $0xC0  }
0xab: {  	_ =	task [dreg:s7], $0x5FFFF  }
0xac: {  	[dreg:$0x1] =	wrdreg $0xFFFFFFFF  }
0xad: {  	[dreg:$0x0] =	wrdreg $0x60  }
0xae: {  	[dreg:$0x2] =	wrdreg s24  }
0xaf: {  	[dreg:$0x3] =	wrdreg s2  }
0xb0: {  	[dreg:$0x4] =	wrdreg $0x83000  }
0xb1: {  	[dreg:$0x5] =	wrdreg $0x9  }
0xb2: {  	_ =	task.clear_ibuf [dreg:s7], $0x6FFFF;
	_ =	strace $0x90000046  }
0xb3: {  	s29 =	simm.s32 $0x9;
	_ =	strace $0x80000048  }
0xb4: {  	_ =	swait.ge [sflag:s29], $0x1  }
0xb5: {  	[sflag:s29] =	ssyncadd.s32 $0xFFFFFFFF  }
0xb6: {  	_ =	strace $0x90000048  }
0xb7: {  	_ =	sfence  }
0xb8: {  	s30 =	sld [smem:$0x0];
	_ =	sdelay $0x2  }
0xb9: {  	s31 =	sshll.u32 s1, $0xD;
	s1 =	sshrl.u32 s1, $0x2  }
0xba: {  	s3 =	sand.u32 $0x4000, s31;
	s1 =	sadd.s32 s1, s30  }
0xbb: {  	s0 =	sor.u32 s3, s0;
	s1 =	sshll.u32 s1, $0x11  }
0xbc: {  	s0 =	sor.u32 s1, s0  }
0xbd: {  	s0 =	sadd.s32 $0x8F2B, s0  }
0xbe: {  	[sflag:s0] =	ssyncadd.remote.s32 $0x1  }
0xbf: {  	_ =	sfence.sel $0xFFFF  }
0xc0: {  	[dreg:$0x0] =	wrdreg $0xFFFFFFFF;
	(pc) =	sbr.abs _section_cstart, $3  }
0xc1: {  	[dreg:$0x1] =	wrdreg $0xFFFFFFFF  }
0xc2: {  	_ =	task.clear_ibuf [dreg:s7], $0x2FFFF;
	_ =	strace $0x9FFFFFFF  }
0xc3: {  	(tm) =	ssettm $0x7FFFFFFF  }
tec
execute0_lowered:
.L_overlay_start_1:
0x0: {  	(tag) =	ssettag $0x1  }
0x1: {  	s4 =	rddreg [dreg:$0x0]  }
0x2: {  	s7 =	rddreg [dreg:$0x1]  }
0x3: {  	s1 =	rddreg [dreg:$0x2]  }
0x4: {  	s0 =	rddreg [dreg:$0x3];
	s3 =	simm.s32 $0x0;
	s5 =	srdreg.scid  }
0x5: {  	s2 =	stileid.u32;
	s11 =	simm.s32 $0x3E80;
	s12 =	simm.s32 $0x50  }
0x6: {  	s14 =	simm.s32 $0x1;
	s17 =	simm.s32 $0x0;
	[smem:$0x7FF] =	sst s3  }
0x7: {  	s13 =	sand.u32 $0x1, s5;
	s30 =	sshll.u32 s2, $0xC;
	s8 =	smul.u32 $0x280, s2  }
0x8: {  	s6 =	ssub.s32 $0x2, s13;
	_ =	strace $0x80000047;
	s9 =	sadd.s32 s30, s4  }
0x9: {  	p0 =	sne.s32 s13, $0x0;
	s13 =	simm.s32 $0x8000;
	s31 =	sshrl.u32 s6, $0x1  }
0xa: {  	s4 =	sadd.s32 s8, s1;
	s8 =	sshrl.u32 s8, $0x3;
	s5 =	sadd.s32 $0x2A00, s9  }
0xb: {  	s15 =	sshll.u32 @!p0 s2, $0x6;
	s10 =	ssub.s32 s6, s31;
	s6 =	sadd.s32 $0x3200, s9  }
0xc: {  	s7 =	sadd.s32 s7, s8;
	s9 =	simm.s32 $0x8080;
	s15 =	sor.u32 @!p0 $0x1C02, s15  }
0xd: {  	v0 =	vimm.f32 $1.000000000e+00;
	v1 =	vimm.f32 $0.0e+00;
	s16 =	sshrl.u32 @!p0 s4, $0x3;
	s8 =	smax.u32 s10, $0x1;
	s10 =	simm.s32 $0x2  }
.LBB2_1:
0xe: {  	[tilespmem:$0x8000] =	vst v0  }
0xf: {  	[tilespmem:$0x8010] =	vst v0  }
0x10: {  	[tilespmem:$0x8020] =	vst v0  }
0x11: {  	[tilespmem:$0x8030] =	vst v0  }
0x12: {  	[tilespmem:$0x8040] =	vst v0  }
0x13: {  	[tilespmem:$0x8080] =	vst v1  }
0x14: {  	[tilespmem:$0x8090] =	vst v1  }
0x15: {  	[tilespmem:$0x80A0] =	vst v1  }
0x16: {  	[tilespmem:$0x80B0] =	vst v1  }
0x17: {  	[tilespmem:$0x80C0] =	vst v1  }
0x18: {  	[tilespmem:$0x80D0] =	vst v1  }
0x19: {  	[tilespmem:$0x80E0] =	vst v1  }
0x1a: {  	[tilespmem:$0x80F0] =	vst v1  }
0x1b: {  	[tilespmem:$0x8100] =	vst v1  }
0x1c: {  	[tilespmem:$0x8110] =	vst v1  }
0x1d: {  	[tilespmem:$0x8120] =	vst v1  }
0x1e: {  	[tilespmem:$0x8130] =	vst v1  }
0x1f: {  	[tilespmem:$0x8140] =	vst v1  }
0x20: {  	[tilespmem:$0x8150] =	vst v1  }
0x21: {  	[tilespmem:$0x8160] =	vst v1  }
0x22: {  	[tilespmem:$0x8170] =	vst v1  }
0x23: {  	[tilespmem:$0x8180] =	vst v1  }
0x24: {  	[tilespmem:$0x8190] =	vst v1  }
0x25: {  	[tilespmem:$0x81A0] =	vst v1  }
0x26: {  	[tilespmem:$0x81B0] =	vst v1  }
0x27: {  	[tilespmem:$0x81C0] =	vst v1  }
0x28: {  	[tilespmem:$0x81D0] =	vst v1  }
0x29: {  	[tilespmem:$0x81E0] =	vst v1  }
0x2a: {  	[tilespmem:$0x81F0] =	vst v1  }
0x2b: {  	[tilespmem:$0x8200] =	vst v1  }
0x2c: {  	[tilespmem:$0x8210] =	vst v1  }
0x2d: {  	[tilespmem:$0x8220] =	vst v1  }
0x2e: {  	[tilespmem:$0x8230] =	vst v1  }
0x2f: {  	[tilespmem:$0x8240] =	vst v1  }
0x30: {  	[tilespmem:$0x8250] =	vst v1  }
0x31: {  	[tilespmem:$0x8260] =	vst v1  }
0x32: {  	[tilespmem:$0x8270] =	vst v1  }
0x33: {  	[tilespmem:$0x8280] =	vst v1  }
0x34: {  	[tilespmem:$0x8290] =	vst v1  }
0x35: {  	[tilespmem:$0x82A0] =	vst v1  }
0x36: {  	[tilespmem:$0x82B0] =	vst v1  }
0x37: {  	[tilespmem:$0x82C0] =	vst v1  }
0x38: {  	[tilespmem:$0x82D0] =	vst v1  }
0x39: {  	[tilespmem:$0x82E0] =	vst v1  }
0x3a: {  	[tilespmem:$0x82F0] =	vst v1  }
0x3b: {  	[spmem:s4] =	stream.linear.scatter [tilespmem:s9], [sflag:$0x2], $0x280, $0x38;
	[tilespmem:$0x8580] =	vst v63  }
0x3c: {  	_ =	swait.ge [sflag:s10], $0x280  }
0x3d: {  	[sflag:s10] =	ssyncset.done $0x0  }
0x3e: {  	[sflag:s10] =	ssyncadd.s32 $0xFFFFFD80  }
0x3f: {  	[tilespmem:s3], [sflag:$0x2] =	stream.linear.gather [hbm4b:s5+s3], $0x3E80, $0x38;
	[tilespmem:$0x8580] =	vst v63  }
0x40: {  	_ =	swait.ge [sflag:s10], $0x3E80  }
0x41: {  	[sflag:s10] =	ssyncset.done $0x0  }
0x42: {  	[sflag:s10] =	ssyncadd.s32 $0xFFFFC180  }
0x43: {  	[tilespmem:s11], [sflag:$0x2] =	stream.linear.gather [hbm4b:s6+s3], $0x3E80, $0x38;
	[tilespmem:$0x8580] =	vst v63  }
0x44: {  	_ =	swait.ge [sflag:s10], $0x3E80  }
0x45: {  	[sflag:s10] =	ssyncset.done $0x0  }
0x46: {  	[sflag:s10] =	ssyncadd.s32 $0xFFFFC180  }
0x47: {  	s18 =	simm.s32 $0x0;
	[bflag:$0x0] =	sbarrier.arrive $0xFFFF  }
.LBB2_2:
0x48: {  	p1 =	sne.s32 s18, $0x1F200  }
.Ltmp0:
0x49: {  	_ = 	snop;
	(pc) =	sbr.rel @p1 .LBB2_2-.Ltmp0, $3  }
0x4a: {  	_ =	sdelay $0x1  }
0x4b: {  	s19 =	sshra.s32 s18, $0x2;
	s18 =	sadd.s32 $0x200, s18  }
0x4c: {  	[spmem:s1] =	stream.indirect.scatter.add.f32 [tilespmem:s13], [sflag:$0x1], $0x1, s19, s12, $0xb8;
	[tilespmem:$0x8580] =	vst v63  }
0x4d: {  	_ =	swait.ge [sflag:s14], $0x50  }
0x4e: {  	s18 =	simm.s32 $0xF9;
	[sflag:s14] =	ssyncset.done $0x0  }
.LBB2_4:
0x4f: {  	p1 =	sne.s32 s18, $0x1;
	s18 =	sadd.s32 $0xFFFFFFFF, s18;
	[sflag:s14] =	ssyncadd.s32 $0xFFFFFFB0  }
.Ltmp1:
0x50: {  	(pc) =	sbr.rel @p1 .LBB2_4-.Ltmp1, $3  }
0x51: {  	_ =	sdelay $0x1  }
0x52: {  	_ =	swait.ge [sflag:s14], $0x50  }
0x53: {  	[sflag:s14] =	ssyncset.done $0x0  }
0x54: {  	s17 =	sadd.s32 $0x1, s17  }
0x55: {  	[sflag:s14] =	ssyncadd.s32 $0xFFFFFFB0;
	p1 =	sne.s32 s17, s8  }
.Ltmp2:
0x56: {  	s18 =	simm.s32 @!p0 $0x2;
	[bflag:$0x0] =	sbarrier.arrive $0xFFFF;
	(pc) =	sbr.rel @p1 .LBB2_1-.Ltmp2, $4  }
0x57: {  	[hbm:s7], [sflag:s15] =	dma.local @!p0 [spmem:s16], $0x50  }
0x58: {  	_ =	swait.ge @!p0 [sflag:s18], $0x50  }
0x59: {  	[sflag:s18] =	ssyncset.done @!p0 $0x0  }
0x5a: {  	[sflag:s18] =	ssyncadd.s32 @!p0 $0xFFFFFFB0  }
0x5b: {  	_ =	sfence.sel $0x180000  }
0x5c: {  	[bflag:$0x0] =	sbarrier.arrive $0xFFFF  }
0x5d: {  	p0 =	sne.s32 s2, $0x0;
	_ =	strace $0x90000047  }
0x5e: {  	s0 =	sadd.s32 @!p0 $0x100000, s0;
	[bflag:$0x2] =	sbarrier.arrive $0xFFFF  }
0x5f: {  	[sflag:s0] =	ssyncadd.tile.s32 @!p0 $0x1;
	_ =	shalt  }
.Lfunc_end2:
_tile_overlayer_lowered:
.L_overlay_start_2:
0x60: {  	(tag) =	ssettag $0x2  }
0x61: {  	s0 =	rddreg [dreg:$0x0];
	s2 =	stileid.u32  }
0x62: {  	s1 =	rddreg [dreg:$0x1];
	p0 =	sne.s32 s2, $0x0  }
0x63: {  	s3 =	rddreg [dreg:$0x2];
	[bflag:$0x3] =	sbarrier.arrive $0xFFFF;
	s2 =	simm.s32 @!p0 $0x1C02  }
0x64: {  	[timem:s3], [sflag:s2] =	dma.local @!p0 [hbm:s0], s1  }
0x65: {  	s0 =	simm.s32 @!p0 $0x2  }
0x66: {  	_ =	swait.ge @!p0 [sflag:s0], s1  }
0x67: {  	s1 =	ssub.s32 @!p0 $0x0, s1;
	[sflag:s0] =	ssyncset.done @!p0 $0x0  }
0x68: {  	[sflag:s0] =	ssyncadd.s32 @!p0 s1  }
0x69: {  	[bflag:$0x3] =	sbarrier.arrive $0xFFFF  }
0x6a: {  	_ =	shalt  }

</sc_bundles>
